<compile_context>
chip_gen: v7x
topology: tpu7x:2x2x1
jax: 0.10.2.dev20260603
libtpu: 0.0.44.dev20260713+nightly
codegen_flags: <defaults>
</compile_context>

<pallas_src>
import functools

import jax
import jax.numpy as jnp
import numpy as np
from jax import lax
from jax.experimental import pallas as pl
from jax.experimental.pallas import tpu as pltpu
from jax.experimental.pallas import tpu_sc as plsc

B, N, MAX_NODE = 4, 2048, 407
T_STEPS = 10
NP = 512
NT = 408
STK = 2
CH = 256
NSEG = B * MAX_NODE
CHUNK = 512
NEG = -3.0e38
NEG_TEST = -1.0e30


def _mlp_kernel(x_ref, w1_ref, w2_ref, w3_ref, h_ref):
    w1 = w1_ref[...]
    w2 = w2_ref[...]
    w3 = w3_ref[...]
    for c in range(N * B // CHUNK):
        xs = x_ref[pl.ds(c * CHUNK, CHUNK), :]
        h = jnp.maximum(xs @ w1, 0.0)
        h = jnp.maximum(h @ w2, 0.0)
        h_ref[pl.ds(c * CHUNK, CHUNK), :] = h @ w3


_SC_NC = 2
_SC_NS = 16
_SC_CC = 8
_SC_W = 32


def _sc_segmax_body(h_hbm, seg_hbm, out_hbm, segv, hv, accv, pkv):
    wid = lax.axis_index("s") * _SC_NC + lax.axis_index("c")
    b = wid // _SC_CC
    neg_vec = jnp.full((16,), NEG, jnp.float32)

    def init_body(i, _):
        accv[i, pl.ds(0, 16)] = neg_vec
        accv[i, pl.ds(16, 16)] = neg_vec
        return 0

    lax.fori_loop(0, NP, init_body, 0)
    pltpu.sync_copy(seg_hbm.at[pl.ds(b * N, N)], segv)

    for ck in range(4):
        pltpu.sync_copy(h_hbm.at[wid, pl.ds(ck * 128, 128), :], hv)

        def group_body(g, _):
            base = ck * 512 + g * 16
            s_vec = segv[pl.ds(base, 16)]
            for j in range(16):
                s = s_vec[j]
                row = g * 4 + j // 4
                lane = (j % 4) * _SC_W
                r0 = hv[row, pl.ds(lane, 16)]
                r1 = hv[row, pl.ds(lane + 16, 16)]
                c0 = accv[s, pl.ds(0, 16)]
                c1 = accv[s, pl.ds(16, 16)]
                accv[s, pl.ds(0, 16)] = jnp.maximum(c0, r0)
                accv[s, pl.ds(16, 16)] = jnp.maximum(c1, r1)
            return 0

        lax.fori_loop(0, 32, group_body, 0)

    def pack_body(m, _):
        for t in range(4):
            pkv[m, pl.ds(t * _SC_W, 16)] = accv[m * 4 + t, pl.ds(0, 16)]
            pkv[m, pl.ds(t * _SC_W + 16, 16)] = accv[m * 4 + t, pl.ds(16, 16)]
        return 0

    lax.fori_loop(0, NP // 4, pack_body, 0)
    pltpu.sync_copy(pkv, out_hbm.at[wid])


def _sc_segmax(h, seg):
    return pl.kernel(
        _sc_segmax_body,
        out_type=jax.ShapeDtypeStruct((_SC_NC * _SC_NS, NP // 4, 4 * _SC_W),
                                      jnp.float32),
        mesh=plsc.VectorSubcoreMesh(core_axis_name="c", subcore_axis_name="s",
                                    num_cores=_SC_NC, num_subcores=_SC_NS),
        scratch_types=[
            pltpu.VMEM((N,), jnp.int32),
            pltpu.VMEM((128, 4 * _SC_W), jnp.float32),
            pltpu.VMEM((NP, _SC_W), jnp.float32),
            pltpu.VMEM((NP // 4, 4 * _SC_W), jnp.float32),
        ],
    )(h, seg)


def _ggnn_kernel(acc_ref, nodes_ref, ain_ref, aout_ref,
                 wio_ref, wzr_ref, wh_ref,
                 wos_ref, woa_ref, wg_ref,
                 out_ref,
                 ann_ref, st_ref):
    f32 = jnp.float32
    ann_ref[...] = jnp.zeros((STK * NT, 512), f32)
    p = pl.program_id(0)
    for k in range(STK):
        row0 = pl.multiple_of((STK * p + k) * NP, NP)
        a = acc_ref[pl.ds(row0, MAX_NODE), :]
        fl = jnp.where(a > NEG_TEST, a, 0.0)
        ann_ref[pl.ds(k * NT, MAX_NODE), pl.ds(0, CH)] = fl
        ann_ref[pl.ds(k * NT, MAX_NODE), pl.ds(CH, 6)] = nodes_ref[k]
    st_ref[...] = ann_ref[...]

    f32 = jnp.float32
    bf16 = jnp.bfloat16
    wio = wio_ref[...]
    wzr = wzr_ref[...]
    wh = wh_ref[...]
    dot = functools.partial(jnp.dot, preferred_element_type=f32)

    def step(t, _):
        s = st_ref[...]
        sb = s.astype(bf16)
        sw = dot(sb, wio).astype(bf16)
        ai = jnp.concatenate(
            [dot(ain_ref[k], sw[k * NT:(k + 1) * NT, :512])
             for k in range(STK)], axis=0).astype(bf16)
        ao = jnp.concatenate(
            [dot(aout_ref[k], sw[k * NT:(k + 1) * NT, 512:])
             for k in range(STK)], axis=0).astype(bf16)
        zr = jax.nn.sigmoid(dot(ai, wzr[0]) + dot(ao, wzr[1])
                            + dot(sb, wzr[2]))
        z = zr[:, :512]
        r = zr[:, 512:]
        rs = (r * s).astype(bf16)
        hc = jnp.tanh(dot(ai, wh[0]) + dot(ao, wh[1]) + dot(rs, wh[2]))
        st_ref[...] = (1.0 - z) * s + z * hc
        return 0

    lax.fori_loop(0, T_STEPS, step, 0)

    wos = wos_ref[...]
    woa = woa_ref[...]
    wg = wg_ref[...]
    row_id = lax.broadcasted_iota(jnp.int32, (NT, 1024), 0)
    s_all = st_ref[...]
    a_all = ann_ref[...]
    fn_all = jnp.tanh(dot(s_all.astype(bf16), wos)
                      + dot(a_all.astype(bf16), woa))
    fgm_all = dot(fn_all.astype(bf16), wg)
    for k in range(STK):
        fgm = fgm_all[k * NT:(k + 1) * NT]
        fgm = jnp.where(row_id < MAX_NODE, fgm, NEG)
        fg = jnp.max(fgm, axis=0)
        out_ref[k, pl.ds(0, 1024), :] = jnp.broadcast_to(
            fg[:, None], (1024, MAX_NODE))
        fnT = fn_all[k * NT:(k + 1) * NT].T
        out_ref[k, pl.ds(1024, 512), :] = fnT[:, :MAX_NODE]
        aT = a_all[k * NT:(k + 1) * NT, :CH].T
        out_ref[k, pl.ds(1536, 256), :] = aT[:, :MAX_NODE]


def kernel(xyz13, overseg_idx, nodes, graph, W1, W2, W3, Win, Wout,
           Wz, Wr, Wh, Wo, Wg):
    f32 = jnp.float32
    x = xyz13[:, :, :12].reshape(B * N, 12)
    seg = overseg_idx.astype(jnp.int32).reshape(-1)
    a_in = jnp.pad(graph[:, :, :MAX_NODE],
                   ((0, 0), (0, NT - MAX_NODE), (0, NT - MAX_NODE)))
    a_out = jnp.pad(graph[:, :, MAX_NODE:],
                    ((0, 0), (0, NT - MAX_NODE), (0, NT - MAX_NODE)))
    bf16 = jnp.bfloat16
    wio = jnp.concatenate([Win, Wout], axis=1).astype(bf16)
    wzr = jnp.stack([
        jnp.concatenate([Wz[0:512], Wr[0:512]], axis=1),
        jnp.concatenate([Wz[512:1024], Wr[512:1024]], axis=1),
        jnp.concatenate([Wz[1024:], Wr[1024:]], axis=1),
    ]).astype(bf16)
    wh_b = jnp.stack([Wh[0:512], Wh[512:1024], Wh[1024:]]).astype(bf16)
    wos = Wo[:512].astype(bf16)
    woa = jnp.pad(Wo[512:], ((0, 512 - 262), (0, 0))).astype(bf16)
    wg_b = Wg.astype(bf16)

    vmem = pl.BlockSpec(memory_space=pltpu.VMEM)
    smem = pl.BlockSpec(memory_space=pltpu.SMEM)

    h = pl.pallas_call(
        _mlp_kernel,
        out_shape=jax.ShapeDtypeStruct((B * N, CH), f32),
        in_specs=[vmem] * 4,
        out_specs=vmem,
    )(x, W1, W2, W3)

    h_sc = (h.reshape(B, N, CH // _SC_W, _SC_W)
            .transpose(0, 2, 1, 3)
            .reshape(_SC_NC * _SC_NS, N // 4, 4 * _SC_W))

    acc_pk = _sc_segmax(h_sc, seg)

    acc = (acc_pk.reshape(B, CH // _SC_W, NP, _SC_W)
           .transpose(0, 2, 1, 3)
           .reshape(B * NP, CH))

    out = pl.pallas_call(
        _ggnn_kernel,
        grid=(B // STK,),
        out_shape=jax.ShapeDtypeStruct((B, 1792, MAX_NODE), f32),
        in_specs=[
            pl.BlockSpec(memory_space=pltpu.VMEM),
            pl.BlockSpec((STK, MAX_NODE, 6), lambda p: (p, 0, 0)),
            pl.BlockSpec((STK, NT, NT), lambda p: (p, 0, 0)),
            pl.BlockSpec((STK, NT, NT), lambda p: (p, 0, 0)),
            pl.BlockSpec((512, 1024), lambda p: (0, 0)),
            pl.BlockSpec((3, 512, 1024), lambda p: (0, 0, 0)),
            pl.BlockSpec((3, 512, 512), lambda p: (0, 0, 0)),
            pl.BlockSpec((512, 512), lambda p: (0, 0)),
            pl.BlockSpec((512, 512), lambda p: (0, 0)),
            pl.BlockSpec((512, 1024), lambda p: (0, 0)),
        ],
        out_specs=pl.BlockSpec((STK, 1792, MAX_NODE), lambda p: (p, 0, 0)),
        scratch_shapes=[
            pltpu.VMEM((STK * NT, 512), f32),
            pltpu.VMEM((STK * NT, 512), f32),
        ],
    )(acc, nodes, a_in.astype(bf16), a_out.astype(bf16),
      wio, wzr, wh_b, wos, woa, wg_b)
    return out

# --- scband reference (transcript-rebuilt; emitter-appended) ---
"""Pipeline reference for scband-get-model-90864328114247 (READ-ONLY COPY).

The authoritative reference and input builder live on the scoring server;
editing this copy changes nothing except your own understanding.
"""

import jax, jax.numpy as jnp
import numpy as np

B, N, MAX_NODE = 4, 2048, 407
T_STEPS = 10

def setup_inputs(seed: int = 0) -> dict:
    key = jax.random.key(seed)
    ks = jax.random.split(key, 20)
    inp = {}
    inp['xyz13'] = jax.random.normal(ks[0], (B, N, 13), dtype=jnp.float32)
    inp['overseg_idx'] = jax.random.randint(ks[1], (B, N), 0, MAX_NODE)
    inp['nodes'] = jax.random.normal(ks[2], (B, MAX_NODE, 6), dtype=jnp.float32)
    inp['graph'] = jax.random.uniform(ks[3], (B, MAX_NODE, 2 * MAX_NODE), dtype=jnp.float32) / MAX_NODE
    def w(k, shp):
        return jax.random.normal(k, shp, dtype=jnp.float32) / np.sqrt(shp[0])
    inp['W1'] = w(ks[4], (12, 64))
    inp['W2'] = w(ks[5], (64, 128))
    inp['W3'] = w(ks[6], (128, 256))
    inp['Win'] = w(ks[7], (512, 512))
    inp['Wout'] = w(ks[8], (512, 512))
    inp['Wz'] = w(ks[9], (1536, 512))
    inp['Wr'] = w(ks[10], (1536, 512))
    inp['Wh'] = w(ks[11], (1536, 512))
    inp['Wo'] = w(ks[12], (774, 512))
    inp['Wg'] = w(ks[13], (512, 1024))
    return inp

def reference(xyz13, overseg_idx, nodes, graph, W1, W2, W3, Win, Wout, Wz, Wr, Wh, Wo, Wg):
    # PointNet-small per-point shared MLP on first 12 channels
    x = xyz13[:, :, :12]
    h = jax.nn.relu(x @ W1)
    h = jax.nn.relu(h @ W2)
    h = h @ W3  # [B, N, 256]
    # ragged regroup_superpoints: per-(batch, superpoint) max pool over points
    seg = (jnp.arange(B)[:, None] * MAX_NODE + overseg_idx).reshape(-1)
    flat = h.reshape(-1, 256)
    feat_local = jax.ops.segment_max(flat, seg, num_segments=B * MAX_NODE)
    counts = jax.ops.segment_sum(jnp.ones((B * N,), jnp.float32), seg, num_segments=B * MAX_NODE)
    feat_local = jnp.where(counts[:, None] > 0, feat_local, 0.0).reshape(B, MAX_NODE, 256)
    # prepare_state_annotation
    annotation = jnp.concatenate([feat_local, nodes], axis=-1)  # [B, 407, 262]
    prop_state = jnp.pad(annotation, ((0, 0), (0, 0), (0, 512 - 262)))  # [B, 407, 512]
    # GGNN propagation with GRU-style gating
    A_in = graph[:, :, :MAX_NODE]
    A_out = graph[:, :, MAX_NODE:]
    def step(state, _):
        a_in = A_in @ (state @ Win)
        a_out = A_out @ (state @ Wout)
        joined = jnp.concatenate([a_in, a_out, state], axis=-1)
        z = jax.nn.sigmoid(joined @ Wz)
        r = jax.nn.sigmoid(joined @ Wr)
        joined_r = jnp.concatenate([a_in, a_out, r * state], axis=-1)
        hcand = jnp.tanh(joined_r @ Wh)
        return (1.0 - z) * state + z * hcand, None
    state, _ = jax.lax.scan(step, prop_state, None, length=T_STEPS)
    feat_nodes = jnp.tanh(jnp.concatenate([state, annotation], axis=-1) @ Wo)  # [B, 407, 512]
    feat_global = jnp.max(feat_nodes @ Wg, axis=1)  # [B, 1024]
    fg = jnp.repeat(feat_global[:, :, None], MAX_NODE, axis=2)  # [B, 1024, 407]
    feat = jnp.concatenate([fg, jnp.transpose(feat_nodes, (0, 2, 1)), jnp.transpose(annotation[:, :, :256], (0, 2, 1))], axis=1)
    return feat  # [B, 1792, 407]

if __name__ == "__main__":
    import jax
    _d = setup_inputs()
    print(jax.jit(kernel)(*tuple(_d.values())))

</pallas_src>

<mosaic_0001>
#map = affine_map<(d0, d1) -> (0, 0, 0)>
#map1 = affine_map<(d0, d1) -> (0)>
module attributes {stable_mosaic.version = 14 : i64} {
  func.func @_sc_segmax_body(%arg0: i32, %arg1: i32, %arg2: memref<32x512x128xf32, #tpu.memory_space<hbm>>, %arg3: memref<8192xi32, #tpu.memory_space<hbm>>, %arg4: memref<32x128x128xf32, #tpu.memory_space<hbm>>, %arg5: memref<2048xi32, #tpu.memory_space<vmem>>, %arg6: memref<128x128xf32, #tpu.memory_space<vmem>>, %arg7: memref<512x32xf32, #tpu.memory_space<vmem>>, %arg8: memref<128x128xf32, #tpu.memory_space<vmem>>) attributes {dimension_semantics = [#tpu.dimension_semantics<core_parallel>, #tpu.dimension_semantics<subcore_parallel>], iteration_bounds = array<i64: 2, 16>, scalar_prefetch = 0 : i64, scratch_operands = 4 : i64, tpu.core_type = #tpu.core_type<sc_vector_subcore>, window_params = [{transform_indices = #map}, {transform_indices = #map1}, {transform_indices = #map}]} {
    %mul3A = arith.constant 2 : i32
    %mul3A_0 = arith.muli %arg1, %mul3A : i32
    %add3A = arith.addi %mul3A_0, %arg0 : i32
    %jit3A = arith.constant 8 : i32
    %div3A = arith.divsi %add3A, %jit3A : i32
    %sign3A = arith.constant 0 : i32
    %sign3A_1 = arith.cmpi sgt, %add3A, %sign3A : i32
    %sign3A_2 = arith.extui %sign3A_1 : i1 to i32
    %sign3A_3 = arith.constant 0 : i32
    %sign3A_4 = arith.cmpi slt, %add3A, %sign3A_3 : i32
    %sign3A_5 = arith.extui %sign3A_4 : i1 to i32
    %sign3A_6 = arith.subi %sign3A_2, %sign3A_5 : i32
    %sign3A_7 = arith.constant 0 : i32
    %sign3A_8 = arith.cmpi sgt, %jit3A, %sign3A_7 : i32
    %sign3A_9 = arith.extui %sign3A_8 : i1 to i32
    %sign3A_10 = arith.constant 0 : i32
    %sign3A_11 = arith.cmpi slt, %jit3A, %sign3A_10 : i32
    %sign3A_12 = arith.extui %sign3A_11 : i1 to i32
    %sign3A_13 = arith.subi %sign3A_9, %sign3A_12 : i32
    %ne3A = arith.cmpi ne, %sign3A_6, %sign3A_13 : i32
    %rem3A = arith.remsi %add3A, %jit3A : i32
    %ne3A_14 = arith.constant 0 : i32
    %ne3A_15 = arith.cmpi ne, %rem3A, %ne3A_14 : i32
    %and3A = arith.andi %ne3A, %ne3A_15 : i1
    %sub3A = arith.constant 1 : i32
    %sub3A_16 = arith.subi %div3A, %sub3A : i32
    %select_n3A = arith.select %and3A, %sub3A_16, %div3A : i32
    %broadcast_in_dim3A = arith.constant -3.000000e+38 : f32
    %broadcast_in_dim3A_17 = vector.broadcast %broadcast_in_dim3A : f32 to vector<16xf32>
    %scan3A = arith.constant 0 : i32
    %scan3A_18 = arith.constant 0 : i32
    %scan3A_19 = arith.constant 512 : i32
    %scan3A_20 = arith.addi %scan3A_18, %scan3A_19 : i32
    %scan3A_21 = arith.constant 1 : i32
    %scan3A_22 = scf.for %scan3A_61 = %scan3A_18 to %scan3A_20 step %scan3A_21 iter_args(%scan3A_62 = %scan3A) -> (i32)  : i32 {
      %swap3A = arith.index_cast %scan3A_61 : i32 to index
      %swap3A_63 = arith.constant 0 : index
      %swap3A_64 = tpu.vector_load %arg7[%swap3A, %swap3A_63] {strides = array<i32>} : memref<512x32xf32, #tpu.memory_space<vmem>>, vector<1x16xf32>,
      %swap3A_65 = vector.shape_cast %swap3A_64 : vector<1x16xf32> to vector<16xf32>
      %swap3A_66 = vector.shape_cast %broadcast_in_dim3A_17 : vector<16xf32> to vector<1x16xf32>
      tpu.vector_store %arg7[%swap3A, %swap3A_63], %swap3A_66 {strides = array<i32>} : memref<512x32xf32, #tpu.memory_space<vmem>>, vector<1x16xf32>,
      %swap3A_67 = arith.index_cast %scan3A_61 : i32 to index
      %swap3A_68 = arith.constant 16 : index
      %swap3A_69 = tpu.vector_load %arg7[%swap3A_67, %swap3A_68] {strides = array<i32>} : memref<512x32xf32, #tpu.memory_space<vmem>>, vector<1x16xf32>,
      %swap3A_70 = vector.shape_cast %swap3A_69 : vector<1x16xf32> to vector<16xf32>
      %swap3A_71 = vector.shape_cast %broadcast_in_dim3A_17 : vector<16xf32> to vector<1x16xf32>
      tpu.vector_store %arg7[%swap3A_67, %swap3A_68], %swap3A_71 {strides = array<i32>} : memref<512x32xf32, #tpu.memory_space<vmem>>, vector<1x16xf32>,
      %scan3A_72 = arith.constant 0 : i32
      scf.yield %scan3A_72 : i32
    }
    %scan3A_23 = arith.constant 512 : i32
    %mul3A_24 = arith.constant 2048 : i32
    %mul3A_25 = arith.muli %select_n3A, %mul3A_24 : i32
    "tpu.region"() ({
      %run_scoped3A = tpu.sem_alloc : memref<!tpu.dma_semaphore, #tpu.memory_space<semaphore_mem>>
      %dma_start3A = tpu.memref_slice %arg3[%mul3A_25] : memref<8192xi32, #tpu.memory_space<hbm>> -> memref<2048xi32, #tpu.memory_space<hbm>>
      %dma_start3A_61 = tpu.memref_slice %arg3[%mul3A_25] : memref<8192xi32, #tpu.memory_space<hbm>> -> memref<2048xi32, #tpu.memory_space<hbm>>
      tpu.enqueue_dma source(%dma_start3A_61 : memref<2048xi32, #tpu.memory_space<hbm>>) target(%arg5 : memref<2048xi32, #tpu.memory_space<vmem>>) target_semaphore(%run_scoped3A : memref<!tpu.dma_semaphore, #tpu.memory_space<semaphore_mem>>)
      %dma_wait3A = tpu.memref_slice %arg3[%mul3A_25] : memref<8192xi32, #tpu.memory_space<hbm>> -> memref<2048xi32, #tpu.memory_space<hbm>>
      %dma_wait3A_62 = tpu.memref_slice %arg3[%mul3A_25] : memref<8192xi32, #tpu.memory_space<hbm>> -> memref<2048xi32, #tpu.memory_space<hbm>>
      tpu.wait_dma2 semaphore(%run_scoped3A : memref<!tpu.dma_semaphore, #tpu.memory_space<semaphore_mem>>) src(%dma_wait3A_62 : memref<2048xi32, #tpu.memory_space<hbm>>) dst(%arg5 : memref<2048xi32, #tpu.memory_space<vmem>>)
      tpu.yield
    }) : () -> ()
    "tpu.region"() ({
      %run_scoped3A = tpu.sem_alloc : memref<!tpu.dma_semaphore, #tpu.memory_space<semaphore_mem>>
      %dma_start3A = arith.constant 0 : i32
      %dma_start3A_61 = arith.constant 0 : i32
      %dma_start3A_62 = tpu.memref_slice %arg2[%add3A, %dma_start3A, %dma_start3A_61] : memref<32x512x128xf32, #tpu.memory_space<hbm>> -> memref<1x128x128xf32, #tpu.memory_space<hbm>>
      %dma_start3A_63 = tpu.memref_squeeze %dma_start3A_62 : memref<1x128x128xf32, #tpu.memory_space<hbm>> -> memref<128x128xf32, #tpu.memory_space<hbm>>
      %dma_start3A_64 = arith.constant 0 : i32
      %dma_start3A_65 = arith.constant 0 : i32
      %dma_start3A_66 = tpu.memref_slice %arg2[%add3A, %dma_start3A_64, %dma_start3A_65] : memref<32x512x128xf32, #tpu.memory_space<hbm>> -> memref<1x128x128xf32, #tpu.memory_space<hbm>>
      %dma_start3A_67 = tpu.memref_squeeze %dma_start3A_66 : memref<1x128x128xf32, #tpu.memory_space<hbm>> -> memref<128x128xf32, #tpu.memory_space<hbm>>
      tpu.enqueue_dma source(%dma_start3A_67 : memref<128x128xf32, #tpu.memory_space<hbm>>) target(%arg6 : memref<128x128xf32, #tpu.memory_space<vmem>>) target_semaphore(%run_scoped3A : memref<!tpu.dma_semaphore, #tpu.memory_space<semaphore_mem>>)
      %dma_wait3A = arith.constant 0 : i32
      %dma_wait3A_68 = arith.constant 0 : i32
      %dma_wait3A_69 = tpu.memref_slice %arg2[%add3A, %dma_wait3A, %dma_wait3A_68] : memref<32x512x128xf32, #tpu.memory_space<hbm>> -> memref<1x128x128xf32, #tpu.memory_space<hbm>>
      %dma_wait3A_70 = tpu.memref_squeeze %dma_wait3A_69 : memref<1x128x128xf32, #tpu.memory_space<hbm>> -> memref<128x128xf32, #tpu.memory_space<hbm>>
      %dma_wait3A_71 = arith.constant 0 : i32
      %dma_wait3A_72 = arith.constant 0 : i32
      %dma_wait3A_73 = tpu.memref_slice %arg2[%add3A, %dma_wait3A_71, %dma_wait3A_72] : memref<32x512x128xf32, #tpu.memory_space<hbm>> -> memref<1x128x128xf32, #tpu.memory_space<hbm>>
      %dma_wait3A_74 = tpu.memref_squeeze %dma_wait3A_73 : memref<1x128x128xf32, #tpu.memory_space<hbm>> -> memref<128x128xf32, #tpu.memory_space<hbm>>
      tpu.wait_dma2 semaphore(%run_scoped3A : memref<!tpu.dma_semaphore, #tpu.memory_space<semaphore_mem>>) src(%dma_wait3A_74 : memref<128x128xf32, #tpu.memory_space<hbm>>) dst(%arg6 : memref<128x128xf32, #tpu.memory_space<vmem>>)
      tpu.yield
    }) : () -> ()
    %scan3A_26 = arith.constant 0 : i32
    %scan3A_27 = arith.constant 0 : i32
    %scan3A_28 = arith.constant 32 : i32
    %scan3A_29 = arith.addi %scan3A_27, %scan3A_28 : i32
    %scan3A_30 = arith.constant 1 : i32
    %scan3A_31 = scf.for %scan3A_61 = %scan3A_27 to %scan3A_29 step %scan3A_30 iter_args(%scan3A_62 = %scan3A_26) -> (i32)  : i32 {
      %mul3A_63 = arith.constant 16 : i32
      %mul3A_64 = arith.muli %scan3A_61, %mul3A_63 : i32
      %add3A_65 = arith.constant 0 : i32
      %add3A_66 = arith.addi %add3A_65, %mul3A_64 : i32
      %get3A = arith.index_cast %add3A_66 : i32 to index
      %get3A_67 = tpu.vector_load %arg5[%get3A] {strides = array<i32>} : memref<2048xi32, #tpu.memory_space<vmem>>, vector<16xi32>,
      %get3A_68 = vector.shape_cast %get3A_67 : vector<16xi32> to vector<16xi32>
      %slice3A = vector.extract_strided_slice %get3A_68 {offsets = [0], sizes = [1], strides = [1]} : vector<16xi32> to vector<1xi32>
      %squeeze3A = vector.extract %slice3A[0] : i32 from vector<1xi32>
      %mul3A_69 = arith.constant 4 : i32
      %mul3A_70 = arith.muli %scan3A_61, %mul3A_69 : i32
      %add3A_71 = arith.constant 0 : i32
      %add3A_72 = arith.addi %mul3A_70, %add3A_71 : i32
      %get3A_73 = arith.index_cast %add3A_72 : i32 to index
      %get3A_74 = arith.constant 0 : index
      %get3A_75 = tpu.vector_load %arg6[%get3A_73, %get3A_74] {strides = array<i32>} : memref<128x128xf32, #tpu.memory_space<vmem>>, vector<1x16xf32>,
      %get3A_76 = vector.shape_cast %get3A_75 : vector<1x16xf32> to vector<16xf32>
      %get3A_77 = arith.index_cast %add3A_72 : i32 to index
      %get3A_78 = arith.constant 16 : index
      %get3A_79 = tpu.vector_load %arg6[%get3A_77, %get3A_78] {strides = array<i32>} : memref<128x128xf32, #tpu.memory_space<vmem>>, vector<1x16xf32>,
      %get3A_80 = vector.shape_cast %get3A_79 : vector<1x16xf32> to vector<16xf32>
      %get3A_81 = arith.index_cast %squeeze3A : i32 to index
      %get3A_82 = arith.constant 0 : index
      %get3A_83 = tpu.vector_load %arg7[%get3A_81, %get3A_82] {strides = array<i32>} : memref<512x32xf32, #tpu.memory_space<vmem>>, vector<1x16xf32>,
      %get3A_84 = vector.shape_cast %get3A_83 : vector<1x16xf32> to vector<16xf32>
      %get3A_85 = arith.index_cast %squeeze3A : i32 to index
      %get3A_86 = arith.constant 16 : index
      %get3A_87 = tpu.vector_load %arg7[%get3A_85, %get3A_86] {strides = array<i32>} : memref<512x32xf32, #tpu.memory_space<vmem>>, vector<1x16xf32>,
      %get3A_88 = vector.shape_cast %get3A_87 : vector<1x16xf32> to vector<16xf32>
      %max3A = arith.maximumf %get3A_84, %get3A_76 : vector<16xf32>
      %swap3A = arith.index_cast %squeeze3A : i32 to index
      %swap3A_89 = arith.constant 0 : index
      %swap3A_90 = tpu.vector_load %arg7[%swap3A, %swap3A_89] {strides = array<i32>} : memref<512x32xf32, #tpu.memory_space<vmem>>, vector<1x16xf32>,
      %swap3A_91 = vector.shape_cast %swap3A_90 : vector<1x16xf32> to vector<16xf32>
      %swap3A_92 = vector.shape_cast %max3A : vector<16xf32> to vector<1x16xf32>
      tpu.vector_store %arg7[%swap3A, %swap3A_89], %swap3A_92 {strides = array<i32>} : memref<512x32xf32, #tpu.memory_space<vmem>>, vector<1x16xf32>,
      %max3A_93 = arith.maximumf %get3A_88, %get3A_80 : vector<16xf32>
      %swap3A_94 = arith.index_cast %squeeze3A : i32 to index
      %swap3A_95 = arith.constant 16 : index
      %swap3A_96 = tpu.vector_load %arg7[%swap3A_94, %swap3A_95] {strides = array<i32>} : memref<512x32xf32, #tpu.memory_space<vmem>>, vector<1x16xf32>,
      %swap3A_97 = vector.shape_cast %swap3A_96 : vector<1x16xf32> to vector<16xf32>
      %swap3A_98 = vector.shape_cast %max3A_93 : vector<16xf32> to vector<1x16xf32>
      tpu.vector_store %arg7[%swap3A_94, %swap3A_95], %swap3A_98 {strides = array<i32>} : memref<512x32xf32, #tpu.memory_space<vmem>>, vector<1x16xf32>,
      %slice3A_99 = vector.extract_strided_slice %get3A_68 {offsets = [1], sizes = [1], strides = [1]} : vector<16xi32> to vector<1xi32>
      %squeeze3A_100 = vector.extract %slice3A_99[0] : i32 from vector<1xi32>
      %mul3A_101 = arith.constant 4 : i32
      %mul3A_102 = arith.muli %scan3A_61, %mul3A_101 : i32
      %add3A_103 = arith.constant 0 : i32
      %add3A_104 = arith.addi %mul3A_102, %add3A_103 : i32
      %get3A_105 = arith.index_cast %add3A_104 : i32 to index
      %get3A_106 = arith.constant 32 : index
      %get3A_107 = tpu.vector_load %arg6[%get3A_105, %get3A_106] {strides = array<i32>} : memref<128x128xf32, #tpu.memory_space<vmem>>, vector<1x16xf32>,
      %get3A_108 = vector.shape_cast %get3A_107 : vector<1x16xf32> to vector<16xf32>
      %get3A_109 = arith.index_cast %add3A_104 : i32 to index
      %get3A_110 = arith.constant 48 : index
      %get3A_111 = tpu.vector_load %arg6[%get3A_109, %get3A_110] {strides = array<i32>} : memref<128x128xf32, #tpu.memory_space<vmem>>, vector<1x16xf32>,
      %get3A_112 = vector.shape_cast %get3A_111 : vector<1x16xf32> to vector<16xf32>
      %get3A_113 = arith.index_cast %squeeze3A_100 : i32 to index
      %get3A_114 = arith.constant 0 : index
      %get3A_115 = tpu.vector_load %arg7[%get3A_113, %get3A_114] {strides = array<i32>} : memref<512x32xf32, #tpu.memory_space<vmem>>, vector<1x16xf32>,
      %get3A_116 = vector.shape_cast %get3A_115 : vector<1x16xf32> to vector<16xf32>
      %get3A_117 = arith.index_cast %squeeze3A_100 : i32 to index
      %get3A_118 = arith.constant 16 : index
      %get3A_119 = tpu.vector_load %arg7[%get3A_117, %get3A_118] {strides = array<i32>} : memref<512x32xf32, #tpu.memory_space<vmem>>, vector<1x16xf32>,
      %get3A_120 = vector.shape_cast %get3A_119 : vector<1x16xf32> to vector<16xf32>
      %max3A_121 = arith.maximumf %get3A_116, %get3A_108 : vector<16xf32>
      %swap3A_122 = arith.index_cast %squeeze3A_100 : i32 to index
      %swap3A_123 = arith.constant 0 : index
      %swap3A_124 = tpu.vector_load %arg7[%swap3A_122, %swap3A_123] {strides = array<i32>} : memref<512x32xf32, #tpu.memory_space<vmem>>, vector<1x16xf32>,
      %swap3A_125 = vector.shape_cast %swap3A_124 : vector<1x16xf32> to vector<16xf32>
      %swap3A_126 = vector.shape_cast %max3A_121 : vector<16xf32> to vector<1x16xf32>
      tpu.vector_store %arg7[%swap3A_122, %swap3A_123], %swap3A_126 {strides = array<i32>} : memref<512x32xf32, #tpu.memory_space<vmem>>, vector<1x16xf32>,
      %max3A_127 = arith.maximumf %get3A_120, %get3A_112 : vector<16xf32>
      %swap3A_128 = arith.index_cast %squeeze3A_100 : i32 to index
      %swap3A_129 = arith.constant 16 : index
      %swap3A_130 = tpu.vector_load %arg7[%swap3A_128, %swap3A_129] {strides = array<i32>} : memref<512x32xf32, #tpu.memory_space<vmem>>, vector<1x16xf32>,
      %swap3A_131 = vector.shape_cast %swap3A_130 : vector<1x16xf32> to vector<16xf32>
      %swap3A_132 = vector.shape_cast %max3A_127 : vector<16xf32> to vector<1x16xf32>
      tpu.vector_store %arg7[%swap3A_128, %swap3A_129], %swap3A_132 {strides = array<i32>} : memref<512x32xf32, #tpu.memory_space<vmem>>, vector<1x16xf32>,
      %slice3A_133 = vector.extract_strided_slice %get3A_68 {offsets = [2], sizes = [1], strides = [1]} : vector<16xi32> to vector<1xi32>
      %squeeze3A_134 = vector.extract %slice3A_133[0] : i32 from vector<1xi32>
      %mul3A_135 = arith.constant 4 : i32
      %mul3A_136 = arith.muli %scan3A_61, %mul3A_135 : i32
      %add3A_137 = arith.constant 0 : i32
      %add3A_138 = arith.addi %mul3A_136, %add3A_137 : i32
      %get3A_139 = arith.index_cast %add3A_138 : i32 to index
      %get3A_140 = arith.constant 64 : index
      %get3A_141 = tpu.vector_load %arg6[%get3A_139, %get3A_140] {strides = array<i32>} : memref<128x128xf32, #tpu.memory_space<vmem>>, vector<1x16xf32>,
      %get3A_142 = vector.shape_cast %get3A_141 : vector<1x16xf32> to vector<16xf32>
      %get3A_143 = arith.index_cast %add3A_138 : i32 to index
      %get3A_144 = arith.constant 80 : index
      %get3A_145 = tpu.vector_load %arg6[%get3A_143, %get3A_144] {strides = array<i32>} : memref<128x128xf32, #tpu.memory_space<vmem>>, vector<1x16xf32>,
      %get3A_146 = vector.shape_cast %get3A_145 : vector<1x16xf32> to vector<16xf32>
      %get3A_147 = arith.index_cast %squeeze3A_134 : i32 to index
      %get3A_148 = arith.constant 0 : index
      %get3A_149 = tpu.vector_load %arg7[%get3A_147, %get3A_148] {strides = array<i32>} : memref<512x32xf32, #tpu.memory_space<vmem>>, vector<1x16xf32>,
      %get3A_150 = vector.shape_cast %get3A_149 : vector<1x16xf32> to vector<16xf32>
      %get3A_151 = arith.index_cast %squeeze3A_134 : i32 to index
      %get3A_152 = arith.constant 16 : index
      %get3A_153 = tpu.vector_load %arg7[%get3A_151, %get3A_152] {strides = array<i32>} : memref<512x32xf32, #tpu.memory_space<vmem>>, vector<1x16xf32>,
      %get3A_154 = vector.shape_cast %get3A_153 : vector<1x16xf32> to vector<16xf32>
      %max3A_155 = arith.maximumf %get3A_150, %get3A_142 : vector<16xf32>
      %swap3A_156 = arith.index_cast %squeeze3A_134 : i32 to index
      %swap3A_157 = arith.constant 0 : index
      %swap3A_158 = tpu.vector_load %arg7[%swap3A_156, %swap3A_157] {strides = array<i32>} : memref<512x32xf32, #tpu.memory_space<vmem>>, vector<1x16xf32>,
      %swap3A_159 = vector.shape_cast %swap3A_158 : vector<1x16xf32> to vector<16xf32>
      %swap3A_160 = vector.shape_cast %max3A_155 : vector<16xf32> to vector<1x16xf32>
      tpu.vector_store %arg7[%swap3A_156, %swap3A_157], %swap3A_160 {strides = array<i32>} : memref<512x32xf32, #tpu.memory_space<vmem>>, vector<1x16xf32>,
      %max3A_161 = arith.maximumf %get3A_154, %get3A_146 : vector<16xf32>
      %swap3A_162 = arith.index_cast %squeeze3A_134 : i32 to index
      %swap3A_163 = arith.constant 16 : index
      %swap3A_164 = tpu.vector_load %arg7[%swap3A_162, %swap3A_163] {strides = array<i32>} : memref<512x32xf32, #tpu.memory_space<vmem>>, vector<1x16xf32>,
      %swap3A_165 = vector.shape_cast %swap3A_164 : vector<1x16xf32> to vector<16xf32>
      %swap3A_166 = vector.shape_cast %max3A_161 : vector<16xf32> to vector<1x16xf32>
      tpu.vector_store %arg7[%swap3A_162, %swap3A_163], %swap3A_166 {strides = array<i32>} : memref<512x32xf32, #tpu.memory_space<vmem>>, vector<1x16xf32>,
      %slice3A_167 = vector.extract_strided_slice %get3A_68 {offsets = [3], sizes = [1], strides = [1]} : vector<16xi32> to vector<1xi32>
      %squeeze3A_168 = vector.extract %slice3A_167[0] : i32 from vector<1xi32>
      %mul3A_169 = arith.constant 4 : i32
      %mul3A_170 = arith.muli %scan3A_61, %mul3A_169 : i32
      %add3A_171 = arith.constant 0 : i32
      %add3A_172 = arith.addi %mul3A_170, %add3A_171 : i32
      %get3A_173 = arith.index_cast %add3A_172 : i32 to index
      %get3A_174 = arith.constant 96 : index
      %get3A_175 = tpu.vector_load %arg6[%get3A_173, %get3A_174] {strides = array<i32>} : memref<128x128xf32, #tpu.memory_space<vmem>>, vector<1x16xf32>,
      %get3A_176 = vector.shape_cast %get3A_175 : vector<1x16xf32> to vector<16xf32>
      %get3A_177 = arith.index_cast %add3A_172 : i32 to index
      %get3A_178 = arith.constant 112 : index
      %get3A_179 = tpu.vector_load %arg6[%get3A_177, %get3A_178] {strides = array<i32>} : memref<128x128xf32, #tpu.memory_space<vmem>>, vector<1x16xf32>,
      %get3A_180 = vector.shape_cast %get3A_179 : vector<1x16xf32> to vector<16xf32>
      %get3A_181 = arith.index_cast %squeeze3A_168 : i32 to index
      %get3A_182 = arith.constant 0 : index
      %get3A_183 = tpu.vector_load %arg7[%get3A_181, %get3A_182] {strides = array<i32>} : memref<512x32xf32, #tpu.memory_space<vmem>>, vector<1x16xf32>,
      %get3A_184 = vector.shape_cast %get3A_183 : vector<1x16xf32> to vector<16xf32>
      %get3A_185 = arith.index_cast %squeeze3A_168 : i32 to index
      %get3A_186 = arith.constant 16 : index
      %get3A_187 = tpu.vector_load %arg7[%get3A_185, %get3A_186] {strides = array<i32>} : memref<512x32xf32, #tpu.memory_space<vmem>>, vector<1x16xf32>,
      %get3A_188 = vector.shape_cast %get3A_187 : vector<1x16xf32> to vector<16xf32>
      %max3A_189 = arith.maximumf %get3A_184, %get3A_176 : vector<16xf32>
      %swap3A_190 = arith.index_cast %squeeze3A_168 : i32 to index
      %swap3A_191 = arith.constant 0 : index
      %swap3A_192 = tpu.vector_load %arg7[%swap3A_190, %swap3A_191] {strides = array<i32>} : memref<512x32xf32, #tpu.memory_space<vmem>>, vector<1x16xf32>,
      %swap3A_193 = vector.shape_cast %swap3A_192 : vector<1x16xf32> to vector<16xf32>
      %swap3A_194 = vector.shape_cast %max3A_189 : vector<16xf32> to vector<1x16xf32>
      tpu.vector_store %arg7[%swap3A_190, %swap3A_191], %swap3A_194 {strides = array<i32>} : memref<512x32xf32, #tpu.memory_space<vmem>>, vector<1x16xf32>,
      %max3A_195 = arith.maximumf %get3A_188, %get3A_180 : vector<16xf32>
      %swap3A_196 = arith.index_cast %squeeze3A_168 : i32 to index
      %swap3A_197 = arith.constant 16 : index
      %swap3A_198 = tpu.vector_load %arg7[%swap3A_196, %swap3A_197] {strides = array<i32>} : memref<512x32xf32, #tpu.memory_space<vmem>>, vector<1x16xf32>,
      %swap3A_199 = vector.shape_cast %swap3A_198 : vector<1x16xf32> to vector<16xf32>
      %swap3A_200 = vector.shape_cast %max3A_195 : vector<16xf32> to vector<1x16xf32>
      tpu.vector_store %arg7[%swap3A_196, %swap3A_197], %swap3A_200 {strides = array<i32>} : memref<512x32xf32, #tpu.memory_space<vmem>>, vector<1x16xf32>,
      %slice3A_201 = vector.extract_strided_slice %get3A_68 {offsets = [4], sizes = [1], strides = [1]} : vector<16xi32> to vector<1xi32>
      %squeeze3A_202 = vector.extract %slice3A_201[0] : i32 from vector<1xi32>
      %mul3A_203 = arith.constant 4 : i32
      %mul3A_204 = arith.muli %scan3A_61, %mul3A_203 : i32
      %add3A_205 = arith.constant 1 : i32
      %add3A_206 = arith.addi %mul3A_204, %add3A_205 : i32
      %get3A_207 = arith.index_cast %add3A_206 : i32 to index
      %get3A_208 = arith.constant 0 : index
      %get3A_209 = tpu.vector_load %arg6[%get3A_207, %get3A_208] {strides = array<i32>} : memref<128x128xf32, #tpu.memory_space<vmem>>, vector<1x16xf32>,
      %get3A_210 = vector.shape_cast %get3A_209 : vector<1x16xf32> to vector<16xf32>
      %get3A_211 = arith.index_cast %add3A_206 : i32 to index
      %get3A_212 = arith.constant 16 : index
      %get3A_213 = tpu.vector_load %arg6[%get3A_211, %get3A_212] {strides = array<i32>} : memref<128x128xf32, #tpu.memory_space<vmem>>, vector<1x16xf32>,
      %get3A_214 = vector.shape_cast %get3A_213 : vector<1x16xf32> to vector<16xf32>
      %get3A_215 = arith.index_cast %squeeze3A_202 : i32 to index
      %get3A_216 = arith.constant 0 : index
      %get3A_217 = tpu.vector_load %arg7[%get3A_215, %get3A_216] {strides = array<i32>} : memref<512x32xf32, #tpu.memory_space<vmem>>, vector<1x16xf32>,
      %get3A_218 = vector.shape_cast %get3A_217 : vector<1x16xf32> to vector<16xf32>
      %get3A_219 = arith.index_cast %squeeze3A_202 : i32 to index
      %get3A_220 = arith.constant 16 : index
      %get3A_221 = tpu.vector_load %arg7[%get3A_219, %get3A_220] {strides = array<i32>} : memref<512x32xf32, #tpu.memory_space<vmem>>, vector<1x16xf32>,
      %get3A_222 = vector.shape_cast %get3A_221 : vector<1x16xf32> to vector<16xf32>
      %max3A_223 = arith.maximumf %get3A_218, %get3A_210 : vector<16xf32>
      %swap3A_224 = arith.index_cast %squeeze3A_202 : i32 to index
      %swap3A_225 = arith.constant 0 : index
      %swap3A_226 = tpu.vector_load %arg7[%swap3A_224, %swap3A_225] {strides = array<i32>} : memref<512x32xf32, #tpu.memory_space<vmem>>, vector<1x16xf32>,
      %swap3A_227 = vector.shape_cast %swap3A_226 : vector<1x16xf32> to vector<16xf32>
      %swap3A_228 = vector.shape_cast %max3A_223 : vector<16xf32> to vector<1x16xf32>
      tpu.vector_store %arg7[%swap3A_224, %swap3A_225], %swap3A_228 {strides = array<i32>} : memref<512x32xf32, #tpu.memory_space<vmem>>, vector<1x16xf32>,
      %max3A_229 = arith.maximumf %get3A_222, %get3A_214 : vector<16xf32>
      %swap3A_230 = arith.index_cast %squeeze3A_202 : i32 to index
      %swap3A_231 = arith.constant 16 : index
      %swap3A_232 = tpu.vector_load %arg7[%swap3A_230, %swap3A_231] {strides = array<i32>} : memref<512x32xf32, #tpu.memory_space<vmem>>, vector<1x16xf32>,
      %swap3A_233 = vector.shape_cast %swap3A_232 : vector<1x16xf32> to vector<16xf32>
      %swap3A_234 = vector.shape_cast %max3A_229 : vector<16xf32> to vector<1x16xf32>
      tpu.vector_store %arg7[%swap3A_230, %swap3A_231], %swap3A_234 {strides = array<i32>} : memref<512x32xf32, #tpu.memory_space<vmem>>, vector<1x16xf32>,
      %slice3A_235 = vector.extract_strided_slice %get3A_68 {offsets = [5], sizes = [1], strides = [1]} : vector<16xi32> to vector<1xi32>
      %squeeze3A_236 = vector.extract %slice3A_235[0] : i32 from vector<1xi32>
      %mul3A_237 = arith.constant 4 : i32
      %mul3A_238 = arith.muli %scan3A_61, %mul3A_237 : i32
      %add3A_239 = arith.constant 1 : i32
      %add3A_240 = arith.addi %mul3A_238, %add3A_239 : i32
      %get3A_241 = arith.index_cast %add3A_240 : i32 to index
      %get3A_242 = arith.constant 32 : index
      %get3A_243 = tpu.vector_load %arg6[%get3A_241, %get3A_242] {strides = array<i32>} : memref<128x128xf32, #tpu.memory_space<vmem>>, vector<1x16xf32>,
      %get3A_244 = vector.shape_cast %get3A_243 : vector<1x16xf32> to vector<16xf32>
      %get3A_245 = arith.index_cast %add3A_240 : i32 to index
      %get3A_246 = arith.constant 48 : index
      %get3A_247 = tpu.vector_load %arg6[%get3A_245, %get3A_246] {strides = array<i32>} : memref<128x128xf32, #tpu.memory_space<vmem>>, vector<1x16xf32>,
      %get3A_248 = vector.shape_cast %get3A_247 : vector<1x16xf32> to vector<16xf32>
      %get3A_249 = arith.index_cast %squeeze3A_236 : i32 to index
      %get3A_250 = arith.constant 0 : index
      %get3A_251 = tpu.vector_load %arg7[%get3A_249, %get3A_250] {strides = array<i32>} : memref<512x32xf32, #tpu.memory_space<vmem>>, vector<1x16xf32>,
      %get3A_252 = vector.shape_cast %get3A_251 : vector<1x16xf32> to vector<16xf32>
      %get3A_253 = arith.index_cast %squeeze3A_236 : i32 to index
      %get3A_254 = arith.constant 16 : index
      %get3A_255 = tpu.vector_load %arg7[%get3A_253, %get3A_254] {strides = array<i32>} : memref<512x32xf32, #tpu.memory_space<vmem>>, vector<1x16xf32>,
      %get3A_256 = vector.shape_cast %get3A_255 : vector<1x16xf32> to vector<16xf32>
      %max3A_257 = arith.maximumf %get3A_252, %get3A_244 : vector<16xf32>
      %swap3A_258 = arith.index_cast %squeeze3A_236 : i32 to index
      %swap3A_259 = arith.constant 0 : index
      %swap3A_260 = tpu.vector_load %arg7[%swap3A_258, %swap3A_259] {strides = array<i32>} : memref<512x32xf32, #tpu.memory_space<vmem>>, vector<1x16xf32>,
      %swap3A_261 = vector.shape_cast %swap3A_260 : vector<1x16xf32> to vector<16xf32>
      %swap3A_262 = vector.shape_cast %max3A_257 : vector<16xf32> to vector<1x16xf32>
      tpu.vector_store %arg7[%swap3A_258, %swap3A_259], %swap3A_262 {strides = array<i32>} : memref<512x32xf32, #tpu.memory_space<vmem>>, vector<1x16xf32>,
      %max3A_263 = arith.maximumf %get3A_256, %get3A_248 : vector<16xf32>
      %swap3A_264 = arith.index_cast %squeeze3A_236 : i32 to index
      %swap3A_265 = arith.constant 16 : index
      %swap3A_266 = tpu.vector_load %arg7[%swap3A_264, %swap3A_265] {strides = array<i32>} : memref<512x32xf32, #tpu.memory_space<vmem>>, vector<1x16xf32>,
      %swap3A_267 = vector.shape_cast %swap3A_266 : vector<1x16xf32> to vector<16xf32>
      %swap3A_268 = vector.shape_cast %max3A_263 : vector<16xf32> to vector<1x16xf32>
      tpu.vector_store %arg7[%swap3A_264, %swap3A_265], %swap3A_268 {strides = array<i32>} : memref<512x32xf32, #tpu.memory_space<vmem>>, vector<1x16xf32>,
      %slice3A_269 = vector.extract_strided_slice %get3A_68 {offsets = [6], sizes = [1], strides = [1]} : vector<16xi32> to vector<1xi32>
      %squeeze3A_270 = vector.extract %slice3A_269[0] : i32 from vector<1xi32>
      %mul3A_271 = arith.constant 4 : i32
      %mul3A_272 = arith.muli %scan3A_61, %mul3A_271 : i32
      %add3A_273 = arith.constant 1 : i32
      %add3A_274 = arith.addi %mul3A_272, %add3A_273 : i32
      %get3A_275 = arith.index_cast %add3A_274 : i32 to index
      %get3A_276 = arith.constant 64 : index
      %get3A_277 = tpu.vector_load %arg6[%get3A_275, %get3A_276] {strides = array<i32>} : memref<128x128xf32, #tpu.memory_space<vmem>>, vector<1x16xf32>,
      %get3A_278 = vector.shape_cast %get3A_277 : vector<1x16xf32> to vector<16xf32>
      %get3A_279 = arith.index_cast %add3A_274 : i32 to index
      %get3A_280 = arith.constant 80 : index
      %get3A_281 = tpu.vector_load %arg6[%get3A_279, %get3A_280] {strides = array<i32>} : memref<128x128xf32, #tpu.memory_space<vmem>>, vector<1x16xf32>,
      %get3A_282 = vector.shape_cast %get3A_281 : vector<1x16xf32> to vector<16xf32>
      %get3A_283 = arith.index_cast %squeeze3A_270 : i32 to index
      %get3A_284 = arith.constant 0 : index
      %get3A_285 = tpu.vector_load %arg7[%get3A_283, %get3A_284] {strides = array<i32>} : memref<512x32xf32, #tpu.memory_space<vmem>>, vector<1x16xf32>,
      %get3A_286 = vector.shape_cast %get3A_285 : vector<1x16xf32> to vector<16xf32>
      %get3A_287 = arith.index_cast %squeeze3A_270 : i32 to index
      %get3A_288 = arith.constant 16 : index
      %get3A_289 = tpu.vector_load %arg7[%get3A_287, %get3A_288] {strides = array<i32>} : memref<512x32xf32, #tpu.memory_space<vmem>>, vector<1x16xf32>,
      %get3A_290 = vector.shape_cast %get3A_289 : vector<1x16xf32> to vector<16xf32>
      %max3A_291 = arith.maximumf %get3A_286, %get3A_278 : vector<16xf32>
      %swap3A_292 = arith.index_cast %squeeze3A_270 : i32 to index
      %swap3A_293 = arith.constant 0 : index
      %swap3A_294 = tpu.vector_load %arg7[%swap3A_292, %swap3A_293] {strides = array<i32>} : memref<512x32xf32, #tpu.memory_space<vmem>>, vector<1x16xf32>,
      %swap3A_295 = vector.shape_cast %swap3A_294 : vector<1x16xf32> to vector<16xf32>
      %swap3A_296 = vector.shape_cast %max3A_291 : vector<16xf32> to vector<1x16xf32>
      tpu.vector_store %arg7[%swap3A_292, %swap3A_293], %swap3A_296 {strides = array<i32>} : memref<512x32xf32, #tpu.memory_space<vmem>>, vector<1x16xf32>,
      %max3A_297 = arith.maximumf %get3A_290, %get3A_282 : vector<16xf32>
      %swap3A_298 = arith.index_cast %squeeze3A_270 : i32 to index
      %swap3A_299 = arith.constant 16 : index
      %swap3A_300 = tpu.vector_load %arg7[%swap3A_298, %swap3A_299] {strides = array<i32>} : memref<512x32xf32, #tpu.memory_space<vmem>>, vector<1x16xf32>,
      %swap3A_301 = vector.shape_cast %swap3A_300 : vector<1x16xf32> to vector<16xf32>
      %swap3A_302 = vector.shape_cast %max3A_297 : vector<16xf32> to vector<1x16xf32>
      tpu.vector_store %arg7[%swap3A_298, %swap3A_299], %swap3A_302 {strides = array<i32>} : memref<512x32xf32, #tpu.memory_space<vmem>>, vector<1x16xf32>,
      %slice3A_303 = vector.extract_strided_slice %get3A_68 {offsets = [7], sizes = [1], strides = [1]} : vector<16xi32> to vector<1xi32>
      %squeeze3A_304 = vector.extract %slice3A_303[0] : i32 from vector<1xi32>
      %mul3A_305 = arith.constant 4 : i32
      %mul3A_306 = arith.muli %scan3A_61, %mul3A_305 : i32
      %add3A_307 = arith.constant 1 : i32
      %add3A_308 = arith.addi %mul3A_306, %add3A_307 : i32
      %get3A_309 = arith.index_cast %add3A_308 : i32 to index
      %get3A_310 = arith.constant 96 : index
      %get3A_311 = tpu.vector_load %arg6[%get3A_309, %get3A_310] {strides = array<i32>} : memref<128x128xf32, #tpu.memory_space<vmem>>, vector<1x16xf32>,
      %get3A_312 = vector.shape_cast %get3A_311 : vector<1x16xf32> to vector<16xf32>
      %get3A_313 = arith.index_cast %add3A_308 : i32 to index
      %get3A_314 = arith.constant 112 : index
      %get3A_315 = tpu.vector_load %arg6[%get3A_313, %get3A_314] {strides = array<i32>} : memref<128x128xf32, #tpu.memory_space<vmem>>, vector<1x16xf32>,
      %get3A_316 = vector.shape_cast %get3A_315 : vector<1x16xf32> to vector<16xf32>
      %get3A_317 = arith.index_cast %squeeze3A_304 : i32 to index
      %get3A_318 = arith.constant 0 : index
      %get3A_319 = tpu.vector_load %arg7[%get3A_317, %get3A_318] {strides = array<i32>} : memref<512x32xf32, #tpu.memory_space<vmem>>, vector<1x16xf32>,
      %get3A_320 = vector.shape_cast %get3A_319 : vector<1x16xf32> to vector<16xf32>
      %get3A_321 = arith.index_cast %squeeze3A_304 : i32 to index
      %get3A_322 = arith.constant 16 : index
      %get3A_323 = tpu.vector_load %arg7[%get3A_321, %get3A_322] {strides = array<i32>} : memref<512x32xf32, #tpu.memory_space<vmem>>, vector<1x16xf32>,
      %get3A_324 = vector.shape_cast %get3A_323 : vector<1x16xf32> to vector<16xf32>
      %max3A_325 = arith.maximumf %get3A_320, %get3A_312 : vector<16xf32>
      %swap3A_326 = arith.index_cast %squeeze3A_304 : i32 to index
      %swap3A_327 = arith.constant 0 : index
      %swap3A_328 = tpu.vector_load %arg7[%swap3A_326, %swap3A_327] {strides = array<i32>} : memref<512x32xf32, #tpu.memory_space<vmem>>, vector<1x16xf32>,
      %swap3A_329 = vector.shape_cast %swap3A_328 : vector<1x16xf32> to vector<16xf32>
      %swap3A_330 = vector.shape_cast %max3A_325 : vector<16xf32> to vector<1x16xf32>
      tpu.vector_store %arg7[%swap3A_326, %swap3A_327], %swap3A_330 {strides = array<i32>} : memref<512x32xf32, #tpu.memory_space<vmem>>, vector<1x16xf32>,
      %max3A_331 = arith.maximumf %get3A_324, %get3A_316 : vector<16xf32>
      %swap3A_332 = arith.index_cast %squeeze3A_304 : i32 to index
      %swap3A_333 = arith.constant 16 : index
      %swap3A_334 = tpu.vector_load %arg7[%swap3A_332, %swap3A_333] {strides = array<i32>} : memref<512x32xf32, #tpu.memory_space<vmem>>, vector<1x16xf32>,
      %swap3A_335 = vector.shape_cast %swap3A_334 : vector<1x16xf32> to vector<16xf32>
      %swap3A_336 = vector.shape_cast %max3A_331 : vector<16xf32> to vector<1x16xf32>
      tpu.vector_store %arg7[%swap3A_332, %swap3A_333], %swap3A_336 {strides = array<i32>} : memref<512x32xf32, #tpu.memory_space<vmem>>, vector<1x16xf32>,
      %slice3A_337 = vector.extract_strided_slice %get3A_68 {offsets = [8], sizes = [1], strides = [1]} : vector<16xi32> to vector<1xi32>
      %squeeze3A_338 = vector.extract %slice3A_337[0] : i32 from vector<1xi32>
      %mul3A_339 = arith.constant 4 : i32
      %mul3A_340 = arith.muli %scan3A_61, %mul3A_339 : i32
      %add3A_341 = arith.constant 2 : i32
      %add3A_342 = arith.addi %mul3A_340, %add3A_341 : i32
      %get3A_343 = arith.index_cast %add3A_342 : i32 to index
      %get3A_344 = arith.constant 0 : index
      %get3A_345 = tpu.vector_load %arg6[%get3A_343, %get3A_344] {strides = array<i32>} : memref<128x128xf32, #tpu.memory_space<vmem>>, vector<1x16xf32>,
      %get3A_346 = vector.shape_cast %get3A_345 : vector<1x16xf32> to vector<16xf32>
      %get3A_347 = arith.index_cast %add3A_342 : i32 to index
      %get3A_348 = arith.constant 16 : index
      %get3A_349 = tpu.vector_load %arg6[%get3A_347, %get3A_348] {strides = array<i32>} : memref<128x128xf32, #tpu.memory_space<vmem>>, vector<1x16xf32>,
      %get3A_350 = vector.shape_cast %get3A_349 : vector<1x16xf32> to vector<16xf32>
      %get3A_351 = arith.index_cast %squeeze3A_338 : i32 to index
      %get3A_352 = arith.constant 0 : index
      %get3A_353 = tpu.vector_load %arg7[%get3A_351, %get3A_352] {strides = array<i32>} : memref<512x32xf32, #tpu.memory_space<vmem>>, vector<1x16xf32>,
      %get3A_354 = vector.shape_cast %get3A_353 : vector<1x16xf32> to vector<16xf32>
      %get3A_355 = arith.index_cast %squeeze3A_338 : i32 to index
      %get3A_356 = arith.constant 16 : index
      %get3A_357 = tpu.vector_load %arg7[%get3A_355, %get3A_356] {strides = array<i32>} : memref<512x32xf32, #tpu.memory_space<vmem>>, vector<1x16xf32>,
      %get3A_358 = vector.shape_cast %get3A_357 : vector<1x16xf32> to vector<16xf32>
      %max3A_359 = arith.maximumf %get3A_354, %get3A_346 : vector<16xf32>
      %swap3A_360 = arith.index_cast %squeeze3A_338 : i32 to index
      %swap3A_361 = arith.constant 0 : index
      %swap3A_362 = tpu.vector_load %arg7[%swap3A_360, %swap3A_361] {strides = array<i32>} : memref<512x32xf32, #tpu.memory_space<vmem>>, vector<1x16xf32>,
      %swap3A_363 = vector.shape_cast %swap3A_362 : vector<1x16xf32> to vector<16xf32>
      %swap3A_364 = vector.shape_cast %max3A_359 : vector<16xf32> to vector<1x16xf32>
      tpu.vector_store %arg7[%swap3A_360, %swap3A_361], %swap3A_364 {strides = array<i32>} : memref<512x32xf32, #tpu.memory_space<vmem>>, vector<1x16xf32>,
      %max3A_365 = arith.maximumf %get3A_358, %get3A_350 : vector<16xf32>
      %swap3A_366 = arith.index_cast %squeeze3A_338 : i32 to index
      %swap3A_367 = arith.constant 16 : index
      %swap3A_368 = tpu.vector_load %arg7[%swap3A_366, %swap3A_367] {strides = array<i32>} : memref<512x32xf32, #tpu.memory_space<vmem>>, vector<1x16xf32>,
      %swap3A_369 = vector.shape_cast %swap3A_368 : vector<1x16xf32> to vector<16xf32>
      %swap3A_370 = vector.shape_cast %max3A_365 : vector<16xf32> to vector<1x16xf32>
      tpu.vector_store %arg7[%swap3A_366, %swap3A_367], %swap3A_370 {strides = array<i32>} : memref<512x32xf32, #tpu.memory_space<vmem>>, vector<1x16xf32>,
      %slice3A_371 = vector.extract_strided_slice %get3A_68 {offsets = [9], sizes = [1], strides = [1]} : vector<16xi32> to vector<1xi32>
      %squeeze3A_372 = vector.extract %slice3A_371[0] : i32 from vector<1xi32>
      %mul3A_373 = arith.constant 4 : i32
      %mul3A_374 = arith.muli %scan3A_61, %mul3A_373 : i32
      %add3A_375 = arith.constant 2 : i32
      %add3A_376 = arith.addi %mul3A_374, %add3A_375 : i32
      %get3A_377 = arith.index_cast %add3A_376 : i32 to index
      %get3A_378 = arith.constant 32 : index
      %get3A_379 = tpu.vector_load %arg6[%get3A_377, %get3A_378] {strides = array<i32>} : memref<128x128xf32, #tpu.memory_space<vmem>>, vector<1x16xf32>,
      %get3A_380 = vector.shape_cast %get3A_379 : vector<1x16xf32> to vector<16xf32>
      %get3A_381 = arith.index_cast %add3A_376 : i32 to index
      %get3A_382 = arith.constant 48 : index
      %get3A_383 = tpu.vector_load %arg6[%get3A_381, %get3A_382] {strides = array<i32>} : memref<128x128xf32, #tpu.memory_space<vmem>>, vector<1x16xf32>,
      %get3A_384 = vector.shape_cast %get3A_383 : vector<1x16xf32> to vector<16xf32>
      %get3A_385 = arith.index_cast %squeeze3A_372 : i32 to index
      %get3A_386 = arith.constant 0 : index
      %get3A_387 = tpu.vector_load %arg7[%get3A_385, %get3A_386] {strides = array<i32>} : memref<512x32xf32, #tpu.memory_space<vmem>>, vector<1x16xf32>,
      %get3A_388 = vector.shape_cast %get3A_387 : vector<1x16xf32> to vector<16xf32>
      %get3A_389 = arith.index_cast %squeeze3A_372 : i32 to index
      %get3A_390 = arith.constant 16 : index
      %get3A_391 = tpu.vector_load %arg7[%get3A_389, %get3A_390] {strides = array<i32>} : memref<512x32xf32, #tpu.memory_space<vmem>>, vector<1x16xf32>,
      %get3A_392 = vector.shape_cast %get3A_391 : vector<1x16xf32> to vector<16xf32>
      %max3A_393 = arith.maximumf %get3A_388, %get3A_380 : vector<16xf32>
      %swap3A_394 = arith.index_cast %squeeze3A_372 : i32 to index
      %swap3A_395 = arith.constant 0 : index
      %swap3A_396 = tpu.vector_load %arg7[%swap3A_394, %swap3A_395] {strides = array<i32>} : memref<512x32xf32, #tpu.memory_space<vmem>>, vector<1x16xf32>,
      %swap3A_397 = vector.shape_cast %swap3A_396 : vector<1x16xf32> to vector<16xf32>
      %swap3A_398 = vector.shape_cast %max3A_393 : vector<16xf32> to vector<1x16xf32>
      tpu.vector_store %arg7[%swap3A_394, %swap3A_395], %swap3A_398 {strides = array<i32>} : memref<512x32xf32, #tpu.memory_space<vmem>>, vector<1x16xf32>,
      %max3A_399 = arith.maximumf %get3A_392, %get3A_384 : vector<16xf32>
      %swap3A_400 = arith.index_cast %squeeze3A_372 : i32 to index
      %swap3A_401 = arith.constant 16 : index
      %swap3A_402 = tpu.vector_load %arg7[%swap3A_400, %swap3A_401] {strides = array<i32>} : memref<512x32xf32, #tpu.memory_space<vmem>>, vector<1x16xf32>,
      %swap3A_403 = vector.shape_cast %swap3A_402 : vector<1x16xf32> to vector<16xf32>
      %swap3A_404 = vector.shape_cast %max3A_399 : vector<16xf32> to vector<1x16xf32>
      tpu.vector_store %arg7[%swap3A_400, %swap3A_401], %swap3A_404 {strides = array<i32>} : memref<512x32xf32, #tpu.memory_space<vmem>>, vector<1x16xf32>,
      %slice3A_405 = vector.extract_strided_slice %get3A_68 {offsets = [10], sizes = [1], strides = [1]} : vector<16xi32> to vector<1xi32>
      %squeeze3A_406 = vector.extract %slice3A_405[0] : i32 from vector<1xi32>
      %mul3A_407 = arith.constant 4 : i32
      %mul3A_408 = arith.muli %scan3A_61, %mul3A_407 : i32
      %add3A_409 = arith.constant 2 : i32
      %add3A_410 = arith.addi %mul3A_408, %add3A_409 : i32
      %get3A_411 = arith.index_cast %add3A_410 : i32 to index
      %get3A_412 = arith.constant 64 : index
      %get3A_413 = tpu.vector_load %arg6[%get3A_411, %get3A_412] {strides = array<i32>} : memref<128x128xf32, #tpu.memory_space<vmem>>, vector<1x16xf32>,
      %get3A_414 = vector.shape_cast %get3A_413 : vector<1x16xf32> to vector<16xf32>
      %get3A_415 = arith.index_cast %add3A_410 : i32 to index
      %get3A_416 = arith.constant 80 : index
      %get3A_417 = tpu.vector_load %arg6[%get3A_415, %get3A_416] {strides = array<i32>} : memref<128x128xf32, #tpu.memory_space<vmem>>, vector<1x16xf32>,
      %get3A_418 = vector.shape_cast %get3A_417 : vector<1x16xf32> to vector<16xf32>
      %get3A_419 = arith.index_cast %squeeze3A_406 : i32 to index
      %get3A_420 = arith.constant 0 : index
      %get3A_421 = tpu.vector_load %arg7[%get3A_419, %get3A_420] {strides = array<i32>} : memref<512x32xf32, #tpu.memory_space<vmem>>, vector<1x16xf32>,
      %get3A_422 = vector.shape_cast %get3A_421 : vector<1x16xf32> to vector<16xf32>
      %get3A_423 = arith.index_cast %squeeze3A_406 : i32 to index
      %get3A_424 = arith.constant 16 : index
      %get3A_425 = tpu.vector_load %arg7[%get3A_423, %get3A_424] {strides = array<i32>} : memref<512x32xf32, #tpu.memory_space<vmem>>, vector<1x16xf32>,
      %get3A_426 = vector.shape_cast %get3A_425 : vector<1x16xf32> to vector<16xf32>
      %max3A_427 = arith.maximumf %get3A_422, %get3A_414 : vector<16xf32>
      %swap3A_428 = arith.index_cast %squeeze3A_406 : i32 to index
      %swap3A_429 = arith.constant 0 : index
      %swap3A_430 = tpu.vector_load %arg7[%swap3A_428, %swap3A_429] {strides = array<i32>} : memref<512x32xf32, #tpu.memory_space<vmem>>, vector<1x16xf32>,
      %swap3A_431 = vector.shape_cast %swap3A_430 : vector<1x16xf32> to vector<16xf32>
      %swap3A_432 = vector.shape_cast %max3A_427 : vector<16xf32> to vector<1x16xf32>
      tpu.vector_store %arg7[%swap3A_428, %swap3A_429], %swap3A_432 {strides = array<i32>} : memref<512x32xf32, #tpu.memory_space<vmem>>, vector<1x16xf32>,
      %max3A_433 = arith.maximumf %get3A_426, %get3A_418 : vector<16xf32>
      %swap3A_434 = arith.index_cast %squeeze3A_406 : i32 to index
      %swap3A_435 = arith.constant 16 : index
      %swap3A_436 = tpu.vector_load %arg7[%swap3A_434, %swap3A_435] {strides = array<i32>} : memref<512x32xf32, #tpu.memory_space<vmem>>, vector<1x16xf32>,
      %swap3A_437 = vector.shape_cast %swap3A_436 : vector<1x16xf32> to vector<16xf32>
      %swap3A_438 = vector.shape_cast %max3A_433 : vector<16xf32> to vector<1x16xf32>
      tpu.vector_store %arg7[%swap3A_434, %swap3A_435], %swap3A_438 {strides = array<i32>} : memref<512x32xf32, #tpu.memory_space<vmem>>, vector<1x16xf32>,
      %slice3A_439 = vector.extract_strided_slice %get3A_68 {offsets = [11], sizes = [1], strides = [1]} : vector<16xi32> to vector<1xi32>
      %squeeze3A_440 = vector.extract %slice3A_439[0] : i32 from vector<1xi32>
      %mul3A_441 = arith.constant 4 : i32
      %mul3A_442 = arith.muli %scan3A_61, %mul3A_441 : i32
      %add3A_443 = arith.constant 2 : i32
      %add3A_444 = arith.addi %mul3A_442, %add3A_443 : i32
      %get3A_445 = arith.index_cast %add3A_444 : i32 to index
      %get3A_446 = arith.constant 96 : index
      %get3A_447 = tpu.vector_load %arg6[%get3A_445, %get3A_446] {strides = array<i32>} : memref<128x128xf32, #tpu.memory_space<vmem>>, vector<1x16xf32>,
      %get3A_448 = vector.shape_cast %get3A_447 : vector<1x16xf32> to vector<16xf32>
      %get3A_449 = arith.index_cast %add3A_444 : i32 to index
      %get3A_450 = arith.constant 112 : index
      %get3A_451 = tpu.vector_load %arg6[%get3A_449, %get3A_450] {strides = array<i32>} : memref<128x128xf32, #tpu.memory_space<vmem>>, vector<1x16xf32>,
      %get3A_452 = vector.shape_cast %get3A_451 : vector<1x16xf32> to vector<16xf32>
      %get3A_453 = arith.index_cast %squeeze3A_440 : i32 to index
      %get3A_454 = arith.constant 0 : index
      %get3A_455 = tpu.vector_load %arg7[%get3A_453, %get3A_454] {strides = array<i32>} : memref<512x32xf32, #tpu.memory_space<vmem>>, vector<1x16xf32>,
      %get3A_456 = vector.shape_cast %get3A_455 : vector<1x16xf32> to vector<16xf32>
      %get3A_457 = arith.index_cast %squeeze3A_440 : i32 to index
      %get3A_458 = arith.constant 16 : index
      %get3A_459 = tpu.vector_load %arg7[%get3A_457, %get3A_458] {strides = array<i32>} : memref<512x32xf32, #tpu.memory_space<vmem>>, vector<1x16xf32>,
      %get3A_460 = vector.shape_cast %get3A_459 : vector<1x16xf32> to vector<16xf32>
      %max3A_461 = arith.maximumf %get3A_456, %get3A_448 : vector<16xf32>
      %swap3A_462 = arith.index_cast %squeeze3A_440 : i32 to index
      %swap3A_463 = arith.constant 0 : index
      %swap3A_464 = tpu.vector_load %arg7[%swap3A_462, %swap3A_463] {strides = array<i32>} : memref<512x32xf32, #tpu.memory_space<vmem>>, vector<1x16xf32>,
      %swap3A_465 = vector.shape_cast %swap3A_464 : vector<1x16xf32> to vector<16xf32>
      %swap3A_466 = vector.shape_cast %max3A_461 : vector<16xf32> to vector<1x16xf32>
      tpu.vector_store %arg7[%swap3A_462, %swap3A_463], %swap3A_466 {strides = array<i32>} : memref<512x32xf32, #tpu.memory_space<vmem>>, vector<1x16xf32>,
      %max3A_467 = arith.maximumf %get3A_460, %get3A_452 : vector<16xf32>
      %swap3A_468 = arith.index_cast %squeeze3A_440 : i32 to index
      %swap3A_469 = arith.constant 16 : index
      %swap3A_470 = tpu.vector_load %arg7[%swap3A_468, %swap3A_469] {strides = array<i32>} : memref<512x32xf32, #tpu.memory_space<vmem>>, vector<1x16xf32>,
      %swap3A_471 = vector.shape_cast %swap3A_470 : vector<1x16xf32> to vector<16xf32>
      %swap3A_472 = vector.shape_cast %max3A_467 : vector<16xf32> to vector<1x16xf32>
      tpu.vector_store %arg7[%swap3A_468, %swap3A_469], %swap3A_472 {strides = array<i32>} : memref<512x32xf32, #tpu.memory_space<vmem>>, vector<1x16xf32>,
      %slice3A_473 = vector.extract_strided_slice %get3A_68 {offsets = [12], sizes = [1], strides = [1]} : vector<16xi32> to vector<1xi32>
      %squeeze3A_474 = vector.extract %slice3A_473[0] : i32 from vector<1xi32>
      %mul3A_475 = arith.constant 4 : i32
      %mul3A_476 = arith.muli %scan3A_61, %mul3A_475 : i32
      %add3A_477 = arith.constant 3 : i32
      %add3A_478 = arith.addi %mul3A_476, %add3A_477 : i32
      %get3A_479 = arith.index_cast %add3A_478 : i32 to index
      %get3A_480 = arith.constant 0 : index
      %get3A_481 = tpu.vector_load %arg6[%get3A_479, %get3A_480] {strides = array<i32>} : memref<128x128xf32, #tpu.memory_space<vmem>>, vector<1x16xf32>,
      %get3A_482 = vector.shape_cast %get3A_481 : vector<1x16xf32> to vector<16xf32>
      %get3A_483 = arith.index_cast %add3A_478 : i32 to index
      %get3A_484 = arith.constant 16 : index
      %get3A_485 = tpu.vector_load %arg6[%get3A_483, %get3A_484] {strides = array<i32>} : memref<128x128xf32, #tpu.memory_space<vmem>>, vector<1x16xf32>,
      %get3A_486 = vector.shape_cast %get3A_485 : vector<1x16xf32> to vector<16xf32>
      %get3A_487 = arith.index_cast %squeeze3A_474 : i32 to index
      %get3A_488 = arith.constant 0 : index
      %get3A_489 = tpu.vector_load %arg7[%get3A_487, %get3A_488] {strides = array<i32>} : memref<512x32xf32, #tpu.memory_space<vmem>>, vector<1x16xf32>,
      %get3A_490 = vector.shape_cast %get3A_489 : vector<1x16xf32> to vector<16xf32>
      %get3A_491 = arith.index_cast %squeeze3A_474 : i32 to index
      %get3A_492 = arith.constant 16 : index
      %get3A_493 = tpu.vector_load %arg7[%get3A_491, %get3A_492] {strides = array<i32>} : memref<512x32xf32, #tpu.memory_space<vmem>>, vector<1x16xf32>,
      %get3A_494 = vector.shape_cast %get3A_493 : vector<1x16xf32> to vector<16xf32>
      %max3A_495 = arith.maximumf %get3A_490, %get3A_482 : vector<16xf32>
      %swap3A_496 = arith.index_cast %squeeze3A_474 : i32 to index
      %swap3A_497 = arith.constant 0 : index
      %swap3A_498 = tpu.vector_load %arg7[%swap3A_496, %swap3A_497] {strides = array<i32>} : memref<512x32xf32, #tpu.memory_space<vmem>>, vector<1x16xf32>,
      %swap3A_499 = vector.shape_cast %swap3A_498 : vector<1x16xf32> to vector<16xf32>
      %swap3A_500 = vector.shape_cast %max3A_495 : vector<16xf32> to vector<1x16xf32>
      tpu.vector_store %arg7[%swap3A_496, %swap3A_497], %swap3A_500 {strides = array<i32>} : memref<512x32xf32, #tpu.memory_space<vmem>>, vector<1x16xf32>,
      %max3A_501 = arith.maximumf %get3A_494, %get3A_486 : vector<16xf32>
      %swap3A_502 = arith.index_cast %squeeze3A_474 : i32 to index
      %swap3A_503 = arith.constant 16 : index
      %swap3A_504 = tpu.vector_load %arg7[%swap3A_502, %swap3A_503] {strides = array<i32>} : memref<512x32xf32, #tpu.memory_space<vmem>>, vector<1x16xf32>,
      %swap3A_505 = vector.shape_cast %swap3A_504 : vector<1x16xf32> to vector<16xf32>
      %swap3A_506 = vector.shape_cast %max3A_501 : vector<16xf32> to vector<1x16xf32>
      tpu.vector_store %arg7[%swap3A_502, %swap3A_503], %swap3A_506 {strides = array<i32>} : memref<512x32xf32, #tpu.memory_space<vmem>>, vector<1x16xf32>,
      %slice3A_507 = vector.extract_strided_slice %get3A_68 {offsets = [13], sizes = [1], strides = [1]} : vector<16xi32> to vector<1xi32>
      %squeeze3A_508 = vector.extract %slice3A_507[0] : i32 from vector<1xi32>
      %mul3A_509 = arith.constant 4 : i32
      %mul3A_510 = arith.muli %scan3A_61, %mul3A_509 : i32
      %add3A_511 = arith.constant 3 : i32
      %add3A_512 = arith.addi %mul3A_510, %add3A_511 : i32
      %get3A_513 = arith.index_cast %add3A_512 : i32 to index
      %get3A_514 = arith.constant 32 : index
      %get3A_515 = tpu.vector_load %arg6[%get3A_513, %get3A_514] {strides = array<i32>} : memref<128x128xf32, #tpu.memory_space<vmem>>, vector<1x16xf32>,
      %get3A_516 = vector.shape_cast %get3A_515 : vector<1x16xf32> to vector<16xf32>
      %get3A_517 = arith.index_cast %add3A_512 : i32 to index
      %get3A_518 = arith.constant 48 : index
      %get3A_519 = tpu.vector_load %arg6[%get3A_517, %get3A_518] {strides = array<i32>} : memref<128x128xf32, #tpu.memory_space<vmem>>, vector<1x16xf32>,
      %get3A_520 = vector.shape_cast %get3A_519 : vector<1x16xf32> to vector<16xf32>
      %get3A_521 = arith.index_cast %squeeze3A_508 : i32 to index
      %get3A_522 = arith.constant 0 : index
      %get3A_523 = tpu.vector_load %arg7[%get3A_521, %get3A_522] {strides = array<i32>} : memref<512x32xf32, #tpu.memory_space<vmem>>, vector<1x16xf32>,
      %get3A_524 = vector.shape_cast %get3A_523 : vector<1x16xf32> to vector<16xf32>
      %get3A_525 = arith.index_cast %squeeze3A_508 : i32 to index
      %get3A_526 = arith.constant 16 : index
      %get3A_527 = tpu.vector_load %arg7[%get3A_525, %get3A_526] {strides = array<i32>} : memref<512x32xf32, #tpu.memory_space<vmem>>, vector<1x16xf32>,
      %get3A_528 = vector.shape_cast %get3A_527 : vector<1x16xf32> to vector<16xf32>
      %max3A_529 = arith.maximumf %get3A_524, %get3A_516 : vector<16xf32>
      %swap3A_530 = arith.index_cast %squeeze3A_508 : i32 to index
      %swap3A_531 = arith.constant 0 : index
      %swap3A_532 = tpu.vector_load %arg7[%swap3A_530, %swap3A_531] {strides = array<i32>} : memref<512x32xf32, #tpu.memory_space<vmem>>, vector<1x16xf32>,
      %swap3A_533 = vector.shape_cast %swap3A_532 : vector<1x16xf32> to vector<16xf32>
      %swap3A_534 = vector.shape_cast %max3A_529 : vector<16xf32> to vector<1x16xf32>
      tpu.vector_store %arg7[%swap3A_530, %swap3A_531], %swap3A_534 {strides = array<i32>} : memref<512x32xf32, #tpu.memory_space<vmem>>, vector<1x16xf32>,
      %max3A_535 = arith.maximumf %get3A_528, %get3A_520 : vector<16xf32>
      %swap3A_536 = arith.index_cast %squeeze3A_508 : i32 to index
      %swap3A_537 = arith.constant 16 : index
      %swap3A_538 = tpu.vector_load %arg7[%swap3A_536, %swap3A_537] {strides = array<i32>} : memref<512x32xf32, #tpu.memory_space<vmem>>, vector<1x16xf32>,
      %swap3A_539 = vector.shape_cast %swap3A_538 : vector<1x16xf32> to vector<16xf32>
      %swap3A_540 = vector.shape_cast %max3A_535 : vector<16xf32> to vector<1x16xf32>
      tpu.vector_store %arg7[%swap3A_536, %swap3A_537], %swap3A_540 {strides = array<i32>} : memref<512x32xf32, #tpu.memory_space<vmem>>, vector<1x16xf32>,
      %slice3A_541 = vector.extract_strided_slice %get3A_68 {offsets = [14], sizes = [1], strides = [1]} : vector<16xi32> to vector<1xi32>
      %squeeze3A_542 = vector.extract %slice3A_541[0] : i32 from vector<1xi32>
      %mul3A_543 = arith.constant 4 : i32
      %mul3A_544 = arith.muli %scan3A_61, %mul3A_543 : i32
      %add3A_545 = arith.constant 3 : i32
      %add3A_546 = arith.addi %mul3A_544, %add3A_545 : i32
      %get3A_547 = arith.index_cast %add3A_546 : i32 to index
      %get3A_548 = arith.constant 64 : index
      %get3A_549 = tpu.vector_load %arg6[%get3A_547, %get3A_548] {strides = array<i32>} : memref<128x128xf32, #tpu.memory_space<vmem>>, vector<1x16xf32>,
      %get3A_550 = vector.shape_cast %get3A_549 : vector<1x16xf32> to vector<16xf32>
      %get3A_551 = arith.index_cast %add3A_546 : i32 to index
      %get3A_552 = arith.constant 80 : index
      %get3A_553 = tpu.vector_load %arg6[%get3A_551, %get3A_552] {strides = array<i32>} : memref<128x128xf32, #tpu.memory_space<vmem>>, vector<1x16xf32>,
      %get3A_554 = vector.shape_cast %get3A_553 : vector<1x16xf32> to vector<16xf32>
      %get3A_555 = arith.index_cast %squeeze3A_542 : i32 to index
      %get3A_556 = arith.constant 0 : index
      %get3A_557 = tpu.vector_load %arg7[%get3A_555, %get3A_556] {strides = array<i32>} : memref<512x32xf32, #tpu.memory_space<vmem>>, vector<1x16xf32>,
      %get3A_558 = vector.shape_cast %get3A_557 : vector<1x16xf32> to vector<16xf32>
      %get3A_559 = arith.index_cast %squeeze3A_542 : i32 to index
      %get3A_560 = arith.constant 16 : index
      %get3A_561 = tpu.vector_load %arg7[%get3A_559, %get3A_560] {strides = array<i32>} : memref<512x32xf32, #tpu.memory_space<vmem>>, vector<1x16xf32>,
      %get3A_562 = vector.shape_cast %get3A_561 : vector<1x16xf32> to vector<16xf32>
      %max3A_563 = arith.maximumf %get3A_558, %get3A_550 : vector<16xf32>
      %swap3A_564 = arith.index_cast %squeeze3A_542 : i32 to index
      %swap3A_565 = arith.constant 0 : index
      %swap3A_566 = tpu.vector_load %arg7[%swap3A_564, %swap3A_565] {strides = array<i32>} : memref<512x32xf32, #tpu.memory_space<vmem>>, vector<1x16xf32>,
      %swap3A_567 = vector.shape_cast %swap3A_566 : vector<1x16xf32> to vector<16xf32>
      %swap3A_568 = vector.shape_cast %max3A_563 : vector<16xf32> to vector<1x16xf32>
      tpu.vector_store %arg7[%swap3A_564, %swap3A_565], %swap3A_568 {strides = array<i32>} : memref<512x32xf32, #tpu.memory_space<vmem>>, vector<1x16xf32>,
      %max3A_569 = arith.maximumf %get3A_562, %get3A_554 : vector<16xf32>
      %swap3A_570 = arith.index_cast %squeeze3A_542 : i32 to index
      %swap3A_571 = arith.constant 16 : index
      %swap3A_572 = tpu.vector_load %arg7[%swap3A_570, %swap3A_571] {strides = array<i32>} : memref<512x32xf32, #tpu.memory_space<vmem>>, vector<1x16xf32>,
      %swap3A_573 = vector.shape_cast %swap3A_572 : vector<1x16xf32> to vector<16xf32>
      %swap3A_574 = vector.shape_cast %max3A_569 : vector<16xf32> to vector<1x16xf32>
      tpu.vector_store %arg7[%swap3A_570, %swap3A_571], %swap3A_574 {strides = array<i32>} : memref<512x32xf32, #tpu.memory_space<vmem>>, vector<1x16xf32>,
      %slice3A_575 = vector.extract_strided_slice %get3A_68 {offsets = [15], sizes = [1], strides = [1]} : vector<16xi32> to vector<1xi32>
      %squeeze3A_576 = vector.extract %slice3A_575[0] : i32 from vector<1xi32>
      %mul3A_577 = arith.constant 4 : i32
      %mul3A_578 = arith.muli %scan3A_61, %mul3A_577 : i32
      %add3A_579 = arith.constant 3 : i32
      %add3A_580 = arith.addi %mul3A_578, %add3A_579 : i32
      %get3A_581 = arith.index_cast %add3A_580 : i32 to index
      %get3A_582 = arith.constant 96 : index
      %get3A_583 = tpu.vector_load %arg6[%get3A_581, %get3A_582] {strides = array<i32>} : memref<128x128xf32, #tpu.memory_space<vmem>>, vector<1x16xf32>,
      %get3A_584 = vector.shape_cast %get3A_583 : vector<1x16xf32> to vector<16xf32>
      %get3A_585 = arith.index_cast %add3A_580 : i32 to index
      %get3A_586 = arith.constant 112 : index
      %get3A_587 = tpu.vector_load %arg6[%get3A_585, %get3A_586] {strides = array<i32>} : memref<128x128xf32, #tpu.memory_space<vmem>>, vector<1x16xf32>,
      %get3A_588 = vector.shape_cast %get3A_587 : vector<1x16xf32> to vector<16xf32>
      %get3A_589 = arith.index_cast %squeeze3A_576 : i32 to index
      %get3A_590 = arith.constant 0 : index
      %get3A_591 = tpu.vector_load %arg7[%get3A_589, %get3A_590] {strides = array<i32>} : memref<512x32xf32, #tpu.memory_space<vmem>>, vector<1x16xf32>,
      %get3A_592 = vector.shape_cast %get3A_591 : vector<1x16xf32> to vector<16xf32>
      %get3A_593 = arith.index_cast %squeeze3A_576 : i32 to index
      %get3A_594 = arith.constant 16 : index
      %get3A_595 = tpu.vector_load %arg7[%get3A_593, %get3A_594] {strides = array<i32>} : memref<512x32xf32, #tpu.memory_space<vmem>>, vector<1x16xf32>,
      %get3A_596 = vector.shape_cast %get3A_595 : vector<1x16xf32> to vector<16xf32>
      %max3A_597 = arith.maximumf %get3A_592, %get3A_584 : vector<16xf32>
      %swap3A_598 = arith.index_cast %squeeze3A_576 : i32 to index
      %swap3A_599 = arith.constant 0 : index
      %swap3A_600 = tpu.vector_load %arg7[%swap3A_598, %swap3A_599] {strides = array<i32>} : memref<512x32xf32, #tpu.memory_space<vmem>>, vector<1x16xf32>,
      %swap3A_601 = vector.shape_cast %swap3A_600 : vector<1x16xf32> to vector<16xf32>
      %swap3A_602 = vector.shape_cast %max3A_597 : vector<16xf32> to vector<1x16xf32>
      tpu.vector_store %arg7[%swap3A_598, %swap3A_599], %swap3A_602 {strides = array<i32>} : memref<512x32xf32, #tpu.memory_space<vmem>>, vector<1x16xf32>,
      %max3A_603 = arith.maximumf %get3A_596, %get3A_588 : vector<16xf32>
      %swap3A_604 = arith.index_cast %squeeze3A_576 : i32 to index
      %swap3A_605 = arith.constant 16 : index
      %swap3A_606 = tpu.vector_load %arg7[%swap3A_604, %swap3A_605] {strides = array<i32>} : memref<512x32xf32, #tpu.memory_space<vmem>>, vector<1x16xf32>,
      %swap3A_607 = vector.shape_cast %swap3A_606 : vector<1x16xf32> to vector<16xf32>
      %swap3A_608 = vector.shape_cast %max3A_603 : vector<16xf32> to vector<1x16xf32>
      tpu.vector_store %arg7[%swap3A_604, %swap3A_605], %swap3A_608 {strides = array<i32>} : memref<512x32xf32, #tpu.memory_space<vmem>>, vector<1x16xf32>,
      %scan3A_609 = arith.constant 0 : i32
      scf.yield %scan3A_609 : i32
    }
    %scan3A_32 = arith.constant 32 : i32
    "tpu.region"() ({
      %run_scoped3A = tpu.sem_alloc : memref<!tpu.dma_semaphore, #tpu.memory_space<semaphore_mem>>
      %dma_start3A = arith.constant 128 : i32
      %dma_start3A_61 = arith.constant 0 : i32
      %dma_start3A_62 = tpu.memref_slice %arg2[%add3A, %dma_start3A, %dma_start3A_61] : memref<32x512x128xf32, #tpu.memory_space<hbm>> -> memref<1x128x128xf32, #tpu.memory_space<hbm>>
      %dma_start3A_63 = tpu.memref_squeeze %dma_start3A_62 : memref<1x128x128xf32, #tpu.memory_space<hbm>> -> memref<128x128xf32, #tpu.memory_space<hbm>>
      %dma_start3A_64 = arith.constant 128 : i32
      %dma_start3A_65 = arith.constant 0 : i32
      %dma_start3A_66 = tpu.memref_slice %arg2[%add3A, %dma_start3A_64, %dma_start3A_65] : memref<32x512x128xf32, #tpu.memory_space<hbm>> -> memref<1x128x128xf32, #tpu.memory_space<hbm>>
      %dma_start3A_67 = tpu.memref_squeeze %dma_start3A_66 : memref<1x128x128xf32, #tpu.memory_space<hbm>> -> memref<128x128xf32, #tpu.memory_space<hbm>>
      tpu.enqueue_dma source(%dma_start3A_67 : memref<128x128xf32, #tpu.memory_space<hbm>>) target(%arg6 : memref<128x128xf32, #tpu.memory_space<vmem>>) target_semaphore(%run_scoped3A : memref<!tpu.dma_semaphore, #tpu.memory_space<semaphore_mem>>)
      %dma_wait3A = arith.constant 128 : i32
      %dma_wait3A_68 = arith.constant 0 : i32
      %dma_wait3A_69 = tpu.memref_slice %arg2[%add3A, %dma_wait3A, %dma_wait3A_68] : memref<32x512x128xf32, #tpu.memory_space<hbm>> -> memref<1x128x128xf32, #tpu.memory_space<hbm>>
      %dma_wait3A_70 = tpu.memref_squeeze %dma_wait3A_69 : memref<1x128x128xf32, #tpu.memory_space<hbm>> -> memref<128x128xf32, #tpu.memory_space<hbm>>
      %dma_wait3A_71 = arith.constant 128 : i32
      %dma_wait3A_72 = arith.constant 0 : i32
      %dma_wait3A_73 = tpu.memref_slice %arg2[%add3A, %dma_wait3A_71, %dma_wait3A_72] : memref<32x512x128xf32, #tpu.memory_space<hbm>> -> memref<1x128x128xf32, #tpu.memory_space<hbm>>
      %dma_wait3A_74 = tpu.memref_squeeze %dma_wait3A_73 : memref<1x128x128xf32, #tpu.memory_space<hbm>> -> memref<128x128xf32, #tpu.memory_space<hbm>>
      tpu.wait_dma2 semaphore(%run_scoped3A : memref<!tpu.dma_semaphore, #tpu.memory_space<semaphore_mem>>) src(%dma_wait3A_74 : memref<128x128xf32, #tpu.memory_space<hbm>>) dst(%arg6 : memref<128x128xf32, #tpu.memory_space<vmem>>)
      tpu.yield
    }) : () -> ()
    %scan3A_33 = arith.constant 0 : i32
    %scan3A_34 = arith.constant 0 : i32
    %scan3A_35 = arith.constant 32 : i32
    %scan3A_36 = arith.addi %scan3A_34, %scan3A_35 : i32
    %scan3A_37 = arith.constant 1 : i32
    %scan3A_38 = scf.for %scan3A_61 = %scan3A_34 to %scan3A_36 step %scan3A_37 iter_args(%scan3A_62 = %scan3A_33) -> (i32)  : i32 {
      %mul3A_63 = arith.constant 16 : i32
      %mul3A_64 = arith.muli %scan3A_61, %mul3A_63 : i32
      %add3A_65 = arith.constant 512 : i32
      %add3A_66 = arith.addi %add3A_65, %mul3A_64 : i32
      %get3A = arith.index_cast %add3A_66 : i32 to index
      %get3A_67 = tpu.vector_load %arg5[%get3A] {strides = array<i32>} : memref<2048xi32, #tpu.memory_space<vmem>>, vector<16xi32>,
      %get3A_68 = vector.shape_cast %get3A_67 : vector<16xi32> to vector<16xi32>
      %slice3A = vector.extract_strided_slice %get3A_68 {offsets = [0], sizes = [1], strides = [1]} : vector<16xi32> to vector<1xi32>
      %squeeze3A = vector.extract %slice3A[0] : i32 from vector<1xi32>
      %mul3A_69 = arith.constant 4 : i32
      %mul3A_70 = arith.muli %scan3A_61, %mul3A_69 : i32
      %add3A_71 = arith.constant 0 : i32
      %add3A_72 = arith.addi %mul3A_70, %add3A_71 : i32
      %get3A_73 = arith.index_cast %add3A_72 : i32 to index
      %get3A_74 = arith.constant 0 : index
      %get3A_75 = tpu.vector_load %arg6[%get3A_73, %get3A_74] {strides = array<i32>} : memref<128x128xf32, #tpu.memory_space<vmem>>, vector<1x16xf32>,
      %get3A_76 = vector.shape_cast %get3A_75 : vector<1x16xf32> to vector<16xf32>
      %get3A_77 = arith.index_cast %add3A_72 : i32 to index
      %get3A_78 = arith.constant 16 : index
      %get3A_79 = tpu.vector_load %arg6[%get3A_77, %get3A_78] {strides = array<i32>} : memref<128x128xf32, #tpu.memory_space<vmem>>, vector<1x16xf32>,
      %get3A_80 = vector.shape_cast %get3A_79 : vector<1x16xf32> to vector<16xf32>
      %get3A_81 = arith.index_cast %squeeze3A : i32 to index
      %get3A_82 = arith.constant 0 : index
      %get3A_83 = tpu.vector_load %arg7[%get3A_81, %get3A_82] {strides = array<i32>} : memref<512x32xf32, #tpu.memory_space<vmem>>, vector<1x16xf32>,
      %get3A_84 = vector.shape_cast %get3A_83 : vector<1x16xf32> to vector<16xf32>
      %get3A_85 = arith.index_cast %squeeze3A : i32 to index
      %get3A_86 = arith.constant 16 : index
      %get3A_87 = tpu.vector_load %arg7[%get3A_85, %get3A_86] {strides = array<i32>} : memref<512x32xf32, #tpu.memory_space<vmem>>, vector<1x16xf32>,
      %get3A_88 = vector.shape_cast %get3A_87 : vector<1x16xf32> to vector<16xf32>
      %max3A = arith.maximumf %get3A_84, %get3A_76 : vector<16xf32>
      %swap3A = arith.index_cast %squeeze3A : i32 to index
      %swap3A_89 = arith.constant 0 : index
      %swap3A_90 = tpu.vector_load %arg7[%swap3A, %swap3A_89] {strides = array<i32>} : memref<512x32xf32, #tpu.memory_space<vmem>>, vector<1x16xf32>,
      %swap3A_91 = vector.shape_cast %swap3A_90 : vector<1x16xf32> to vector<16xf32>
      %swap3A_92 = vector.shape_cast %max3A : vector<16xf32> to vector<1x16xf32>
      tpu.vector_store %arg7[%swap3A, %swap3A_89], %swap3A_92 {strides = array<i32>} : memref<512x32xf32, #tpu.memory_space<vmem>>, vector<1x16xf32>,
      %max3A_93 = arith.maximumf %get3A_88, %get3A_80 : vector<16xf32>
      %swap3A_94 = arith.index_cast %squeeze3A : i32 to index
      %swap3A_95 = arith.constant 16 : index
      %swap3A_96 = tpu.vector_load %arg7[%swap3A_94, %swap3A_95] {strides = array<i32>} : memref<512x32xf32, #tpu.memory_space<vmem>>, vector<1x16xf32>,
      %swap3A_97 = vector.shape_cast %swap3A_96 : vector<1x16xf32> to vector<16xf32>
      %swap3A_98 = vector.shape_cast %max3A_93 : vector<16xf32> to vector<1x16xf32>
      tpu.vector_store %arg7[%swap3A_94, %swap3A_95], %swap3A_98 {strides = array<i32>} : memref<512x32xf32, #tpu.memory_space<vmem>>, vector<1x16xf32>,
      %slice3A_99 = vector.extract_strided_slice %get3A_68 {offsets = [1], sizes = [1], strides = [1]} : vector<16xi32> to vector<1xi32>
      %squeeze3A_100 = vector.extract %slice3A_99[0] : i32 from vector<1xi32>
      %mul3A_101 = arith.constant 4 : i32
      %mul3A_102 = arith.muli %scan3A_61, %mul3A_101 : i32
      %add3A_103 = arith.constant 0 : i32
      %add3A_104 = arith.addi %mul3A_102, %add3A_103 : i32
      %get3A_105 = arith.index_cast %add3A_104 : i32 to index
      %get3A_106 = arith.constant 32 : index
      %get3A_107 = tpu.vector_load %arg6[%get3A_105, %get3A_106] {strides = array<i32>} : memref<128x128xf32, #tpu.memory_space<vmem>>, vector<1x16xf32>,
      %get3A_108 = vector.shape_cast %get3A_107 : vector<1x16xf32> to vector<16xf32>
      %get3A_109 = arith.index_cast %add3A_104 : i32 to index
      %get3A_110 = arith.constant 48 : index
      %get3A_111 = tpu.vector_load %arg6[%get3A_109, %get3A_110] {strides = array<i32>} : memref<128x128xf32, #tpu.memory_space<vmem>>, vector<1x16xf32>,
      %get3A_112 = vector.shape_cast %get3A_111 : vector<1x16xf32> to vector<16xf32>
      %get3A_113 = arith.index_cast %squeeze3A_100 : i32 to index
      %get3A_114 = arith.constant 0 : index
      %get3A_115 = tpu.vector_load %arg7[%get3A_113, %get3A_114] {strides = array<i32>} : memref<512x32xf32, #tpu.memory_space<vmem>>, vector<1x16xf32>,
      %get3A_116 = vector.shape_cast %get3A_115 : vector<1x16xf32> to vector<16xf32>
      %get3A_117 = arith.index_cast %squeeze3A_100 : i32 to index
      %get3A_118 = arith.constant 16 : index
      %get3A_119 = tpu.vector_load %arg7[%get3A_117, %get3A_118] {strides = array<i32>} : memref<512x32xf32, #tpu.memory_space<vmem>>, vector<1x16xf32>,
      %get3A_120 = vector.shape_cast %get3A_119 : vector<1x16xf32> to vector<16xf32>
      %max3A_121 = arith.maximumf %get3A_116, %get3A_108 : vector<16xf32>
      %swap3A_122 = arith.index_cast %squeeze3A_100 : i32 to index
      %swap3A_123 = arith.constant 0 : index
      %swap3A_124 = tpu.vector_load %arg7[%swap3A_122, %swap3A_123] {strides = array<i32>} : memref<512x32xf32, #tpu.memory_space<vmem>>, vector<1x16xf32>,
      %swap3A_125 = vector.shape_cast %swap3A_124 : vector<1x16xf32> to vector<16xf32>
      %swap3A_126 = vector.shape_cast %max3A_121 : vector<16xf32> to vector<1x16xf32>
      tpu.vector_store %arg7[%swap3A_122, %swap3A_123], %swap3A_126 {strides = array<i32>} : memref<512x32xf32, #tpu.memory_space<vmem>>, vector<1x16xf32>,
      %max3A_127 = arith.maximumf %get3A_120, %get3A_112 : vector<16xf32>
      %swap3A_128 = arith.index_cast %squeeze3A_100 : i32 to index
      %swap3A_129 = arith.constant 16 : index
      %swap3A_130 = tpu.vector_load %arg7[%swap3A_128, %swap3A_129] {strides = array<i32>} : memref<512x32xf32, #tpu.memory_space<vmem>>, vector<1x16xf32>,
      %swap3A_131 = vector.shape_cast %swap3A_130 : vector<1x16xf32> to vector<16xf32>
      %swap3A_132 = vector.shape_cast %max3A_127 : vector<16xf32> to vector<1x16xf32>
      tpu.vector_store %arg7[%swap3A_128, %swap3A_129], %swap3A_132 {strides = array<i32>} : memref<512x32xf32, #tpu.memory_space<vmem>>, vector<1x16xf32>,
      %slice3A_133 = vector.extract_strided_slice %get3A_68 {offsets = [2], sizes = [1], strides = [1]} : vector<16xi32> to vector<1xi32>
      %squeeze3A_134 = vector.extract %slice3A_133[0] : i32 from vector<1xi32>
      %mul3A_135 = arith.constant 4 : i32
      %mul3A_136 = arith.muli %scan3A_61, %mul3A_135 : i32
      %add3A_137 = arith.constant 0 : i32
      %add3A_138 = arith.addi %mul3A_136, %add3A_137 : i32
      %get3A_139 = arith.index_cast %add3A_138 : i32 to index
      %get3A_140 = arith.constant 64 : index
      %get3A_141 = tpu.vector_load %arg6[%get3A_139, %get3A_140] {strides = array<i32>} : memref<128x128xf32, #tpu.memory_space<vmem>>, vector<1x16xf32>,
      %get3A_142 = vector.shape_cast %get3A_141 : vector<1x16xf32> to vector<16xf32>
      %get3A_143 = arith.index_cast %add3A_138 : i32 to index
      %get3A_144 = arith.constant 80 : index
      %get3A_145 = tpu.vector_load %arg6[%get3A_143, %get3A_144] {strides = array<i32>} : memref<128x128xf32, #tpu.memory_space<vmem>>, vector<1x16xf32>,
      %get3A_146 = vector.shape_cast %get3A_145 : vector<1x16xf32> to vector<16xf32>
      %get3A_147 = arith.index_cast %squeeze3A_134 : i32 to index
      %get3A_148 = arith.constant 0 : index
      %get3A_149 = tpu.vector_load %arg7[%get3A_147, %get3A_148] {strides = array<i32>} : memref<512x32xf32, #tpu.memory_space<vmem>>, vector<1x16xf32>,
      %get3A_150 = vector.shape_cast %get3A_149 : vector<1x16xf32> to vector<16xf32>
      %get3A_151 = arith.index_cast %squeeze3A_134 : i32 to index
      %get3A_152 = arith.constant 16 : index
      %get3A_153 = tpu.vector_load %arg7[%get3A_151, %get3A_152] {strides = array<i32>} : memref<512x32xf32, #tpu.memory_space<vmem>>, vector<1x16xf32>,
      %get3A_154 = vector.shape_cast %get3A_153 : vector<1x16xf32> to vector<16xf32>
      %max3A_155 = arith.maximumf %get3A_150, %get3A_142 : vector<16xf32>
      %swap3A_156 = arith.index_cast %squeeze3A_134 : i32 to index
      %swap3A_157 = arith.constant 0 : index
      %swap3A_158 = tpu.vector_load %arg7[%swap3A_156, %swap3A_157] {strides = array<i32>} : memref<512x32xf32, #tpu.memory_space<vmem>>, vector<1x16xf32>,
      %swap3A_159 = vector.shape_cast %swap3A_158 : vector<1x16xf32> to vector<16xf32>
      %swap3A_160 = vector.shape_cast %max3A_155 : vector<16xf32> to vector<1x16xf32>
      tpu.vector_store %arg7[%swap3A_156, %swap3A_157], %swap3A_160 {strides = array<i32>} : memref<512x32xf32, #tpu.memory_space<vmem>>, vector<1x16xf32>,
      %max3A_161 = arith.maximumf %get3A_154, %get3A_146 : vector<16xf32>
      %swap3A_162 = arith.index_cast %squeeze3A_134 : i32 to index
      %swap3A_163 = arith.constant 16 : index
      %swap3A_164 = tpu.vector_load %arg7[%swap3A_162, %swap3A_163] {strides = array<i32>} : memref<512x32xf32, #tpu.memory_space<vmem>>, vector<1x16xf32>,
      %swap3A_165 = vector.shape_cast %swap3A_164 : vector<1x16xf32> to vector<16xf32>
      %swap3A_166 = vector.shape_cast %max3A_161 : vector<16xf32> to vector<1x16xf32>
      tpu.vector_store %arg7[%swap3A_162, %swap3A_163], %swap3A_166 {strides = array<i32>} : memref<512x32xf32, #tpu.memory_space<vmem>>, vector<1x16xf32>,
      %slice3A_167 = vector.extract_strided_slice %get3A_68 {offsets = [3], sizes = [1], strides = [1]} : vector<16xi32> to vector<1xi32>
      %squeeze3A_168 = vector.extract %slice3A_167[0] : i32 from vector<1xi32>
      %mul3A_169 = arith.constant 4 : i32
      %mul3A_170 = arith.muli %scan3A_61, %mul3A_169 : i32
      %add3A_171 = arith.constant 0 : i32
      %add3A_172 = arith.addi %mul3A_170, %add3A_171 : i32
      %get3A_173 = arith.index_cast %add3A_172 : i32 to index
      %get3A_174 = arith.constant 96 : index
      %get3A_175 = tpu.vector_load %arg6[%get3A_173, %get3A_174] {strides = array<i32>} : memref<128x128xf32, #tpu.memory_space<vmem>>, vector<1x16xf32>,
      %get3A_176 = vector.shape_cast %get3A_175 : vector<1x16xf32> to vector<16xf32>
      %get3A_177 = arith.index_cast %add3A_172 : i32 to index
      %get3A_178 = arith.constant 112 : index
      %get3A_179 = tpu.vector_load %arg6[%get3A_177, %get3A_178] {strides = array<i32>} : memref<128x128xf32, #tpu.memory_space<vmem>>, vector<1x16xf32>,
      %get3A_180 = vector.shape_cast %get3A_179 : vector<1x16xf32> to vector<16xf32>
      %get3A_181 = arith.index_cast %squeeze3A_168 : i32 to index
      %get3A_182 = arith.constant 0 : index
      %get3A_183 = tpu.vector_load %arg7[%get3A_181, %get3A_182] {strides = array<i32>} : memref<512x32xf32, #tpu.memory_space<vmem>>, vector<1x16xf32>,
      %get3A_184 = vector.shape_cast %get3A_183 : vector<1x16xf32> to vector<16xf32>
      %get3A_185 = arith.index_cast %squeeze3A_168 : i32 to index
      %get3A_186 = arith.constant 16 : index
      %get3A_187 = tpu.vector_load %arg7[%get3A_185, %get3A_186] {strides = array<i32>} : memref<512x32xf32, #tpu.memory_space<vmem>>, vector<1x16xf32>,
      %get3A_188 = vector.shape_cast %get3A_187 : vector<1x16xf32> to vector<16xf32>
      %max3A_189 = arith.maximumf %get3A_184, %get3A_176 : vector<16xf32>
      %swap3A_190 = arith.index_cast %squeeze3A_168 : i32 to index
      %swap3A_191 = arith.constant 0 : index
      %swap3A_192 = tpu.vector_load %arg7[%swap3A_190, %swap3A_191] {strides = array<i32>} : memref<512x32xf32, #tpu.memory_space<vmem>>, vector<1x16xf32>,
      %swap3A_193 = vector.shape_cast %swap3A_192 : vector<1x16xf32> to vector<16xf32>
      %swap3A_194 = vector.shape_cast %max3A_189 : vector<16xf32> to vector<1x16xf32>
      tpu.vector_store %arg7[%swap3A_190, %swap3A_191], %swap3A_194 {strides = array<i32>} : memref<512x32xf32, #tpu.memory_space<vmem>>, vector<1x16xf32>,
      %max3A_195 = arith.maximumf %get3A_188, %get3A_180 : vector<16xf32>
      %swap3A_196 = arith.index_cast %squeeze3A_168 : i32 to index
      %swap3A_197 = arith.constant 16 : index
      %swap3A_198 = tpu.vector_load %arg7[%swap3A_196, %swap3A_197] {strides = array<i32>} : memref<512x32xf32, #tpu.memory_space<vmem>>, vector<1x16xf32>,
      %swap3A_199 = vector.shape_cast %swap3A_198 : vector<1x16xf32> to vector<16xf32>
      %swap3A_200 = vector.shape_cast %max3A_195 : vector<16xf32> to vector<1x16xf32>
      tpu.vector_store %arg7[%swap3A_196, %swap3A_197], %swap3A_200 {strides = array<i32>} : memref<512x32xf32, #tpu.memory_space<vmem>>, vector<1x16xf32>,
      %slice3A_201 = vector.extract_strided_slice %get3A_68 {offsets = [4], sizes = [1], strides = [1]} : vector<16xi32> to vector<1xi32>
      %squeeze3A_202 = vector.extract %slice3A_201[0] : i32 from vector<1xi32>
      %mul3A_203 = arith.constant 4 : i32
      %mul3A_204 = arith.muli %scan3A_61, %mul3A_203 : i32
      %add3A_205 = arith.constant 1 : i32
      %add3A_206 = arith.addi %mul3A_204, %add3A_205 : i32
      %get3A_207 = arith.index_cast %add3A_206 : i32 to index
      %get3A_208 = arith.constant 0 : index
      %get3A_209 = tpu.vector_load %arg6[%get3A_207, %get3A_208] {strides = array<i32>} : memref<128x128xf32, #tpu.memory_space<vmem>>, vector<1x16xf32>,
      %get3A_210 = vector.shape_cast %get3A_209 : vector<1x16xf32> to vector<16xf32>
      %get3A_211 = arith.index_cast %add3A_206 : i32 to index
      %get3A_212 = arith.constant 16 : index
      %get3A_213 = tpu.vector_load %arg6[%get3A_211, %get3A_212] {strides = array<i32>} : memref<128x128xf32, #tpu.memory_space<vmem>>, vector<1x16xf32>,
      %get3A_214 = vector.shape_cast %get3A_213 : vector<1x16xf32> to vector<16xf32>
      %get3A_215 = arith.index_cast %squeeze3A_202 : i32 to index
      %get3A_216 = arith.constant 0 : index
      %get3A_217 = tpu.vector_load %arg7[%get3A_215, %get3A_216] {strides = array<i32>} : memref<512x32xf32, #tpu.memory_space<vmem>>, vector<1x16xf32>,
      %get3A_218 = vector.shape_cast %get3A_217 : vector<1x16xf32> to vector<16xf32>
      %get3A_219 = arith.index_cast %squeeze3A_202 : i32 to index
      %get3A_220 = arith.constant 16 : index
      %get3A_221 = tpu.vector_load %arg7[%get3A_219, %get3A_220] {strides = array<i32>} : memref<512x32xf32, #tpu.memory_space<vmem>>, vector<1x16xf32>,
      %get3A_222 = vector.shape_cast %get3A_221 : vector<1x16xf32> to vector<16xf32>
      %max3A_223 = arith.maximumf %get3A_218, %get3A_210 : vector<16xf32>
      %swap3A_224 = arith.index_cast %squeeze3A_202 : i32 to index
      %swap3A_225 = arith.constant 0 : index
      %swap3A_226 = tpu.vector_load %arg7[%swap3A_224, %swap3A_225] {strides = array<i32>} : memref<512x32xf32, #tpu.memory_space<vmem>>, vector<1x16xf32>,
      %swap3A_227 = vector.shape_cast %swap3A_226 : vector<1x16xf32> to vector<16xf32>
      %swap3A_228 = vector.shape_cast %max3A_223 : vector<16xf32> to vector<1x16xf32>
      tpu.vector_store %arg7[%swap3A_224, %swap3A_225], %swap3A_228 {strides = array<i32>} : memref<512x32xf32, #tpu.memory_space<vmem>>, vector<1x16xf32>,
      %max3A_229 = arith.maximumf %get3A_222, %get3A_214 : vector<16xf32>
      %swap3A_230 = arith.index_cast %squeeze3A_202 : i32 to index
      %swap3A_231 = arith.constant 16 : index
      %swap3A_232 = tpu.vector_load %arg7[%swap3A_230, %swap3A_231] {strides = array<i32>} : memref<512x32xf32, #tpu.memory_space<vmem>>, vector<1x16xf32>,
      %swap3A_233 = vector.shape_cast %swap3A_232 : vector<1x16xf32> to vector<16xf32>
      %swap3A_234 = vector.shape_cast %max3A_229 : vector<16xf32> to vector<1x16xf32>
      tpu.vector_store %arg7[%swap3A_230, %swap3A_231], %swap3A_234 {strides = array<i32>} : memref<512x32xf32, #tpu.memory_space<vmem>>, vector<1x16xf32>,
      %slice3A_235 = vector.extract_strided_slice %get3A_68 {offsets = [5], sizes = [1], strides = [1]} : vector<16xi32> to vector<1xi32>
      %squeeze3A_236 = vector.extract %slice3A_235[0] : i32 from vector<1xi32>
      %mul3A_237 = arith.constant 4 : i32
      %mul3A_238 = arith.muli %scan3A_61, %mul3A_237 : i32
      %add3A_239 = arith.constant 1 : i32
      %add3A_240 = arith.addi %mul3A_238, %add3A_239 : i32
      %get3A_241 = arith.index_cast %add3A_240 : i32 to index
      %get3A_242 = arith.constant 32 : index
      %get3A_243 = tpu.vector_load %arg6[%get3A_241, %get3A_242] {strides = array<i32>} : memref<128x128xf32, #tpu.memory_space<vmem>>, vector<1x16xf32>,
      %get3A_244 = vector.shape_cast %get3A_243 : vector<1x16xf32> to vector<16xf32>
      %get3A_245 = arith.index_cast %add3A_240 : i32 to index
      %get3A_246 = arith.constant 48 : index
      %get3A_247 = tpu.vector_load %arg6[%get3A_245, %get3A_246] {strides = array<i32>} : memref<128x128xf32, #tpu.memory_space<vmem>>, vector<1x16xf32>,
      %get3A_248 = vector.shape_cast %get3A_247 : vector<1x16xf32> to vector<16xf32>
      %get3A_249 = arith.index_cast %squeeze3A_236 : i32 to index
      %get3A_250 = arith.constant 0 : index
      %get3A_251 = tpu.vector_load %arg7[%get3A_249, %get3A_250] {strides = array<i32>} : memref<512x32xf32, #tpu.memory_space<vmem>>, vector<1x16xf32>,
      %get3A_252 = vector.shape_cast %get3A_251 : vector<1x16xf32> to vector<16xf32>
      %get3A_253 = arith.index_cast %squeeze3A_236 : i32 to index
      %get3A_254 = arith.constant 16 : index
      %get3A_255 = tpu.vector_load %arg7[%get3A_253, %get3A_254] {strides = array<i32>} : memref<512x32xf32, #tpu.memory_space<vmem>>, vector<1x16xf32>,
      %get3A_256 = vector.shape_cast %get3A_255 : vector<1x16xf32> to vector<16xf32>
      %max3A_257 = arith.maximumf %get3A_252, %get3A_244 : vector<16xf32>
      %swap3A_258 = arith.index_cast %squeeze3A_236 : i32 to index
      %swap3A_259 = arith.constant 0 : index
      %swap3A_260 = tpu.vector_load %arg7[%swap3A_258, %swap3A_259] {strides = array<i32>} : memref<512x32xf32, #tpu.memory_space<vmem>>, vector<1x16xf32>,
      %swap3A_261 = vector.shape_cast %swap3A_260 : vector<1x16xf32> to vector<16xf32>
      %swap3A_262 = vector.shape_cast %max3A_257 : vector<16xf32> to vector<1x16xf32>
      tpu.vector_store %arg7[%swap3A_258, %swap3A_259], %swap3A_262 {strides = array<i32>} : memref<512x32xf32, #tpu.memory_space<vmem>>, vector<1x16xf32>,
      %max3A_263 = arith.maximumf %get3A_256, %get3A_248 : vector<16xf32>
      %swap3A_264 = arith.index_cast %squeeze3A_236 : i32 to index
      %swap3A_265 = arith.constant 16 : index
      %swap3A_266 = tpu.vector_load %arg7[%swap3A_264, %swap3A_265] {strides = array<i32>} : memref<512x32xf32, #tpu.memory_space<vmem>>, vector<1x16xf32>,
      %swap3A_267 = vector.shape_cast %swap3A_266 : vector<1x16xf32> to vector<16xf32>
      %swap3A_268 = vector.shape_cast %max3A_263 : vector<16xf32> to vector<1x16xf32>
      tpu.vector_store %arg7[%swap3A_264, %swap3A_265], %swap3A_268 {strides = array<i32>} : memref<512x32xf32, #tpu.memory_space<vmem>>, vector<1x16xf32>,
      %slice3A_269 = vector.extract_strided_slice %get3A_68 {offsets = [6], sizes = [1], strides = [1]} : vector<16xi32> to vector<1xi32>
      %squeeze3A_270 = vector.extract %slice3A_269[0] : i32 from vector<1xi32>
      %mul3A_271 = arith.constant 4 : i32
      %mul3A_272 = arith.muli %scan3A_61, %mul3A_271 : i32
      %add3A_273 = arith.constant 1 : i32
      %add3A_274 = arith.addi %mul3A_272, %add3A_273 : i32
      %get3A_275 = arith.index_cast %add3A_274 : i32 to index
      %get3A_276 = arith.constant 64 : index
      %get3A_277 = tpu.vector_load %arg6[%get3A_275, %get3A_276] {strides = array<i32>} : memref<128x128xf32, #tpu.memory_space<vmem>>, vector<1x16xf32>,
      %get3A_278 = vector.shape_cast %get3A_277 : vector<1x16xf32> to vector<16xf32>
      %get3A_279 = arith.index_cast %add3A_274 : i32 to index
      %get3A_280 = arith.constant 80 : index
      %get3A_281 = tpu.vector_load %arg6[%get3A_279, %get3A_280] {strides = array<i32>} : memref<128x128xf32, #tpu.memory_space<vmem>>, vector<1x16xf32>,
      %get3A_282 = vector.shape_cast %get3A_281 : vector<1x16xf32> to vector<16xf32>
      %get3A_283 = arith.index_cast %squeeze3A_270 : i32 to index
      %get3A_284 = arith.constant 0 : index
      %get3A_285 = tpu.vector_load %arg7[%get3A_283, %get3A_284] {strides = array<i32>} : memref<512x32xf32, #tpu.memory_space<vmem>>, vector<1x16xf32>,
      %get3A_286 = vector.shape_cast %get3A_285 : vector<1x16xf32> to vector<16xf32>
      %get3A_287 = arith.index_cast %squeeze3A_270 : i32 to index
      %get3A_288 = arith.constant 16 : index
      %get3A_289 = tpu.vector_load %arg7[%get3A_287, %get3A_288] {strides = array<i32>} : memref<512x32xf32, #tpu.memory_space<vmem>>, vector<1x16xf32>,
      %get3A_290 = vector.shape_cast %get3A_289 : vector<1x16xf32> to vector<16xf32>
      %max3A_291 = arith.maximumf %get3A_286, %get3A_278 : vector<16xf32>
      %swap3A_292 = arith.index_cast %squeeze3A_270 : i32 to index
      %swap3A_293 = arith.constant 0 : index
      %swap3A_294 = tpu.vector_load %arg7[%swap3A_292, %swap3A_293] {strides = array<i32>} : memref<512x32xf32, #tpu.memory_space<vmem>>, vector<1x16xf32>,
      %swap3A_295 = vector.shape_cast %swap3A_294 : vector<1x16xf32> to vector<16xf32>
      %swap3A_296 = vector.shape_cast %max3A_291 : vector<16xf32> to vector<1x16xf32>
      tpu.vector_store %arg7[%swap3A_292, %swap3A_293], %swap3A_296 {strides = array<i32>} : memref<512x32xf32, #tpu.memory_space<vmem>>, vector<1x16xf32>,
      %max3A_297 = arith.maximumf %get3A_290, %get3A_282 : vector<16xf32>
      %swap3A_298 = arith.index_cast %squeeze3A_270 : i32 to index
      %swap3A_299 = arith.constant 16 : index
      %swap3A_300 = tpu.vector_load %arg7[%swap3A_298, %swap3A_299] {strides = array<i32>} : memref<512x32xf32, #tpu.memory_space<vmem>>, vector<1x16xf32>,
      %swap3A_301 = vector.shape_cast %swap3A_300 : vector<1x16xf32> to vector<16xf32>
      %swap3A_302 = vector.shape_cast %max3A_297 : vector<16xf32> to vector<1x16xf32>
      tpu.vector_store %arg7[%swap3A_298, %swap3A_299], %swap3A_302 {strides = array<i32>} : memref<512x32xf32, #tpu.memory_space<vmem>>, vector<1x16xf32>,
      %slice3A_303 = vector.extract_strided_slice %get3A_68 {offsets = [7], sizes = [1], strides = [1]} : vector<16xi32> to vector<1xi32>
      %squeeze3A_304 = vector.extract %slice3A_303[0] : i32 from vector<1xi32>
      %mul3A_305 = arith.constant 4 : i32
      %mul3A_306 = arith.muli %scan3A_61, %mul3A_305 : i32
      %add3A_307 = arith.constant 1 : i32
      %add3A_308 = arith.addi %mul3A_306, %add3A_307 : i32
      %get3A_309 = arith.index_cast %add3A_308 : i32 to index
      %get3A_310 = arith.constant 96 : index
      %get3A_311 = tpu.vector_load %arg6[%get3A_309, %get3A_310] {strides = array<i32>} : memref<128x128xf32, #tpu.memory_space<vmem>>, vector<1x16xf32>,
      %get3A_312 = vector.shape_cast %get3A_311 : vector<1x16xf32> to vector<16xf32>
      %get3A_313 = arith.index_cast %add3A_308 : i32 to index
      %get3A_314 = arith.constant 112 : index
      %get3A_315 = tpu.vector_load %arg6[%get3A_313, %get3A_314] {strides = array<i32>} : memref<128x128xf32, #tpu.memory_space<vmem>>, vector<1x16xf32>,
      %get3A_316 = vector.shape_cast %get3A_315 : vector<1x16xf32> to vector<16xf32>
      %get3A_317 = arith.index_cast %squeeze3A_304 : i32 to index
      %get3A_318 = arith.constant 0 : index
      %get3A_319 = tpu.vector_load %arg7[%get3A_317, %get3A_318] {strides = array<i32>} : memref<512x32xf32, #tpu.memory_space<vmem>>, vector<1x16xf32>,
      %get3A_320 = vector.shape_cast %get3A_319 : vector<1x16xf32> to vector<16xf32>
      %get3A_321 = arith.index_cast %squeeze3A_304 : i32 to index
      %get3A_322 = arith.constant 16 : index
      %get3A_323 = tpu.vector_load %arg7[%get3A_321, %get3A_322] {strides = array<i32>} : memref<512x32xf32, #tpu.memory_space<vmem>>, vector<1x16xf32>,
      %get3A_324 = vector.shape_cast %get3A_323 : vector<1x16xf32> to vector<16xf32>
      %max3A_325 = arith.maximumf %get3A_320, %get3A_312 : vector<16xf32>
      %swap3A_326 = arith.index_cast %squeeze3A_304 : i32 to index
      %swap3A_327 = arith.constant 0 : index
      %swap3A_328 = tpu.vector_load %arg7[%swap3A_326, %swap3A_327] {strides = array<i32>} : memref<512x32xf32, #tpu.memory_space<vmem>>, vector<1x16xf32>,
      %swap3A_329 = vector.shape_cast %swap3A_328 : vector<1x16xf32> to vector<16xf32>
      %swap3A_330 = vector.shape_cast %max3A_325 : vector<16xf32> to vector<1x16xf32>
      tpu.vector_store %arg7[%swap3A_326, %swap3A_327], %swap3A_330 {strides = array<i32>} : memref<512x32xf32, #tpu.memory_space<vmem>>, vector<1x16xf32>,
      %max3A_331 = arith.maximumf %get3A_324, %get3A_316 : vector<16xf32>
      %swap3A_332 = arith.index_cast %squeeze3A_304 : i32 to index
      %swap3A_333 = arith.constant 16 : index
      %swap3A_334 = tpu.vector_load %arg7[%swap3A_332, %swap3A_333] {strides = array<i32>} : memref<512x32xf32, #tpu.memory_space<vmem>>, vector<1x16xf32>,
      %swap3A_335 = vector.shape_cast %swap3A_334 : vector<1x16xf32> to vector<16xf32>
      %swap3A_336 = vector.shape_cast %max3A_331 : vector<16xf32> to vector<1x16xf32>
      tpu.vector_store %arg7[%swap3A_332, %swap3A_333], %swap3A_336 {strides = array<i32>} : memref<512x32xf32, #tpu.memory_space<vmem>>, vector<1x16xf32>,
      %slice3A_337 = vector.extract_strided_slice %get3A_68 {offsets = [8], sizes = [1], strides = [1]} : vector<16xi32> to vector<1xi32>
      %squeeze3A_338 = vector.extract %slice3A_337[0] : i32 from vector<1xi32>
      %mul3A_339 = arith.constant 4 : i32
      %mul3A_340 = arith.muli %scan3A_61, %mul3A_339 : i32
      %add3A_341 = arith.constant 2 : i32
      %add3A_342 = arith.addi %mul3A_340, %add3A_341 : i32
      %get3A_343 = arith.index_cast %add3A_342 : i32 to index
      %get3A_344 = arith.constant 0 : index
      %get3A_345 = tpu.vector_load %arg6[%get3A_343, %get3A_344] {strides = array<i32>} : memref<128x128xf32, #tpu.memory_space<vmem>>, vector<1x16xf32>,
      %get3A_346 = vector.shape_cast %get3A_345 : vector<1x16xf32> to vector<16xf32>
      %get3A_347 = arith.index_cast %add3A_342 : i32 to index
      %get3A_348 = arith.constant 16 : index
      %get3A_349 = tpu.vector_load %arg6[%get3A_347, %get3A_348] {strides = array<i32>} : memref<128x128xf32, #tpu.memory_space<vmem>>, vector<1x16xf32>,
      %get3A_350 = vector.shape_cast %get3A_349 : vector<1x16xf32> to vector<16xf32>
      %get3A_351 = arith.index_cast %squeeze3A_338 : i32 to index
      %get3A_352 = arith.constant 0 : index
      %get3A_353 = tpu.vector_load %arg7[%get3A_351, %get3A_352] {strides = array<i32>} : memref<512x32xf32, #tpu.memory_space<vmem>>, vector<1x16xf32>,
      %get3A_354 = vector.shape_cast %get3A_353 : vector<1x16xf32> to vector<16xf32>
      %get3A_355 = arith.index_cast %squeeze3A_338 : i32 to index
      %get3A_356 = arith.constant 16 : index
      %get3A_357 = tpu.vector_load %arg7[%get3A_355, %get3A_356] {strides = array<i32>} : memref<512x32xf32, #tpu.memory_space<vmem>>, vector<1x16xf32>,
      %get3A_358 = vector.shape_cast %get3A_357 : vector<1x16xf32> to vector<16xf32>
      %max3A_359 = arith.maximumf %get3A_354, %get3A_346 : vector<16xf32>
      %swap3A_360 = arith.index_cast %squeeze3A_338 : i32 to index
      %swap3A_361 = arith.constant 0 : index
      %swap3A_362 = tpu.vector_load %arg7[%swap3A_360, %swap3A_361] {strides = array<i32>} : memref<512x32xf32, #tpu.memory_space<vmem>>, vector<1x16xf32>,
      %swap3A_363 = vector.shape_cast %swap3A_362 : vector<1x16xf32> to vector<16xf32>
      %swap3A_364 = vector.shape_cast %max3A_359 : vector<16xf32> to vector<1x16xf32>
      tpu.vector_store %arg7[%swap3A_360, %swap3A_361], %swap3A_364 {strides = array<i32>} : memref<512x32xf32, #tpu.memory_space<vmem>>, vector<1x16xf32>,
      %max3A_365 = arith.maximumf %get3A_358, %get3A_350 : vector<16xf32>
      %swap3A_366 = arith.index_cast %squeeze3A_338 : i32 to index
      %swap3A_367 = arith.constant 16 : index
      %swap3A_368 = tpu.vector_load %arg7[%swap3A_366, %swap3A_367] {strides = array<i32>} : memref<512x32xf32, #tpu.memory_space<vmem>>, vector<1x16xf32>,
      %swap3A_369 = vector.shape_cast %swap3A_368 : vector<1x16xf32> to vector<16xf32>
      %swap3A_370 = vector.shape_cast %max3A_365 : vector<16xf32> to vector<1x16xf32>
      tpu.vector_store %arg7[%swap3A_366, %swap3A_367], %swap3A_370 {strides = array<i32>} : memref<512x32xf32, #tpu.memory_space<vmem>>, vector<1x16xf32>,
      %slice3A_371 = vector.extract_strided_slice %get3A_68 {offsets = [9], sizes = [1], strides = [1]} : vector<16xi32> to vector<1xi32>
      %squeeze3A_372 = vector.extract %slice3A_371[0] : i32 from vector<1xi32>
      %mul3A_373 = arith.constant 4 : i32
      %mul3A_374 = arith.muli %scan3A_61, %mul3A_373 : i32
      %add3A_375 = arith.constant 2 : i32
      %add3A_376 = arith.addi %mul3A_374, %add3A_375 : i32
      %get3A_377 = arith.index_cast %add3A_376 : i32 to index
      %get3A_378 = arith.constant 32 : index
      %get3A_379 = tpu.vector_load %arg6[%get3A_377, %get3A_378] {strides = array<i32>} : memref<128x128xf32, #tpu.memory_space<vmem>>, vector<1x16xf32>,
      %get3A_380 = vector.shape_cast %get3A_379 : vector<1x16xf32> to vector<16xf32>
      %get3A_381 = arith.index_cast %add3A_376 : i32 to index
      %get3A_382 = arith.constant 48 : index
      %get3A_383 = tpu.vector_load %arg6[%get3A_381, %get3A_382] {strides = array<i32>} : memref<128x128xf32, #tpu.memory_space<vmem>>, vector<1x16xf32>,
      %get3A_384 = vector.shape_cast %get3A_383 : vector<1x16xf32> to vector<16xf32>
      %get3A_385 = arith.index_cast %squeeze3A_372 : i32 to index
      %get3A_386 = arith.constant 0 : index
      %get3A_387 = tpu.vector_load %arg7[%get3A_385, %get3A_386] {strides = array<i32>} : memref<512x32xf32, #tpu.memory_space<vmem>>, vector<1x16xf32>,
      %get3A_388 = vector.shape_cast %get3A_387 : vector<1x16xf32> to vector<16xf32>
      %get3A_389 = arith.index_cast %squeeze3A_372 : i32 to index
      %get3A_390 = arith.constant 16 : index
      %get3A_391 = tpu.vector_load %arg7[%get3A_389, %get3A_390] {strides = array<i32>} : memref<512x32xf32, #tpu.memory_space<vmem>>, vector<1x16xf32>,
      %get3A_392 = vector.shape_cast %get3A_391 : vector<1x16xf32> to vector<16xf32>
      %max3A_393 = arith.maximumf %get3A_388, %get3A_380 : vector<16xf32>
      %swap3A_394 = arith.index_cast %squeeze3A_372 : i32 to index
      %swap3A_395 = arith.constant 0 : index
      %swap3A_396 = tpu.vector_load %arg7[%swap3A_394, %swap3A_395] {strides = array<i32>} : memref<512x32xf32, #tpu.memory_space<vmem>>, vector<1x16xf32>,
      %swap3A_397 = vector.shape_cast %swap3A_396 : vector<1x16xf32> to vector<16xf32>
      %swap3A_398 = vector.shape_cast %max3A_393 : vector<16xf32> to vector<1x16xf32>
      tpu.vector_store %arg7[%swap3A_394, %swap3A_395], %swap3A_398 {strides = array<i32>} : memref<512x32xf32, #tpu.memory_space<vmem>>, vector<1x16xf32>,
      %max3A_399 = arith.maximumf %get3A_392, %get3A_384 : vector<16xf32>
      %swap3A_400 = arith.index_cast %squeeze3A_372 : i32 to index
      %swap3A_401 = arith.constant 16 : index
      %swap3A_402 = tpu.vector_load %arg7[%swap3A_400, %swap3A_401] {strides = array<i32>} : memref<512x32xf32, #tpu.memory_space<vmem>>, vector<1x16xf32>,
      %swap3A_403 = vector.shape_cast %swap3A_402 : vector<1x16xf32> to vector<16xf32>
      %swap3A_404 = vector.shape_cast %max3A_399 : vector<16xf32> to vector<1x16xf32>
      tpu.vector_store %arg7[%swap3A_400, %swap3A_401], %swap3A_404 {strides = array<i32>} : memref<512x32xf32, #tpu.memory_space<vmem>>, vector<1x16xf32>,
      %slice3A_405 = vector.extract_strided_slice %get3A_68 {offsets = [10], sizes = [1], strides = [1]} : vector<16xi32> to vector<1xi32>
      %squeeze3A_406 = vector.extract %slice3A_405[0] : i32 from vector<1xi32>
      %mul3A_407 = arith.constant 4 : i32
      %mul3A_408 = arith.muli %scan3A_61, %mul3A_407 : i32
      %add3A_409 = arith.constant 2 : i32
      %add3A_410 = arith.addi %mul3A_408, %add3A_409 : i32
      %get3A_411 = arith.index_cast %add3A_410 : i32 to index
      %get3A_412 = arith.constant 64 : index
      %get3A_413 = tpu.vector_load %arg6[%get3A_411, %get3A_412] {strides = array<i32>} : memref<128x128xf32, #tpu.memory_space<vmem>>, vector<1x16xf32>,
      %get3A_414 = vector.shape_cast %get3A_413 : vector<1x16xf32> to vector<16xf32>
      %get3A_415 = arith.index_cast %add3A_410 : i32 to index
      %get3A_416 = arith.constant 80 : index
      %get3A_417 = tpu.vector_load %arg6[%get3A_415, %get3A_416] {strides = array<i32>} : memref<128x128xf32, #tpu.memory_space<vmem>>, vector<1x16xf32>,
      %get3A_418 = vector.shape_cast %get3A_417 : vector<1x16xf32> to vector<16xf32>
      %get3A_419 = arith.index_cast %squeeze3A_406 : i32 to index
      %get3A_420 = arith.constant 0 : index
      %get3A_421 = tpu.vector_load %arg7[%get3A_419, %get3A_420] {strides = array<i32>} : memref<512x32xf32, #tpu.memory_space<vmem>>, vector<1x16xf32>,
      %get3A_422 = vector.shape_cast %get3A_421 : vector<1x16xf32> to vector<16xf32>
      %get3A_423 = arith.index_cast %squeeze3A_406 : i32 to index
      %get3A_424 = arith.constant 16 : index
      %get3A_425 = tpu.vector_load %arg7[%get3A_423, %get3A_424] {strides = array<i32>} : memref<512x32xf32, #tpu.memory_space<vmem>>, vector<1x16xf32>,
      %get3A_426 = vector.shape_cast %get3A_425 : vector<1x16xf32> to vector<16xf32>
      %max3A_427 = arith.maximumf %get3A_422, %get3A_414 : vector<16xf32>
      %swap3A_428 = arith.index_cast %squeeze3A_406 : i32 to index
      %swap3A_429 = arith.constant 0 : index
      %swap3A_430 = tpu.vector_load %arg7[%swap3A_428, %swap3A_429] {strides = array<i32>} : memref<512x32xf32, #tpu.memory_space<vmem>>, vector<1x16xf32>,
      %swap3A_431 = vector.shape_cast %swap3A_430 : vector<1x16xf32> to vector<16xf32>
      %swap3A_432 = vector.shape_cast %max3A_427 : vector<16xf32> to vector<1x16xf32>
      tpu.vector_store %arg7[%swap3A_428, %swap3A_429], %swap3A_432 {strides = array<i32>} : memref<512x32xf32, #tpu.memory_space<vmem>>, vector<1x16xf32>,
      %max3A_433 = arith.maximumf %get3A_426, %get3A_418 : vector<16xf32>
      %swap3A_434 = arith.index_cast %squeeze3A_406 : i32 to index
      %swap3A_435 = arith.constant 16 : index
      %swap3A_436 = tpu.vector_load %arg7[%swap3A_434, %swap3A_435] {strides = array<i32>} : memref<512x32xf32, #tpu.memory_space<vmem>>, vector<1x16xf32>,
      %swap3A_437 = vector.shape_cast %swap3A_436 : vector<1x16xf32> to vector<16xf32>
      %swap3A_438 = vector.shape_cast %max3A_433 : vector<16xf32> to vector<1x16xf32>
      tpu.vector_store %arg7[%swap3A_434, %swap3A_435], %swap3A_438 {strides = array<i32>} : memref<512x32xf32, #tpu.memory_space<vmem>>, vector<1x16xf32>,
      %slice3A_439 = vector.extract_strided_slice %get3A_68 {offsets = [11], sizes = [1], strides = [1]} : vector<16xi32> to vector<1xi32>
      %squeeze3A_440 = vector.extract %slice3A_439[0] : i32 from vector<1xi32>
      %mul3A_441 = arith.constant 4 : i32
      %mul3A_442 = arith.muli %scan3A_61, %mul3A_441 : i32
      %add3A_443 = arith.constant 2 : i32
      %add3A_444 = arith.addi %mul3A_442, %add3A_443 : i32
      %get3A_445 = arith.index_cast %add3A_444 : i32 to index
      %get3A_446 = arith.constant 96 : index
      %get3A_447 = tpu.vector_load %arg6[%get3A_445, %get3A_446] {strides = array<i32>} : memref<128x128xf32, #tpu.memory_space<vmem>>, vector<1x16xf32>,
      %get3A_448 = vector.shape_cast %get3A_447 : vector<1x16xf32> to vector<16xf32>
      %get3A_449 = arith.index_cast %add3A_444 : i32 to index
      %get3A_450 = arith.constant 112 : index
      %get3A_451 = tpu.vector_load %arg6[%get3A_449, %get3A_450] {strides = array<i32>} : memref<128x128xf32, #tpu.memory_space<vmem>>, vector<1x16xf32>,
      %get3A_452 = vector.shape_cast %get3A_451 : vector<1x16xf32> to vector<16xf32>
      %get3A_453 = arith.index_cast %squeeze3A_440 : i32 to index
      %get3A_454 = arith.constant 0 : index
      %get3A_455 = tpu.vector_load %arg7[%get3A_453, %get3A_454] {strides = array<i32>} : memref<512x32xf32, #tpu.memory_space<vmem>>, vector<1x16xf32>,
      %get3A_456 = vector.shape_cast %get3A_455 : vector<1x16xf32> to vector<16xf32>
      %get3A_457 = arith.index_cast %squeeze3A_440 : i32 to index
      %get3A_458 = arith.constant 16 : index
      %get3A_459 = tpu.vector_load %arg7[%get3A_457, %get3A_458] {strides = array<i32>} : memref<512x32xf32, #tpu.memory_space<vmem>>, vector<1x16xf32>,
      %get3A_460 = vector.shape_cast %get3A_459 : vector<1x16xf32> to vector<16xf32>
      %max3A_461 = arith.maximumf %get3A_456, %get3A_448 : vector<16xf32>
      %swap3A_462 = arith.index_cast %squeeze3A_440 : i32 to index
      %swap3A_463 = arith.constant 0 : index
      %swap3A_464 = tpu.vector_load %arg7[%swap3A_462, %swap3A_463] {strides = array<i32>} : memref<512x32xf32, #tpu.memory_space<vmem>>, vector<1x16xf32>,
      %swap3A_465 = vector.shape_cast %swap3A_464 : vector<1x16xf32> to vector<16xf32>
      %swap3A_466 = vector.shape_cast %max3A_461 : vector<16xf32> to vector<1x16xf32>
      tpu.vector_store %arg7[%swap3A_462, %swap3A_463], %swap3A_466 {strides = array<i32>} : memref<512x32xf32, #tpu.memory_space<vmem>>, vector<1x16xf32>,
      %max3A_467 = arith.maximumf %get3A_460, %get3A_452 : vector<16xf32>
      %swap3A_468 = arith.index_cast %squeeze3A_440 : i32 to index
      %swap3A_469 = arith.constant 16 : index
      %swap3A_470 = tpu.vector_load %arg7[%swap3A_468, %swap3A_469] {strides = array<i32>} : memref<512x32xf32, #tpu.memory_space<vmem>>, vector<1x16xf32>,
      %swap3A_471 = vector.shape_cast %swap3A_470 : vector<1x16xf32> to vector<16xf32>
      %swap3A_472 = vector.shape_cast %max3A_467 : vector<16xf32> to vector<1x16xf32>
      tpu.vector_store %arg7[%swap3A_468, %swap3A_469], %swap3A_472 {strides = array<i32>} : memref<512x32xf32, #tpu.memory_space<vmem>>, vector<1x16xf32>,
      %slice3A_473 = vector.extract_strided_slice %get3A_68 {offsets = [12], sizes = [1], strides = [1]} : vector<16xi32> to vector<1xi32>
      %squeeze3A_474 = vector.extract %slice3A_473[0] : i32 from vector<1xi32>
      %mul3A_475 = arith.constant 4 : i32
      %mul3A_476 = arith.muli %scan3A_61, %mul3A_475 : i32
      %add3A_477 = arith.constant 3 : i32
      %add3A_478 = arith.addi %mul3A_476, %add3A_477 : i32
      %get3A_479 = arith.index_cast %add3A_478 : i32 to index
      %get3A_480 = arith.constant 0 : index
      %get3A_481 = tpu.vector_load %arg6[%get3A_479, %get3A_480] {strides = array<i32>} : memref<128x128xf32, #tpu.memory_space<vmem>>, vector<1x16xf32>,
      %get3A_482 = vector.shape_cast %get3A_481 : vector<1x16xf32> to vector<16xf32>
      %get3A_483 = arith.index_cast %add3A_478 : i32 to index
      %get3A_484 = arith.constant 16 : index
      %get3A_485 = tpu.vector_load %arg6[%get3A_483, %get3A_484] {strides = array<i32>} : memref<128x128xf32, #tpu.memory_space<vmem>>, vector<1x16xf32>,
      %get3A_486 = vector.shape_cast %get3A_485 : vector<1x16xf32> to vector<16xf32>
      %get3A_487 = arith.index_cast %squeeze3A_474 : i32 to index
      %get3A_488 = arith.constant 0 : index
      %get3A_489 = tpu.vector_load %arg7[%get3A_487, %get3A_488] {strides = array<i32>} : memref<512x32xf32, #tpu.memory_space<vmem>>, vector<1x16xf32>,
      %get3A_490 = vector.shape_cast %get3A_489 : vector<1x16xf32> to vector<16xf32>
      %get3A_491 = arith.index_cast %squeeze3A_474 : i32 to index
      %get3A_492 = arith.constant 16 : index
      %get3A_493 = tpu.vector_load %arg7[%get3A_491, %get3A_492] {strides = array<i32>} : memref<512x32xf32, #tpu.memory_space<vmem>>, vector<1x16xf32>,
      %get3A_494 = vector.shape_cast %get3A_493 : vector<1x16xf32> to vector<16xf32>
      %max3A_495 = arith.maximumf %get3A_490, %get3A_482 : vector<16xf32>
      %swap3A_496 = arith.index_cast %squeeze3A_474 : i32 to index
      %swap3A_497 = arith.constant 0 : index
      %swap3A_498 = tpu.vector_load %arg7[%swap3A_496, %swap3A_497] {strides = array<i32>} : memref<512x32xf32, #tpu.memory_space<vmem>>, vector<1x16xf32>,
      %swap3A_499 = vector.shape_cast %swap3A_498 : vector<1x16xf32> to vector<16xf32>
      %swap3A_500 = vector.shape_cast %max3A_495 : vector<16xf32> to vector<1x16xf32>
      tpu.vector_store %arg7[%swap3A_496, %swap3A_497], %swap3A_500 {strides = array<i32>} : memref<512x32xf32, #tpu.memory_space<vmem>>, vector<1x16xf32>,
      %max3A_501 = arith.maximumf %get3A_494, %get3A_486 : vector<16xf32>
      %swap3A_502 = arith.index_cast %squeeze3A_474 : i32 to index
      %swap3A_503 = arith.constant 16 : index
      %swap3A_504 = tpu.vector_load %arg7[%swap3A_502, %swap3A_503] {strides = array<i32>} : memref<512x32xf32, #tpu.memory_space<vmem>>, vector<1x16xf32>,
      %swap3A_505 = vector.shape_cast %swap3A_504 : vector<1x16xf32> to vector<16xf32>
      %swap3A_506 = vector.shape_cast %max3A_501 : vector<16xf32> to vector<1x16xf32>
      tpu.vector_store %arg7[%swap3A_502, %swap3A_503], %swap3A_506 {strides = array<i32>} : memref<512x32xf32, #tpu.memory_space<vmem>>, vector<1x16xf32>,
      %slice3A_507 = vector.extract_strided_slice %get3A_68 {offsets = [13], sizes = [1], strides = [1]} : vector<16xi32> to vector<1xi32>
      %squeeze3A_508 = vector.extract %slice3A_507[0] : i32 from vector<1xi32>
      %mul3A_509 = arith.constant 4 : i32
      %mul3A_510 = arith.muli %scan3A_61, %mul3A_509 : i32
      %add3A_511 = arith.constant 3 : i32
      %add3A_512 = arith.addi %mul3A_510, %add3A_511 : i32
      %get3A_513 = arith.index_cast %add3A_512 : i32 to index
      %get3A_514 = arith.constant 32 : index
      %get3A_515 = tpu.vector_load %arg6[%get3A_513, %get3A_514] {strides = array<i32>} : memref<128x128xf32, #tpu.memory_space<vmem>>, vector<1x16xf32>,
      %get3A_516 = vector.shape_cast %get3A_515 : vector<1x16xf32> to vector<16xf32>
      %get3A_517 = arith.index_cast %add3A_512 : i32 to index
      %get3A_518 = arith.constant 48 : index
      %get3A_519 = tpu.vector_load %arg6[%get3A_517, %get3A_518] {strides = array<i32>} : memref<128x128xf32, #tpu.memory_space<vmem>>, vector<1x16xf32>,
      %get3A_520 = vector.shape_cast %get3A_519 : vector<1x16xf32> to vector<16xf32>
      %get3A_521 = arith.index_cast %squeeze3A_508 : i32 to index
      %get3A_522 = arith.constant 0 : index
      %get3A_523 = tpu.vector_load %arg7[%get3A_521, %get3A_522] {strides = array<i32>} : memref<512x32xf32, #tpu.memory_space<vmem>>, vector<1x16xf32>,
      %get3A_524 = vector.shape_cast %get3A_523 : vector<1x16xf32> to vector<16xf32>
      %get3A_525 = arith.index_cast %squeeze3A_508 : i32 to index
      %get3A_526 = arith.constant 16 : index
      %get3A_527 = tpu.vector_load %arg7[%get3A_525, %get3A_526] {strides = array<i32>} : memref<512x32xf32, #tpu.memory_space<vmem>>, vector<1x16xf32>,
      %get3A_528 = vector.shape_cast %get3A_527 : vector<1x16xf32> to vector<16xf32>
      %max3A_529 = arith.maximumf %get3A_524, %get3A_516 : vector<16xf32>
      %swap3A_530 = arith.index_cast %squeeze3A_508 : i32 to index
      %swap3A_531 = arith.constant 0 : index
      %swap3A_532 = tpu.vector_load %arg7[%swap3A_530, %swap3A_531] {strides = array<i32>} : memref<512x32xf32, #tpu.memory_space<vmem>>, vector<1x16xf32>,
      %swap3A_533 = vector.shape_cast %swap3A_532 : vector<1x16xf32> to vector<16xf32>
      %swap3A_534 = vector.shape_cast %max3A_529 : vector<16xf32> to vector<1x16xf32>
      tpu.vector_store %arg7[%swap3A_530, %swap3A_531], %swap3A_534 {strides = array<i32>} : memref<512x32xf32, #tpu.memory_space<vmem>>, vector<1x16xf32>,
      %max3A_535 = arith.maximumf %get3A_528, %get3A_520 : vector<16xf32>
      %swap3A_536 = arith.index_cast %squeeze3A_508 : i32 to index
      %swap3A_537 = arith.constant 16 : index
      %swap3A_538 = tpu.vector_load %arg7[%swap3A_536, %swap3A_537] {strides = array<i32>} : memref<512x32xf32, #tpu.memory_space<vmem>>, vector<1x16xf32>,
      %swap3A_539 = vector.shape_cast %swap3A_538 : vector<1x16xf32> to vector<16xf32>
      %swap3A_540 = vector.shape_cast %max3A_535 : vector<16xf32> to vector<1x16xf32>
      tpu.vector_store %arg7[%swap3A_536, %swap3A_537], %swap3A_540 {strides = array<i32>} : memref<512x32xf32, #tpu.memory_space<vmem>>, vector<1x16xf32>,
      %slice3A_541 = vector.extract_strided_slice %get3A_68 {offsets = [14], sizes = [1], strides = [1]} : vector<16xi32> to vector<1xi32>
      %squeeze3A_542 = vector.extract %slice3A_541[0] : i32 from vector<1xi32>
      %mul3A_543 = arith.constant 4 : i32
      %mul3A_544 = arith.muli %scan3A_61, %mul3A_543 : i32
      %add3A_545 = arith.constant 3 : i32
      %add3A_546 = arith.addi %mul3A_544, %add3A_545 : i32
      %get3A_547 = arith.index_cast %add3A_546 : i32 to index
      %get3A_548 = arith.constant 64 : index
      %get3A_549 = tpu.vector_load %arg6[%get3A_547, %get3A_548] {strides = array<i32>} : memref<128x128xf32, #tpu.memory_space<vmem>>, vector<1x16xf32>,
      %get3A_550 = vector.shape_cast %get3A_549 : vector<1x16xf32> to vector<16xf32>
      %get3A_551 = arith.index_cast %add3A_546 : i32 to index
      %get3A_552 = arith.constant 80 : index
      %get3A_553 = tpu.vector_load %arg6[%get3A_551, %get3A_552] {strides = array<i32>} : memref<128x128xf32, #tpu.memory_space<vmem>>, vector<1x16xf32>,
      %get3A_554 = vector.shape_cast %get3A_553 : vector<1x16xf32> to vector<16xf32>
      %get3A_555 = arith.index_cast %squeeze3A_542 : i32 to index
      %get3A_556 = arith.constant 0 : index
      %get3A_557 = tpu.vector_load %arg7[%get3A_555, %get3A_556] {strides = array<i32>} : memref<512x32xf32, #tpu.memory_space<vmem>>, vector<1x16xf32>,
      %get3A_558 = vector.shape_cast %get3A_557 : vector<1x16xf32> to vector<16xf32>
      %get3A_559 = arith.index_cast %squeeze3A_542 : i32 to index
      %get3A_560 = arith.constant 16 : index
      %get3A_561 = tpu.vector_load %arg7[%get3A_559, %get3A_560] {strides = array<i32>} : memref<512x32xf32, #tpu.memory_space<vmem>>, vector<1x16xf32>,
      %get3A_562 = vector.shape_cast %get3A_561 : vector<1x16xf32> to vector<16xf32>
      %max3A_563 = arith.maximumf %get3A_558, %get3A_550 : vector<16xf32>
      %swap3A_564 = arith.index_cast %squeeze3A_542 : i32 to index
      %swap3A_565 = arith.constant 0 : index
      %swap3A_566 = tpu.vector_load %arg7[%swap3A_564, %swap3A_565] {strides = array<i32>} : memref<512x32xf32, #tpu.memory_space<vmem>>, vector<1x16xf32>,
      %swap3A_567 = vector.shape_cast %swap3A_566 : vector<1x16xf32> to vector<16xf32>
      %swap3A_568 = vector.shape_cast %max3A_563 : vector<16xf32> to vector<1x16xf32>
      tpu.vector_store %arg7[%swap3A_564, %swap3A_565], %swap3A_568 {strides = array<i32>} : memref<512x32xf32, #tpu.memory_space<vmem>>, vector<1x16xf32>,
      %max3A_569 = arith.maximumf %get3A_562, %get3A_554 : vector<16xf32>
      %swap3A_570 = arith.index_cast %squeeze3A_542 : i32 to index
      %swap3A_571 = arith.constant 16 : index
      %swap3A_572 = tpu.vector_load %arg7[%swap3A_570, %swap3A_571] {strides = array<i32>} : memref<512x32xf32, #tpu.memory_space<vmem>>, vector<1x16xf32>,
      %swap3A_573 = vector.shape_cast %swap3A_572 : vector<1x16xf32> to vector<16xf32>
      %swap3A_574 = vector.shape_cast %max3A_569 : vector<16xf32> to vector<1x16xf32>
      tpu.vector_store %arg7[%swap3A_570, %swap3A_571], %swap3A_574 {strides = array<i32>} : memref<512x32xf32, #tpu.memory_space<vmem>>, vector<1x16xf32>,
      %slice3A_575 = vector.extract_strided_slice %get3A_68 {offsets = [15], sizes = [1], strides = [1]} : vector<16xi32> to vector<1xi32>
      %squeeze3A_576 = vector.extract %slice3A_575[0] : i32 from vector<1xi32>
      %mul3A_577 = arith.constant 4 : i32
      %mul3A_578 = arith.muli %scan3A_61, %mul3A_577 : i32
      %add3A_579 = arith.constant 3 : i32
      %add3A_580 = arith.addi %mul3A_578, %add3A_579 : i32
      %get3A_581 = arith.index_cast %add3A_580 : i32 to index
      %get3A_582 = arith.constant 96 : index
      %get3A_583 = tpu.vector_load %arg6[%get3A_581, %get3A_582] {strides = array<i32>} : memref<128x128xf32, #tpu.memory_space<vmem>>, vector<1x16xf32>,
      %get3A_584 = vector.shape_cast %get3A_583 : vector<1x16xf32> to vector<16xf32>
      %get3A_585 = arith.index_cast %add3A_580 : i32 to index
      %get3A_586 = arith.constant 112 : index
      %get3A_587 = tpu.vector_load %arg6[%get3A_585, %get3A_586] {strides = array<i32>} : memref<128x128xf32, #tpu.memory_space<vmem>>, vector<1x16xf32>,
      %get3A_588 = vector.shape_cast %get3A_587 : vector<1x16xf32> to vector<16xf32>
      %get3A_589 = arith.index_cast %squeeze3A_576 : i32 to index
      %get3A_590 = arith.constant 0 : index
      %get3A_591 = tpu.vector_load %arg7[%get3A_589, %get3A_590] {strides = array<i32>} : memref<512x32xf32, #tpu.memory_space<vmem>>, vector<1x16xf32>,
      %get3A_592 = vector.shape_cast %get3A_591 : vector<1x16xf32> to vector<16xf32>
      %get3A_593 = arith.index_cast %squeeze3A_576 : i32 to index
      %get3A_594 = arith.constant 16 : index
      %get3A_595 = tpu.vector_load %arg7[%get3A_593, %get3A_594] {strides = array<i32>} : memref<512x32xf32, #tpu.memory_space<vmem>>, vector<1x16xf32>,
      %get3A_596 = vector.shape_cast %get3A_595 : vector<1x16xf32> to vector<16xf32>
      %max3A_597 = arith.maximumf %get3A_592, %get3A_584 : vector<16xf32>
      %swap3A_598 = arith.index_cast %squeeze3A_576 : i32 to index
      %swap3A_599 = arith.constant 0 : index
      %swap3A_600 = tpu.vector_load %arg7[%swap3A_598, %swap3A_599] {strides = array<i32>} : memref<512x32xf32, #tpu.memory_space<vmem>>, vector<1x16xf32>,
      %swap3A_601 = vector.shape_cast %swap3A_600 : vector<1x16xf32> to vector<16xf32>
      %swap3A_602 = vector.shape_cast %max3A_597 : vector<16xf32> to vector<1x16xf32>
      tpu.vector_store %arg7[%swap3A_598, %swap3A_599], %swap3A_602 {strides = array<i32>} : memref<512x32xf32, #tpu.memory_space<vmem>>, vector<1x16xf32>,
      %max3A_603 = arith.maximumf %get3A_596, %get3A_588 : vector<16xf32>
      %swap3A_604 = arith.index_cast %squeeze3A_576 : i32 to index
      %swap3A_605 = arith.constant 16 : index
      %swap3A_606 = tpu.vector_load %arg7[%swap3A_604, %swap3A_605] {strides = array<i32>} : memref<512x32xf32, #tpu.memory_space<vmem>>, vector<1x16xf32>,
      %swap3A_607 = vector.shape_cast %swap3A_606 : vector<1x16xf32> to vector<16xf32>
      %swap3A_608 = vector.shape_cast %max3A_603 : vector<16xf32> to vector<1x16xf32>
      tpu.vector_store %arg7[%swap3A_604, %swap3A_605], %swap3A_608 {strides = array<i32>} : memref<512x32xf32, #tpu.memory_space<vmem>>, vector<1x16xf32>,
      %scan3A_609 = arith.constant 0 : i32
      scf.yield %scan3A_609 : i32
    }
    %scan3A_39 = arith.constant 32 : i32
    "tpu.region"() ({
      %run_scoped3A = tpu.sem_alloc : memref<!tpu.dma_semaphore, #tpu.memory_space<semaphore_mem>>
      %dma_start3A = arith.constant 256 : i32
      %dma_start3A_61 = arith.constant 0 : i32
      %dma_start3A_62 = tpu.memref_slice %arg2[%add3A, %dma_start3A, %dma_start3A_61] : memref<32x512x128xf32, #tpu.memory_space<hbm>> -> memref<1x128x128xf32, #tpu.memory_space<hbm>>
      %dma_start3A_63 = tpu.memref_squeeze %dma_start3A_62 : memref<1x128x128xf32, #tpu.memory_space<hbm>> -> memref<128x128xf32, #tpu.memory_space<hbm>>
      %dma_start3A_64 = arith.constant 256 : i32
      %dma_start3A_65 = arith.constant 0 : i32
      %dma_start3A_66 = tpu.memref_slice %arg2[%add3A, %dma_start3A_64, %dma_start3A_65] : memref<32x512x128xf32, #tpu.memory_space<hbm>> -> memref<1x128x128xf32, #tpu.memory_space<hbm>>
      %dma_start3A_67 = tpu.memref_squeeze %dma_start3A_66 : memref<1x128x128xf32, #tpu.memory_space<hbm>> -> memref<128x128xf32, #tpu.memory_space<hbm>>
      tpu.enqueue_dma source(%dma_start3A_67 : memref<128x128xf32, #tpu.memory_space<hbm>>) target(%arg6 : memref<128x128xf32, #tpu.memory_space<vmem>>) target_semaphore(%run_scoped3A : memref<!tpu.dma_semaphore, #tpu.memory_space<semaphore_mem>>)
      %dma_wait3A = arith.constant 256 : i32
      %dma_wait3A_68 = arith.constant 0 : i32
      %dma_wait3A_69 = tpu.memref_slice %arg2[%add3A, %dma_wait3A, %dma_wait3A_68] : memref<32x512x128xf32, #tpu.memory_space<hbm>> -> memref<1x128x128xf32, #tpu.memory_space<hbm>>
      %dma_wait3A_70 = tpu.memref_squeeze %dma_wait3A_69 : memref<1x128x128xf32, #tpu.memory_space<hbm>> -> memref<128x128xf32, #tpu.memory_space<hbm>>
      %dma_wait3A_71 = arith.constant 256 : i32
      %dma_wait3A_72 = arith.constant 0 : i32
      %dma_wait3A_73 = tpu.memref_slice %arg2[%add3A, %dma_wait3A_71, %dma_wait3A_72] : memref<32x512x128xf32, #tpu.memory_space<hbm>> -> memref<1x128x128xf32, #tpu.memory_space<hbm>>
      %dma_wait3A_74 = tpu.memref_squeeze %dma_wait3A_73 : memref<1x128x128xf32, #tpu.memory_space<hbm>> -> memref<128x128xf32, #tpu.memory_space<hbm>>
      tpu.wait_dma2 semaphore(%run_scoped3A : memref<!tpu.dma_semaphore, #tpu.memory_space<semaphore_mem>>) src(%dma_wait3A_74 : memref<128x128xf32, #tpu.memory_space<hbm>>) dst(%arg6 : memref<128x128xf32, #tpu.memory_space<vmem>>)
      tpu.yield
    }) : () -> ()
    %scan3A_40 = arith.constant 0 : i32
    %scan3A_41 = arith.constant 0 : i32
    %scan3A_42 = arith.constant 32 : i32
    %scan3A_43 = arith.addi %scan3A_41, %scan3A_42 : i32
    %scan3A_44 = arith.constant 1 : i32
    %scan3A_45 = scf.for %scan3A_61 = %scan3A_41 to %scan3A_43 step %scan3A_44 iter_args(%scan3A_62 = %scan3A_40) -> (i32)  : i32 {
      %mul3A_63 = arith.constant 16 : i32
      %mul3A_64 = arith.muli %scan3A_61, %mul3A_63 : i32
      %add3A_65 = arith.constant 1024 : i32
      %add3A_66 = arith.addi %add3A_65, %mul3A_64 : i32
      %get3A = arith.index_cast %add3A_66 : i32 to index
      %get3A_67 = tpu.vector_load %arg5[%get3A] {strides = array<i32>} : memref<2048xi32, #tpu.memory_space<vmem>>, vector<16xi32>,
      %get3A_68 = vector.shape_cast %get3A_67 : vector<16xi32> to vector<16xi32>
      %slice3A = vector.extract_strided_slice %get3A_68 {offsets = [0], sizes = [1], strides = [1]} : vector<16xi32> to vector<1xi32>
      %squeeze3A = vector.extract %slice3A[0] : i32 from vector<1xi32>
      %mul3A_69 = arith.constant 4 : i32
      %mul3A_70 = arith.muli %scan3A_61, %mul3A_69 : i32
      %add3A_71 = arith.constant 0 : i32
      %add3A_72 = arith.addi %mul3A_70, %add3A_71 : i32
      %get3A_73 = arith.index_cast %add3A_72 : i32 to index
      %get3A_74 = arith.constant 0 : index
      %get3A_75 = tpu.vector_load %arg6[%get3A_73, %get3A_74] {strides = array<i32>} : memref<128x128xf32, #tpu.memory_space<vmem>>, vector<1x16xf32>,
      %get3A_76 = vector.shape_cast %get3A_75 : vector<1x16xf32> to vector<16xf32>
      %get3A_77 = arith.index_cast %add3A_72 : i32 to index
      %get3A_78 = arith.constant 16 : index
      %get3A_79 = tpu.vector_load %arg6[%get3A_77, %get3A_78] {strides = array<i32>} : memref<128x128xf32, #tpu.memory_space<vmem>>, vector<1x16xf32>,
      %get3A_80 = vector.shape_cast %get3A_79 : vector<1x16xf32> to vector<16xf32>
      %get3A_81 = arith.index_cast %squeeze3A : i32 to index
      %get3A_82 = arith.constant 0 : index
      %get3A_83 = tpu.vector_load %arg7[%get3A_81, %get3A_82] {strides = array<i32>} : memref<512x32xf32, #tpu.memory_space<vmem>>, vector<1x16xf32>,
      %get3A_84 = vector.shape_cast %get3A_83 : vector<1x16xf32> to vector<16xf32>
      %get3A_85 = arith.index_cast %squeeze3A : i32 to index
      %get3A_86 = arith.constant 16 : index
      %get3A_87 = tpu.vector_load %arg7[%get3A_85, %get3A_86] {strides = array<i32>} : memref<512x32xf32, #tpu.memory_space<vmem>>, vector<1x16xf32>,
      %get3A_88 = vector.shape_cast %get3A_87 : vector<1x16xf32> to vector<16xf32>
      %max3A = arith.maximumf %get3A_84, %get3A_76 : vector<16xf32>
      %swap3A = arith.index_cast %squeeze3A : i32 to index
      %swap3A_89 = arith.constant 0 : index
      %swap3A_90 = tpu.vector_load %arg7[%swap3A, %swap3A_89] {strides = array<i32>} : memref<512x32xf32, #tpu.memory_space<vmem>>, vector<1x16xf32>,
      %swap3A_91 = vector.shape_cast %swap3A_90 : vector<1x16xf32> to vector<16xf32>
      %swap3A_92 = vector.shape_cast %max3A : vector<16xf32> to vector<1x16xf32>
      tpu.vector_store %arg7[%swap3A, %swap3A_89], %swap3A_92 {strides = array<i32>} : memref<512x32xf32, #tpu.memory_space<vmem>>, vector<1x16xf32>,
      %max3A_93 = arith.maximumf %get3A_88, %get3A_80 : vector<16xf32>
      %swap3A_94 = arith.index_cast %squeeze3A : i32 to index
      %swap3A_95 = arith.constant 16 : index
      %swap3A_96 = tpu.vector_load %arg7[%swap3A_94, %swap3A_95] {strides = array<i32>} : memref<512x32xf32, #tpu.memory_space<vmem>>, vector<1x16xf32>,
      %swap3A_97 = vector.shape_cast %swap3A_96 : vector<1x16xf32> to vector<16xf32>
      %swap3A_98 = vector.shape_cast %max3A_93 : vector<16xf32> to vector<1x16xf32>
      tpu.vector_store %arg7[%swap3A_94, %swap3A_95], %swap3A_98 {strides = array<i32>} : memref<512x32xf32, #tpu.memory_space<vmem>>, vector<1x16xf32>,
      %slice3A_99 = vector.extract_strided_slice %get3A_68 {offsets = [1], sizes = [1], strides = [1]} : vector<16xi32> to vector<1xi32>
      %squeeze3A_100 = vector.extract %slice3A_99[0] : i32 from vector<1xi32>
      %mul3A_101 = arith.constant 4 : i32
      %mul3A_102 = arith.muli %scan3A_61, %mul3A_101 : i32
      %add3A_103 = arith.constant 0 : i32
      %add3A_104 = arith.addi %mul3A_102, %add3A_103 : i32
      %get3A_105 = arith.index_cast %add3A_104 : i32 to index
      %get3A_106 = arith.constant 32 : index
      %get3A_107 = tpu.vector_load %arg6[%get3A_105, %get3A_106] {strides = array<i32>} : memref<128x128xf32, #tpu.memory_space<vmem>>, vector<1x16xf32>,
      %get3A_108 = vector.shape_cast %get3A_107 : vector<1x16xf32> to vector<16xf32>
      %get3A_109 = arith.index_cast %add3A_104 : i32 to index
      %get3A_110 = arith.constant 48 : index
      %get3A_111 = tpu.vector_load %arg6[%get3A_109, %get3A_110] {strides = array<i32>} : memref<128x128xf32, #tpu.memory_space<vmem>>, vector<1x16xf32>,
      %get3A_112 = vector.shape_cast %get3A_111 : vector<1x16xf32> to vector<16xf32>
      %get3A_113 = arith.index_cast %squeeze3A_100 : i32 to index
      %get3A_114 = arith.constant 0 : index
      %get3A_115 = tpu.vector_load %arg7[%get3A_113, %get3A_114] {strides = array<i32>} : memref<512x32xf32, #tpu.memory_space<vmem>>, vector<1x16xf32>,
      %get3A_116 = vector.shape_cast %get3A_115 : vector<1x16xf32> to vector<16xf32>
      %get3A_117 = arith.index_cast %squeeze3A_100 : i32 to index
      %get3A_118 = arith.constant 16 : index
      %get3A_119 = tpu.vector_load %arg7[%get3A_117, %get3A_118] {strides = array<i32>} : memref<512x32xf32, #tpu.memory_space<vmem>>, vector<1x16xf32>,
      %get3A_120 = vector.shape_cast %get3A_119 : vector<1x16xf32> to vector<16xf32>
      %max3A_121 = arith.maximumf %get3A_116, %get3A_108 : vector<16xf32>
      %swap3A_122 = arith.index_cast %squeeze3A_100 : i32 to index
      %swap3A_123 = arith.constant 0 : index
      %swap3A_124 = tpu.vector_load %arg7[%swap3A_122, %swap3A_123] {strides = array<i32>} : memref<512x32xf32, #tpu.memory_space<vmem>>, vector<1x16xf32>,
      %swap3A_125 = vector.shape_cast %swap3A_124 : vector<1x16xf32> to vector<16xf32>
      %swap3A_126 = vector.shape_cast %max3A_121 : vector<16xf32> to vector<1x16xf32>
      tpu.vector_store %arg7[%swap3A_122, %swap3A_123], %swap3A_126 {strides = array<i32>} : memref<512x32xf32, #tpu.memory_space<vmem>>, vector<1x16xf32>,
      %max3A_127 = arith.maximumf %get3A_120, %get3A_112 : vector<16xf32>
      %swap3A_128 = arith.index_cast %squeeze3A_100 : i32 to index
      %swap3A_129 = arith.constant 16 : index
      %swap3A_130 = tpu.vector_load %arg7[%swap3A_128, %swap3A_129] {strides = array<i32>} : memref<512x32xf32, #tpu.memory_space<vmem>>, vector<1x16xf32>,
      %swap3A_131 = vector.shape_cast %swap3A_130 : vector<1x16xf32> to vector<16xf32>
      %swap3A_132 = vector.shape_cast %max3A_127 : vector<16xf32> to vector<1x16xf32>
      tpu.vector_store %arg7[%swap3A_128, %swap3A_129], %swap3A_132 {strides = array<i32>} : memref<512x32xf32, #tpu.memory_space<vmem>>, vector<1x16xf32>,
      %slice3A_133 = vector.extract_strided_slice %get3A_68 {offsets = [2], sizes = [1], strides = [1]} : vector<16xi32> to vector<1xi32>
      %squeeze3A_134 = vector.extract %slice3A_133[0] : i32 from vector<1xi32>
      %mul3A_135 = arith.constant 4 : i32
      %mul3A_136 = arith.muli %scan3A_61, %mul3A_135 : i32
      %add3A_137 = arith.constant 0 : i32
      %add3A_138 = arith.addi %mul3A_136, %add3A_137 : i32
      %get3A_139 = arith.index_cast %add3A_138 : i32 to index
      %get3A_140 = arith.constant 64 : index
      %get3A_141 = tpu.vector_load %arg6[%get3A_139, %get3A_140] {strides = array<i32>} : memref<128x128xf32, #tpu.memory_space<vmem>>, vector<1x16xf32>,
      %get3A_142 = vector.shape_cast %get3A_141 : vector<1x16xf32> to vector<16xf32>
      %get3A_143 = arith.index_cast %add3A_138 : i32 to index
      %get3A_144 = arith.constant 80 : index
      %get3A_145 = tpu.vector_load %arg6[%get3A_143, %get3A_144] {strides = array<i32>} : memref<128x128xf32, #tpu.memory_space<vmem>>, vector<1x16xf32>,
      %get3A_146 = vector.shape_cast %get3A_145 : vector<1x16xf32> to vector<16xf32>
      %get3A_147 = arith.index_cast %squeeze3A_134 : i32 to index
      %get3A_148 = arith.constant 0 : index
      %get3A_149 = tpu.vector_load %arg7[%get3A_147, %get3A_148] {strides = array<i32>} : memref<512x32xf32, #tpu.memory_space<vmem>>, vector<1x16xf32>,
      %get3A_150 = vector.shape_cast %get3A_149 : vector<1x16xf32> to vector<16xf32>
      %get3A_151 = arith.index_cast %squeeze3A_134 : i32 to index
      %get3A_152 = arith.constant 16 : index
      %get3A_153 = tpu.vector_load %arg7[%get3A_151, %get3A_152] {strides = array<i32>} : memref<512x32xf32, #tpu.memory_space<vmem>>, vector<1x16xf32>,
      %get3A_154 = vector.shape_cast %get3A_153 : vector<1x16xf32> to vector<16xf32>
      %max3A_155 = arith.maximumf %get3A_150, %get3A_142 : vector<16xf32>
      %swap3A_156 = arith.index_cast %squeeze3A_134 : i32 to index
      %swap3A_157 = arith.constant 0 : index
      %swap3A_158 = tpu.vector_load %arg7[%swap3A_156, %swap3A_157] {strides = array<i32>} : memref<512x32xf32, #tpu.memory_space<vmem>>, vector<1x16xf32>,
      %swap3A_159 = vector.shape_cast %swap3A_158 : vector<1x16xf32> to vector<16xf32>
      %swap3A_160 = vector.shape_cast %max3A_155 : vector<16xf32> to vector<1x16xf32>
      tpu.vector_store %arg7[%swap3A_156, %swap3A_157], %swap3A_160 {strides = array<i32>} : memref<512x32xf32, #tpu.memory_space<vmem>>, vector<1x16xf32>,
      %max3A_161 = arith.maximumf %get3A_154, %get3A_146 : vector<16xf32>
      %swap3A_162 = arith.index_cast %squeeze3A_134 : i32 to index
      %swap3A_163 = arith.constant 16 : index
      %swap3A_164 = tpu.vector_load %arg7[%swap3A_162, %swap3A_163] {strides = array<i32>} : memref<512x32xf32, #tpu.memory_space<vmem>>, vector<1x16xf32>,
      %swap3A_165 = vector.shape_cast %swap3A_164 : vector<1x16xf32> to vector<16xf32>
      %swap3A_166 = vector.shape_cast %max3A_161 : vector<16xf32> to vector<1x16xf32>
      tpu.vector_store %arg7[%swap3A_162, %swap3A_163], %swap3A_166 {strides = array<i32>} : memref<512x32xf32, #tpu.memory_space<vmem>>, vector<1x16xf32>,
      %slice3A_167 = vector.extract_strided_slice %get3A_68 {offsets = [3], sizes = [1], strides = [1]} : vector<16xi32> to vector<1xi32>
      %squeeze3A_168 = vector.extract %slice3A_167[0] : i32 from vector<1xi32>
      %mul3A_169 = arith.constant 4 : i32
      %mul3A_170 = arith.muli %scan3A_61, %mul3A_169 : i32
      %add3A_171 = arith.constant 0 : i32
      %add3A_172 = arith.addi %mul3A_170, %add3A_171 : i32
      %get3A_173 = arith.index_cast %add3A_172 : i32 to index
      %get3A_174 = arith.constant 96 : index
      %get3A_175 = tpu.vector_load %arg6[%get3A_173, %get3A_174] {strides = array<i32>} : memref<128x128xf32, #tpu.memory_space<vmem>>, vector<1x16xf32>,
      %get3A_176 = vector.shape_cast %get3A_175 : vector<1x16xf32> to vector<16xf32>
      %get3A_177 = arith.index_cast %add3A_172 : i32 to index
      %get3A_178 = arith.constant 112 : index
      %get3A_179 = tpu.vector_load %arg6[%get3A_177, %get3A_178] {strides = array<i32>} : memref<128x128xf32, #tpu.memory_space<vmem>>, vector<1x16xf32>,
      %get3A_180 = vector.shape_cast %get3A_179 : vector<1x16xf32> to vector<16xf32>
      %get3A_181 = arith.index_cast %squeeze3A_168 : i32 to index
      %get3A_182 = arith.constant 0 : index
      %get3A_183 = tpu.vector_load %arg7[%get3A_181, %get3A_182] {strides = array<i32>} : memref<512x32xf32, #tpu.memory_space<vmem>>, vector<1x16xf32>,
      %get3A_184 = vector.shape_cast %get3A_183 : vector<1x16xf32> to vector<16xf32>
      %get3A_185 = arith.index_cast %squeeze3A_168 : i32 to index
      %get3A_186 = arith.constant 16 : index
      %get3A_187 = tpu.vector_load %arg7[%get3A_185, %get3A_186] {strides = array<i32>} : memref<512x32xf32, #tpu.memory_space<vmem>>, vector<1x16xf32>,
      %get3A_188 = vector.shape_cast %get3A_187 : vector<1x16xf32> to vector<16xf32>
      %max3A_189 = arith.maximumf %get3A_184, %get3A_176 : vector<16xf32>
      %swap3A_190 = arith.index_cast %squeeze3A_168 : i32 to index
      %swap3A_191 = arith.constant 0 : index
      %swap3A_192 = tpu.vector_load %arg7[%swap3A_190, %swap3A_191] {strides = array<i32>} : memref<512x32xf32, #tpu.memory_space<vmem>>, vector<1x16xf32>,
      %swap3A_193 = vector.shape_cast %swap3A_192 : vector<1x16xf32> to vector<16xf32>
      %swap3A_194 = vector.shape_cast %max3A_189 : vector<16xf32> to vector<1x16xf32>
      tpu.vector_store %arg7[%swap3A_190, %swap3A_191], %swap3A_194 {strides = array<i32>} : memref<512x32xf32, #tpu.memory_space<vmem>>, vector<1x16xf32>,
      %max3A_195 = arith.maximumf %get3A_188, %get3A_180 : vector<16xf32>
      %swap3A_196 = arith.index_cast %squeeze3A_168 : i32 to index
      %swap3A_197 = arith.constant 16 : index
      %swap3A_198 = tpu.vector_load %arg7[%swap3A_196, %swap3A_197] {strides = array<i32>} : memref<512x32xf32, #tpu.memory_space<vmem>>, vector<1x16xf32>,
      %swap3A_199 = vector.shape_cast %swap3A_198 : vector<1x16xf32> to vector<16xf32>
      %swap3A_200 = vector.shape_cast %max3A_195 : vector<16xf32> to vector<1x16xf32>
      tpu.vector_store %arg7[%swap3A_196, %swap3A_197], %swap3A_200 {strides = array<i32>} : memref<512x32xf32, #tpu.memory_space<vmem>>, vector<1x16xf32>,
      %slice3A_201 = vector.extract_strided_slice %get3A_68 {offsets = [4], sizes = [1], strides = [1]} : vector<16xi32> to vector<1xi32>
      %squeeze3A_202 = vector.extract %slice3A_201[0] : i32 from vector<1xi32>
      %mul3A_203 = arith.constant 4 : i32
      %mul3A_204 = arith.muli %scan3A_61, %mul3A_203 : i32
      %add3A_205 = arith.constant 1 : i32
      %add3A_206 = arith.addi %mul3A_204, %add3A_205 : i32
      %get3A_207 = arith.index_cast %add3A_206 : i32 to index
      %get3A_208 = arith.constant 0 : index
      %get3A_209 = tpu.vector_load %arg6[%get3A_207, %get3A_208] {strides = array<i32>} : memref<128x128xf32, #tpu.memory_space<vmem>>, vector<1x16xf32>,
      %get3A_210 = vector.shape_cast %get3A_209 : vector<1x16xf32> to vector<16xf32>
      %get3A_211 = arith.index_cast %add3A_206 : i32 to index
      %get3A_212 = arith.constant 16 : index
      %get3A_213 = tpu.vector_load %arg6[%get3A_211, %get3A_212] {strides = array<i32>} : memref<128x128xf32, #tpu.memory_space<vmem>>, vector<1x16xf32>,
      %get3A_214 = vector.shape_cast %get3A_213 : vector<1x16xf32> to vector<16xf32>
      %get3A_215 = arith.index_cast %squeeze3A_202 : i32 to index
      %get3A_216 = arith.constant 0 : index
      %get3A_217 = tpu.vector_load %arg7[%get3A_215, %get3A_216] {strides = array<i32>} : memref<512x32xf32, #tpu.memory_space<vmem>>, vector<1x16xf32>,
      %get3A_218 = vector.shape_cast %get3A_217 : vector<1x16xf32> to vector<16xf32>
      %get3A_219 = arith.index_cast %squeeze3A_202 : i32 to index
      %get3A_220 = arith.constant 16 : index
      %get3A_221 = tpu.vector_load %arg7[%get3A_219, %get3A_220] {strides = array<i32>} : memref<512x32xf32, #tpu.memory_space<vmem>>, vector<1x16xf32>,
      %get3A_222 = vector.shape_cast %get3A_221 : vector<1x16xf32> to vector<16xf32>
      %max3A_223 = arith.maximumf %get3A_218, %get3A_210 : vector<16xf32>
      %swap3A_224 = arith.index_cast %squeeze3A_202 : i32 to index
      %swap3A_225 = arith.constant 0 : index
      %swap3A_226 = tpu.vector_load %arg7[%swap3A_224, %swap3A_225] {strides = array<i32>} : memref<512x32xf32, #tpu.memory_space<vmem>>, vector<1x16xf32>,
      %swap3A_227 = vector.shape_cast %swap3A_226 : vector<1x16xf32> to vector<16xf32>
      %swap3A_228 = vector.shape_cast %max3A_223 : vector<16xf32> to vector<1x16xf32>
      tpu.vector_store %arg7[%swap3A_224, %swap3A_225], %swap3A_228 {strides = array<i32>} : memref<512x32xf32, #tpu.memory_space<vmem>>, vector<1x16xf32>,
      %max3A_229 = arith.maximumf %get3A_222, %get3A_214 : vector<16xf32>
      %swap3A_230 = arith.index_cast %squeeze3A_202 : i32 to index
      %swap3A_231 = arith.constant 16 : index
      %swap3A_232 = tpu.vector_load %arg7[%swap3A_230, %swap3A_231] {strides = array<i32>} : memref<512x32xf32, #tpu.memory_space<vmem>>, vector<1x16xf32>,
      %swap3A_233 = vector.shape_cast %swap3A_232 : vector<1x16xf32> to vector<16xf32>
      %swap3A_234 = vector.shape_cast %max3A_229 : vector<16xf32> to vector<1x16xf32>
      tpu.vector_store %arg7[%swap3A_230, %swap3A_231], %swap3A_234 {strides = array<i32>} : memref<512x32xf32, #tpu.memory_space<vmem>>, vector<1x16xf32>,
      %slice3A_235 = vector.extract_strided_slice %get3A_68 {offsets = [5], sizes = [1], strides = [1]} : vector<16xi32> to vector<1xi32>
      %squeeze3A_236 = vector.extract %slice3A_235[0] : i32 from vector<1xi32>
      %mul3A_237 = arith.constant 4 : i32
      %mul3A_238 = arith.muli %scan3A_61, %mul3A_237 : i32
      %add3A_239 = arith.constant 1 : i32
      %add3A_240 = arith.addi %mul3A_238, %add3A_239 : i32
      %get3A_241 = arith.index_cast %add3A_240 : i32 to index
      %get3A_242 = arith.constant 32 : index
      %get3A_243 = tpu.vector_load %arg6[%get3A_241, %get3A_242] {strides = array<i32>} : memref<128x128xf32, #tpu.memory_space<vmem>>, vector<1x16xf32>,
      %get3A_244 = vector.shape_cast %get3A_243 : vector<1x16xf32> to vector<16xf32>
      %get3A_245 = arith.index_cast %add3A_240 : i32 to index
      %get3A_246 = arith.constant 48 : index
      %get3A_247 = tpu.vector_load %arg6[%get3A_245, %get3A_246] {strides = array<i32>} : memref<128x128xf32, #tpu.memory_space<vmem>>, vector<1x16xf32>,
      %get3A_248 = vector.shape_cast %get3A_247 : vector<1x16xf32> to vector<16xf32>
      %get3A_249 = arith.index_cast %squeeze3A_236 : i32 to index
      %get3A_250 = arith.constant 0 : index
      %get3A_251 = tpu.vector_load %arg7[%get3A_249, %get3A_250] {strides = array<i32>} : memref<512x32xf32, #tpu.memory_space<vmem>>, vector<1x16xf32>,
      %get3A_252 = vector.shape_cast %get3A_251 : vector<1x16xf32> to vector<16xf32>
      %get3A_253 = arith.index_cast %squeeze3A_236 : i32 to index
      %get3A_254 = arith.constant 16 : index
      %get3A_255 = tpu.vector_load %arg7[%get3A_253, %get3A_254] {strides = array<i32>} : memref<512x32xf32, #tpu.memory_space<vmem>>, vector<1x16xf32>,
      %get3A_256 = vector.shape_cast %get3A_255 : vector<1x16xf32> to vector<16xf32>
      %max3A_257 = arith.maximumf %get3A_252, %get3A_244 : vector<16xf32>
      %swap3A_258 = arith.index_cast %squeeze3A_236 : i32 to index
      %swap3A_259 = arith.constant 0 : index
      %swap3A_260 = tpu.vector_load %arg7[%swap3A_258, %swap3A_259] {strides = array<i32>} : memref<512x32xf32, #tpu.memory_space<vmem>>, vector<1x16xf32>,
      %swap3A_261 = vector.shape_cast %swap3A_260 : vector<1x16xf32> to vector<16xf32>
      %swap3A_262 = vector.shape_cast %max3A_257 : vector<16xf32> to vector<1x16xf32>
      tpu.vector_store %arg7[%swap3A_258, %swap3A_259], %swap3A_262 {strides = array<i32>} : memref<512x32xf32, #tpu.memory_space<vmem>>, vector<1x16xf32>,
      %max3A_263 = arith.maximumf %get3A_256, %get3A_248 : vector<16xf32>
      %swap3A_264 = arith.index_cast %squeeze3A_236 : i32 to index
      %swap3A_265 = arith.constant 16 : index
      %swap3A_266 = tpu.vector_load %arg7[%swap3A_264, %swap3A_265] {strides = array<i32>} : memref<512x32xf32, #tpu.memory_space<vmem>>, vector<1x16xf32>,
      %swap3A_267 = vector.shape_cast %swap3A_266 : vector<1x16xf32> to vector<16xf32>
      %swap3A_268 = vector.shape_cast %max3A_263 : vector<16xf32> to vector<1x16xf32>
      tpu.vector_store %arg7[%swap3A_264, %swap3A_265], %swap3A_268 {strides = array<i32>} : memref<512x32xf32, #tpu.memory_space<vmem>>, vector<1x16xf32>,
      %slice3A_269 = vector.extract_strided_slice %get3A_68 {offsets = [6], sizes = [1], strides = [1]} : vector<16xi32> to vector<1xi32>
      %squeeze3A_270 = vector.extract %slice3A_269[0] : i32 from vector<1xi32>
      %mul3A_271 = arith.constant 4 : i32
      %mul3A_272 = arith.muli %scan3A_61, %mul3A_271 : i32
      %add3A_273 = arith.constant 1 : i32
      %add3A_274 = arith.addi %mul3A_272, %add3A_273 : i32
      %get3A_275 = arith.index_cast %add3A_274 : i32 to index
      %get3A_276 = arith.constant 64 : index
      %get3A_277 = tpu.vector_load %arg6[%get3A_275, %get3A_276] {strides = array<i32>} : memref<128x128xf32, #tpu.memory_space<vmem>>, vector<1x16xf32>,
      %get3A_278 = vector.shape_cast %get3A_277 : vector<1x16xf32> to vector<16xf32>
      %get3A_279 = arith.index_cast %add3A_274 : i32 to index
      %get3A_280 = arith.constant 80 : index
      %get3A_281 = tpu.vector_load %arg6[%get3A_279, %get3A_280] {strides = array<i32>} : memref<128x128xf32, #tpu.memory_space<vmem>>, vector<1x16xf32>,
      %get3A_282 = vector.shape_cast %get3A_281 : vector<1x16xf32> to vector<16xf32>
      %get3A_283 = arith.index_cast %squeeze3A_270 : i32 to index
      %get3A_284 = arith.constant 0 : index
      %get3A_285 = tpu.vector_load %arg7[%get3A_283, %get3A_284] {strides = array<i32>} : memref<512x32xf32, #tpu.memory_space<vmem>>, vector<1x16xf32>,
      %get3A_286 = vector.shape_cast %get3A_285 : vector<1x16xf32> to vector<16xf32>
      %get3A_287 = arith.index_cast %squeeze3A_270 : i32 to index
      %get3A_288 = arith.constant 16 : index
      %get3A_289 = tpu.vector_load %arg7[%get3A_287, %get3A_288] {strides = array<i32>} : memref<512x32xf32, #tpu.memory_space<vmem>>, vector<1x16xf32>,
      %get3A_290 = vector.shape_cast %get3A_289 : vector<1x16xf32> to vector<16xf32>
      %max3A_291 = arith.maximumf %get3A_286, %get3A_278 : vector<16xf32>
      %swap3A_292 = arith.index_cast %squeeze3A_270 : i32 to index
      %swap3A_293 = arith.constant 0 : index
      %swap3A_294 = tpu.vector_load %arg7[%swap3A_292, %swap3A_293] {strides = array<i32>} : memref<512x32xf32, #tpu.memory_space<vmem>>, vector<1x16xf32>,
      %swap3A_295 = vector.shape_cast %swap3A_294 : vector<1x16xf32> to vector<16xf32>
      %swap3A_296 = vector.shape_cast %max3A_291 : vector<16xf32> to vector<1x16xf32>
      tpu.vector_store %arg7[%swap3A_292, %swap3A_293], %swap3A_296 {strides = array<i32>} : memref<512x32xf32, #tpu.memory_space<vmem>>, vector<1x16xf32>,
      %max3A_297 = arith.maximumf %get3A_290, %get3A_282 : vector<16xf32>
      %swap3A_298 = arith.index_cast %squeeze3A_270 : i32 to index
      %swap3A_299 = arith.constant 16 : index
      %swap3A_300 = tpu.vector_load %arg7[%swap3A_298, %swap3A_299] {strides = array<i32>} : memref<512x32xf32, #tpu.memory_space<vmem>>, vector<1x16xf32>,
      %swap3A_301 = vector.shape_cast %swap3A_300 : vector<1x16xf32> to vector<16xf32>
      %swap3A_302 = vector.shape_cast %max3A_297 : vector<16xf32> to vector<1x16xf32>
      tpu.vector_store %arg7[%swap3A_298, %swap3A_299], %swap3A_302 {strides = array<i32>} : memref<512x32xf32, #tpu.memory_space<vmem>>, vector<1x16xf32>,
      %slice3A_303 = vector.extract_strided_slice %get3A_68 {offsets = [7], sizes = [1], strides = [1]} : vector<16xi32> to vector<1xi32>
      %squeeze3A_304 = vector.extract %slice3A_303[0] : i32 from vector<1xi32>
      %mul3A_305 = arith.constant 4 : i32
      %mul3A_306 = arith.muli %scan3A_61, %mul3A_305 : i32
      %add3A_307 = arith.constant 1 : i32
      %add3A_308 = arith.addi %mul3A_306, %add3A_307 : i32
      %get3A_309 = arith.index_cast %add3A_308 : i32 to index
      %get3A_310 = arith.constant 96 : index
      %get3A_311 = tpu.vector_load %arg6[%get3A_309, %get3A_310] {strides = array<i32>} : memref<128x128xf32, #tpu.memory_space<vmem>>, vector<1x16xf32>,
      %get3A_312 = vector.shape_cast %get3A_311 : vector<1x16xf32> to vector<16xf32>
      %get3A_313 = arith.index_cast %add3A_308 : i32 to index
      %get3A_314 = arith.constant 112 : index
      %get3A_315 = tpu.vector_load %arg6[%get3A_313, %get3A_314] {strides = array<i32>} : memref<128x128xf32, #tpu.memory_space<vmem>>, vector<1x16xf32>,
      %get3A_316 = vector.shape_cast %get3A_315 : vector<1x16xf32> to vector<16xf32>
      %get3A_317 = arith.index_cast %squeeze3A_304 : i32 to index
      %get3A_318 = arith.constant 0 : index
      %get3A_319 = tpu.vector_load %arg7[%get3A_317, %get3A_318] {strides = array<i32>} : memref<512x32xf32, #tpu.memory_space<vmem>>, vector<1x16xf32>,
      %get3A_320 = vector.shape_cast %get3A_319 : vector<1x16xf32> to vector<16xf32>
      %get3A_321 = arith.index_cast %squeeze3A_304 : i32 to index
      %get3A_322 = arith.constant 16 : index
      %get3A_323 = tpu.vector_load %arg7[%get3A_321, %get3A_322] {strides = array<i32>} : memref<512x32xf32, #tpu.memory_space<vmem>>, vector<1x16xf32>,
      %get3A_324 = vector.shape_cast %get3A_323 : vector<1x16xf32> to vector<16xf32>
      %max3A_325 = arith.maximumf %get3A_320, %get3A_312 : vector<16xf32>
      %swap3A_326 = arith.index_cast %squeeze3A_304 : i32 to index
      %swap3A_327 = arith.constant 0 : index
      %swap3A_328 = tpu.vector_load %arg7[%swap3A_326, %swap3A_327] {strides = array<i32>} : memref<512x32xf32, #tpu.memory_space<vmem>>, vector<1x16xf32>,
      %swap3A_329 = vector.shape_cast %swap3A_328 : vector<1x16xf32> to vector<16xf32>
      %swap3A_330 = vector.shape_cast %max3A_325 : vector<16xf32> to vector<1x16xf32>
      tpu.vector_store %arg7[%swap3A_326, %swap3A_327], %swap3A_330 {strides = array<i32>} : memref<512x32xf32, #tpu.memory_space<vmem>>, vector<1x16xf32>,
      %max3A_331 = arith.maximumf %get3A_324, %get3A_316 : vector<16xf32>
      %swap3A_332 = arith.index_cast %squeeze3A_304 : i32 to index
      %swap3A_333 = arith.constant 16 : index
      %swap3A_334 = tpu.vector_load %arg7[%swap3A_332, %swap3A_333] {strides = array<i32>} : memref<512x32xf32, #tpu.memory_space<vmem>>, vector<1x16xf32>,
      %swap3A_335 = vector.shape_cast %swap3A_334 : vector<1x16xf32> to vector<16xf32>
      %swap3A_336 = vector.shape_cast %max3A_331 : vector<16xf32> to vector<1x16xf32>
      tpu.vector_store %arg7[%swap3A_332, %swap3A_333], %swap3A_336 {strides = array<i32>} : memref<512x32xf32, #tpu.memory_space<vmem>>, vector<1x16xf32>,
      %slice3A_337 = vector.extract_strided_slice %get3A_68 {offsets = [8], sizes = [1], strides = [1]} : vector<16xi32> to vector<1xi32>
      %squeeze3A_338 = vector.extract %slice3A_337[0] : i32 from vector<1xi32>
      %mul3A_339 = arith.constant 4 : i32
      %mul3A_340 = arith.muli %scan3A_61, %mul3A_339 : i32
      %add3A_341 = arith.constant 2 : i32
      %add3A_342 = arith.addi %mul3A_340, %add3A_341 : i32
      %get3A_343 = arith.index_cast %add3A_342 : i32 to index
      %get3A_344 = arith.constant 0 : index
      %get3A_345 = tpu.vector_load %arg6[%get3A_343, %get3A_344] {strides = array<i32>} : memref<128x128xf32, #tpu.memory_space<vmem>>, vector<1x16xf32>,
      %get3A_346 = vector.shape_cast %get3A_345 : vector<1x16xf32> to vector<16xf32>
      %get3A_347 = arith.index_cast %add3A_342 : i32 to index
      %get3A_348 = arith.constant 16 : index
      %get3A_349 = tpu.vector_load %arg6[%get3A_347, %get3A_348] {strides = array<i32>} : memref<128x128xf32, #tpu.memory_space<vmem>>, vector<1x16xf32>,
      %get3A_350 = vector.shape_cast %get3A_349 : vector<1x16xf32> to vector<16xf32>
      %get3A_351 = arith.index_cast %squeeze3A_338 : i32 to index
      %get3A_352 = arith.constant 0 : index
      %get3A_353 = tpu.vector_load %arg7[%get3A_351, %get3A_352] {strides = array<i32>} : memref<512x32xf32, #tpu.memory_space<vmem>>, vector<1x16xf32>,
      %get3A_354 = vector.shape_cast %get3A_353 : vector<1x16xf32> to vector<16xf32>
      %get3A_355 = arith.index_cast %squeeze3A_338 : i32 to index
      %get3A_356 = arith.constant 16 : index
      %get3A_357 = tpu.vector_load %arg7[%get3A_355, %get3A_356] {strides = array<i32>} : memref<512x32xf32, #tpu.memory_space<vmem>>, vector<1x16xf32>,
      %get3A_358 = vector.shape_cast %get3A_357 : vector<1x16xf32> to vector<16xf32>
      %max3A_359 = arith.maximumf %get3A_354, %get3A_346 : vector<16xf32>
      %swap3A_360 = arith.index_cast %squeeze3A_338 : i32 to index
      %swap3A_361 = arith.constant 0 : index
      %swap3A_362 = tpu.vector_load %arg7[%swap3A_360, %swap3A_361] {strides = array<i32>} : memref<512x32xf32, #tpu.memory_space<vmem>>, vector<1x16xf32>,
      %swap3A_363 = vector.shape_cast %swap3A_362 : vector<1x16xf32> to vector<16xf32>
      %swap3A_364 = vector.shape_cast %max3A_359 : vector<16xf32> to vector<1x16xf32>
      tpu.vector_store %arg7[%swap3A_360, %swap3A_361], %swap3A_364 {strides = array<i32>} : memref<512x32xf32, #tpu.memory_space<vmem>>, vector<1x16xf32>,
      %max3A_365 = arith.maximumf %get3A_358, %get3A_350 : vector<16xf32>
      %swap3A_366 = arith.index_cast %squeeze3A_338 : i32 to index
      %swap3A_367 = arith.constant 16 : index
      %swap3A_368 = tpu.vector_load %arg7[%swap3A_366, %swap3A_367] {strides = array<i32>} : memref<512x32xf32, #tpu.memory_space<vmem>>, vector<1x16xf32>,
      %swap3A_369 = vector.shape_cast %swap3A_368 : vector<1x16xf32> to vector<16xf32>
      %swap3A_370 = vector.shape_cast %max3A_365 : vector<16xf32> to vector<1x16xf32>
      tpu.vector_store %arg7[%swap3A_366, %swap3A_367], %swap3A_370 {strides = array<i32>} : memref<512x32xf32, #tpu.memory_space<vmem>>, vector<1x16xf32>,
      %slice3A_371 = vector.extract_strided_slice %get3A_68 {offsets = [9], sizes = [1], strides = [1]} : vector<16xi32> to vector<1xi32>
      %squeeze3A_372 = vector.extract %slice3A_371[0] : i32 from vector<1xi32>
      %mul3A_373 = arith.constant 4 : i32
      %mul3A_374 = arith.muli %scan3A_61, %mul3A_373 : i32
      %add3A_375 = arith.constant 2 : i32
      %add3A_376 = arith.addi %mul3A_374, %add3A_375 : i32
      %get3A_377 = arith.index_cast %add3A_376 : i32 to index
      %get3A_378 = arith.constant 32 : index
      %get3A_379 = tpu.vector_load %arg6[%get3A_377, %get3A_378] {strides = array<i32>} : memref<128x128xf32, #tpu.memory_space<vmem>>, vector<1x16xf32>,
      %get3A_380 = vector.shape_cast %get3A_379 : vector<1x16xf32> to vector<16xf32>
      %get3A_381 = arith.index_cast %add3A_376 : i32 to index
      %get3A_382 = arith.constant 48 : index
      %get3A_383 = tpu.vector_load %arg6[%get3A_381, %get3A_382] {strides = array<i32>} : memref<128x128xf32, #tpu.memory_space<vmem>>, vector<1x16xf32>,
      %get3A_384 = vector.shape_cast %get3A_383 : vector<1x16xf32> to vector<16xf32>
      %get3A_385 = arith.index_cast %squeeze3A_372 : i32 to index
      %get3A_386 = arith.constant 0 : index
      %get3A_387 = tpu.vector_load %arg7[%get3A_385, %get3A_386] {strides = array<i32>} : memref<512x32xf32, #tpu.memory_space<vmem>>, vector<1x16xf32>,
      %get3A_388 = vector.shape_cast %get3A_387 : vector<1x16xf32> to vector<16xf32>
      %get3A_389 = arith.index_cast %squeeze3A_372 : i32 to index
      %get3A_390 = arith.constant 16 : index
      %get3A_391 = tpu.vector_load %arg7[%get3A_389, %get3A_390] {strides = array<i32>} : memref<512x32xf32, #tpu.memory_space<vmem>>, vector<1x16xf32>,
      %get3A_392 = vector.shape_cast %get3A_391 : vector<1x16xf32> to vector<16xf32>
      %max3A_393 = arith.maximumf %get3A_388, %get3A_380 : vector<16xf32>
      %swap3A_394 = arith.index_cast %squeeze3A_372 : i32 to index
      %swap3A_395 = arith.constant 0 : index
      %swap3A_396 = tpu.vector_load %arg7[%swap3A_394, %swap3A_395] {strides = array<i32>} : memref<512x32xf32, #tpu.memory_space<vmem>>, vector<1x16xf32>,
      %swap3A_397 = vector.shape_cast %swap3A_396 : vector<1x16xf32> to vector<16xf32>
      %swap3A_398 = vector.shape_cast %max3A_393 : vector<16xf32> to vector<1x16xf32>
      tpu.vector_store %arg7[%swap3A_394, %swap3A_395], %swap3A_398 {strides = array<i32>} : memref<512x32xf32, #tpu.memory_space<vmem>>, vector<1x16xf32>,
      %max3A_399 = arith.maximumf %get3A_392, %get3A_384 : vector<16xf32>
      %swap3A_400 = arith.index_cast %squeeze3A_372 : i32 to index
      %swap3A_401 = arith.constant 16 : index
      %swap3A_402 = tpu.vector_load %arg7[%swap3A_400, %swap3A_401] {strides = array<i32>} : memref<512x32xf32, #tpu.memory_space<vmem>>, vector<1x16xf32>,
      %swap3A_403 = vector.shape_cast %swap3A_402 : vector<1x16xf32> to vector<16xf32>
      %swap3A_404 = vector.shape_cast %max3A_399 : vector<16xf32> to vector<1x16xf32>
      tpu.vector_store %arg7[%swap3A_400, %swap3A_401], %swap3A_404 {strides = array<i32>} : memref<512x32xf32, #tpu.memory_space<vmem>>, vector<1x16xf32>,
      %slice3A_405 = vector.extract_strided_slice %get3A_68 {offsets = [10], sizes = [1], strides = [1]} : vector<16xi32> to vector<1xi32>
      %squeeze3A_406 = vector.extract %slice3A_405[0] : i32 from vector<1xi32>
      %mul3A_407 = arith.constant 4 : i32
      %mul3A_408 = arith.muli %scan3A_61, %mul3A_407 : i32
      %add3A_409 = arith.constant 2 : i32
      %add3A_410 = arith.addi %mul3A_408, %add3A_409 : i32
      %get3A_411 = arith.index_cast %add3A_410 : i32 to index
      %get3A_412 = arith.constant 64 : index
      %get3A_413 = tpu.vector_load %arg6[%get3A_411, %get3A_412] {strides = array<i32>} : memref<128x128xf32, #tpu.memory_space<vmem>>, vector<1x16xf32>,
      %get3A_414 = vector.shape_cast %get3A_413 : vector<1x16xf32> to vector<16xf32>
      %get3A_415 = arith.index_cast %add3A_410 : i32 to index
      %get3A_416 = arith.constant 80 : index
      %get3A_417 = tpu.vector_load %arg6[%get3A_415, %get3A_416] {strides = array<i32>} : memref<128x128xf32, #tpu.memory_space<vmem>>, vector<1x16xf32>,
      %get3A_418 = vector.shape_cast %get3A_417 : vector<1x16xf32> to vector<16xf32>
      %get3A_419 = arith.index_cast %squeeze3A_406 : i32 to index
      %get3A_420 = arith.constant 0 : index
      %get3A_421 = tpu.vector_load %arg7[%get3A_419, %get3A_420] {strides = array<i32>} : memref<512x32xf32, #tpu.memory_space<vmem>>, vector<1x16xf32>,
      %get3A_422 = vector.shape_cast %get3A_421 : vector<1x16xf32> to vector<16xf32>
      %get3A_423 = arith.index_cast %squeeze3A_406 : i32 to index
      %get3A_424 = arith.constant 16 : index
      %get3A_425 = tpu.vector_load %arg7[%get3A_423, %get3A_424] {strides = array<i32>} : memref<512x32xf32, #tpu.memory_space<vmem>>, vector<1x16xf32>,
      %get3A_426 = vector.shape_cast %get3A_425 : vector<1x16xf32> to vector<16xf32>
      %max3A_427 = arith.maximumf %get3A_422, %get3A_414 : vector<16xf32>
      %swap3A_428 = arith.index_cast %squeeze3A_406 : i32 to index
      %swap3A_429 = arith.constant 0 : index
      %swap3A_430 = tpu.vector_load %arg7[%swap3A_428, %swap3A_429] {strides = array<i32>} : memref<512x32xf32, #tpu.memory_space<vmem>>, vector<1x16xf32>,
      %swap3A_431 = vector.shape_cast %swap3A_430 : vector<1x16xf32> to vector<16xf32>
      %swap3A_432 = vector.shape_cast %max3A_427 : vector<16xf32> to vector<1x16xf32>
      tpu.vector_store %arg7[%swap3A_428, %swap3A_429], %swap3A_432 {strides = array<i32>} : memref<512x32xf32, #tpu.memory_space<vmem>>, vector<1x16xf32>,
      %max3A_433 = arith.maximumf %get3A_426, %get3A_418 : vector<16xf32>
      %swap3A_434 = arith.index_cast %squeeze3A_406 : i32 to index
      %swap3A_435 = arith.constant 16 : index
      %swap3A_436 = tpu.vector_load %arg7[%swap3A_434, %swap3A_435] {strides = array<i32>} : memref<512x32xf32, #tpu.memory_space<vmem>>, vector<1x16xf32>,
      %swap3A_437 = vector.shape_cast %swap3A_436 : vector<1x16xf32> to vector<16xf32>
      %swap3A_438 = vector.shape_cast %max3A_433 : vector<16xf32> to vector<1x16xf32>
      tpu.vector_store %arg7[%swap3A_434, %swap3A_435], %swap3A_438 {strides = array<i32>} : memref<512x32xf32, #tpu.memory_space<vmem>>, vector<1x16xf32>,
      %slice3A_439 = vector.extract_strided_slice %get3A_68 {offsets = [11], sizes = [1], strides = [1]} : vector<16xi32> to vector<1xi32>
      %squeeze3A_440 = vector.extract %slice3A_439[0] : i32 from vector<1xi32>
      %mul3A_441 = arith.constant 4 : i32
      %mul3A_442 = arith.muli %scan3A_61, %mul3A_441 : i32
      %add3A_443 = arith.constant 2 : i32
      %add3A_444 = arith.addi %mul3A_442, %add3A_443 : i32
      %get3A_445 = arith.index_cast %add3A_444 : i32 to index
      %get3A_446 = arith.constant 96 : index
      %get3A_447 = tpu.vector_load %arg6[%get3A_445, %get3A_446] {strides = array<i32>} : memref<128x128xf32, #tpu.memory_space<vmem>>, vector<1x16xf32>,
      %get3A_448 = vector.shape_cast %get3A_447 : vector<1x16xf32> to vector<16xf32>
      %get3A_449 = arith.index_cast %add3A_444 : i32 to index
      %get3A_450 = arith.constant 112 : index
      %get3A_451 = tpu.vector_load %arg6[%get3A_449, %get3A_450] {strides = array<i32>} : memref<128x128xf32, #tpu.memory_space<vmem>>, vector<1x16xf32>,
      %get3A_452 = vector.shape_cast %get3A_451 : vector<1x16xf32> to vector<16xf32>
      %get3A_453 = arith.index_cast %squeeze3A_440 : i32 to index
      %get3A_454 = arith.constant 0 : index
      %get3A_455 = tpu.vector_load %arg7[%get3A_453, %get3A_454] {strides = array<i32>} : memref<512x32xf32, #tpu.memory_space<vmem>>, vector<1x16xf32>,
      %get3A_456 = vector.shape_cast %get3A_455 : vector<1x16xf32> to vector<16xf32>
      %get3A_457 = arith.index_cast %squeeze3A_440 : i32 to index
      %get3A_458 = arith.constant 16 : index
      %get3A_459 = tpu.vector_load %arg7[%get3A_457, %get3A_458] {strides = array<i32>} : memref<512x32xf32, #tpu.memory_space<vmem>>, vector<1x16xf32>,
      %get3A_460 = vector.shape_cast %get3A_459 : vector<1x16xf32> to vector<16xf32>
      %max3A_461 = arith.maximumf %get3A_456, %get3A_448 : vector<16xf32>
      %swap3A_462 = arith.index_cast %squeeze3A_440 : i32 to index
      %swap3A_463 = arith.constant 0 : index
      %swap3A_464 = tpu.vector_load %arg7[%swap3A_462, %swap3A_463] {strides = array<i32>} : memref<512x32xf32, #tpu.memory_space<vmem>>, vector<1x16xf32>,
      %swap3A_465 = vector.shape_cast %swap3A_464 : vector<1x16xf32> to vector<16xf32>
      %swap3A_466 = vector.shape_cast %max3A_461 : vector<16xf32> to vector<1x16xf32>
      tpu.vector_store %arg7[%swap3A_462, %swap3A_463], %swap3A_466 {strides = array<i32>} : memref<512x32xf32, #tpu.memory_space<vmem>>, vector<1x16xf32>,
      %max3A_467 = arith.maximumf %get3A_460, %get3A_452 : vector<16xf32>
      %swap3A_468 = arith.index_cast %squeeze3A_440 : i32 to index
      %swap3A_469 = arith.constant 16 : index
      %swap3A_470 = tpu.vector_load %arg7[%swap3A_468, %swap3A_469] {strides = array<i32>} : memref<512x32xf32, #tpu.memory_space<vmem>>, vector<1x16xf32>,
      %swap3A_471 = vector.shape_cast %swap3A_470 : vector<1x16xf32> to vector<16xf32>
      %swap3A_472 = vector.shape_cast %max3A_467 : vector<16xf32> to vector<1x16xf32>
      tpu.vector_store %arg7[%swap3A_468, %swap3A_469], %swap3A_472 {strides = array<i32>} : memref<512x32xf32, #tpu.memory_space<vmem>>, vector<1x16xf32>,
      %slice3A_473 = vector.extract_strided_slice %get3A_68 {offsets = [12], sizes = [1], strides = [1]} : vector<16xi32> to vector<1xi32>
      %squeeze3A_474 = vector.extract %slice3A_473[0] : i32 from vector<1xi32>
      %mul3A_475 = arith.constant 4 : i32
      %mul3A_476 = arith.muli %scan3A_61, %mul3A_475 : i32
      %add3A_477 = arith.constant 3 : i32
      %add3A_478 = arith.addi %mul3A_476, %add3A_477 : i32
      %get3A_479 = arith.index_cast %add3A_478 : i32 to index
      %get3A_480 = arith.constant 0 : index
      %get3A_481 = tpu.vector_load %arg6[%get3A_479, %get3A_480] {strides = array<i32>} : memref<128x128xf32, #tpu.memory_space<vmem>>, vector<1x16xf32>,
      %get3A_482 = vector.shape_cast %get3A_481 : vector<1x16xf32> to vector<16xf32>
      %get3A_483 = arith.index_cast %add3A_478 : i32 to index
      %get3A_484 = arith.constant 16 : index
      %get3A_485 = tpu.vector_load %arg6[%get3A_483, %get3A_484] {strides = array<i32>} : memref<128x128xf32, #tpu.memory_space<vmem>>, vector<1x16xf32>,
      %get3A_486 = vector.shape_cast %get3A_485 : vector<1x16xf32> to vector<16xf32>
      %get3A_487 = arith.index_cast %squeeze3A_474 : i32 to index
      %get3A_488 = arith.constant 0 : index
      %get3A_489 = tpu.vector_load %arg7[%get3A_487, %get3A_488] {strides = array<i32>} : memref<512x32xf32, #tpu.memory_space<vmem>>, vector<1x16xf32>,
      %get3A_490 = vector.shape_cast %get3A_489 : vector<1x16xf32> to vector<16xf32>
      %get3A_491 = arith.index_cast %squeeze3A_474 : i32 to index
      %get3A_492 = arith.constant 16 : index
      %get3A_493 = tpu.vector_load %arg7[%get3A_491, %get3A_492] {strides = array<i32>} : memref<512x32xf32, #tpu.memory_space<vmem>>, vector<1x16xf32>,
      %get3A_494 = vector.shape_cast %get3A_493 : vector<1x16xf32> to vector<16xf32>
      %max3A_495 = arith.maximumf %get3A_490, %get3A_482 : vector<16xf32>
      %swap3A_496 = arith.index_cast %squeeze3A_474 : i32 to index
      %swap3A_497 = arith.constant 0 : index
      %swap3A_498 = tpu.vector_load %arg7[%swap3A_496, %swap3A_497] {strides = array<i32>} : memref<512x32xf32, #tpu.memory_space<vmem>>, vector<1x16xf32>,
      %swap3A_499 = vector.shape_cast %swap3A_498 : vector<1x16xf32> to vector<16xf32>
      %swap3A_500 = vector.shape_cast %max3A_495 : vector<16xf32> to vector<1x16xf32>
      tpu.vector_store %arg7[%swap3A_496, %swap3A_497], %swap3A_500 {strides = array<i32>} : memref<512x32xf32, #tpu.memory_space<vmem>>, vector<1x16xf32>,
      %max3A_501 = arith.maximumf %get3A_494, %get3A_486 : vector<16xf32>
      %swap3A_502 = arith.index_cast %squeeze3A_474 : i32 to index
      %swap3A_503 = arith.constant 16 : index
      %swap3A_504 = tpu.vector_load %arg7[%swap3A_502, %swap3A_503] {strides = array<i32>} : memref<512x32xf32, #tpu.memory_space<vmem>>, vector<1x16xf32>,
      %swap3A_505 = vector.shape_cast %swap3A_504 : vector<1x16xf32> to vector<16xf32>
      %swap3A_506 = vector.shape_cast %max3A_501 : vector<16xf32> to vector<1x16xf32>
      tpu.vector_store %arg7[%swap3A_502, %swap3A_503], %swap3A_506 {strides = array<i32>} : memref<512x32xf32, #tpu.memory_space<vmem>>, vector<1x16xf32>,
      %slice3A_507 = vector.extract_strided_slice %get3A_68 {offsets = [13], sizes = [1], strides = [1]} : vector<16xi32> to vector<1xi32>
      %squeeze3A_508 = vector.extract %slice3A_507[0] : i32 from vector<1xi32>
      %mul3A_509 = arith.constant 4 : i32
      %mul3A_510 = arith.muli %scan3A_61, %mul3A_509 : i32
      %add3A_511 = arith.constant 3 : i32
      %add3A_512 = arith.addi %mul3A_510, %add3A_511 : i32
      %get3A_513 = arith.index_cast %add3A_512 : i32 to index
      %get3A_514 = arith.constant 32 : index
      %get3A_515 = tpu.vector_load %arg6[%get3A_513, %get3A_514] {strides = array<i32>} : memref<128x128xf32, #tpu.memory_space<vmem>>, vector<1x16xf32>,
      %get3A_516 = vector.shape_cast %get3A_515 : vector<1x16xf32> to vector<16xf32>
      %get3A_517 = arith.index_cast %add3A_512 : i32 to index
      %get3A_518 = arith.constant 48 : index
      %get3A_519 = tpu.vector_load %arg6[%get3A_517, %get3A_518] {strides = array<i32>} : memref<128x128xf32, #tpu.memory_space<vmem>>, vector<1x16xf32>,
      %get3A_520 = vector.shape_cast %get3A_519 : vector<1x16xf32> to vector<16xf32>
      %get3A_521 = arith.index_cast %squeeze3A_508 : i32 to index
      %get3A_522 = arith.constant 0 : index
      %get3A_523 = tpu.vector_load %arg7[%get3A_521, %get3A_522] {strides = array<i32>} : memref<512x32xf32, #tpu.memory_space<vmem>>, vector<1x16xf32>,
      %get3A_524 = vector.shape_cast %get3A_523 : vector<1x16xf32> to vector<16xf32>
      %get3A_525 = arith.index_cast %squeeze3A_508 : i32 to index
      %get3A_526 = arith.constant 16 : index
      %get3A_527 = tpu.vector_load %arg7[%get3A_525, %get3A_526] {strides = array<i32>} : memref<512x32xf32, #tpu.memory_space<vmem>>, vector<1x16xf32>,
      %get3A_528 = vector.shape_cast %get3A_527 : vector<1x16xf32> to vector<16xf32>
      %max3A_529 = arith.maximumf %get3A_524, %get3A_516 : vector<16xf32>
      %swap3A_530 = arith.index_cast %squeeze3A_508 : i32 to index
      %swap3A_531 = arith.constant 0 : index
      %swap3A_532 = tpu.vector_load %arg7[%swap3A_530, %swap3A_531] {strides = array<i32>} : memref<512x32xf32, #tpu.memory_space<vmem>>, vector<1x16xf32>,
      %swap3A_533 = vector.shape_cast %swap3A_532 : vector<1x16xf32> to vector<16xf32>
      %swap3A_534 = vector.shape_cast %max3A_529 : vector<16xf32> to vector<1x16xf32>
      tpu.vector_store %arg7[%swap3A_530, %swap3A_531], %swap3A_534 {strides = array<i32>} : memref<512x32xf32, #tpu.memory_space<vmem>>, vector<1x16xf32>,
      %max3A_535 = arith.maximumf %get3A_528, %get3A_520 : vector<16xf32>
      %swap3A_536 = arith.index_cast %squeeze3A_508 : i32 to index
      %swap3A_537 = arith.constant 16 : index
      %swap3A_538 = tpu.vector_load %arg7[%swap3A_536, %swap3A_537] {strides = array<i32>} : memref<512x32xf32, #tpu.memory_space<vmem>>, vector<1x16xf32>,
      %swap3A_539 = vector.shape_cast %swap3A_538 : vector<1x16xf32> to vector<16xf32>
      %swap3A_540 = vector.shape_cast %max3A_535 : vector<16xf32> to vector<1x16xf32>
      tpu.vector_store %arg7[%swap3A_536, %swap3A_537], %swap3A_540 {strides = array<i32>} : memref<512x32xf32, #tpu.memory_space<vmem>>, vector<1x16xf32>,
      %slice3A_541 = vector.extract_strided_slice %get3A_68 {offsets = [14], sizes = [1], strides = [1]} : vector<16xi32> to vector<1xi32>
      %squeeze3A_542 = vector.extract %slice3A_541[0] : i32 from vector<1xi32>
      %mul3A_543 = arith.constant 4 : i32
      %mul3A_544 = arith.muli %scan3A_61, %mul3A_543 : i32
      %add3A_545 = arith.constant 3 : i32
      %add3A_546 = arith.addi %mul3A_544, %add3A_545 : i32
      %get3A_547 = arith.index_cast %add3A_546 : i32 to index
      %get3A_548 = arith.constant 64 : index
      %get3A_549 = tpu.vector_load %arg6[%get3A_547, %get3A_548] {strides = array<i32>} : memref<128x128xf32, #tpu.memory_space<vmem>>, vector<1x16xf32>,
      %get3A_550 = vector.shape_cast %get3A_549 : vector<1x16xf32> to vector<16xf32>
      %get3A_551 = arith.index_cast %add3A_546 : i32 to index
      %get3A_552 = arith.constant 80 : index
      %get3A_553 = tpu.vector_load %arg6[%get3A_551, %get3A_552] {strides = array<i32>} : memref<128x128xf32, #tpu.memory_space<vmem>>, vector<1x16xf32>,
      %get3A_554 = vector.shape_cast %get3A_553 : vector<1x16xf32> to vector<16xf32>
      %get3A_555 = arith.index_cast %squeeze3A_542 : i32 to index
      %get3A_556 = arith.constant 0 : index
      %get3A_557 = tpu.vector_load %arg7[%get3A_555, %get3A_556] {strides = array<i32>} : memref<512x32xf32, #tpu.memory_space<vmem>>, vector<1x16xf32>,
      %get3A_558 = vector.shape_cast %get3A_557 : vector<1x16xf32> to vector<16xf32>
      %get3A_559 = arith.index_cast %squeeze3A_542 : i32 to index
      %get3A_560 = arith.constant 16 : index
      %get3A_561 = tpu.vector_load %arg7[%get3A_559, %get3A_560] {strides = array<i32>} : memref<512x32xf32, #tpu.memory_space<vmem>>, vector<1x16xf32>,
      %get3A_562 = vector.shape_cast %get3A_561 : vector<1x16xf32> to vector<16xf32>
      %max3A_563 = arith.maximumf %get3A_558, %get3A_550 : vector<16xf32>
      %swap3A_564 = arith.index_cast %squeeze3A_542 : i32 to index
      %swap3A_565 = arith.constant 0 : index
      %swap3A_566 = tpu.vector_load %arg7[%swap3A_564, %swap3A_565] {strides = array<i32>} : memref<512x32xf32, #tpu.memory_space<vmem>>, vector<1x16xf32>,
      %swap3A_567 = vector.shape_cast %swap3A_566 : vector<1x16xf32> to vector<16xf32>
      %swap3A_568 = vector.shape_cast %max3A_563 : vector<16xf32> to vector<1x16xf32>
      tpu.vector_store %arg7[%swap3A_564, %swap3A_565], %swap3A_568 {strides = array<i32>} : memref<512x32xf32, #tpu.memory_space<vmem>>, vector<1x16xf32>,
      %max3A_569 = arith.maximumf %get3A_562, %get3A_554 : vector<16xf32>
      %swap3A_570 = arith.index_cast %squeeze3A_542 : i32 to index
      %swap3A_571 = arith.constant 16 : index
      %swap3A_572 = tpu.vector_load %arg7[%swap3A_570, %swap3A_571] {strides = array<i32>} : memref<512x32xf32, #tpu.memory_space<vmem>>, vector<1x16xf32>,
      %swap3A_573 = vector.shape_cast %swap3A_572 : vector<1x16xf32> to vector<16xf32>
      %swap3A_574 = vector.shape_cast %max3A_569 : vector<16xf32> to vector<1x16xf32>
      tpu.vector_store %arg7[%swap3A_570, %swap3A_571], %swap3A_574 {strides = array<i32>} : memref<512x32xf32, #tpu.memory_space<vmem>>, vector<1x16xf32>,
      %slice3A_575 = vector.extract_strided_slice %get3A_68 {offsets = [15], sizes = [1], strides = [1]} : vector<16xi32> to vector<1xi32>
      %squeeze3A_576 = vector.extract %slice3A_575[0] : i32 from vector<1xi32>
      %mul3A_577 = arith.constant 4 : i32
      %mul3A_578 = arith.muli %scan3A_61, %mul3A_577 : i32
      %add3A_579 = arith.constant 3 : i32
      %add3A_580 = arith.addi %mul3A_578, %add3A_579 : i32
      %get3A_581 = arith.index_cast %add3A_580 : i32 to index
      %get3A_582 = arith.constant 96 : index
      %get3A_583 = tpu.vector_load %arg6[%get3A_581, %get3A_582] {strides = array<i32>} : memref<128x128xf32, #tpu.memory_space<vmem>>, vector<1x16xf32>,
      %get3A_584 = vector.shape_cast %get3A_583 : vector<1x16xf32> to vector<16xf32>
      %get3A_585 = arith.index_cast %add3A_580 : i32 to index
      %get3A_586 = arith.constant 112 : index
      %get3A_587 = tpu.vector_load %arg6[%get3A_585, %get3A_586] {strides = array<i32>} : memref<128x128xf32, #tpu.memory_space<vmem>>, vector<1x16xf32>,
      %get3A_588 = vector.shape_cast %get3A_587 : vector<1x16xf32> to vector<16xf32>
      %get3A_589 = arith.index_cast %squeeze3A_576 : i32 to index
      %get3A_590 = arith.constant 0 : index
      %get3A_591 = tpu.vector_load %arg7[%get3A_589, %get3A_590] {strides = array<i32>} : memref<512x32xf32, #tpu.memory_space<vmem>>, vector<1x16xf32>,
      %get3A_592 = vector.shape_cast %get3A_591 : vector<1x16xf32> to vector<16xf32>
      %get3A_593 = arith.index_cast %squeeze3A_576 : i32 to index
      %get3A_594 = arith.constant 16 : index
      %get3A_595 = tpu.vector_load %arg7[%get3A_593, %get3A_594] {strides = array<i32>} : memref<512x32xf32, #tpu.memory_space<vmem>>, vector<1x16xf32>,
      %get3A_596 = vector.shape_cast %get3A_595 : vector<1x16xf32> to vector<16xf32>
      %max3A_597 = arith.maximumf %get3A_592, %get3A_584 : vector<16xf32>
      %swap3A_598 = arith.index_cast %squeeze3A_576 : i32 to index
      %swap3A_599 = arith.constant 0 : index
      %swap3A_600 = tpu.vector_load %arg7[%swap3A_598, %swap3A_599] {strides = array<i32>} : memref<512x32xf32, #tpu.memory_space<vmem>>, vector<1x16xf32>,
      %swap3A_601 = vector.shape_cast %swap3A_600 : vector<1x16xf32> to vector<16xf32>
      %swap3A_602 = vector.shape_cast %max3A_597 : vector<16xf32> to vector<1x16xf32>
      tpu.vector_store %arg7[%swap3A_598, %swap3A_599], %swap3A_602 {strides = array<i32>} : memref<512x32xf32, #tpu.memory_space<vmem>>, vector<1x16xf32>,
      %max3A_603 = arith.maximumf %get3A_596, %get3A_588 : vector<16xf32>
      %swap3A_604 = arith.index_cast %squeeze3A_576 : i32 to index
      %swap3A_605 = arith.constant 16 : index
      %swap3A_606 = tpu.vector_load %arg7[%swap3A_604, %swap3A_605] {strides = array<i32>} : memref<512x32xf32, #tpu.memory_space<vmem>>, vector<1x16xf32>,
      %swap3A_607 = vector.shape_cast %swap3A_606 : vector<1x16xf32> to vector<16xf32>
      %swap3A_608 = vector.shape_cast %max3A_603 : vector<16xf32> to vector<1x16xf32>
      tpu.vector_store %arg7[%swap3A_604, %swap3A_605], %swap3A_608 {strides = array<i32>} : memref<512x32xf32, #tpu.memory_space<vmem>>, vector<1x16xf32>,
      %scan3A_609 = arith.constant 0 : i32
      scf.yield %scan3A_609 : i32
    }
    %scan3A_46 = arith.constant 32 : i32
    "tpu.region"() ({
      %run_scoped3A = tpu.sem_alloc : memref<!tpu.dma_semaphore, #tpu.memory_space<semaphore_mem>>
      %dma_start3A = arith.constant 384 : i32
      %dma_start3A_61 = arith.constant 0 : i32
      %dma_start3A_62 = tpu.memref_slice %arg2[%add3A, %dma_start3A, %dma_start3A_61] : memref<32x512x128xf32, #tpu.memory_space<hbm>> -> memref<1x128x128xf32, #tpu.memory_space<hbm>>
      %dma_start3A_63 = tpu.memref_squeeze %dma_start3A_62 : memref<1x128x128xf32, #tpu.memory_space<hbm>> -> memref<128x128xf32, #tpu.memory_space<hbm>>
      %dma_start3A_64 = arith.constant 384 : i32
      %dma_start3A_65 = arith.constant 0 : i32
      %dma_start3A_66 = tpu.memref_slice %arg2[%add3A, %dma_start3A_64, %dma_start3A_65] : memref<32x512x128xf32, #tpu.memory_space<hbm>> -> memref<1x128x128xf32, #tpu.memory_space<hbm>>
      %dma_start3A_67 = tpu.memref_squeeze %dma_start3A_66 : memref<1x128x128xf32, #tpu.memory_space<hbm>> -> memref<128x128xf32, #tpu.memory_space<hbm>>
      tpu.enqueue_dma source(%dma_start3A_67 : memref<128x128xf32, #tpu.memory_space<hbm>>) target(%arg6 : memref<128x128xf32, #tpu.memory_space<vmem>>) target_semaphore(%run_scoped3A : memref<!tpu.dma_semaphore, #tpu.memory_space<semaphore_mem>>)
      %dma_wait3A = arith.constant 384 : i32
      %dma_wait3A_68 = arith.constant 0 : i32
      %dma_wait3A_69 = tpu.memref_slice %arg2[%add3A, %dma_wait3A, %dma_wait3A_68] : memref<32x512x128xf32, #tpu.memory_space<hbm>> -> memref<1x128x128xf32, #tpu.memory_space<hbm>>
      %dma_wait3A_70 = tpu.memref_squeeze %dma_wait3A_69 : memref<1x128x128xf32, #tpu.memory_space<hbm>> -> memref<128x128xf32, #tpu.memory_space<hbm>>
      %dma_wait3A_71 = arith.constant 384 : i32
      %dma_wait3A_72 = arith.constant 0 : i32
      %dma_wait3A_73 = tpu.memref_slice %arg2[%add3A, %dma_wait3A_71, %dma_wait3A_72] : memref<32x512x128xf32, #tpu.memory_space<hbm>> -> memref<1x128x128xf32, #tpu.memory_space<hbm>>
      %dma_wait3A_74 = tpu.memref_squeeze %dma_wait3A_73 : memref<1x128x128xf32, #tpu.memory_space<hbm>> -> memref<128x128xf32, #tpu.memory_space<hbm>>
      tpu.wait_dma2 semaphore(%run_scoped3A : memref<!tpu.dma_semaphore, #tpu.memory_space<semaphore_mem>>) src(%dma_wait3A_74 : memref<128x128xf32, #tpu.memory_space<hbm>>) dst(%arg6 : memref<128x128xf32, #tpu.memory_space<vmem>>)
      tpu.yield
    }) : () -> ()
    %scan3A_47 = arith.constant 0 : i32
    %scan3A_48 = arith.constant 0 : i32
    %scan3A_49 = arith.constant 32 : i32
    %scan3A_50 = arith.addi %scan3A_48, %scan3A_49 : i32
    %scan3A_51 = arith.constant 1 : i32
    %scan3A_52 = scf.for %scan3A_61 = %scan3A_48 to %scan3A_50 step %scan3A_51 iter_args(%scan3A_62 = %scan3A_47) -> (i32)  : i32 {
      %mul3A_63 = arith.constant 16 : i32
      %mul3A_64 = arith.muli %scan3A_61, %mul3A_63 : i32
      %add3A_65 = arith.constant 1536 : i32
      %add3A_66 = arith.addi %add3A_65, %mul3A_64 : i32
      %get3A = arith.index_cast %add3A_66 : i32 to index
      %get3A_67 = tpu.vector_load %arg5[%get3A] {strides = array<i32>} : memref<2048xi32, #tpu.memory_space<vmem>>, vector<16xi32>,
      %get3A_68 = vector.shape_cast %get3A_67 : vector<16xi32> to vector<16xi32>
      %slice3A = vector.extract_strided_slice %get3A_68 {offsets = [0], sizes = [1], strides = [1]} : vector<16xi32> to vector<1xi32>
      %squeeze3A = vector.extract %slice3A[0] : i32 from vector<1xi32>
      %mul3A_69 = arith.constant 4 : i32
      %mul3A_70 = arith.muli %scan3A_61, %mul3A_69 : i32
      %add3A_71 = arith.constant 0 : i32
      %add3A_72 = arith.addi %mul3A_70, %add3A_71 : i32
      %get3A_73 = arith.index_cast %add3A_72 : i32 to index
      %get3A_74 = arith.constant 0 : index
      %get3A_75 = tpu.vector_load %arg6[%get3A_73, %get3A_74] {strides = array<i32>} : memref<128x128xf32, #tpu.memory_space<vmem>>, vector<1x16xf32>,
      %get3A_76 = vector.shape_cast %get3A_75 : vector<1x16xf32> to vector<16xf32>
      %get3A_77 = arith.index_cast %add3A_72 : i32 to index
      %get3A_78 = arith.constant 16 : index
      %get3A_79 = tpu.vector_load %arg6[%get3A_77, %get3A_78] {strides = array<i32>} : memref<128x128xf32, #tpu.memory_space<vmem>>, vector<1x16xf32>,
      %get3A_80 = vector.shape_cast %get3A_79 : vector<1x16xf32> to vector<16xf32>
      %get3A_81 = arith.index_cast %squeeze3A : i32 to index
      %get3A_82 = arith.constant 0 : index
      %get3A_83 = tpu.vector_load %arg7[%get3A_81, %get3A_82] {strides = array<i32>} : memref<512x32xf32, #tpu.memory_space<vmem>>, vector<1x16xf32>,
      %get3A_84 = vector.shape_cast %get3A_83 : vector<1x16xf32> to vector<16xf32>
      %get3A_85 = arith.index_cast %squeeze3A : i32 to index
      %get3A_86 = arith.constant 16 : index
      %get3A_87 = tpu.vector_load %arg7[%get3A_85, %get3A_86] {strides = array<i32>} : memref<512x32xf32, #tpu.memory_space<vmem>>, vector<1x16xf32>,
      %get3A_88 = vector.shape_cast %get3A_87 : vector<1x16xf32> to vector<16xf32>
      %max3A = arith.maximumf %get3A_84, %get3A_76 : vector<16xf32>
      %swap3A = arith.index_cast %squeeze3A : i32 to index
      %swap3A_89 = arith.constant 0 : index
      %swap3A_90 = tpu.vector_load %arg7[%swap3A, %swap3A_89] {strides = array<i32>} : memref<512x32xf32, #tpu.memory_space<vmem>>, vector<1x16xf32>,
      %swap3A_91 = vector.shape_cast %swap3A_90 : vector<1x16xf32> to vector<16xf32>
      %swap3A_92 = vector.shape_cast %max3A : vector<16xf32> to vector<1x16xf32>
      tpu.vector_store %arg7[%swap3A, %swap3A_89], %swap3A_92 {strides = array<i32>} : memref<512x32xf32, #tpu.memory_space<vmem>>, vector<1x16xf32>,
      %max3A_93 = arith.maximumf %get3A_88, %get3A_80 : vector<16xf32>
      %swap3A_94 = arith.index_cast %squeeze3A : i32 to index
      %swap3A_95 = arith.constant 16 : index
      %swap3A_96 = tpu.vector_load %arg7[%swap3A_94, %swap3A_95] {strides = array<i32>} : memref<512x32xf32, #tpu.memory_space<vmem>>, vector<1x16xf32>,
      %swap3A_97 = vector.shape_cast %swap3A_96 : vector<1x16xf32> to vector<16xf32>
      %swap3A_98 = vector.shape_cast %max3A_93 : vector<16xf32> to vector<1x16xf32>
      tpu.vector_store %arg7[%swap3A_94, %swap3A_95], %swap3A_98 {strides = array<i32>} : memref<512x32xf32, #tpu.memory_space<vmem>>, vector<1x16xf32>,
      %slice3A_99 = vector.extract_strided_slice %get3A_68 {offsets = [1], sizes = [1], strides = [1]} : vector<16xi32> to vector<1xi32>
      %squeeze3A_100 = vector.extract %slice3A_99[0] : i32 from vector<1xi32>
      %mul3A_101 = arith.constant 4 : i32
      %mul3A_102 = arith.muli %scan3A_61, %mul3A_101 : i32
      %add3A_103 = arith.constant 0 : i32
      %add3A_104 = arith.addi %mul3A_102, %add3A_103 : i32
      %get3A_105 = arith.index_cast %add3A_104 : i32 to index
      %get3A_106 = arith.constant 32 : index
      %get3A_107 = tpu.vector_load %arg6[%get3A_105, %get3A_106] {strides = array<i32>} : memref<128x128xf32, #tpu.memory_space<vmem>>, vector<1x16xf32>,
      %get3A_108 = vector.shape_cast %get3A_107 : vector<1x16xf32> to vector<16xf32>
      %get3A_109 = arith.index_cast %add3A_104 : i32 to index
      %get3A_110 = arith.constant 48 : index
      %get3A_111 = tpu.vector_load %arg6[%get3A_109, %get3A_110] {strides = array<i32>} : memref<128x128xf32, #tpu.memory_space<vmem>>, vector<1x16xf32>,
      %get3A_112 = vector.shape_cast %get3A_111 : vector<1x16xf32> to vector<16xf32>
      %get3A_113 = arith.index_cast %squeeze3A_100 : i32 to index
      %get3A_114 = arith.constant 0 : index
      %get3A_115 = tpu.vector_load %arg7[%get3A_113, %get3A_114] {strides = array<i32>} : memref<512x32xf32, #tpu.memory_space<vmem>>, vector<1x16xf32>,
      %get3A_116 = vector.shape_cast %get3A_115 : vector<1x16xf32> to vector<16xf32>
      %get3A_117 = arith.index_cast %squeeze3A_100 : i32 to index
      %get3A_118 = arith.constant 16 : index
      %get3A_119 = tpu.vector_load %arg7[%get3A_117, %get3A_118] {strides = array<i32>} : memref<512x32xf32, #tpu.memory_space<vmem>>, vector<1x16xf32>,
      %get3A_120 = vector.shape_cast %get3A_119 : vector<1x16xf32> to vector<16xf32>
      %max3A_121 = arith.maximumf %get3A_116, %get3A_108 : vector<16xf32>
      %swap3A_122 = arith.index_cast %squeeze3A_100 : i32 to index
      %swap3A_123 = arith.constant 0 : index
      %swap3A_124 = tpu.vector_load %arg7[%swap3A_122, %swap3A_123] {strides = array<i32>} : memref<512x32xf32, #tpu.memory_space<vmem>>, vector<1x16xf32>,
      %swap3A_125 = vector.shape_cast %swap3A_124 : vector<1x16xf32> to vector<16xf32>
      %swap3A_126 = vector.shape_cast %max3A_121 : vector<16xf32> to vector<1x16xf32>
      tpu.vector_store %arg7[%swap3A_122, %swap3A_123], %swap3A_126 {strides = array<i32>} : memref<512x32xf32, #tpu.memory_space<vmem>>, vector<1x16xf32>,
      %max3A_127 = arith.maximumf %get3A_120, %get3A_112 : vector<16xf32>
      %swap3A_128 = arith.index_cast %squeeze3A_100 : i32 to index
      %swap3A_129 = arith.constant 16 : index
      %swap3A_130 = tpu.vector_load %arg7[%swap3A_128, %swap3A_129] {strides = array<i32>} : memref<512x32xf32, #tpu.memory_space<vmem>>, vector<1x16xf32>,
      %swap3A_131 = vector.shape_cast %swap3A_130 : vector<1x16xf32> to vector<16xf32>
      %swap3A_132 = vector.shape_cast %max3A_127 : vector<16xf32> to vector<1x16xf32>
      tpu.vector_store %arg7[%swap3A_128, %swap3A_129], %swap3A_132 {strides = array<i32>} : memref<512x32xf32, #tpu.memory_space<vmem>>, vector<1x16xf32>,
      %slice3A_133 = vector.extract_strided_slice %get3A_68 {offsets = [2], sizes = [1], strides = [1]} : vector<16xi32> to vector<1xi32>
      %squeeze3A_134 = vector.extract %slice3A_133[0] : i32 from vector<1xi32>
      %mul3A_135 = arith.constant 4 : i32
      %mul3A_136 = arith.muli %scan3A_61, %mul3A_135 : i32
      %add3A_137 = arith.constant 0 : i32
      %add3A_138 = arith.addi %mul3A_136, %add3A_137 : i32
      %get3A_139 = arith.index_cast %add3A_138 : i32 to index
      %get3A_140 = arith.constant 64 : index
      %get3A_141 = tpu.vector_load %arg6[%get3A_139, %get3A_140] {strides = array<i32>} : memref<128x128xf32, #tpu.memory_space<vmem>>, vector<1x16xf32>,
      %get3A_142 = vector.shape_cast %get3A_141 : vector<1x16xf32> to vector<16xf32>
      %get3A_143 = arith.index_cast %add3A_138 : i32 to index
      %get3A_144 = arith.constant 80 : index
      %get3A_145 = tpu.vector_load %arg6[%get3A_143, %get3A_144] {strides = array<i32>} : memref<128x128xf32, #tpu.memory_space<vmem>>, vector<1x16xf32>,
      %get3A_146 = vector.shape_cast %get3A_145 : vector<1x16xf32> to vector<16xf32>
      %get3A_147 = arith.index_cast %squeeze3A_134 : i32 to index
      %get3A_148 = arith.constant 0 : index
      %get3A_149 = tpu.vector_load %arg7[%get3A_147, %get3A_148] {strides = array<i32>} : memref<512x32xf32, #tpu.memory_space<vmem>>, vector<1x16xf32>,
      %get3A_150 = vector.shape_cast %get3A_149 : vector<1x16xf32> to vector<16xf32>
      %get3A_151 = arith.index_cast %squeeze3A_134 : i32 to index
      %get3A_152 = arith.constant 16 : index
      %get3A_153 = tpu.vector_load %arg7[%get3A_151, %get3A_152] {strides = array<i32>} : memref<512x32xf32, #tpu.memory_space<vmem>>, vector<1x16xf32>,
      %get3A_154 = vector.shape_cast %get3A_153 : vector<1x16xf32> to vector<16xf32>
      %max3A_155 = arith.maximumf %get3A_150, %get3A_142 : vector<16xf32>
      %swap3A_156 = arith.index_cast %squeeze3A_134 : i32 to index
      %swap3A_157 = arith.constant 0 : index
      %swap3A_158 = tpu.vector_load %arg7[%swap3A_156, %swap3A_157] {strides = array<i32>} : memref<512x32xf32, #tpu.memory_space<vmem>>, vector<1x16xf32>,
      %swap3A_159 = vector.shape_cast %swap3A_158 : vector<1x16xf32> to vector<16xf32>
      %swap3A_160 = vector.shape_cast %max3A_155 : vector<16xf32> to vector<1x16xf32>
      tpu.vector_store %arg7[%swap3A_156, %swap3A_157], %swap3A_160 {strides = array<i32>} : memref<512x32xf32, #tpu.memory_space<vmem>>, vector<1x16xf32>,
      %max3A_161 = arith.maximumf %get3A_154, %get3A_146 : vector<16xf32>
      %swap3A_162 = arith.index_cast %squeeze3A_134 : i32 to index
      %swap3A_163 = arith.constant 16 : index
      %swap3A_164 = tpu.vector_load %arg7[%swap3A_162, %swap3A_163] {strides = array<i32>} : memref<512x32xf32, #tpu.memory_space<vmem>>, vector<1x16xf32>,
      %swap3A_165 = vector.shape_cast %swap3A_164 : vector<1x16xf32> to vector<16xf32>
      %swap3A_166 = vector.shape_cast %max3A_161 : vector<16xf32> to vector<1x16xf32>
      tpu.vector_store %arg7[%swap3A_162, %swap3A_163], %swap3A_166 {strides = array<i32>} : memref<512x32xf32, #tpu.memory_space<vmem>>, vector<1x16xf32>,
      %slice3A_167 = vector.extract_strided_slice %get3A_68 {offsets = [3], sizes = [1], strides = [1]} : vector<16xi32> to vector<1xi32>
      %squeeze3A_168 = vector.extract %slice3A_167[0] : i32 from vector<1xi32>
      %mul3A_169 = arith.constant 4 : i32
      %mul3A_170 = arith.muli %scan3A_61, %mul3A_169 : i32
      %add3A_171 = arith.constant 0 : i32
      %add3A_172 = arith.addi %mul3A_170, %add3A_171 : i32
      %get3A_173 = arith.index_cast %add3A_172 : i32 to index
      %get3A_174 = arith.constant 96 : index
      %get3A_175 = tpu.vector_load %arg6[%get3A_173, %get3A_174] {strides = array<i32>} : memref<128x128xf32, #tpu.memory_space<vmem>>, vector<1x16xf32>,
      %get3A_176 = vector.shape_cast %get3A_175 : vector<1x16xf32> to vector<16xf32>
      %get3A_177 = arith.index_cast %add3A_172 : i32 to index
      %get3A_178 = arith.constant 112 : index
      %get3A_179 = tpu.vector_load %arg6[%get3A_177, %get3A_178] {strides = array<i32>} : memref<128x128xf32, #tpu.memory_space<vmem>>, vector<1x16xf32>,
      %get3A_180 = vector.shape_cast %get3A_179 : vector<1x16xf32> to vector<16xf32>
      %get3A_181 = arith.index_cast %squeeze3A_168 : i32 to index
      %get3A_182 = arith.constant 0 : index
      %get3A_183 = tpu.vector_load %arg7[%get3A_181, %get3A_182] {strides = array<i32>} : memref<512x32xf32, #tpu.memory_space<vmem>>, vector<1x16xf32>,
      %get3A_184 = vector.shape_cast %get3A_183 : vector<1x16xf32> to vector<16xf32>
      %get3A_185 = arith.index_cast %squeeze3A_168 : i32 to index
      %get3A_186 = arith.constant 16 : index
      %get3A_187 = tpu.vector_load %arg7[%get3A_185, %get3A_186] {strides = array<i32>} : memref<512x32xf32, #tpu.memory_space<vmem>>, vector<1x16xf32>,
      %get3A_188 = vector.shape_cast %get3A_187 : vector<1x16xf32> to vector<16xf32>
      %max3A_189 = arith.maximumf %get3A_184, %get3A_176 : vector<16xf32>
      %swap3A_190 = arith.index_cast %squeeze3A_168 : i32 to index
      %swap3A_191 = arith.constant 0 : index
      %swap3A_192 = tpu.vector_load %arg7[%swap3A_190, %swap3A_191] {strides = array<i32>} : memref<512x32xf32, #tpu.memory_space<vmem>>, vector<1x16xf32>,
      %swap3A_193 = vector.shape_cast %swap3A_192 : vector<1x16xf32> to vector<16xf32>
      %swap3A_194 = vector.shape_cast %max3A_189 : vector<16xf32> to vector<1x16xf32>
      tpu.vector_store %arg7[%swap3A_190, %swap3A_191], %swap3A_194 {strides = array<i32>} : memref<512x32xf32, #tpu.memory_space<vmem>>, vector<1x16xf32>,
      %max3A_195 = arith.maximumf %get3A_188, %get3A_180 : vector<16xf32>
      %swap3A_196 = arith.index_cast %squeeze3A_168 : i32 to index
      %swap3A_197 = arith.constant 16 : index
      %swap3A_198 = tpu.vector_load %arg7[%swap3A_196, %swap3A_197] {strides = array<i32>} : memref<512x32xf32, #tpu.memory_space<vmem>>, vector<1x16xf32>,
      %swap3A_199 = vector.shape_cast %swap3A_198 : vector<1x16xf32> to vector<16xf32>
      %swap3A_200 = vector.shape_cast %max3A_195 : vector<16xf32> to vector<1x16xf32>
      tpu.vector_store %arg7[%swap3A_196, %swap3A_197], %swap3A_200 {strides = array<i32>} : memref<512x32xf32, #tpu.memory_space<vmem>>, vector<1x16xf32>,
      %slice3A_201 = vector.extract_strided_slice %get3A_68 {offsets = [4], sizes = [1], strides = [1]} : vector<16xi32> to vector<1xi32>
      %squeeze3A_202 = vector.extract %slice3A_201[0] : i32 from vector<1xi32>
      %mul3A_203 = arith.constant 4 : i32
      %mul3A_204 = arith.muli %scan3A_61, %mul3A_203 : i32
      %add3A_205 = arith.constant 1 : i32
      %add3A_206 = arith.addi %mul3A_204, %add3A_205 : i32
      %get3A_207 = arith.index_cast %add3A_206 : i32 to index
      %get3A_208 = arith.constant 0 : index
      %get3A_209 = tpu.vector_load %arg6[%get3A_207, %get3A_208] {strides = array<i32>} : memref<128x128xf32, #tpu.memory_space<vmem>>, vector<1x16xf32>,
      %get3A_210 = vector.shape_cast %get3A_209 : vector<1x16xf32> to vector<16xf32>
      %get3A_211 = arith.index_cast %add3A_206 : i32 to index
      %get3A_212 = arith.constant 16 : index
      %get3A_213 = tpu.vector_load %arg6[%get3A_211, %get3A_212] {strides = array<i32>} : memref<128x128xf32, #tpu.memory_space<vmem>>, vector<1x16xf32>,
      %get3A_214 = vector.shape_cast %get3A_213 : vector<1x16xf32> to vector<16xf32>
      %get3A_215 = arith.index_cast %squeeze3A_202 : i32 to index
      %get3A_216 = arith.constant 0 : index
      %get3A_217 = tpu.vector_load %arg7[%get3A_215, %get3A_216] {strides = array<i32>} : memref<512x32xf32, #tpu.memory_space<vmem>>, vector<1x16xf32>,
      %get3A_218 = vector.shape_cast %get3A_217 : vector<1x16xf32> to vector<16xf32>
      %get3A_219 = arith.index_cast %squeeze3A_202 : i32 to index
      %get3A_220 = arith.constant 16 : index
      %get3A_221 = tpu.vector_load %arg7[%get3A_219, %get3A_220] {strides = array<i32>} : memref<512x32xf32, #tpu.memory_space<vmem>>, vector<1x16xf32>,
      %get3A_222 = vector.shape_cast %get3A_221 : vector<1x16xf32> to vector<16xf32>
      %max3A_223 = arith.maximumf %get3A_218, %get3A_210 : vector<16xf32>
      %swap3A_224 = arith.index_cast %squeeze3A_202 : i32 to index
      %swap3A_225 = arith.constant 0 : index
      %swap3A_226 = tpu.vector_load %arg7[%swap3A_224, %swap3A_225] {strides = array<i32>} : memref<512x32xf32, #tpu.memory_space<vmem>>, vector<1x16xf32>,
      %swap3A_227 = vector.shape_cast %swap3A_226 : vector<1x16xf32> to vector<16xf32>
      %swap3A_228 = vector.shape_cast %max3A_223 : vector<16xf32> to vector<1x16xf32>
      tpu.vector_store %arg7[%swap3A_224, %swap3A_225], %swap3A_228 {strides = array<i32>} : memref<512x32xf32, #tpu.memory_space<vmem>>, vector<1x16xf32>,
      %max3A_229 = arith.maximumf %get3A_222, %get3A_214 : vector<16xf32>
      %swap3A_230 = arith.index_cast %squeeze3A_202 : i32 to index
      %swap3A_231 = arith.constant 16 : index
      %swap3A_232 = tpu.vector_load %arg7[%swap3A_230, %swap3A_231] {strides = array<i32>} : memref<512x32xf32, #tpu.memory_space<vmem>>, vector<1x16xf32>,
      %swap3A_233 = vector.shape_cast %swap3A_232 : vector<1x16xf32> to vector<16xf32>
      %swap3A_234 = vector.shape_cast %max3A_229 : vector<16xf32> to vector<1x16xf32>
      tpu.vector_store %arg7[%swap3A_230, %swap3A_231], %swap3A_234 {strides = array<i32>} : memref<512x32xf32, #tpu.memory_space<vmem>>, vector<1x16xf32>,
      %slice3A_235 = vector.extract_strided_slice %get3A_68 {offsets = [5], sizes = [1], strides = [1]} : vector<16xi32> to vector<1xi32>
      %squeeze3A_236 = vector.extract %slice3A_235[0] : i32 from vector<1xi32>
      %mul3A_237 = arith.constant 4 : i32
      %mul3A_238 = arith.muli %scan3A_61, %mul3A_237 : i32
      %add3A_239 = arith.constant 1 : i32
      %add3A_240 = arith.addi %mul3A_238, %add3A_239 : i32
      %get3A_241 = arith.index_cast %add3A_240 : i32 to index
      %get3A_242 = arith.constant 32 : index
      %get3A_243 = tpu.vector_load %arg6[%get3A_241, %get3A_242] {strides = array<i32>} : memref<128x128xf32, #tpu.memory_space<vmem>>, vector<1x16xf32>,
      %get3A_244 = vector.shape_cast %get3A_243 : vector<1x16xf32> to vector<16xf32>
      %get3A_245 = arith.index_cast %add3A_240 : i32 to index
      %get3A_246 = arith.constant 48 : index
      %get3A_247 = tpu.vector_load %arg6[%get3A_245, %get3A_246] {strides = array<i32>} : memref<128x128xf32, #tpu.memory_space<vmem>>, vector<1x16xf32>,
      %get3A_248 = vector.shape_cast %get3A_247 : vector<1x16xf32> to vector<16xf32>
      %get3A_249 = arith.index_cast %squeeze3A_236 : i32 to index
      %get3A_250 = arith.constant 0 : index
      %get3A_251 = tpu.vector_load %arg7[%get3A_249, %get3A_250] {strides = array<i32>} : memref<512x32xf32, #tpu.memory_space<vmem>>, vector<1x16xf32>,
      %get3A_252 = vector.shape_cast %get3A_251 : vector<1x16xf32> to vector<16xf32>
      %get3A_253 = arith.index_cast %squeeze3A_236 : i32 to index
      %get3A_254 = arith.constant 16 : index
      %get3A_255 = tpu.vector_load %arg7[%get3A_253, %get3A_254] {strides = array<i32>} : memref<512x32xf32, #tpu.memory_space<vmem>>, vector<1x16xf32>,
      %get3A_256 = vector.shape_cast %get3A_255 : vector<1x16xf32> to vector<16xf32>
      %max3A_257 = arith.maximumf %get3A_252, %get3A_244 : vector<16xf32>
      %swap3A_258 = arith.index_cast %squeeze3A_236 : i32 to index
      %swap3A_259 = arith.constant 0 : index
      %swap3A_260 = tpu.vector_load %arg7[%swap3A_258, %swap3A_259] {strides = array<i32>} : memref<512x32xf32, #tpu.memory_space<vmem>>, vector<1x16xf32>,
      %swap3A_261 = vector.shape_cast %swap3A_260 : vector<1x16xf32> to vector<16xf32>
      %swap3A_262 = vector.shape_cast %max3A_257 : vector<16xf32> to vector<1x16xf32>
      tpu.vector_store %arg7[%swap3A_258, %swap3A_259], %swap3A_262 {strides = array<i32>} : memref<512x32xf32, #tpu.memory_space<vmem>>, vector<1x16xf32>,
      %max3A_263 = arith.maximumf %get3A_256, %get3A_248 : vector<16xf32>
      %swap3A_264 = arith.index_cast %squeeze3A_236 : i32 to index
      %swap3A_265 = arith.constant 16 : index
      %swap3A_266 = tpu.vector_load %arg7[%swap3A_264, %swap3A_265] {strides = array<i32>} : memref<512x32xf32, #tpu.memory_space<vmem>>, vector<1x16xf32>,
      %swap3A_267 = vector.shape_cast %swap3A_266 : vector<1x16xf32> to vector<16xf32>
      %swap3A_268 = vector.shape_cast %max3A_263 : vector<16xf32> to vector<1x16xf32>
      tpu.vector_store %arg7[%swap3A_264, %swap3A_265], %swap3A_268 {strides = array<i32>} : memref<512x32xf32, #tpu.memory_space<vmem>>, vector<1x16xf32>,
      %slice3A_269 = vector.extract_strided_slice %get3A_68 {offsets = [6], sizes = [1], strides = [1]} : vector<16xi32> to vector<1xi32>
      %squeeze3A_270 = vector.extract %slice3A_269[0] : i32 from vector<1xi32>
      %mul3A_271 = arith.constant 4 : i32
      %mul3A_272 = arith.muli %scan3A_61, %mul3A_271 : i32
      %add3A_273 = arith.constant 1 : i32
      %add3A_274 = arith.addi %mul3A_272, %add3A_273 : i32
      %get3A_275 = arith.index_cast %add3A_274 : i32 to index
      %get3A_276 = arith.constant 64 : index
      %get3A_277 = tpu.vector_load %arg6[%get3A_275, %get3A_276] {strides = array<i32>} : memref<128x128xf32, #tpu.memory_space<vmem>>, vector<1x16xf32>,
      %get3A_278 = vector.shape_cast %get3A_277 : vector<1x16xf32> to vector<16xf32>
      %get3A_279 = arith.index_cast %add3A_274 : i32 to index
      %get3A_280 = arith.constant 80 : index
      %get3A_281 = tpu.vector_load %arg6[%get3A_279, %get3A_280] {strides = array<i32>} : memref<128x128xf32, #tpu.memory_space<vmem>>, vector<1x16xf32>,
      %get3A_282 = vector.shape_cast %get3A_281 : vector<1x16xf32> to vector<16xf32>
      %get3A_283 = arith.index_cast %squeeze3A_270 : i32 to index
      %get3A_284 = arith.constant 0 : index
      %get3A_285 = tpu.vector_load %arg7[%get3A_283, %get3A_284] {strides = array<i32>} : memref<512x32xf32, #tpu.memory_space<vmem>>, vector<1x16xf32>,
      %get3A_286 = vector.shape_cast %get3A_285 : vector<1x16xf32> to vector<16xf32>
      %get3A_287 = arith.index_cast %squeeze3A_270 : i32 to index
      %get3A_288 = arith.constant 16 : index
      %get3A_289 = tpu.vector_load %arg7[%get3A_287, %get3A_288] {strides = array<i32>} : memref<512x32xf32, #tpu.memory_space<vmem>>, vector<1x16xf32>,
      %get3A_290 = vector.shape_cast %get3A_289 : vector<1x16xf32> to vector<16xf32>
      %max3A_291 = arith.maximumf %get3A_286, %get3A_278 : vector<16xf32>
      %swap3A_292 = arith.index_cast %squeeze3A_270 : i32 to index
      %swap3A_293 = arith.constant 0 : index
      %swap3A_294 = tpu.vector_load %arg7[%swap3A_292, %swap3A_293] {strides = array<i32>} : memref<512x32xf32, #tpu.memory_space<vmem>>, vector<1x16xf32>,
      %swap3A_295 = vector.shape_cast %swap3A_294 : vector<1x16xf32> to vector<16xf32>
      %swap3A_296 = vector.shape_cast %max3A_291 : vector<16xf32> to vector<1x16xf32>
      tpu.vector_store %arg7[%swap3A_292, %swap3A_293], %swap3A_296 {strides = array<i32>} : memref<512x32xf32, #tpu.memory_space<vmem>>, vector<1x16xf32>,
      %max3A_297 = arith.maximumf %get3A_290, %get3A_282 : vector<16xf32>
      %swap3A_298 = arith.index_cast %squeeze3A_270 : i32 to index
      %swap3A_299 = arith.constant 16 : index
      %swap3A_300 = tpu.vector_load %arg7[%swap3A_298, %swap3A_299] {strides = array<i32>} : memref<512x32xf32, #tpu.memory_space<vmem>>, vector<1x16xf32>,
      %swap3A_301 = vector.shape_cast %swap3A_300 : vector<1x16xf32> to vector<16xf32>
      %swap3A_302 = vector.shape_cast %max3A_297 : vector<16xf32> to vector<1x16xf32>
      tpu.vector_store %arg7[%swap3A_298, %swap3A_299], %swap3A_302 {strides = array<i32>} : memref<512x32xf32, #tpu.memory_space<vmem>>, vector<1x16xf32>,
      %slice3A_303 = vector.extract_strided_slice %get3A_68 {offsets = [7], sizes = [1], strides = [1]} : vector<16xi32> to vector<1xi32>
      %squeeze3A_304 = vector.extract %slice3A_303[0] : i32 from vector<1xi32>
      %mul3A_305 = arith.constant 4 : i32
      %mul3A_306 = arith.muli %scan3A_61, %mul3A_305 : i32
      %add3A_307 = arith.constant 1 : i32
      %add3A_308 = arith.addi %mul3A_306, %add3A_307 : i32
      %get3A_309 = arith.index_cast %add3A_308 : i32 to index
      %get3A_310 = arith.constant 96 : index
      %get3A_311 = tpu.vector_load %arg6[%get3A_309, %get3A_310] {strides = array<i32>} : memref<128x128xf32, #tpu.memory_space<vmem>>, vector<1x16xf32>,
      %get3A_312 = vector.shape_cast %get3A_311 : vector<1x16xf32> to vector<16xf32>
      %get3A_313 = arith.index_cast %add3A_308 : i32 to index
      %get3A_314 = arith.constant 112 : index
      %get3A_315 = tpu.vector_load %arg6[%get3A_313, %get3A_314] {strides = array<i32>} : memref<128x128xf32, #tpu.memory_space<vmem>>, vector<1x16xf32>,
      %get3A_316 = vector.shape_cast %get3A_315 : vector<1x16xf32> to vector<16xf32>
      %get3A_317 = arith.index_cast %squeeze3A_304 : i32 to index
      %get3A_318 = arith.constant 0 : index
      %get3A_319 = tpu.vector_load %arg7[%get3A_317, %get3A_318] {strides = array<i32>} : memref<512x32xf32, #tpu.memory_space<vmem>>, vector<1x16xf32>,
      %get3A_320 = vector.shape_cast %get3A_319 : vector<1x16xf32> to vector<16xf32>
      %get3A_321 = arith.index_cast %squeeze3A_304 : i32 to index
      %get3A_322 = arith.constant 16 : index
      %get3A_323 = tpu.vector_load %arg7[%get3A_321, %get3A_322] {strides = array<i32>} : memref<512x32xf32, #tpu.memory_space<vmem>>, vector<1x16xf32>,
      %get3A_324 = vector.shape_cast %get3A_323 : vector<1x16xf32> to vector<16xf32>
      %max3A_325 = arith.maximumf %get3A_320, %get3A_312 : vector<16xf32>
      %swap3A_326 = arith.index_cast %squeeze3A_304 : i32 to index
      %swap3A_327 = arith.constant 0 : index
      %swap3A_328 = tpu.vector_load %arg7[%swap3A_326, %swap3A_327] {strides = array<i32>} : memref<512x32xf32, #tpu.memory_space<vmem>>, vector<1x16xf32>,
      %swap3A_329 = vector.shape_cast %swap3A_328 : vector<1x16xf32> to vector<16xf32>
      %swap3A_330 = vector.shape_cast %max3A_325 : vector<16xf32> to vector<1x16xf32>
      tpu.vector_store %arg7[%swap3A_326, %swap3A_327], %swap3A_330 {strides = array<i32>} : memref<512x32xf32, #tpu.memory_space<vmem>>, vector<1x16xf32>,
      %max3A_331 = arith.maximumf %get3A_324, %get3A_316 : vector<16xf32>
      %swap3A_332 = arith.index_cast %squeeze3A_304 : i32 to index
      %swap3A_333 = arith.constant 16 : index
      %swap3A_334 = tpu.vector_load %arg7[%swap3A_332, %swap3A_333] {strides = array<i32>} : memref<512x32xf32, #tpu.memory_space<vmem>>, vector<1x16xf32>,
      %swap3A_335 = vector.shape_cast %swap3A_334 : vector<1x16xf32> to vector<16xf32>
      %swap3A_336 = vector.shape_cast %max3A_331 : vector<16xf32> to vector<1x16xf32>
      tpu.vector_store %arg7[%swap3A_332, %swap3A_333], %swap3A_336 {strides = array<i32>} : memref<512x32xf32, #tpu.memory_space<vmem>>, vector<1x16xf32>,
      %slice3A_337 = vector.extract_strided_slice %get3A_68 {offsets = [8], sizes = [1], strides = [1]} : vector<16xi32> to vector<1xi32>
      %squeeze3A_338 = vector.extract %slice3A_337[0] : i32 from vector<1xi32>
      %mul3A_339 = arith.constant 4 : i32
      %mul3A_340 = arith.muli %scan3A_61, %mul3A_339 : i32
      %add3A_341 = arith.constant 2 : i32
      %add3A_342 = arith.addi %mul3A_340, %add3A_341 : i32
      %get3A_343 = arith.index_cast %add3A_342 : i32 to index
      %get3A_344 = arith.constant 0 : index
      %get3A_345 = tpu.vector_load %arg6[%get3A_343, %get3A_344] {strides = array<i32>} : memref<128x128xf32, #tpu.memory_space<vmem>>, vector<1x16xf32>,
      %get3A_346 = vector.shape_cast %get3A_345 : vector<1x16xf32> to vector<16xf32>
      %get3A_347 = arith.index_cast %add3A_342 : i32 to index
      %get3A_348 = arith.constant 16 : index
      %get3A_349 = tpu.vector_load %arg6[%get3A_347, %get3A_348] {strides = array<i32>} : memref<128x128xf32, #tpu.memory_space<vmem>>, vector<1x16xf32>,
      %get3A_350 = vector.shape_cast %get3A_349 : vector<1x16xf32> to vector<16xf32>
      %get3A_351 = arith.index_cast %squeeze3A_338 : i32 to index
      %get3A_352 = arith.constant 0 : index
      %get3A_353 = tpu.vector_load %arg7[%get3A_351, %get3A_352] {strides = array<i32>} : memref<512x32xf32, #tpu.memory_space<vmem>>, vector<1x16xf32>,
      %get3A_354 = vector.shape_cast %get3A_353 : vector<1x16xf32> to vector<16xf32>
      %get3A_355 = arith.index_cast %squeeze3A_338 : i32 to index
      %get3A_356 = arith.constant 16 : index
      %get3A_357 = tpu.vector_load %arg7[%get3A_355, %get3A_356] {strides = array<i32>} : memref<512x32xf32, #tpu.memory_space<vmem>>, vector<1x16xf32>,
      %get3A_358 = vector.shape_cast %get3A_357 : vector<1x16xf32> to vector<16xf32>
      %max3A_359 = arith.maximumf %get3A_354, %get3A_346 : vector<16xf32>
      %swap3A_360 = arith.index_cast %squeeze3A_338 : i32 to index
      %swap3A_361 = arith.constant 0 : index
      %swap3A_362 = tpu.vector_load %arg7[%swap3A_360, %swap3A_361] {strides = array<i32>} : memref<512x32xf32, #tpu.memory_space<vmem>>, vector<1x16xf32>,
      %swap3A_363 = vector.shape_cast %swap3A_362 : vector<1x16xf32> to vector<16xf32>
      %swap3A_364 = vector.shape_cast %max3A_359 : vector<16xf32> to vector<1x16xf32>
      tpu.vector_store %arg7[%swap3A_360, %swap3A_361], %swap3A_364 {strides = array<i32>} : memref<512x32xf32, #tpu.memory_space<vmem>>, vector<1x16xf32>,
      %max3A_365 = arith.maximumf %get3A_358, %get3A_350 : vector<16xf32>
      %swap3A_366 = arith.index_cast %squeeze3A_338 : i32 to index
      %swap3A_367 = arith.constant 16 : index
      %swap3A_368 = tpu.vector_load %arg7[%swap3A_366, %swap3A_367] {strides = array<i32>} : memref<512x32xf32, #tpu.memory_space<vmem>>, vector<1x16xf32>,
      %swap3A_369 = vector.shape_cast %swap3A_368 : vector<1x16xf32> to vector<16xf32>
      %swap3A_370 = vector.shape_cast %max3A_365 : vector<16xf32> to vector<1x16xf32>
      tpu.vector_store %arg7[%swap3A_366, %swap3A_367], %swap3A_370 {strides = array<i32>} : memref<512x32xf32, #tpu.memory_space<vmem>>, vector<1x16xf32>,
      %slice3A_371 = vector.extract_strided_slice %get3A_68 {offsets = [9], sizes = [1], strides = [1]} : vector<16xi32> to vector<1xi32>
      %squeeze3A_372 = vector.extract %slice3A_371[0] : i32 from vector<1xi32>
      %mul3A_373 = arith.constant 4 : i32
      %mul3A_374 = arith.muli %scan3A_61, %mul3A_373 : i32
      %add3A_375 = arith.constant 2 : i32
      %add3A_376 = arith.addi %mul3A_374, %add3A_375 : i32
      %get3A_377 = arith.index_cast %add3A_376 : i32 to index
      %get3A_378 = arith.constant 32 : index
      %get3A_379 = tpu.vector_load %arg6[%get3A_377, %get3A_378] {strides = array<i32>} : memref<128x128xf32, #tpu.memory_space<vmem>>, vector<1x16xf32>,
      %get3A_380 = vector.shape_cast %get3A_379 : vector<1x16xf32> to vector<16xf32>
      %get3A_381 = arith.index_cast %add3A_376 : i32 to index
      %get3A_382 = arith.constant 48 : index
      %get3A_383 = tpu.vector_load %arg6[%get3A_381, %get3A_382] {strides = array<i32>} : memref<128x128xf32, #tpu.memory_space<vmem>>, vector<1x16xf32>,
      %get3A_384 = vector.shape_cast %get3A_383 : vector<1x16xf32> to vector<16xf32>
      %get3A_385 = arith.index_cast %squeeze3A_372 : i32 to index
      %get3A_386 = arith.constant 0 : index
      %get3A_387 = tpu.vector_load %arg7[%get3A_385, %get3A_386] {strides = array<i32>} : memref<512x32xf32, #tpu.memory_space<vmem>>, vector<1x16xf32>,
      %get3A_388 = vector.shape_cast %get3A_387 : vector<1x16xf32> to vector<16xf32>
      %get3A_389 = arith.index_cast %squeeze3A_372 : i32 to index
      %get3A_390 = arith.constant 16 : index
      %get3A_391 = tpu.vector_load %arg7[%get3A_389, %get3A_390] {strides = array<i32>} : memref<512x32xf32, #tpu.memory_space<vmem>>, vector<1x16xf32>,
      %get3A_392 = vector.shape_cast %get3A_391 : vector<1x16xf32> to vector<16xf32>
      %max3A_393 = arith.maximumf %get3A_388, %get3A_380 : vector<16xf32>
      %swap3A_394 = arith.index_cast %squeeze3A_372 : i32 to index
      %swap3A_395 = arith.constant 0 : index
      %swap3A_396 = tpu.vector_load %arg7[%swap3A_394, %swap3A_395] {strides = array<i32>} : memref<512x32xf32, #tpu.memory_space<vmem>>, vector<1x16xf32>,
      %swap3A_397 = vector.shape_cast %swap3A_396 : vector<1x16xf32> to vector<16xf32>
      %swap3A_398 = vector.shape_cast %max3A_393 : vector<16xf32> to vector<1x16xf32>
      tpu.vector_store %arg7[%swap3A_394, %swap3A_395], %swap3A_398 {strides = array<i32>} : memref<512x32xf32, #tpu.memory_space<vmem>>, vector<1x16xf32>,
      %max3A_399 = arith.maximumf %get3A_392, %get3A_384 : vector<16xf32>
      %swap3A_400 = arith.index_cast %squeeze3A_372 : i32 to index
      %swap3A_401 = arith.constant 16 : index
      %swap3A_402 = tpu.vector_load %arg7[%swap3A_400, %swap3A_401] {strides = array<i32>} : memref<512x32xf32, #tpu.memory_space<vmem>>, vector<1x16xf32>,
      %swap3A_403 = vector.shape_cast %swap3A_402 : vector<1x16xf32> to vector<16xf32>
      %swap3A_404 = vector.shape_cast %max3A_399 : vector<16xf32> to vector<1x16xf32>
      tpu.vector_store %arg7[%swap3A_400, %swap3A_401], %swap3A_404 {strides = array<i32>} : memref<512x32xf32, #tpu.memory_space<vmem>>, vector<1x16xf32>,
      %slice3A_405 = vector.extract_strided_slice %get3A_68 {offsets = [10], sizes = [1], strides = [1]} : vector<16xi32> to vector<1xi32>
      %squeeze3A_406 = vector.extract %slice3A_405[0] : i32 from vector<1xi32>
      %mul3A_407 = arith.constant 4 : i32
      %mul3A_408 = arith.muli %scan3A_61, %mul3A_407 : i32
      %add3A_409 = arith.constant 2 : i32
      %add3A_410 = arith.addi %mul3A_408, %add3A_409 : i32
      %get3A_411 = arith.index_cast %add3A_410 : i32 to index
      %get3A_412 = arith.constant 64 : index
      %get3A_413 = tpu.vector_load %arg6[%get3A_411, %get3A_412] {strides = array<i32>} : memref<128x128xf32, #tpu.memory_space<vmem>>, vector<1x16xf32>,
      %get3A_414 = vector.shape_cast %get3A_413 : vector<1x16xf32> to vector<16xf32>
      %get3A_415 = arith.index_cast %add3A_410 : i32 to index
      %get3A_416 = arith.constant 80 : index
      %get3A_417 = tpu.vector_load %arg6[%get3A_415, %get3A_416] {strides = array<i32>} : memref<128x128xf32, #tpu.memory_space<vmem>>, vector<1x16xf32>,
      %get3A_418 = vector.shape_cast %get3A_417 : vector<1x16xf32> to vector<16xf32>
      %get3A_419 = arith.index_cast %squeeze3A_406 : i32 to index
      %get3A_420 = arith.constant 0 : index
      %get3A_421 = tpu.vector_load %arg7[%get3A_419, %get3A_420] {strides = array<i32>} : memref<512x32xf32, #tpu.memory_space<vmem>>, vector<1x16xf32>,
      %get3A_422 = vector.shape_cast %get3A_421 : vector<1x16xf32> to vector<16xf32>
      %get3A_423 = arith.index_cast %squeeze3A_406 : i32 to index
      %get3A_424 = arith.constant 16 : index
      %get3A_425 = tpu.vector_load %arg7[%get3A_423, %get3A_424] {strides = array<i32>} : memref<512x32xf32, #tpu.memory_space<vmem>>, vector<1x16xf32>,
      %get3A_426 = vector.shape_cast %get3A_425 : vector<1x16xf32> to vector<16xf32>
      %max3A_427 = arith.maximumf %get3A_422, %get3A_414 : vector<16xf32>
      %swap3A_428 = arith.index_cast %squeeze3A_406 : i32 to index
      %swap3A_429 = arith.constant 0 : index
      %swap3A_430 = tpu.vector_load %arg7[%swap3A_428, %swap3A_429] {strides = array<i32>} : memref<512x32xf32, #tpu.memory_space<vmem>>, vector<1x16xf32>,
      %swap3A_431 = vector.shape_cast %swap3A_430 : vector<1x16xf32> to vector<16xf32>
      %swap3A_432 = vector.shape_cast %max3A_427 : vector<16xf32> to vector<1x16xf32>
      tpu.vector_store %arg7[%swap3A_428, %swap3A_429], %swap3A_432 {strides = array<i32>} : memref<512x32xf32, #tpu.memory_space<vmem>>, vector<1x16xf32>,
      %max3A_433 = arith.maximumf %get3A_426, %get3A_418 : vector<16xf32>
      %swap3A_434 = arith.index_cast %squeeze3A_406 : i32 to index
      %swap3A_435 = arith.constant 16 : index
      %swap3A_436 = tpu.vector_load %arg7[%swap3A_434, %swap3A_435] {strides = array<i32>} : memref<512x32xf32, #tpu.memory_space<vmem>>, vector<1x16xf32>,
      %swap3A_437 = vector.shape_cast %swap3A_436 : vector<1x16xf32> to vector<16xf32>
      %swap3A_438 = vector.shape_cast %max3A_433 : vector<16xf32> to vector<1x16xf32>
      tpu.vector_store %arg7[%swap3A_434, %swap3A_435], %swap3A_438 {strides = array<i32>} : memref<512x32xf32, #tpu.memory_space<vmem>>, vector<1x16xf32>,
      %slice3A_439 = vector.extract_strided_slice %get3A_68 {offsets = [11], sizes = [1], strides = [1]} : vector<16xi32> to vector<1xi32>
      %squeeze3A_440 = vector.extract %slice3A_439[0] : i32 from vector<1xi32>
      %mul3A_441 = arith.constant 4 : i32
      %mul3A_442 = arith.muli %scan3A_61, %mul3A_441 : i32
      %add3A_443 = arith.constant 2 : i32
      %add3A_444 = arith.addi %mul3A_442, %add3A_443 : i32
      %get3A_445 = arith.index_cast %add3A_444 : i32 to index
      %get3A_446 = arith.constant 96 : index
      %get3A_447 = tpu.vector_load %arg6[%get3A_445, %get3A_446] {strides = array<i32>} : memref<128x128xf32, #tpu.memory_space<vmem>>, vector<1x16xf32>,
      %get3A_448 = vector.shape_cast %get3A_447 : vector<1x16xf32> to vector<16xf32>
      %get3A_449 = arith.index_cast %add3A_444 : i32 to index
      %get3A_450 = arith.constant 112 : index
      %get3A_451 = tpu.vector_load %arg6[%get3A_449, %get3A_450] {strides = array<i32>} : memref<128x128xf32, #tpu.memory_space<vmem>>, vector<1x16xf32>,
      %get3A_452 = vector.shape_cast %get3A_451 : vector<1x16xf32> to vector<16xf32>
      %get3A_453 = arith.index_cast %squeeze3A_440 : i32 to index
      %get3A_454 = arith.constant 0 : index
      %get3A_455 = tpu.vector_load %arg7[%get3A_453, %get3A_454] {strides = array<i32>} : memref<512x32xf32, #tpu.memory_space<vmem>>, vector<1x16xf32>,
      %get3A_456 = vector.shape_cast %get3A_455 : vector<1x16xf32> to vector<16xf32>
      %get3A_457 = arith.index_cast %squeeze3A_440 : i32 to index
      %get3A_458 = arith.constant 16 : index
      %get3A_459 = tpu.vector_load %arg7[%get3A_457, %get3A_458] {strides = array<i32>} : memref<512x32xf32, #tpu.memory_space<vmem>>, vector<1x16xf32>,
      %get3A_460 = vector.shape_cast %get3A_459 : vector<1x16xf32> to vector<16xf32>
      %max3A_461 = arith.maximumf %get3A_456, %get3A_448 : vector<16xf32>
      %swap3A_462 = arith.index_cast %squeeze3A_440 : i32 to index
      %swap3A_463 = arith.constant 0 : index
      %swap3A_464 = tpu.vector_load %arg7[%swap3A_462, %swap3A_463] {strides = array<i32>} : memref<512x32xf32, #tpu.memory_space<vmem>>, vector<1x16xf32>,
      %swap3A_465 = vector.shape_cast %swap3A_464 : vector<1x16xf32> to vector<16xf32>
      %swap3A_466 = vector.shape_cast %max3A_461 : vector<16xf32> to vector<1x16xf32>
      tpu.vector_store %arg7[%swap3A_462, %swap3A_463], %swap3A_466 {strides = array<i32>} : memref<512x32xf32, #tpu.memory_space<vmem>>, vector<1x16xf32>,
      %max3A_467 = arith.maximumf %get3A_460, %get3A_452 : vector<16xf32>
      %swap3A_468 = arith.index_cast %squeeze3A_440 : i32 to index
      %swap3A_469 = arith.constant 16 : index
      %swap3A_470 = tpu.vector_load %arg7[%swap3A_468, %swap3A_469] {strides = array<i32>} : memref<512x32xf32, #tpu.memory_space<vmem>>, vector<1x16xf32>,
      %swap3A_471 = vector.shape_cast %swap3A_470 : vector<1x16xf32> to vector<16xf32>
      %swap3A_472 = vector.shape_cast %max3A_467 : vector<16xf32> to vector<1x16xf32>
      tpu.vector_store %arg7[%swap3A_468, %swap3A_469], %swap3A_472 {strides = array<i32>} : memref<512x32xf32, #tpu.memory_space<vmem>>, vector<1x16xf32>,
      %slice3A_473 = vector.extract_strided_slice %get3A_68 {offsets = [12], sizes = [1], strides = [1]} : vector<16xi32> to vector<1xi32>
      %squeeze3A_474 = vector.extract %slice3A_473[0] : i32 from vector<1xi32>
      %mul3A_475 = arith.constant 4 : i32
      %mul3A_476 = arith.muli %scan3A_61, %mul3A_475 : i32
      %add3A_477 = arith.constant 3 : i32
      %add3A_478 = arith.addi %mul3A_476, %add3A_477 : i32
      %get3A_479 = arith.index_cast %add3A_478 : i32 to index
      %get3A_480 = arith.constant 0 : index
      %get3A_481 = tpu.vector_load %arg6[%get3A_479, %get3A_480] {strides = array<i32>} : memref<128x128xf32, #tpu.memory_space<vmem>>, vector<1x16xf32>,
      %get3A_482 = vector.shape_cast %get3A_481 : vector<1x16xf32> to vector<16xf32>
      %get3A_483 = arith.index_cast %add3A_478 : i32 to index
      %get3A_484 = arith.constant 16 : index
      %get3A_485 = tpu.vector_load %arg6[%get3A_483, %get3A_484] {strides = array<i32>} : memref<128x128xf32, #tpu.memory_space<vmem>>, vector<1x16xf32>,
      %get3A_486 = vector.shape_cast %get3A_485 : vector<1x16xf32> to vector<16xf32>
      %get3A_487 = arith.index_cast %squeeze3A_474 : i32 to index
      %get3A_488 = arith.constant 0 : index
      %get3A_489 = tpu.vector_load %arg7[%get3A_487, %get3A_488] {strides = array<i32>} : memref<512x32xf32, #tpu.memory_space<vmem>>, vector<1x16xf32>,
      %get3A_490 = vector.shape_cast %get3A_489 : vector<1x16xf32> to vector<16xf32>
      %get3A_491 = arith.index_cast %squeeze3A_474 : i32 to index
      %get3A_492 = arith.constant 16 : index
      %get3A_493 = tpu.vector_load %arg7[%get3A_491, %get3A_492] {strides = array<i32>} : memref<512x32xf32, #tpu.memory_space<vmem>>, vector<1x16xf32>,
      %get3A_494 = vector.shape_cast %get3A_493 : vector<1x16xf32> to vector<16xf32>
      %max3A_495 = arith.maximumf %get3A_490, %get3A_482 : vector<16xf32>
      %swap3A_496 = arith.index_cast %squeeze3A_474 : i32 to index
      %swap3A_497 = arith.constant 0 : index
      %swap3A_498 = tpu.vector_load %arg7[%swap3A_496, %swap3A_497] {strides = array<i32>} : memref<512x32xf32, #tpu.memory_space<vmem>>, vector<1x16xf32>,
      %swap3A_499 = vector.shape_cast %swap3A_498 : vector<1x16xf32> to vector<16xf32>
      %swap3A_500 = vector.shape_cast %max3A_495 : vector<16xf32> to vector<1x16xf32>
      tpu.vector_store %arg7[%swap3A_496, %swap3A_497], %swap3A_500 {strides = array<i32>} : memref<512x32xf32, #tpu.memory_space<vmem>>, vector<1x16xf32>,
      %max3A_501 = arith.maximumf %get3A_494, %get3A_486 : vector<16xf32>
      %swap3A_502 = arith.index_cast %squeeze3A_474 : i32 to index
      %swap3A_503 = arith.constant 16 : index
      %swap3A_504 = tpu.vector_load %arg7[%swap3A_502, %swap3A_503] {strides = array<i32>} : memref<512x32xf32, #tpu.memory_space<vmem>>, vector<1x16xf32>,
      %swap3A_505 = vector.shape_cast %swap3A_504 : vector<1x16xf32> to vector<16xf32>
      %swap3A_506 = vector.shape_cast %max3A_501 : vector<16xf32> to vector<1x16xf32>
      tpu.vector_store %arg7[%swap3A_502, %swap3A_503], %swap3A_506 {strides = array<i32>} : memref<512x32xf32, #tpu.memory_space<vmem>>, vector<1x16xf32>,
      %slice3A_507 = vector.extract_strided_slice %get3A_68 {offsets = [13], sizes = [1], strides = [1]} : vector<16xi32> to vector<1xi32>
      %squeeze3A_508 = vector.extract %slice3A_507[0] : i32 from vector<1xi32>
      %mul3A_509 = arith.constant 4 : i32
      %mul3A_510 = arith.muli %scan3A_61, %mul3A_509 : i32
      %add3A_511 = arith.constant 3 : i32
      %add3A_512 = arith.addi %mul3A_510, %add3A_511 : i32
      %get3A_513 = arith.index_cast %add3A_512 : i32 to index
      %get3A_514 = arith.constant 32 : index
      %get3A_515 = tpu.vector_load %arg6[%get3A_513, %get3A_514] {strides = array<i32>} : memref<128x128xf32, #tpu.memory_space<vmem>>, vector<1x16xf32>,
      %get3A_516 = vector.shape_cast %get3A_515 : vector<1x16xf32> to vector<16xf32>
      %get3A_517 = arith.index_cast %add3A_512 : i32 to index
      %get3A_518 = arith.constant 48 : index
      %get3A_519 = tpu.vector_load %arg6[%get3A_517, %get3A_518] {strides = array<i32>} : memref<128x128xf32, #tpu.memory_space<vmem>>, vector<1x16xf32>,
      %get3A_520 = vector.shape_cast %get3A_519 : vector<1x16xf32> to vector<16xf32>
      %get3A_521 = arith.index_cast %squeeze3A_508 : i32 to index
      %get3A_522 = arith.constant 0 : index
      %get3A_523 = tpu.vector_load %arg7[%get3A_521, %get3A_522] {strides = array<i32>} : memref<512x32xf32, #tpu.memory_space<vmem>>, vector<1x16xf32>,
      %get3A_524 = vector.shape_cast %get3A_523 : vector<1x16xf32> to vector<16xf32>
      %get3A_525 = arith.index_cast %squeeze3A_508 : i32 to index
      %get3A_526 = arith.constant 16 : index
      %get3A_527 = tpu.vector_load %arg7[%get3A_525, %get3A_526] {strides = array<i32>} : memref<512x32xf32, #tpu.memory_space<vmem>>, vector<1x16xf32>,
      %get3A_528 = vector.shape_cast %get3A_527 : vector<1x16xf32> to vector<16xf32>
      %max3A_529 = arith.maximumf %get3A_524, %get3A_516 : vector<16xf32>
      %swap3A_530 = arith.index_cast %squeeze3A_508 : i32 to index
      %swap3A_531 = arith.constant 0 : index
      %swap3A_532 = tpu.vector_load %arg7[%swap3A_530, %swap3A_531] {strides = array<i32>} : memref<512x32xf32, #tpu.memory_space<vmem>>, vector<1x16xf32>,
      %swap3A_533 = vector.shape_cast %swap3A_532 : vector<1x16xf32> to vector<16xf32>
      %swap3A_534 = vector.shape_cast %max3A_529 : vector<16xf32> to vector<1x16xf32>
      tpu.vector_store %arg7[%swap3A_530, %swap3A_531], %swap3A_534 {strides = array<i32>} : memref<512x32xf32, #tpu.memory_space<vmem>>, vector<1x16xf32>,
      %max3A_535 = arith.maximumf %get3A_528, %get3A_520 : vector<16xf32>
      %swap3A_536 = arith.index_cast %squeeze3A_508 : i32 to index
      %swap3A_537 = arith.constant 16 : index
      %swap3A_538 = tpu.vector_load %arg7[%swap3A_536, %swap3A_537] {strides = array<i32>} : memref<512x32xf32, #tpu.memory_space<vmem>>, vector<1x16xf32>,
      %swap3A_539 = vector.shape_cast %swap3A_538 : vector<1x16xf32> to vector<16xf32>
      %swap3A_540 = vector.shape_cast %max3A_535 : vector<16xf32> to vector<1x16xf32>
      tpu.vector_store %arg7[%swap3A_536, %swap3A_537], %swap3A_540 {strides = array<i32>} : memref<512x32xf32, #tpu.memory_space<vmem>>, vector<1x16xf32>,
      %slice3A_541 = vector.extract_strided_slice %get3A_68 {offsets = [14], sizes = [1], strides = [1]} : vector<16xi32> to vector<1xi32>
      %squeeze3A_542 = vector.extract %slice3A_541[0] : i32 from vector<1xi32>
      %mul3A_543 = arith.constant 4 : i32
      %mul3A_544 = arith.muli %scan3A_61, %mul3A_543 : i32
      %add3A_545 = arith.constant 3 : i32
      %add3A_546 = arith.addi %mul3A_544, %add3A_545 : i32
      %get3A_547 = arith.index_cast %add3A_546 : i32 to index
      %get3A_548 = arith.constant 64 : index
      %get3A_549 = tpu.vector_load %arg6[%get3A_547, %get3A_548] {strides = array<i32>} : memref<128x128xf32, #tpu.memory_space<vmem>>, vector<1x16xf32>,
      %get3A_550 = vector.shape_cast %get3A_549 : vector<1x16xf32> to vector<16xf32>
      %get3A_551 = arith.index_cast %add3A_546 : i32 to index
      %get3A_552 = arith.constant 80 : index
      %get3A_553 = tpu.vector_load %arg6[%get3A_551, %get3A_552] {strides = array<i32>} : memref<128x128xf32, #tpu.memory_space<vmem>>, vector<1x16xf32>,
      %get3A_554 = vector.shape_cast %get3A_553 : vector<1x16xf32> to vector<16xf32>
      %get3A_555 = arith.index_cast %squeeze3A_542 : i32 to index
      %get3A_556 = arith.constant 0 : index
      %get3A_557 = tpu.vector_load %arg7[%get3A_555, %get3A_556] {strides = array<i32>} : memref<512x32xf32, #tpu.memory_space<vmem>>, vector<1x16xf32>,
      %get3A_558 = vector.shape_cast %get3A_557 : vector<1x16xf32> to vector<16xf32>
      %get3A_559 = arith.index_cast %squeeze3A_542 : i32 to index
      %get3A_560 = arith.constant 16 : index
      %get3A_561 = tpu.vector_load %arg7[%get3A_559, %get3A_560] {strides = array<i32>} : memref<512x32xf32, #tpu.memory_space<vmem>>, vector<1x16xf32>,
      %get3A_562 = vector.shape_cast %get3A_561 : vector<1x16xf32> to vector<16xf32>
      %max3A_563 = arith.maximumf %get3A_558, %get3A_550 : vector<16xf32>
      %swap3A_564 = arith.index_cast %squeeze3A_542 : i32 to index
      %swap3A_565 = arith.constant 0 : index
      %swap3A_566 = tpu.vector_load %arg7[%swap3A_564, %swap3A_565] {strides = array<i32>} : memref<512x32xf32, #tpu.memory_space<vmem>>, vector<1x16xf32>,
      %swap3A_567 = vector.shape_cast %swap3A_566 : vector<1x16xf32> to vector<16xf32>
      %swap3A_568 = vector.shape_cast %max3A_563 : vector<16xf32> to vector<1x16xf32>
      tpu.vector_store %arg7[%swap3A_564, %swap3A_565], %swap3A_568 {strides = array<i32>} : memref<512x32xf32, #tpu.memory_space<vmem>>, vector<1x16xf32>,
      %max3A_569 = arith.maximumf %get3A_562, %get3A_554 : vector<16xf32>
      %swap3A_570 = arith.index_cast %squeeze3A_542 : i32 to index
      %swap3A_571 = arith.constant 16 : index
      %swap3A_572 = tpu.vector_load %arg7[%swap3A_570, %swap3A_571] {strides = array<i32>} : memref<512x32xf32, #tpu.memory_space<vmem>>, vector<1x16xf32>,
      %swap3A_573 = vector.shape_cast %swap3A_572 : vector<1x16xf32> to vector<16xf32>
      %swap3A_574 = vector.shape_cast %max3A_569 : vector<16xf32> to vector<1x16xf32>
      tpu.vector_store %arg7[%swap3A_570, %swap3A_571], %swap3A_574 {strides = array<i32>} : memref<512x32xf32, #tpu.memory_space<vmem>>, vector<1x16xf32>,
      %slice3A_575 = vector.extract_strided_slice %get3A_68 {offsets = [15], sizes = [1], strides = [1]} : vector<16xi32> to vector<1xi32>
      %squeeze3A_576 = vector.extract %slice3A_575[0] : i32 from vector<1xi32>
      %mul3A_577 = arith.constant 4 : i32
      %mul3A_578 = arith.muli %scan3A_61, %mul3A_577 : i32
      %add3A_579 = arith.constant 3 : i32
      %add3A_580 = arith.addi %mul3A_578, %add3A_579 : i32
      %get3A_581 = arith.index_cast %add3A_580 : i32 to index
      %get3A_582 = arith.constant 96 : index
      %get3A_583 = tpu.vector_load %arg6[%get3A_581, %get3A_582] {strides = array<i32>} : memref<128x128xf32, #tpu.memory_space<vmem>>, vector<1x16xf32>,
      %get3A_584 = vector.shape_cast %get3A_583 : vector<1x16xf32> to vector<16xf32>
      %get3A_585 = arith.index_cast %add3A_580 : i32 to index
      %get3A_586 = arith.constant 112 : index
      %get3A_587 = tpu.vector_load %arg6[%get3A_585, %get3A_586] {strides = array<i32>} : memref<128x128xf32, #tpu.memory_space<vmem>>, vector<1x16xf32>,
      %get3A_588 = vector.shape_cast %get3A_587 : vector<1x16xf32> to vector<16xf32>
      %get3A_589 = arith.index_cast %squeeze3A_576 : i32 to index
      %get3A_590 = arith.constant 0 : index
      %get3A_591 = tpu.vector_load %arg7[%get3A_589, %get3A_590] {strides = array<i32>} : memref<512x32xf32, #tpu.memory_space<vmem>>, vector<1x16xf32>,
      %get3A_592 = vector.shape_cast %get3A_591 : vector<1x16xf32> to vector<16xf32>
      %get3A_593 = arith.index_cast %squeeze3A_576 : i32 to index
      %get3A_594 = arith.constant 16 : index
      %get3A_595 = tpu.vector_load %arg7[%get3A_593, %get3A_594] {strides = array<i32>} : memref<512x32xf32, #tpu.memory_space<vmem>>, vector<1x16xf32>,
      %get3A_596 = vector.shape_cast %get3A_595 : vector<1x16xf32> to vector<16xf32>
      %max3A_597 = arith.maximumf %get3A_592, %get3A_584 : vector<16xf32>
      %swap3A_598 = arith.index_cast %squeeze3A_576 : i32 to index
      %swap3A_599 = arith.constant 0 : index
      %swap3A_600 = tpu.vector_load %arg7[%swap3A_598, %swap3A_599] {strides = array<i32>} : memref<512x32xf32, #tpu.memory_space<vmem>>, vector<1x16xf32>,
      %swap3A_601 = vector.shape_cast %swap3A_600 : vector<1x16xf32> to vector<16xf32>
      %swap3A_602 = vector.shape_cast %max3A_597 : vector<16xf32> to vector<1x16xf32>
      tpu.vector_store %arg7[%swap3A_598, %swap3A_599], %swap3A_602 {strides = array<i32>} : memref<512x32xf32, #tpu.memory_space<vmem>>, vector<1x16xf32>,
      %max3A_603 = arith.maximumf %get3A_596, %get3A_588 : vector<16xf32>
      %swap3A_604 = arith.index_cast %squeeze3A_576 : i32 to index
      %swap3A_605 = arith.constant 16 : index
      %swap3A_606 = tpu.vector_load %arg7[%swap3A_604, %swap3A_605] {strides = array<i32>} : memref<512x32xf32, #tpu.memory_space<vmem>>, vector<1x16xf32>,
      %swap3A_607 = vector.shape_cast %swap3A_606 : vector<1x16xf32> to vector<16xf32>
      %swap3A_608 = vector.shape_cast %max3A_603 : vector<16xf32> to vector<1x16xf32>
      tpu.vector_store %arg7[%swap3A_604, %swap3A_605], %swap3A_608 {strides = array<i32>} : memref<512x32xf32, #tpu.memory_space<vmem>>, vector<1x16xf32>,
      %scan3A_609 = arith.constant 0 : i32
      scf.yield %scan3A_609 : i32
    }
    %scan3A_53 = arith.constant 32 : i32
    %scan3A_54 = arith.constant 0 : i32
    %scan3A_55 = arith.constant 0 : i32
    %scan3A_56 = arith.constant 128 : i32
    %scan3A_57 = arith.addi %scan3A_55, %scan3A_56 : i32
    %scan3A_58 = arith.constant 1 : i32
    %scan3A_59 = scf.for %scan3A_61 = %scan3A_55 to %scan3A_57 step %scan3A_58 iter_args(%scan3A_62 = %scan3A_54) -> (i32)  : i32 {
      %mul3A_63 = arith.constant 4 : i32
      %mul3A_64 = arith.muli %scan3A_61, %mul3A_63 : i32
      %add3A_65 = arith.constant 0 : i32
      %add3A_66 = arith.addi %mul3A_64, %add3A_65 : i32
      %get3A = arith.index_cast %add3A_66 : i32 to index
      %get3A_67 = arith.constant 0 : index
      %get3A_68 = tpu.vector_load %arg7[%get3A, %get3A_67] {strides = array<i32>} : memref<512x32xf32, #tpu.memory_space<vmem>>, vector<1x16xf32>,
      %get3A_69 = vector.shape_cast %get3A_68 : vector<1x16xf32> to vector<16xf32>
      %swap3A = arith.index_cast %scan3A_61 : i32 to index
      %swap3A_70 = arith.constant 0 : index
      %swap3A_71 = tpu.vector_load %arg8[%swap3A, %swap3A_70] {strides = array<i32>} : memref<128x128xf32, #tpu.memory_space<vmem>>, vector<1x16xf32>,
      %swap3A_72 = vector.shape_cast %swap3A_71 : vector<1x16xf32> to vector<16xf32>
      %swap3A_73 = vector.shape_cast %get3A_69 : vector<16xf32> to vector<1x16xf32>
      tpu.vector_store %arg8[%swap3A, %swap3A_70], %swap3A_73 {strides = array<i32>} : memref<128x128xf32, #tpu.memory_space<vmem>>, vector<1x16xf32>,
      %mul3A_74 = arith.constant 4 : i32
      %mul3A_75 = arith.muli %scan3A_61, %mul3A_74 : i32
      %add3A_76 = arith.constant 0 : i32
      %add3A_77 = arith.addi %mul3A_75, %add3A_76 : i32
      %get3A_78 = arith.index_cast %add3A_77 : i32 to index
      %get3A_79 = arith.constant 16 : index
      %get3A_80 = tpu.vector_load %arg7[%get3A_78, %get3A_79] {strides = array<i32>} : memref<512x32xf32, #tpu.memory_space<vmem>>, vector<1x16xf32>,
      %get3A_81 = vector.shape_cast %get3A_80 : vector<1x16xf32> to vector<16xf32>
      %swap3A_82 = arith.index_cast %scan3A_61 : i32 to index
      %swap3A_83 = arith.constant 16 : index
      %swap3A_84 = tpu.vector_load %arg8[%swap3A_82, %swap3A_83] {strides = array<i32>} : memref<128x128xf32, #tpu.memory_space<vmem>>, vector<1x16xf32>,
      %swap3A_85 = vector.shape_cast %swap3A_84 : vector<1x16xf32> to vector<16xf32>
      %swap3A_86 = vector.shape_cast %get3A_81 : vector<16xf32> to vector<1x16xf32>
      tpu.vector_store %arg8[%swap3A_82, %swap3A_83], %swap3A_86 {strides = array<i32>} : memref<128x128xf32, #tpu.memory_space<vmem>>, vector<1x16xf32>,
      %mul3A_87 = arith.constant 4 : i32
      %mul3A_88 = arith.muli %scan3A_61, %mul3A_87 : i32
      %add3A_89 = arith.constant 1 : i32
      %add3A_90 = arith.addi %mul3A_88, %add3A_89 : i32
      %get3A_91 = arith.index_cast %add3A_90 : i32 to index
      %get3A_92 = arith.constant 0 : index
      %get3A_93 = tpu.vector_load %arg7[%get3A_91, %get3A_92] {strides = array<i32>} : memref<512x32xf32, #tpu.memory_space<vmem>>, vector<1x16xf32>,
      %get3A_94 = vector.shape_cast %get3A_93 : vector<1x16xf32> to vector<16xf32>
      %swap3A_95 = arith.index_cast %scan3A_61 : i32 to index
      %swap3A_96 = arith.constant 32 : index
      %swap3A_97 = tpu.vector_load %arg8[%swap3A_95, %swap3A_96] {strides = array<i32>} : memref<128x128xf32, #tpu.memory_space<vmem>>, vector<1x16xf32>,
      %swap3A_98 = vector.shape_cast %swap3A_97 : vector<1x16xf32> to vector<16xf32>
      %swap3A_99 = vector.shape_cast %get3A_94 : vector<16xf32> to vector<1x16xf32>
      tpu.vector_store %arg8[%swap3A_95, %swap3A_96], %swap3A_99 {strides = array<i32>} : memref<128x128xf32, #tpu.memory_space<vmem>>, vector<1x16xf32>,
      %mul3A_100 = arith.constant 4 : i32
      %mul3A_101 = arith.muli %scan3A_61, %mul3A_100 : i32
      %add3A_102 = arith.constant 1 : i32
      %add3A_103 = arith.addi %mul3A_101, %add3A_102 : i32
      %get3A_104 = arith.index_cast %add3A_103 : i32 to index
      %get3A_105 = arith.constant 16 : index
      %get3A_106 = tpu.vector_load %arg7[%get3A_104, %get3A_105] {strides = array<i32>} : memref<512x32xf32, #tpu.memory_space<vmem>>, vector<1x16xf32>,
      %get3A_107 = vector.shape_cast %get3A_106 : vector<1x16xf32> to vector<16xf32>
      %swap3A_108 = arith.index_cast %scan3A_61 : i32 to index
      %swap3A_109 = arith.constant 48 : index
      %swap3A_110 = tpu.vector_load %arg8[%swap3A_108, %swap3A_109] {strides = array<i32>} : memref<128x128xf32, #tpu.memory_space<vmem>>, vector<1x16xf32>,
      %swap3A_111 = vector.shape_cast %swap3A_110 : vector<1x16xf32> to vector<16xf32>
      %swap3A_112 = vector.shape_cast %get3A_107 : vector<16xf32> to vector<1x16xf32>
      tpu.vector_store %arg8[%swap3A_108, %swap3A_109], %swap3A_112 {strides = array<i32>} : memref<128x128xf32, #tpu.memory_space<vmem>>, vector<1x16xf32>,
      %mul3A_113 = arith.constant 4 : i32
      %mul3A_114 = arith.muli %scan3A_61, %mul3A_113 : i32
      %add3A_115 = arith.constant 2 : i32
      %add3A_116 = arith.addi %mul3A_114, %add3A_115 : i32
      %get3A_117 = arith.index_cast %add3A_116 : i32 to index
      %get3A_118 = arith.constant 0 : index
      %get3A_119 = tpu.vector_load %arg7[%get3A_117, %get3A_118] {strides = array<i32>} : memref<512x32xf32, #tpu.memory_space<vmem>>, vector<1x16xf32>,
      %get3A_120 = vector.shape_cast %get3A_119 : vector<1x16xf32> to vector<16xf32>
      %swap3A_121 = arith.index_cast %scan3A_61 : i32 to index
      %swap3A_122 = arith.constant 64 : index
      %swap3A_123 = tpu.vector_load %arg8[%swap3A_121, %swap3A_122] {strides = array<i32>} : memref<128x128xf32, #tpu.memory_space<vmem>>, vector<1x16xf32>,
      %swap3A_124 = vector.shape_cast %swap3A_123 : vector<1x16xf32> to vector<16xf32>
      %swap3A_125 = vector.shape_cast %get3A_120 : vector<16xf32> to vector<1x16xf32>
      tpu.vector_store %arg8[%swap3A_121, %swap3A_122], %swap3A_125 {strides = array<i32>} : memref<128x128xf32, #tpu.memory_space<vmem>>, vector<1x16xf32>,
      %mul3A_126 = arith.constant 4 : i32
      %mul3A_127 = arith.muli %scan3A_61, %mul3A_126 : i32
      %add3A_128 = arith.constant 2 : i32
      %add3A_129 = arith.addi %mul3A_127, %add3A_128 : i32
      %get3A_130 = arith.index_cast %add3A_129 : i32 to index
      %get3A_131 = arith.constant 16 : index
      %get3A_132 = tpu.vector_load %arg7[%get3A_130, %get3A_131] {strides = array<i32>} : memref<512x32xf32, #tpu.memory_space<vmem>>, vector<1x16xf32>,
      %get3A_133 = vector.shape_cast %get3A_132 : vector<1x16xf32> to vector<16xf32>
      %swap3A_134 = arith.index_cast %scan3A_61 : i32 to index
      %swap3A_135 = arith.constant 80 : index
      %swap3A_136 = tpu.vector_load %arg8[%swap3A_134, %swap3A_135] {strides = array<i32>} : memref<128x128xf32, #tpu.memory_space<vmem>>, vector<1x16xf32>,
      %swap3A_137 = vector.shape_cast %swap3A_136 : vector<1x16xf32> to vector<16xf32>
      %swap3A_138 = vector.shape_cast %get3A_133 : vector<16xf32> to vector<1x16xf32>
      tpu.vector_store %arg8[%swap3A_134, %swap3A_135], %swap3A_138 {strides = array<i32>} : memref<128x128xf32, #tpu.memory_space<vmem>>, vector<1x16xf32>,
      %mul3A_139 = arith.constant 4 : i32
      %mul3A_140 = arith.muli %scan3A_61, %mul3A_139 : i32
      %add3A_141 = arith.constant 3 : i32
      %add3A_142 = arith.addi %mul3A_140, %add3A_141 : i32
      %get3A_143 = arith.index_cast %add3A_142 : i32 to index
      %get3A_144 = arith.constant 0 : index
      %get3A_145 = tpu.vector_load %arg7[%get3A_143, %get3A_144] {strides = array<i32>} : memref<512x32xf32, #tpu.memory_space<vmem>>, vector<1x16xf32>,
      %get3A_146 = vector.shape_cast %get3A_145 : vector<1x16xf32> to vector<16xf32>
      %swap3A_147 = arith.index_cast %scan3A_61 : i32 to index
      %swap3A_148 = arith.constant 96 : index
      %swap3A_149 = tpu.vector_load %arg8[%swap3A_147, %swap3A_148] {strides = array<i32>} : memref<128x128xf32, #tpu.memory_space<vmem>>, vector<1x16xf32>,
      %swap3A_150 = vector.shape_cast %swap3A_149 : vector<1x16xf32> to vector<16xf32>
      %swap3A_151 = vector.shape_cast %get3A_146 : vector<16xf32> to vector<1x16xf32>
      tpu.vector_store %arg8[%swap3A_147, %swap3A_148], %swap3A_151 {strides = array<i32>} : memref<128x128xf32, #tpu.memory_space<vmem>>, vector<1x16xf32>,
      %mul3A_152 = arith.constant 4 : i32
      %mul3A_153 = arith.muli %scan3A_61, %mul3A_152 : i32
      %add3A_154 = arith.constant 3 : i32
      %add3A_155 = arith.addi %mul3A_153, %add3A_154 : i32
      %get3A_156 = arith.index_cast %add3A_155 : i32 to index
      %get3A_157 = arith.constant 16 : index
      %get3A_158 = tpu.vector_load %arg7[%get3A_156, %get3A_157] {strides = array<i32>} : memref<512x32xf32, #tpu.memory_space<vmem>>, vector<1x16xf32>,
      %get3A_159 = vector.shape_cast %get3A_158 : vector<1x16xf32> to vector<16xf32>
      %swap3A_160 = arith.index_cast %scan3A_61 : i32 to index
      %swap3A_161 = arith.constant 112 : index
      %swap3A_162 = tpu.vector_load %arg8[%swap3A_160, %swap3A_161] {strides = array<i32>} : memref<128x128xf32, #tpu.memory_space<vmem>>, vector<1x16xf32>,
      %swap3A_163 = vector.shape_cast %swap3A_162 : vector<1x16xf32> to vector<16xf32>
      %swap3A_164 = vector.shape_cast %get3A_159 : vector<16xf32> to vector<1x16xf32>
      tpu.vector_store %arg8[%swap3A_160, %swap3A_161], %swap3A_164 {strides = array<i32>} : memref<128x128xf32, #tpu.memory_space<vmem>>, vector<1x16xf32>,
      %scan3A_165 = arith.constant 0 : i32
      scf.yield %scan3A_165 : i32
    }
    %scan3A_60 = arith.constant 128 : i32
    "tpu.region"() ({
      %run_scoped3A = tpu.sem_alloc : memref<!tpu.dma_semaphore, #tpu.memory_space<semaphore_mem>>
      %dma_start3A = arith.constant 0 : i32
      %dma_start3A_61 = arith.constant 0 : i32
      %dma_start3A_62 = tpu.memref_slice %arg4[%add3A, %dma_start3A, %dma_start3A_61] : memref<32x128x128xf32, #tpu.memory_space<hbm>> -> memref<1x128x128xf32, #tpu.memory_space<hbm>>
      %dma_start3A_63 = tpu.memref_squeeze %dma_start3A_62 : memref<1x128x128xf32, #tpu.memory_space<hbm>> -> memref<128x128xf32, #tpu.memory_space<hbm>>
      %dma_start3A_64 = arith.constant 0 : i32
      %dma_start3A_65 = arith.constant 0 : i32
      %dma_start3A_66 = tpu.memref_slice %arg4[%add3A, %dma_start3A_64, %dma_start3A_65] : memref<32x128x128xf32, #tpu.memory_space<hbm>> -> memref<1x128x128xf32, #tpu.memory_space<hbm>>
      %dma_start3A_67 = tpu.memref_squeeze %dma_start3A_66 : memref<1x128x128xf32, #tpu.memory_space<hbm>> -> memref<128x128xf32, #tpu.memory_space<hbm>>
      tpu.enqueue_dma source(%arg8 : memref<128x128xf32, #tpu.memory_space<vmem>>) target(%dma_start3A_67 : memref<128x128xf32, #tpu.memory_space<hbm>>) target_semaphore(%run_scoped3A : memref<!tpu.dma_semaphore, #tpu.memory_space<semaphore_mem>>)
      %dma_wait3A = arith.constant 0 : i32
      %dma_wait3A_68 = arith.constant 0 : i32
      %dma_wait3A_69 = tpu.memref_slice %arg4[%add3A, %dma_wait3A, %dma_wait3A_68] : memref<32x128x128xf32, #tpu.memory_space<hbm>> -> memref<1x128x128xf32, #tpu.memory_space<hbm>>
      %dma_wait3A_70 = tpu.memref_squeeze %dma_wait3A_69 : memref<1x128x128xf32, #tpu.memory_space<hbm>> -> memref<128x128xf32, #tpu.memory_space<hbm>>
      %dma_wait3A_71 = arith.constant 0 : i32
      %dma_wait3A_72 = arith.constant 0 : i32
      %dma_wait3A_73 = tpu.memref_slice %arg4[%add3A, %dma_wait3A_71, %dma_wait3A_72] : memref<32x128x128xf32, #tpu.memory_space<hbm>> -> memref<1x128x128xf32, #tpu.memory_space<hbm>>
      %dma_wait3A_74 = tpu.memref_squeeze %dma_wait3A_73 : memref<1x128x128xf32, #tpu.memory_space<hbm>> -> memref<128x128xf32, #tpu.memory_space<hbm>>
      tpu.wait_dma2 semaphore(%run_scoped3A : memref<!tpu.dma_semaphore, #tpu.memory_space<semaphore_mem>>) src(%arg8 : memref<128x128xf32, #tpu.memory_space<vmem>>) dst(%dma_wait3A_74 : memref<128x128xf32, #tpu.memory_space<hbm>>)
      tpu.yield
    }) : () -> ()
    return
  }
}

module attributes {stable_mosaic.version = 14 : i64} {
  func.func @_mlp_kernel(%arg0: memref<8192x12xf32, #tpu.memory_space<vmem>>, %arg1: memref<12x64xf32, #tpu.memory_space<vmem>>, %arg2: memref<64x128xf32, #tpu.memory_space<vmem>>, %arg3: memref<128x256xf32, #tpu.memory_space<vmem>>, %arg4: memref<8192x256xf32, #tpu.memory_space<vmem>>) attributes {dimension_semantics = [], scalar_prefetch = 0 : i64, scratch_operands = 0 : i64, tpu.core_type = #tpu.core_type<tc>} {
    %get3A = arith.constant 0 : index
    %get3A_0 = arith.constant 0 : index
    %get3A_1 = vector.load %arg1[%get3A, %get3A_0] : memref<12x64xf32, #tpu.memory_space<vmem>>, vector<12x64xf32>
    %get3A_2 = arith.constant 0 : index
    %get3A_3 = arith.constant 0 : index
    %get3A_4 = vector.load %arg2[%get3A_2, %get3A_3] : memref<64x128xf32, #tpu.memory_space<vmem>>, vector<64x128xf32>
    %get3A_5 = arith.constant 0 : index
    %get3A_6 = arith.constant 0 : index
    %get3A_7 = vector.load %arg3[%get3A_5, %get3A_6] : memref<128x256xf32, #tpu.memory_space<vmem>>, vector<128x256xf32>
    %get3A_8 = arith.constant 0 : index
    %get3A_9 = arith.constant 0 : index
    %get3A_10 = vector.load %arg0[%get3A_8, %get3A_9] : memref<8192x12xf32, #tpu.memory_space<vmem>>, vector<512x12xf32>
    %dot_general3A = arith.constant dense<0.000000e+00> : vector<512x64xf32>
    %dot_general3A_11 = tpu.matmul %get3A_10, %get3A_1, %dot_general3A {dimension_numbers = #tpu.dot_dimension_numbers<[1], [0], [0], [1], [0, 0, 1, 1], [], []>, transpose_lhs_hint = false} : vector<512x12xf32>, vector<12x64xf32>, vector<512x64xf32> -> vector<512x64xf32>
    %max3A = arith.constant 0.000000e+00 : f32
    %max3A_12 = vector.broadcast %max3A : f32 to vector<512x64xf32>
    %max3A_13 = arith.maximumf %dot_general3A_11, %max3A_12 : vector<512x64xf32>
    %dot_general3A_14 = arith.constant dense<0.000000e+00> : vector<512x128xf32>
    %dot_general3A_15 = tpu.matmul %max3A_13, %get3A_4, %dot_general3A_14 {dimension_numbers = #tpu.dot_dimension_numbers<[1], [0], [0], [1], [0, 0, 1, 1], [], []>, transpose_lhs_hint = false} : vector<512x64xf32>, vector<64x128xf32>, vector<512x128xf32> -> vector<512x128xf32>
    %max3A_16 = arith.constant 0.000000e+00 : f32
    %max3A_17 = vector.broadcast %max3A_16 : f32 to vector<512x128xf32>
    %max3A_18 = arith.maximumf %dot_general3A_15, %max3A_17 : vector<512x128xf32>
    %dot_general3A_19 = arith.constant dense<0.000000e+00> : vector<512x256xf32>
    %dot_general3A_20 = tpu.matmul %max3A_18, %get3A_7, %dot_general3A_19 {dimension_numbers = #tpu.dot_dimension_numbers<[1], [0], [0], [1], [0, 0, 1, 1], [], []>, transpose_lhs_hint = false} : vector<512x128xf32>, vector<128x256xf32>, vector<512x256xf32> -> vector<512x256xf32>
    %swap3A = arith.constant 0 : index
    %swap3A_21 = arith.constant 0 : index
    %swap3A_22 = vector.load %arg4[%swap3A, %swap3A_21] : memref<8192x256xf32, #tpu.memory_space<vmem>>, vector<512x256xf32>
    tpu.vector_store %arg4[%swap3A, %swap3A_21], %dot_general3A_20 {strides = array<i32>} : memref<8192x256xf32, #tpu.memory_space<vmem>>, vector<512x256xf32>,
    %get3A_23 = arith.constant 512 : index
    %get3A_24 = arith.constant 0 : index
    %get3A_25 = vector.load %arg0[%get3A_23, %get3A_24] : memref<8192x12xf32, #tpu.memory_space<vmem>>, vector<512x12xf32>
    %dot_general3A_26 = arith.constant dense<0.000000e+00> : vector<512x64xf32>
    %dot_general3A_27 = tpu.matmul %get3A_25, %get3A_1, %dot_general3A_26 {dimension_numbers = #tpu.dot_dimension_numbers<[1], [0], [0], [1], [0, 0, 1, 1], [], []>, transpose_lhs_hint = false} : vector<512x12xf32>, vector<12x64xf32>, vector<512x64xf32> -> vector<512x64xf32>
    %max3A_28 = arith.constant 0.000000e+00 : f32
    %max3A_29 = vector.broadcast %max3A_28 : f32 to vector<512x64xf32>
    %max3A_30 = arith.maximumf %dot_general3A_27, %max3A_29 : vector<512x64xf32>
    %dot_general3A_31 = arith.constant dense<0.000000e+00> : vector<512x128xf32>
    %dot_general3A_32 = tpu.matmul %max3A_30, %get3A_4, %dot_general3A_31 {dimension_numbers = #tpu.dot_dimension_numbers<[1], [0], [0], [1], [0, 0, 1, 1], [], []>, transpose_lhs_hint = false} : vector<512x64xf32>, vector<64x128xf32>, vector<512x128xf32> -> vector<512x128xf32>
    %max3A_33 = arith.constant 0.000000e+00 : f32
    %max3A_34 = vector.broadcast %max3A_33 : f32 to vector<512x128xf32>
    %max3A_35 = arith.maximumf %dot_general3A_32, %max3A_34 : vector<512x128xf32>
    %dot_general3A_36 = arith.constant dense<0.000000e+00> : vector<512x256xf32>
    %dot_general3A_37 = tpu.matmul %max3A_35, %get3A_7, %dot_general3A_36 {dimension_numbers = #tpu.dot_dimension_numbers<[1], [0], [0], [1], [0, 0, 1, 1], [], []>, transpose_lhs_hint = false} : vector<512x128xf32>, vector<128x256xf32>, vector<512x256xf32> -> vector<512x256xf32>
    %swap3A_38 = arith.constant 512 : index
    %swap3A_39 = arith.constant 0 : index
    %swap3A_40 = vector.load %arg4[%swap3A_38, %swap3A_39] : memref<8192x256xf32, #tpu.memory_space<vmem>>, vector<512x256xf32>
    tpu.vector_store %arg4[%swap3A_38, %swap3A_39], %dot_general3A_37 {strides = array<i32>} : memref<8192x256xf32, #tpu.memory_space<vmem>>, vector<512x256xf32>,
    %get3A_41 = arith.constant 1024 : index
    %get3A_42 = arith.constant 0 : index
    %get3A_43 = vector.load %arg0[%get3A_41, %get3A_42] : memref<8192x12xf32, #tpu.memory_space<vmem>>, vector<512x12xf32>
    %dot_general3A_44 = arith.constant dense<0.000000e+00> : vector<512x64xf32>
    %dot_general3A_45 = tpu.matmul %get3A_43, %get3A_1, %dot_general3A_44 {dimension_numbers = #tpu.dot_dimension_numbers<[1], [0], [0], [1], [0, 0, 1, 1], [], []>, transpose_lhs_hint = false} : vector<512x12xf32>, vector<12x64xf32>, vector<512x64xf32> -> vector<512x64xf32>
    %max3A_46 = arith.constant 0.000000e+00 : f32
    %max3A_47 = vector.broadcast %max3A_46 : f32 to vector<512x64xf32>
    %max3A_48 = arith.maximumf %dot_general3A_45, %max3A_47 : vector<512x64xf32>
    %dot_general3A_49 = arith.constant dense<0.000000e+00> : vector<512x128xf32>
    %dot_general3A_50 = tpu.matmul %max3A_48, %get3A_4, %dot_general3A_49 {dimension_numbers = #tpu.dot_dimension_numbers<[1], [0], [0], [1], [0, 0, 1, 1], [], []>, transpose_lhs_hint = false} : vector<512x64xf32>, vector<64x128xf32>, vector<512x128xf32> -> vector<512x128xf32>
    %max3A_51 = arith.constant 0.000000e+00 : f32
    %max3A_52 = vector.broadcast %max3A_51 : f32 to vector<512x128xf32>
    %max3A_53 = arith.maximumf %dot_general3A_50, %max3A_52 : vector<512x128xf32>
    %dot_general3A_54 = arith.constant dense<0.000000e+00> : vector<512x256xf32>
    %dot_general3A_55 = tpu.matmul %max3A_53, %get3A_7, %dot_general3A_54 {dimension_numbers = #tpu.dot_dimension_numbers<[1], [0], [0], [1], [0, 0, 1, 1], [], []>, transpose_lhs_hint = false} : vector<512x128xf32>, vector<128x256xf32>, vector<512x256xf32> -> vector<512x256xf32>
    %swap3A_56 = arith.constant 1024 : index
    %swap3A_57 = arith.constant 0 : index
    %swap3A_58 = vector.load %arg4[%swap3A_56, %swap3A_57] : memref<8192x256xf32, #tpu.memory_space<vmem>>, vector<512x256xf32>
    tpu.vector_store %arg4[%swap3A_56, %swap3A_57], %dot_general3A_55 {strides = array<i32>} : memref<8192x256xf32, #tpu.memory_space<vmem>>, vector<512x256xf32>,
    %get3A_59 = arith.constant 1536 : index
    %get3A_60 = arith.constant 0 : index
    %get3A_61 = vector.load %arg0[%get3A_59, %get3A_60] : memref<8192x12xf32, #tpu.memory_space<vmem>>, vector<512x12xf32>
    %dot_general3A_62 = arith.constant dense<0.000000e+00> : vector<512x64xf32>
    %dot_general3A_63 = tpu.matmul %get3A_61, %get3A_1, %dot_general3A_62 {dimension_numbers = #tpu.dot_dimension_numbers<[1], [0], [0], [1], [0, 0, 1, 1], [], []>, transpose_lhs_hint = false} : vector<512x12xf32>, vector<12x64xf32>, vector<512x64xf32> -> vector<512x64xf32>
    %max3A_64 = arith.constant 0.000000e+00 : f32
    %max3A_65 = vector.broadcast %max3A_64 : f32 to vector<512x64xf32>
    %max3A_66 = arith.maximumf %dot_general3A_63, %max3A_65 : vector<512x64xf32>
    %dot_general3A_67 = arith.constant dense<0.000000e+00> : vector<512x128xf32>
    %dot_general3A_68 = tpu.matmul %max3A_66, %get3A_4, %dot_general3A_67 {dimension_numbers = #tpu.dot_dimension_numbers<[1], [0], [0], [1], [0, 0, 1, 1], [], []>, transpose_lhs_hint = false} : vector<512x64xf32>, vector<64x128xf32>, vector<512x128xf32> -> vector<512x128xf32>
    %max3A_69 = arith.constant 0.000000e+00 : f32
    %max3A_70 = vector.broadcast %max3A_69 : f32 to vector<512x128xf32>
    %max3A_71 = arith.maximumf %dot_general3A_68, %max3A_70 : vector<512x128xf32>
    %dot_general3A_72 = arith.constant dense<0.000000e+00> : vector<512x256xf32>
    %dot_general3A_73 = tpu.matmul %max3A_71, %get3A_7, %dot_general3A_72 {dimension_numbers = #tpu.dot_dimension_numbers<[1], [0], [0], [1], [0, 0, 1, 1], [], []>, transpose_lhs_hint = false} : vector<512x128xf32>, vector<128x256xf32>, vector<512x256xf32> -> vector<512x256xf32>
    %swap3A_74 = arith.constant 1536 : index
    %swap3A_75 = arith.constant 0 : index
    %swap3A_76 = vector.load %arg4[%swap3A_74, %swap3A_75] : memref<8192x256xf32, #tpu.memory_space<vmem>>, vector<512x256xf32>
    tpu.vector_store %arg4[%swap3A_74, %swap3A_75], %dot_general3A_73 {strides = array<i32>} : memref<8192x256xf32, #tpu.memory_space<vmem>>, vector<512x256xf32>,
    %get3A_77 = arith.constant 2048 : index
    %get3A_78 = arith.constant 0 : index
    %get3A_79 = vector.load %arg0[%get3A_77, %get3A_78] : memref<8192x12xf32, #tpu.memory_space<vmem>>, vector<512x12xf32>
    %dot_general3A_80 = arith.constant dense<0.000000e+00> : vector<512x64xf32>
    %dot_general3A_81 = tpu.matmul %get3A_79, %get3A_1, %dot_general3A_80 {dimension_numbers = #tpu.dot_dimension_numbers<[1], [0], [0], [1], [0, 0, 1, 1], [], []>, transpose_lhs_hint = false} : vector<512x12xf32>, vector<12x64xf32>, vector<512x64xf32> -> vector<512x64xf32>
    %max3A_82 = arith.constant 0.000000e+00 : f32
    %max3A_83 = vector.broadcast %max3A_82 : f32 to vector<512x64xf32>
    %max3A_84 = arith.maximumf %dot_general3A_81, %max3A_83 : vector<512x64xf32>
    %dot_general3A_85 = arith.constant dense<0.000000e+00> : vector<512x128xf32>
    %dot_general3A_86 = tpu.matmul %max3A_84, %get3A_4, %dot_general3A_85 {dimension_numbers = #tpu.dot_dimension_numbers<[1], [0], [0], [1], [0, 0, 1, 1], [], []>, transpose_lhs_hint = false} : vector<512x64xf32>, vector<64x128xf32>, vector<512x128xf32> -> vector<512x128xf32>
    %max3A_87 = arith.constant 0.000000e+00 : f32
    %max3A_88 = vector.broadcast %max3A_87 : f32 to vector<512x128xf32>
    %max3A_89 = arith.maximumf %dot_general3A_86, %max3A_88 : vector<512x128xf32>
    %dot_general3A_90 = arith.constant dense<0.000000e+00> : vector<512x256xf32>
    %dot_general3A_91 = tpu.matmul %max3A_89, %get3A_7, %dot_general3A_90 {dimension_numbers = #tpu.dot_dimension_numbers<[1], [0], [0], [1], [0, 0, 1, 1], [], []>, transpose_lhs_hint = false} : vector<512x128xf32>, vector<128x256xf32>, vector<512x256xf32> -> vector<512x256xf32>
    %swap3A_92 = arith.constant 2048 : index
    %swap3A_93 = arith.constant 0 : index
    %swap3A_94 = vector.load %arg4[%swap3A_92, %swap3A_93] : memref<8192x256xf32, #tpu.memory_space<vmem>>, vector<512x256xf32>
    tpu.vector_store %arg4[%swap3A_92, %swap3A_93], %dot_general3A_91 {strides = array<i32>} : memref<8192x256xf32, #tpu.memory_space<vmem>>, vector<512x256xf32>,
    %get3A_95 = arith.constant 2560 : index
    %get3A_96 = arith.constant 0 : index
    %get3A_97 = vector.load %arg0[%get3A_95, %get3A_96] : memref<8192x12xf32, #tpu.memory_space<vmem>>, vector<512x12xf32>
    %dot_general3A_98 = arith.constant dense<0.000000e+00> : vector<512x64xf32>
    %dot_general3A_99 = tpu.matmul %get3A_97, %get3A_1, %dot_general3A_98 {dimension_numbers = #tpu.dot_dimension_numbers<[1], [0], [0], [1], [0, 0, 1, 1], [], []>, transpose_lhs_hint = false} : vector<512x12xf32>, vector<12x64xf32>, vector<512x64xf32> -> vector<512x64xf32>
    %max3A_100 = arith.constant 0.000000e+00 : f32
    %max3A_101 = vector.broadcast %max3A_100 : f32 to vector<512x64xf32>
    %max3A_102 = arith.maximumf %dot_general3A_99, %max3A_101 : vector<512x64xf32>
    %dot_general3A_103 = arith.constant dense<0.000000e+00> : vector<512x128xf32>
    %dot_general3A_104 = tpu.matmul %max3A_102, %get3A_4, %dot_general3A_103 {dimension_numbers = #tpu.dot_dimension_numbers<[1], [0], [0], [1], [0, 0, 1, 1], [], []>, transpose_lhs_hint = false} : vector<512x64xf32>, vector<64x128xf32>, vector<512x128xf32> -> vector<512x128xf32>
    %max3A_105 = arith.constant 0.000000e+00 : f32
    %max3A_106 = vector.broadcast %max3A_105 : f32 to vector<512x128xf32>
    %max3A_107 = arith.maximumf %dot_general3A_104, %max3A_106 : vector<512x128xf32>
    %dot_general3A_108 = arith.constant dense<0.000000e+00> : vector<512x256xf32>
    %dot_general3A_109 = tpu.matmul %max3A_107, %get3A_7, %dot_general3A_108 {dimension_numbers = #tpu.dot_dimension_numbers<[1], [0], [0], [1], [0, 0, 1, 1], [], []>, transpose_lhs_hint = false} : vector<512x128xf32>, vector<128x256xf32>, vector<512x256xf32> -> vector<512x256xf32>
    %swap3A_110 = arith.constant 2560 : index
    %swap3A_111 = arith.constant 0 : index
    %swap3A_112 = vector.load %arg4[%swap3A_110, %swap3A_111] : memref<8192x256xf32, #tpu.memory_space<vmem>>, vector<512x256xf32>
    tpu.vector_store %arg4[%swap3A_110, %swap3A_111], %dot_general3A_109 {strides = array<i32>} : memref<8192x256xf32, #tpu.memory_space<vmem>>, vector<512x256xf32>,
    %get3A_113 = arith.constant 3072 : index
    %get3A_114 = arith.constant 0 : index
    %get3A_115 = vector.load %arg0[%get3A_113, %get3A_114] : memref<8192x12xf32, #tpu.memory_space<vmem>>, vector<512x12xf32>
    %dot_general3A_116 = arith.constant dense<0.000000e+00> : vector<512x64xf32>
    %dot_general3A_117 = tpu.matmul %get3A_115, %get3A_1, %dot_general3A_116 {dimension_numbers = #tpu.dot_dimension_numbers<[1], [0], [0], [1], [0, 0, 1, 1], [], []>, transpose_lhs_hint = false} : vector<512x12xf32>, vector<12x64xf32>, vector<512x64xf32> -> vector<512x64xf32>
    %max3A_118 = arith.constant 0.000000e+00 : f32
    %max3A_119 = vector.broadcast %max3A_118 : f32 to vector<512x64xf32>
    %max3A_120 = arith.maximumf %dot_general3A_117, %max3A_119 : vector<512x64xf32>
    %dot_general3A_121 = arith.constant dense<0.000000e+00> : vector<512x128xf32>
    %dot_general3A_122 = tpu.matmul %max3A_120, %get3A_4, %dot_general3A_121 {dimension_numbers = #tpu.dot_dimension_numbers<[1], [0], [0], [1], [0, 0, 1, 1], [], []>, transpose_lhs_hint = false} : vector<512x64xf32>, vector<64x128xf32>, vector<512x128xf32> -> vector<512x128xf32>
    %max3A_123 = arith.constant 0.000000e+00 : f32
    %max3A_124 = vector.broadcast %max3A_123 : f32 to vector<512x128xf32>
    %max3A_125 = arith.maximumf %dot_general3A_122, %max3A_124 : vector<512x128xf32>
    %dot_general3A_126 = arith.constant dense<0.000000e+00> : vector<512x256xf32>
    %dot_general3A_127 = tpu.matmul %max3A_125, %get3A_7, %dot_general3A_126 {dimension_numbers = #tpu.dot_dimension_numbers<[1], [0], [0], [1], [0, 0, 1, 1], [], []>, transpose_lhs_hint = false} : vector<512x128xf32>, vector<128x256xf32>, vector<512x256xf32> -> vector<512x256xf32>
    %swap3A_128 = arith.constant 3072 : index
    %swap3A_129 = arith.constant 0 : index
    %swap3A_130 = vector.load %arg4[%swap3A_128, %swap3A_129] : memref<8192x256xf32, #tpu.memory_space<vmem>>, vector<512x256xf32>
    tpu.vector_store %arg4[%swap3A_128, %swap3A_129], %dot_general3A_127 {strides = array<i32>} : memref<8192x256xf32, #tpu.memory_space<vmem>>, vector<512x256xf32>,
    %get3A_131 = arith.constant 3584 : index
    %get3A_132 = arith.constant 0 : index
    %get3A_133 = vector.load %arg0[%get3A_131, %get3A_132] : memref<8192x12xf32, #tpu.memory_space<vmem>>, vector<512x12xf32>
    %dot_general3A_134 = arith.constant dense<0.000000e+00> : vector<512x64xf32>
    %dot_general3A_135 = tpu.matmul %get3A_133, %get3A_1, %dot_general3A_134 {dimension_numbers = #tpu.dot_dimension_numbers<[1], [0], [0], [1], [0, 0, 1, 1], [], []>, transpose_lhs_hint = false} : vector<512x12xf32>, vector<12x64xf32>, vector<512x64xf32> -> vector<512x64xf32>
    %max3A_136 = arith.constant 0.000000e+00 : f32
    %max3A_137 = vector.broadcast %max3A_136 : f32 to vector<512x64xf32>
    %max3A_138 = arith.maximumf %dot_general3A_135, %max3A_137 : vector<512x64xf32>
    %dot_general3A_139 = arith.constant dense<0.000000e+00> : vector<512x128xf32>
    %dot_general3A_140 = tpu.matmul %max3A_138, %get3A_4, %dot_general3A_139 {dimension_numbers = #tpu.dot_dimension_numbers<[1], [0], [0], [1], [0, 0, 1, 1], [], []>, transpose_lhs_hint = false} : vector<512x64xf32>, vector<64x128xf32>, vector<512x128xf32> -> vector<512x128xf32>
    %max3A_141 = arith.constant 0.000000e+00 : f32
    %max3A_142 = vector.broadcast %max3A_141 : f32 to vector<512x128xf32>
    %max3A_143 = arith.maximumf %dot_general3A_140, %max3A_142 : vector<512x128xf32>
    %dot_general3A_144 = arith.constant dense<0.000000e+00> : vector<512x256xf32>
    %dot_general3A_145 = tpu.matmul %max3A_143, %get3A_7, %dot_general3A_144 {dimension_numbers = #tpu.dot_dimension_numbers<[1], [0], [0], [1], [0, 0, 1, 1], [], []>, transpose_lhs_hint = false} : vector<512x128xf32>, vector<128x256xf32>, vector<512x256xf32> -> vector<512x256xf32>
    %swap3A_146 = arith.constant 3584 : index
    %swap3A_147 = arith.constant 0 : index
    %swap3A_148 = vector.load %arg4[%swap3A_146, %swap3A_147] : memref<8192x256xf32, #tpu.memory_space<vmem>>, vector<512x256xf32>
    tpu.vector_store %arg4[%swap3A_146, %swap3A_147], %dot_general3A_145 {strides = array<i32>} : memref<8192x256xf32, #tpu.memory_space<vmem>>, vector<512x256xf32>,
    %get3A_149 = arith.constant 4096 : index
    %get3A_150 = arith.constant 0 : index
    %get3A_151 = vector.load %arg0[%get3A_149, %get3A_150] : memref<8192x12xf32, #tpu.memory_space<vmem>>, vector<512x12xf32>
    %dot_general3A_152 = arith.constant dense<0.000000e+00> : vector<512x64xf32>
    %dot_general3A_153 = tpu.matmul %get3A_151, %get3A_1, %dot_general3A_152 {dimension_numbers = #tpu.dot_dimension_numbers<[1], [0], [0], [1], [0, 0, 1, 1], [], []>, transpose_lhs_hint = false} : vector<512x12xf32>, vector<12x64xf32>, vector<512x64xf32> -> vector<512x64xf32>
    %max3A_154 = arith.constant 0.000000e+00 : f32
    %max3A_155 = vector.broadcast %max3A_154 : f32 to vector<512x64xf32>
    %max3A_156 = arith.maximumf %dot_general3A_153, %max3A_155 : vector<512x64xf32>
    %dot_general3A_157 = arith.constant dense<0.000000e+00> : vector<512x128xf32>
    %dot_general3A_158 = tpu.matmul %max3A_156, %get3A_4, %dot_general3A_157 {dimension_numbers = #tpu.dot_dimension_numbers<[1], [0], [0], [1], [0, 0, 1, 1], [], []>, transpose_lhs_hint = false} : vector<512x64xf32>, vector<64x128xf32>, vector<512x128xf32> -> vector<512x128xf32>
    %max3A_159 = arith.constant 0.000000e+00 : f32
    %max3A_160 = vector.broadcast %max3A_159 : f32 to vector<512x128xf32>
    %max3A_161 = arith.maximumf %dot_general3A_158, %max3A_160 : vector<512x128xf32>
    %dot_general3A_162 = arith.constant dense<0.000000e+00> : vector<512x256xf32>
    %dot_general3A_163 = tpu.matmul %max3A_161, %get3A_7, %dot_general3A_162 {dimension_numbers = #tpu.dot_dimension_numbers<[1], [0], [0], [1], [0, 0, 1, 1], [], []>, transpose_lhs_hint = false} : vector<512x128xf32>, vector<128x256xf32>, vector<512x256xf32> -> vector<512x256xf32>
    %swap3A_164 = arith.constant 4096 : index
    %swap3A_165 = arith.constant 0 : index
    %swap3A_166 = vector.load %arg4[%swap3A_164, %swap3A_165] : memref<8192x256xf32, #tpu.memory_space<vmem>>, vector<512x256xf32>
    tpu.vector_store %arg4[%swap3A_164, %swap3A_165], %dot_general3A_163 {strides = array<i32>} : memref<8192x256xf32, #tpu.memory_space<vmem>>, vector<512x256xf32>,
    %get3A_167 = arith.constant 4608 : index
    %get3A_168 = arith.constant 0 : index
    %get3A_169 = vector.load %arg0[%get3A_167, %get3A_168] : memref<8192x12xf32, #tpu.memory_space<vmem>>, vector<512x12xf32>
    %dot_general3A_170 = arith.constant dense<0.000000e+00> : vector<512x64xf32>
    %dot_general3A_171 = tpu.matmul %get3A_169, %get3A_1, %dot_general3A_170 {dimension_numbers = #tpu.dot_dimension_numbers<[1], [0], [0], [1], [0, 0, 1, 1], [], []>, transpose_lhs_hint = false} : vector<512x12xf32>, vector<12x64xf32>, vector<512x64xf32> -> vector<512x64xf32>
    %max3A_172 = arith.constant 0.000000e+00 : f32
    %max3A_173 = vector.broadcast %max3A_172 : f32 to vector<512x64xf32>
    %max3A_174 = arith.maximumf %dot_general3A_171, %max3A_173 : vector<512x64xf32>
    %dot_general3A_175 = arith.constant dense<0.000000e+00> : vector<512x128xf32>
    %dot_general3A_176 = tpu.matmul %max3A_174, %get3A_4, %dot_general3A_175 {dimension_numbers = #tpu.dot_dimension_numbers<[1], [0], [0], [1], [0, 0, 1, 1], [], []>, transpose_lhs_hint = false} : vector<512x64xf32>, vector<64x128xf32>, vector<512x128xf32> -> vector<512x128xf32>
    %max3A_177 = arith.constant 0.000000e+00 : f32
    %max3A_178 = vector.broadcast %max3A_177 : f32 to vector<512x128xf32>
    %max3A_179 = arith.maximumf %dot_general3A_176, %max3A_178 : vector<512x128xf32>
    %dot_general3A_180 = arith.constant dense<0.000000e+00> : vector<512x256xf32>
    %dot_general3A_181 = tpu.matmul %max3A_179, %get3A_7, %dot_general3A_180 {dimension_numbers = #tpu.dot_dimension_numbers<[1], [0], [0], [1], [0, 0, 1, 1], [], []>, transpose_lhs_hint = false} : vector<512x128xf32>, vector<128x256xf32>, vector<512x256xf32> -> vector<512x256xf32>
    %swap3A_182 = arith.constant 4608 : index
    %swap3A_183 = arith.constant 0 : index
    %swap3A_184 = vector.load %arg4[%swap3A_182, %swap3A_183] : memref<8192x256xf32, #tpu.memory_space<vmem>>, vector<512x256xf32>
    tpu.vector_store %arg4[%swap3A_182, %swap3A_183], %dot_general3A_181 {strides = array<i32>} : memref<8192x256xf32, #tpu.memory_space<vmem>>, vector<512x256xf32>,
    %get3A_185 = arith.constant 5120 : index
    %get3A_186 = arith.constant 0 : index
    %get3A_187 = vector.load %arg0[%get3A_185, %get3A_186] : memref<8192x12xf32, #tpu.memory_space<vmem>>, vector<512x12xf32>
    %dot_general3A_188 = arith.constant dense<0.000000e+00> : vector<512x64xf32>
    %dot_general3A_189 = tpu.matmul %get3A_187, %get3A_1, %dot_general3A_188 {dimension_numbers = #tpu.dot_dimension_numbers<[1], [0], [0], [1], [0, 0, 1, 1], [], []>, transpose_lhs_hint = false} : vector<512x12xf32>, vector<12x64xf32>, vector<512x64xf32> -> vector<512x64xf32>
    %max3A_190 = arith.constant 0.000000e+00 : f32
    %max3A_191 = vector.broadcast %max3A_190 : f32 to vector<512x64xf32>
    %max3A_192 = arith.maximumf %dot_general3A_189, %max3A_191 : vector<512x64xf32>
    %dot_general3A_193 = arith.constant dense<0.000000e+00> : vector<512x128xf32>
    %dot_general3A_194 = tpu.matmul %max3A_192, %get3A_4, %dot_general3A_193 {dimension_numbers = #tpu.dot_dimension_numbers<[1], [0], [0], [1], [0, 0, 1, 1], [], []>, transpose_lhs_hint = false} : vector<512x64xf32>, vector<64x128xf32>, vector<512x128xf32> -> vector<512x128xf32>
    %max3A_195 = arith.constant 0.000000e+00 : f32
    %max3A_196 = vector.broadcast %max3A_195 : f32 to vector<512x128xf32>
    %max3A_197 = arith.maximumf %dot_general3A_194, %max3A_196 : vector<512x128xf32>
    %dot_general3A_198 = arith.constant dense<0.000000e+00> : vector<512x256xf32>
    %dot_general3A_199 = tpu.matmul %max3A_197, %get3A_7, %dot_general3A_198 {dimension_numbers = #tpu.dot_dimension_numbers<[1], [0], [0], [1], [0, 0, 1, 1], [], []>, transpose_lhs_hint = false} : vector<512x128xf32>, vector<128x256xf32>, vector<512x256xf32> -> vector<512x256xf32>
    %swap3A_200 = arith.constant 5120 : index
    %swap3A_201 = arith.constant 0 : index
    %swap3A_202 = vector.load %arg4[%swap3A_200, %swap3A_201] : memref<8192x256xf32, #tpu.memory_space<vmem>>, vector<512x256xf32>
    tpu.vector_store %arg4[%swap3A_200, %swap3A_201], %dot_general3A_199 {strides = array<i32>} : memref<8192x256xf32, #tpu.memory_space<vmem>>, vector<512x256xf32>,
    %get3A_203 = arith.constant 5632 : index
    %get3A_204 = arith.constant 0 : index
    %get3A_205 = vector.load %arg0[%get3A_203, %get3A_204] : memref<8192x12xf32, #tpu.memory_space<vmem>>, vector<512x12xf32>
    %dot_general3A_206 = arith.constant dense<0.000000e+00> : vector<512x64xf32>
    %dot_general3A_207 = tpu.matmul %get3A_205, %get3A_1, %dot_general3A_206 {dimension_numbers = #tpu.dot_dimension_numbers<[1], [0], [0], [1], [0, 0, 1, 1], [], []>, transpose_lhs_hint = false} : vector<512x12xf32>, vector<12x64xf32>, vector<512x64xf32> -> vector<512x64xf32>
    %max3A_208 = arith.constant 0.000000e+00 : f32
    %max3A_209 = vector.broadcast %max3A_208 : f32 to vector<512x64xf32>
    %max3A_210 = arith.maximumf %dot_general3A_207, %max3A_209 : vector<512x64xf32>
    %dot_general3A_211 = arith.constant dense<0.000000e+00> : vector<512x128xf32>
    %dot_general3A_212 = tpu.matmul %max3A_210, %get3A_4, %dot_general3A_211 {dimension_numbers = #tpu.dot_dimension_numbers<[1], [0], [0], [1], [0, 0, 1, 1], [], []>, transpose_lhs_hint = false} : vector<512x64xf32>, vector<64x128xf32>, vector<512x128xf32> -> vector<512x128xf32>
    %max3A_213 = arith.constant 0.000000e+00 : f32
    %max3A_214 = vector.broadcast %max3A_213 : f32 to vector<512x128xf32>
    %max3A_215 = arith.maximumf %dot_general3A_212, %max3A_214 : vector<512x128xf32>
    %dot_general3A_216 = arith.constant dense<0.000000e+00> : vector<512x256xf32>
    %dot_general3A_217 = tpu.matmul %max3A_215, %get3A_7, %dot_general3A_216 {dimension_numbers = #tpu.dot_dimension_numbers<[1], [0], [0], [1], [0, 0, 1, 1], [], []>, transpose_lhs_hint = false} : vector<512x128xf32>, vector<128x256xf32>, vector<512x256xf32> -> vector<512x256xf32>
    %swap3A_218 = arith.constant 5632 : index
    %swap3A_219 = arith.constant 0 : index
    %swap3A_220 = vector.load %arg4[%swap3A_218, %swap3A_219] : memref<8192x256xf32, #tpu.memory_space<vmem>>, vector<512x256xf32>
    tpu.vector_store %arg4[%swap3A_218, %swap3A_219], %dot_general3A_217 {strides = array<i32>} : memref<8192x256xf32, #tpu.memory_space<vmem>>, vector<512x256xf32>,
    %get3A_221 = arith.constant 6144 : index
    %get3A_222 = arith.constant 0 : index
    %get3A_223 = vector.load %arg0[%get3A_221, %get3A_222] : memref<8192x12xf32, #tpu.memory_space<vmem>>, vector<512x12xf32>
    %dot_general3A_224 = arith.constant dense<0.000000e+00> : vector<512x64xf32>
    %dot_general3A_225 = tpu.matmul %get3A_223, %get3A_1, %dot_general3A_224 {dimension_numbers = #tpu.dot_dimension_numbers<[1], [0], [0], [1], [0, 0, 1, 1], [], []>, transpose_lhs_hint = false} : vector<512x12xf32>, vector<12x64xf32>, vector<512x64xf32> -> vector<512x64xf32>
    %max3A_226 = arith.constant 0.000000e+00 : f32
    %max3A_227 = vector.broadcast %max3A_226 : f32 to vector<512x64xf32>
    %max3A_228 = arith.maximumf %dot_general3A_225, %max3A_227 : vector<512x64xf32>
    %dot_general3A_229 = arith.constant dense<0.000000e+00> : vector<512x128xf32>
    %dot_general3A_230 = tpu.matmul %max3A_228, %get3A_4, %dot_general3A_229 {dimension_numbers = #tpu.dot_dimension_numbers<[1], [0], [0], [1], [0, 0, 1, 1], [], []>, transpose_lhs_hint = false} : vector<512x64xf32>, vector<64x128xf32>, vector<512x128xf32> -> vector<512x128xf32>
    %max3A_231 = arith.constant 0.000000e+00 : f32
    %max3A_232 = vector.broadcast %max3A_231 : f32 to vector<512x128xf32>
    %max3A_233 = arith.maximumf %dot_general3A_230, %max3A_232 : vector<512x128xf32>
    %dot_general3A_234 = arith.constant dense<0.000000e+00> : vector<512x256xf32>
    %dot_general3A_235 = tpu.matmul %max3A_233, %get3A_7, %dot_general3A_234 {dimension_numbers = #tpu.dot_dimension_numbers<[1], [0], [0], [1], [0, 0, 1, 1], [], []>, transpose_lhs_hint = false} : vector<512x128xf32>, vector<128x256xf32>, vector<512x256xf32> -> vector<512x256xf32>
    %swap3A_236 = arith.constant 6144 : index
    %swap3A_237 = arith.constant 0 : index
    %swap3A_238 = vector.load %arg4[%swap3A_236, %swap3A_237] : memref<8192x256xf32, #tpu.memory_space<vmem>>, vector<512x256xf32>
    tpu.vector_store %arg4[%swap3A_236, %swap3A_237], %dot_general3A_235 {strides = array<i32>} : memref<8192x256xf32, #tpu.memory_space<vmem>>, vector<512x256xf32>,
    %get3A_239 = arith.constant 6656 : index
    %get3A_240 = arith.constant 0 : index
    %get3A_241 = vector.load %arg0[%get3A_239, %get3A_240] : memref<8192x12xf32, #tpu.memory_space<vmem>>, vector<512x12xf32>
    %dot_general3A_242 = arith.constant dense<0.000000e+00> : vector<512x64xf32>
    %dot_general3A_243 = tpu.matmul %get3A_241, %get3A_1, %dot_general3A_242 {dimension_numbers = #tpu.dot_dimension_numbers<[1], [0], [0], [1], [0, 0, 1, 1], [], []>, transpose_lhs_hint = false} : vector<512x12xf32>, vector<12x64xf32>, vector<512x64xf32> -> vector<512x64xf32>
    %max3A_244 = arith.constant 0.000000e+00 : f32
    %max3A_245 = vector.broadcast %max3A_244 : f32 to vector<512x64xf32>
    %max3A_246 = arith.maximumf %dot_general3A_243, %max3A_245 : vector<512x64xf32>
    %dot_general3A_247 = arith.constant dense<0.000000e+00> : vector<512x128xf32>
    %dot_general3A_248 = tpu.matmul %max3A_246, %get3A_4, %dot_general3A_247 {dimension_numbers = #tpu.dot_dimension_numbers<[1], [0], [0], [1], [0, 0, 1, 1], [], []>, transpose_lhs_hint = false} : vector<512x64xf32>, vector<64x128xf32>, vector<512x128xf32> -> vector<512x128xf32>
    %max3A_249 = arith.constant 0.000000e+00 : f32
    %max3A_250 = vector.broadcast %max3A_249 : f32 to vector<512x128xf32>
    %max3A_251 = arith.maximumf %dot_general3A_248, %max3A_250 : vector<512x128xf32>
    %dot_general3A_252 = arith.constant dense<0.000000e+00> : vector<512x256xf32>
    %dot_general3A_253 = tpu.matmul %max3A_251, %get3A_7, %dot_general3A_252 {dimension_numbers = #tpu.dot_dimension_numbers<[1], [0], [0], [1], [0, 0, 1, 1], [], []>, transpose_lhs_hint = false} : vector<512x128xf32>, vector<128x256xf32>, vector<512x256xf32> -> vector<512x256xf32>
    %swap3A_254 = arith.constant 6656 : index
    %swap3A_255 = arith.constant 0 : index
    %swap3A_256 = vector.load %arg4[%swap3A_254, %swap3A_255] : memref<8192x256xf32, #tpu.memory_space<vmem>>, vector<512x256xf32>
    tpu.vector_store %arg4[%swap3A_254, %swap3A_255], %dot_general3A_253 {strides = array<i32>} : memref<8192x256xf32, #tpu.memory_space<vmem>>, vector<512x256xf32>,
    %get3A_257 = arith.constant 7168 : index
    %get3A_258 = arith.constant 0 : index
    %get3A_259 = vector.load %arg0[%get3A_257, %get3A_258] : memref<8192x12xf32, #tpu.memory_space<vmem>>, vector<512x12xf32>
    %dot_general3A_260 = arith.constant dense<0.000000e+00> : vector<512x64xf32>
    %dot_general3A_261 = tpu.matmul %get3A_259, %get3A_1, %dot_general3A_260 {dimension_numbers = #tpu.dot_dimension_numbers<[1], [0], [0], [1], [0, 0, 1, 1], [], []>, transpose_lhs_hint = false} : vector<512x12xf32>, vector<12x64xf32>, vector<512x64xf32> -> vector<512x64xf32>
    %max3A_262 = arith.constant 0.000000e+00 : f32
    %max3A_263 = vector.broadcast %max3A_262 : f32 to vector<512x64xf32>
    %max3A_264 = arith.maximumf %dot_general3A_261, %max3A_263 : vector<512x64xf32>
    %dot_general3A_265 = arith.constant dense<0.000000e+00> : vector<512x128xf32>
    %dot_general3A_266 = tpu.matmul %max3A_264, %get3A_4, %dot_general3A_265 {dimension_numbers = #tpu.dot_dimension_numbers<[1], [0], [0], [1], [0, 0, 1, 1], [], []>, transpose_lhs_hint = false} : vector<512x64xf32>, vector<64x128xf32>, vector<512x128xf32> -> vector<512x128xf32>
    %max3A_267 = arith.constant 0.000000e+00 : f32
    %max3A_268 = vector.broadcast %max3A_267 : f32 to vector<512x128xf32>
    %max3A_269 = arith.maximumf %dot_general3A_266, %max3A_268 : vector<512x128xf32>
    %dot_general3A_270 = arith.constant dense<0.000000e+00> : vector<512x256xf32>
    %dot_general3A_271 = tpu.matmul %max3A_269, %get3A_7, %dot_general3A_270 {dimension_numbers = #tpu.dot_dimension_numbers<[1], [0], [0], [1], [0, 0, 1, 1], [], []>, transpose_lhs_hint = false} : vector<512x128xf32>, vector<128x256xf32>, vector<512x256xf32> -> vector<512x256xf32>
    %swap3A_272 = arith.constant 7168 : index
    %swap3A_273 = arith.constant 0 : index
    %swap3A_274 = vector.load %arg4[%swap3A_272, %swap3A_273] : memref<8192x256xf32, #tpu.memory_space<vmem>>, vector<512x256xf32>
    tpu.vector_store %arg4[%swap3A_272, %swap3A_273], %dot_general3A_271 {strides = array<i32>} : memref<8192x256xf32, #tpu.memory_space<vmem>>, vector<512x256xf32>,
    %get3A_275 = arith.constant 7680 : index
    %get3A_276 = arith.constant 0 : index
    %get3A_277 = vector.load %arg0[%get3A_275, %get3A_276] : memref<8192x12xf32, #tpu.memory_space<vmem>>, vector<512x12xf32>
    %dot_general3A_278 = arith.constant dense<0.000000e+00> : vector<512x64xf32>
    %dot_general3A_279 = tpu.matmul %get3A_277, %get3A_1, %dot_general3A_278 {dimension_numbers = #tpu.dot_dimension_numbers<[1], [0], [0], [1], [0, 0, 1, 1], [], []>, transpose_lhs_hint = false} : vector<512x12xf32>, vector<12x64xf32>, vector<512x64xf32> -> vector<512x64xf32>
    %max3A_280 = arith.constant 0.000000e+00 : f32
    %max3A_281 = vector.broadcast %max3A_280 : f32 to vector<512x64xf32>
    %max3A_282 = arith.maximumf %dot_general3A_279, %max3A_281 : vector<512x64xf32>
    %dot_general3A_283 = arith.constant dense<0.000000e+00> : vector<512x128xf32>
    %dot_general3A_284 = tpu.matmul %max3A_282, %get3A_4, %dot_general3A_283 {dimension_numbers = #tpu.dot_dimension_numbers<[1], [0], [0], [1], [0, 0, 1, 1], [], []>, transpose_lhs_hint = false} : vector<512x64xf32>, vector<64x128xf32>, vector<512x128xf32> -> vector<512x128xf32>
    %max3A_285 = arith.constant 0.000000e+00 : f32
    %max3A_286 = vector.broadcast %max3A_285 : f32 to vector<512x128xf32>
    %max3A_287 = arith.maximumf %dot_general3A_284, %max3A_286 : vector<512x128xf32>
    %dot_general3A_288 = arith.constant dense<0.000000e+00> : vector<512x256xf32>
    %dot_general3A_289 = tpu.matmul %max3A_287, %get3A_7, %dot_general3A_288 {dimension_numbers = #tpu.dot_dimension_numbers<[1], [0], [0], [1], [0, 0, 1, 1], [], []>, transpose_lhs_hint = false} : vector<512x128xf32>, vector<128x256xf32>, vector<512x256xf32> -> vector<512x256xf32>
    %swap3A_290 = arith.constant 7680 : index
    %swap3A_291 = arith.constant 0 : index
    %swap3A_292 = vector.load %arg4[%swap3A_290, %swap3A_291] : memref<8192x256xf32, #tpu.memory_space<vmem>>, vector<512x256xf32>
    tpu.vector_store %arg4[%swap3A_290, %swap3A_291], %dot_general3A_289 {strides = array<i32>} : memref<8192x256xf32, #tpu.memory_space<vmem>>, vector<512x256xf32>,
    return
  }
}

module attributes {stable_mosaic.version = 14 : i64} {
  func.func @_ggnn_kernel(%arg0: i32, %arg1: memref<2048x256xf32, #tpu.memory_space<vmem>>, %arg2: memref<2x407x6xf32, #tpu.memory_space<vmem>>, %arg3: memref<2x408x408xbf16, #tpu.memory_space<vmem>>, %arg4: memref<2x408x408xbf16, #tpu.memory_space<vmem>>, %arg5: memref<512x1024xbf16, #tpu.memory_space<vmem>>, %arg6: memref<3x512x1024xbf16, #tpu.memory_space<vmem>>, %arg7: memref<3x512x512xbf16, #tpu.memory_space<vmem>>, %arg8: memref<512x512xbf16, #tpu.memory_space<vmem>>, %arg9: memref<512x512xbf16, #tpu.memory_space<vmem>>, %arg10: memref<512x1024xbf16, #tpu.memory_space<vmem>>, %arg11: memref<2x1792x407xf32, #tpu.memory_space<vmem>>, %arg12: memref<816x512xf32, #tpu.memory_space<vmem>>, %arg13: memref<816x512xf32, #tpu.memory_space<vmem>>) attributes {dimension_semantics = [#tpu.dimension_semantics<arbitrary>], iteration_bounds = array<i64: 2>, scalar_prefetch = 0 : i64, scratch_operands = 2 : i64, tpu.core_type = #tpu.core_type<tc>, window_params = [{pipeline_mode = #tpu.pipeline_mode<synchronous>, transform_indices = @transform_0, window_bounds = array<i64: 2048, 256>}, {transform_indices = @transform_1, window_bounds = array<i64: 2, 407, 6>}, {transform_indices = @transform_2, window_bounds = array<i64: 2, 408, 408>}, {transform_indices = @transform_3, window_bounds = array<i64: 2, 408, 408>}, {pipeline_mode = #tpu.pipeline_mode<synchronous>, transform_indices = @transform_4, window_bounds = array<i64: 512, 1024>}, {pipeline_mode = #tpu.pipeline_mode<synchronous>, transform_indices = @transform_5, window_bounds = array<i64: 3, 512, 1024>}, {pipeline_mode = #tpu.pipeline_mode<synchronous>, transform_indices = @transform_6, window_bounds = array<i64: 3, 512, 512>}, {pipeline_mode = #tpu.pipeline_mode<synchronous>, transform_indices = @transform_7, window_bounds = array<i64: 512, 512>}, {pipeline_mode = #tpu.pipeline_mode<synchronous>, transform_indices = @transform_8, window_bounds = array<i64: 512, 512>}, {pipeline_mode = #tpu.pipeline_mode<synchronous>, transform_indices = @transform_9, window_bounds = array<i64: 512, 1024>}, {transform_indices = @transform_10, window_bounds = array<i64: 2, 1792, 407>}]} {
    %broadcast_in_dim3A = arith.constant 0.000000e+00 : f32
    %broadcast_in_dim3A_0 = vector.broadcast %broadcast_in_dim3A : f32 to vector<816x512xf32>
    %swap3A = arith.constant 0 : index
    %swap3A_1 = arith.constant 0 : index
    %swap3A_2 = vector.load %arg12[%swap3A, %swap3A_1] : memref<816x512xf32, #tpu.memory_space<vmem>>, vector<816x512xf32>
    tpu.vector_store %arg12[%swap3A, %swap3A_1], %broadcast_in_dim3A_0 {strides = array<i32>} : memref<816x512xf32, #tpu.memory_space<vmem>>, vector<816x512xf32>,
    %mul3A = arith.constant 2 : i32
    %mul3A_3 = arith.muli %mul3A, %arg0 : i32
    %add3A = arith.constant 0 : i32
    %add3A_4 = arith.addi %mul3A_3, %add3A : i32
    %mul3A_5 = arith.constant 512 : i32
    %mul3A_6 = arith.muli %add3A_4, %mul3A_5 : i32
    %multiple_of3A = tpu.assume_multiple %mul3A_6, 512 : i32
    %get3A = arith.index_cast %multiple_of3A : i32 to index
    %get3A_7 = arith.constant 0 : index
    %get3A_8 = vector.load %arg1[%get3A, %get3A_7] : memref<2048x256xf32, #tpu.memory_space<vmem>>, vector<407x256xf32>
    %gt3A = arith.constant -1.000000e+30 : f32
    %gt3A_9 = vector.broadcast %gt3A : f32 to vector<407x256xf32>
    %gt3A_10 = arith.cmpf ogt, %get3A_8, %gt3A_9 : vector<407x256xf32>
    %jit3A = arith.constant 0.000000e+00 : f32
    %broadcast_in_dim3A_11 = vector.broadcast %jit3A : f32 to vector<407x256xf32>
    %select_n3A = arith.select %gt3A_10, %get3A_8, %broadcast_in_dim3A_11 : vector<407x256xi1>, vector<407x256xf32>
    %swap3A_12 = arith.constant 0 : index
    %swap3A_13 = arith.constant 0 : index
    %swap3A_14 = vector.load %arg12[%swap3A_12, %swap3A_13] : memref<816x512xf32, #tpu.memory_space<vmem>>, vector<407x256xf32>
    tpu.vector_store %arg12[%swap3A_12, %swap3A_13], %select_n3A {strides = array<i32>} : memref<816x512xf32, #tpu.memory_space<vmem>>, vector<407x256xf32>,
    %get3A_15 = arith.constant 0 : index
    %get3A_16 = arith.constant 0 : index
    %get3A_17 = arith.constant 0 : index
    %get3A_18 = vector.load %arg2[%get3A_15, %get3A_16, %get3A_17] : memref<2x407x6xf32, #tpu.memory_space<vmem>>, vector<1x407x6xf32>
    %get3A_19 = vector.shape_cast %get3A_18 : vector<1x407x6xf32> to vector<407x6xf32>
    %swap3A_20 = arith.constant 0 : index
    %swap3A_21 = arith.constant 256 : index
    %swap3A_22 = vector.load %arg12[%swap3A_20, %swap3A_21] : memref<816x512xf32, #tpu.memory_space<vmem>>, vector<407x6xf32>
    tpu.vector_store %arg12[%swap3A_20, %swap3A_21], %get3A_19 {strides = array<i32>} : memref<816x512xf32, #tpu.memory_space<vmem>>, vector<407x6xf32>,
    %mul3A_23 = arith.constant 2 : i32
    %mul3A_24 = arith.muli %mul3A_23, %arg0 : i32
    %add3A_25 = arith.constant 1 : i32
    %add3A_26 = arith.addi %mul3A_24, %add3A_25 : i32
    %mul3A_27 = arith.constant 512 : i32
    %mul3A_28 = arith.muli %add3A_26, %mul3A_27 : i32
    %multiple_of3A_29 = tpu.assume_multiple %mul3A_28, 512 : i32
    %get3A_30 = arith.index_cast %multiple_of3A_29 : i32 to index
    %get3A_31 = arith.constant 0 : index
    %get3A_32 = vector.load %arg1[%get3A_30, %get3A_31] : memref<2048x256xf32, #tpu.memory_space<vmem>>, vector<407x256xf32>
    %gt3A_33 = arith.constant -1.000000e+30 : f32
    %gt3A_34 = vector.broadcast %gt3A_33 : f32 to vector<407x256xf32>
    %gt3A_35 = arith.cmpf ogt, %get3A_32, %gt3A_34 : vector<407x256xf32>
    %jit3A_36 = arith.constant 0.000000e+00 : f32
    %broadcast_in_dim3A_37 = vector.broadcast %jit3A_36 : f32 to vector<407x256xf32>
    %select_n3A_38 = arith.select %gt3A_35, %get3A_32, %broadcast_in_dim3A_37 : vector<407x256xi1>, vector<407x256xf32>
    %swap3A_39 = arith.constant 408 : index
    %swap3A_40 = arith.constant 0 : index
    %swap3A_41 = vector.load %arg12[%swap3A_39, %swap3A_40] : memref<816x512xf32, #tpu.memory_space<vmem>>, vector<407x256xf32>
    tpu.vector_store %arg12[%swap3A_39, %swap3A_40], %select_n3A_38 {strides = array<i32>} : memref<816x512xf32, #tpu.memory_space<vmem>>, vector<407x256xf32>,
    %get3A_42 = arith.constant 1 : index
    %get3A_43 = arith.constant 0 : index
    %get3A_44 = arith.constant 0 : index
    %get3A_45 = vector.load %arg2[%get3A_42, %get3A_43, %get3A_44] : memref<2x407x6xf32, #tpu.memory_space<vmem>>, vector<1x407x6xf32>
    %get3A_46 = vector.shape_cast %get3A_45 : vector<1x407x6xf32> to vector<407x6xf32>
    %swap3A_47 = arith.constant 408 : index
    %swap3A_48 = arith.constant 256 : index
    %swap3A_49 = vector.load %arg12[%swap3A_47, %swap3A_48] : memref<816x512xf32, #tpu.memory_space<vmem>>, vector<407x6xf32>
    tpu.vector_store %arg12[%swap3A_47, %swap3A_48], %get3A_46 {strides = array<i32>} : memref<816x512xf32, #tpu.memory_space<vmem>>, vector<407x6xf32>,
    %get3A_50 = arith.constant 0 : index
    %get3A_51 = arith.constant 0 : index
    %get3A_52 = vector.load %arg12[%get3A_50, %get3A_51] : memref<816x512xf32, #tpu.memory_space<vmem>>, vector<816x512xf32>
    %swap3A_53 = arith.constant 0 : index
    %swap3A_54 = arith.constant 0 : index
    %swap3A_55 = vector.load %arg13[%swap3A_53, %swap3A_54] : memref<816x512xf32, #tpu.memory_space<vmem>>, vector<816x512xf32>
    tpu.vector_store %arg13[%swap3A_53, %swap3A_54], %get3A_52 {strides = array<i32>} : memref<816x512xf32, #tpu.memory_space<vmem>>, vector<816x512xf32>,
    %get3A_56 = arith.constant 0 : index
    %get3A_57 = arith.constant 0 : index
    %get3A_58 = vector.load %arg5[%get3A_56, %get3A_57] : memref<512x1024xbf16, #tpu.memory_space<vmem>>, vector<512x1024xbf16>
    %get3A_59 = arith.constant 0 : index
    %get3A_60 = arith.constant 0 : index
    %get3A_61 = arith.constant 0 : index
    %get3A_62 = vector.load %arg6[%get3A_59, %get3A_60, %get3A_61] : memref<3x512x1024xbf16, #tpu.memory_space<vmem>>, vector<3x512x1024xbf16>
    %get3A_63 = arith.constant 0 : index
    %get3A_64 = arith.constant 0 : index
    %get3A_65 = arith.constant 0 : index
    %get3A_66 = vector.load %arg7[%get3A_63, %get3A_64, %get3A_65] : memref<3x512x512xbf16, #tpu.memory_space<vmem>>, vector<3x512x512xbf16>
    %scan3A = arith.constant 0 : i32
    %scan3A_67 = arith.constant 10 : i32
    %scan3A_68 = arith.addi %scan3A, %scan3A_67 : i32
    %scan3A_69 = arith.constant 1 : i32
    scf.for %scan3A_161 = %scan3A to %scan3A_68 step %scan3A_69  : i32 {
      %get3A_162 = arith.constant 0 : index
      %get3A_163 = arith.constant 0 : index
      %get3A_164 = vector.load %arg13[%get3A_162, %get3A_163] : memref<816x512xf32, #tpu.memory_space<vmem>>, vector<816x512xf32>
      %convert_element_type3A_165 = arith.truncf %get3A_164 : vector<816x512xf32> to vector<816x512xbf16>
      %dot_general3A_166 = arith.constant dense<0.000000e+00> : vector<816x1024xf32>
      %dot_general3A_167 = tpu.matmul %convert_element_type3A_165, %get3A_58, %dot_general3A_166 {dimension_numbers = #tpu.dot_dimension_numbers<[1], [0], [0], [1], [0, 0, 1, 1], [], []>, transpose_lhs_hint = false} : vector<816x512xbf16>, vector<512x1024xbf16>, vector<816x1024xf32> -> vector<816x1024xf32>
      %convert_element_type3A_168 = arith.truncf %dot_general3A_167 : vector<816x1024xf32> to vector<816x1024xbf16>
      %get3A_169 = arith.constant 0 : index
      %get3A_170 = arith.constant 0 : index
      %get3A_171 = arith.constant 0 : index
      %get3A_172 = vector.load %arg3[%get3A_169, %get3A_170, %get3A_171] : memref<2x408x408xbf16, #tpu.memory_space<vmem>>, vector<1x408x408xbf16>
      %get3A_173 = vector.shape_cast %get3A_172 : vector<1x408x408xbf16> to vector<408x408xbf16>
      %slice3A_174 = vector.extract_strided_slice %convert_element_type3A_168 {offsets = [0, 0], sizes = [408, 512], strides = [1, 1]} : vector<816x1024xbf16> to vector<408x512xbf16>
      %dot_general3A_175 = arith.constant dense<0.000000e+00> : vector<408x512xf32>
      %dot_general3A_176 = tpu.matmul %get3A_173, %slice3A_174, %dot_general3A_175 {dimension_numbers = #tpu.dot_dimension_numbers<[1], [0], [0], [1], [0, 0, 1, 1], [], []>, transpose_lhs_hint = false} : vector<408x408xbf16>, vector<408x512xbf16>, vector<408x512xf32> -> vector<408x512xf32>
      %get3A_177 = arith.constant 1 : index
      %get3A_178 = arith.constant 0 : index
      %get3A_179 = arith.constant 0 : index
      %get3A_180 = vector.load %arg3[%get3A_177, %get3A_178, %get3A_179] : memref<2x408x408xbf16, #tpu.memory_space<vmem>>, vector<1x408x408xbf16>
      %get3A_181 = vector.shape_cast %get3A_180 : vector<1x408x408xbf16> to vector<408x408xbf16>
      %slice3A_182 = vector.extract_strided_slice %convert_element_type3A_168 {offsets = [408, 0], sizes = [408, 512], strides = [1, 1]} : vector<816x1024xbf16> to vector<408x512xbf16>
      %dot_general3A_183 = arith.constant dense<0.000000e+00> : vector<408x512xf32>
      %dot_general3A_184 = tpu.matmul %get3A_181, %slice3A_182, %dot_general3A_183 {dimension_numbers = #tpu.dot_dimension_numbers<[1], [0], [0], [1], [0, 0, 1, 1], [], []>, transpose_lhs_hint = false} : vector<408x408xbf16>, vector<408x512xbf16>, vector<408x512xf32> -> vector<408x512xf32>
      %concatenate3A = tpu.concatenate %dot_general3A_176, %dot_general3A_184 in 0 : vector<408x512xf32>, vector<408x512xf32> -> vector<816x512xf32>
      %convert_element_type3A_185 = arith.truncf %concatenate3A : vector<816x512xf32> to vector<816x512xbf16>
      %get3A_186 = arith.constant 0 : index
      %get3A_187 = arith.constant 0 : index
      %get3A_188 = arith.constant 0 : index
      %get3A_189 = vector.load %arg4[%get3A_186, %get3A_187, %get3A_188] : memref<2x408x408xbf16, #tpu.memory_space<vmem>>, vector<1x408x408xbf16>
      %get3A_190 = vector.shape_cast %get3A_189 : vector<1x408x408xbf16> to vector<408x408xbf16>
      %slice3A_191 = vector.extract_strided_slice %convert_element_type3A_168 {offsets = [0, 512], sizes = [408, 512], strides = [1, 1]} : vector<816x1024xbf16> to vector<408x512xbf16>
      %dot_general3A_192 = arith.constant dense<0.000000e+00> : vector<408x512xf32>
      %dot_general3A_193 = tpu.matmul %get3A_190, %slice3A_191, %dot_general3A_192 {dimension_numbers = #tpu.dot_dimension_numbers<[1], [0], [0], [1], [0, 0, 1, 1], [], []>, transpose_lhs_hint = false} : vector<408x408xbf16>, vector<408x512xbf16>, vector<408x512xf32> -> vector<408x512xf32>
      %get3A_194 = arith.constant 1 : index
      %get3A_195 = arith.constant 0 : index
      %get3A_196 = arith.constant 0 : index
      %get3A_197 = vector.load %arg4[%get3A_194, %get3A_195, %get3A_196] : memref<2x408x408xbf16, #tpu.memory_space<vmem>>, vector<1x408x408xbf16>
      %get3A_198 = vector.shape_cast %get3A_197 : vector<1x408x408xbf16> to vector<408x408xbf16>
      %slice3A_199 = vector.extract_strided_slice %convert_element_type3A_168 {offsets = [408, 512], sizes = [408, 512], strides = [1, 1]} : vector<816x1024xbf16> to vector<408x512xbf16>
      %dot_general3A_200 = arith.constant dense<0.000000e+00> : vector<408x512xf32>
      %dot_general3A_201 = tpu.matmul %get3A_198, %slice3A_199, %dot_general3A_200 {dimension_numbers = #tpu.dot_dimension_numbers<[1], [0], [0], [1], [0, 0, 1, 1], [], []>, transpose_lhs_hint = false} : vector<408x408xbf16>, vector<408x512xbf16>, vector<408x512xf32> -> vector<408x512xf32>
      %concatenate3A_202 = tpu.concatenate %dot_general3A_193, %dot_general3A_201 in 0 : vector<408x512xf32>, vector<408x512xf32> -> vector<816x512xf32>
      %convert_element_type3A_203 = arith.truncf %concatenate3A_202 : vector<816x512xf32> to vector<816x512xbf16>
      %slice3A_204 = vector.extract_strided_slice %get3A_62 {offsets = [0, 0, 0], sizes = [1, 512, 1024], strides = [1, 1, 1]} : vector<3x512x1024xbf16> to vector<1x512x1024xbf16>
      %squeeze3A = vector.shape_cast %slice3A_204 : vector<1x512x1024xbf16> to vector<512x1024xbf16>
      %dot_general3A_205 = arith.constant dense<0.000000e+00> : vector<816x1024xf32>
      %dot_general3A_206 = tpu.matmul %convert_element_type3A_185, %squeeze3A, %dot_general3A_205 {dimension_numbers = #tpu.dot_dimension_numbers<[1], [0], [0], [1], [0, 0, 1, 1], [], []>, transpose_lhs_hint = false} : vector<816x512xbf16>, vector<512x1024xbf16>, vector<816x1024xf32> -> vector<816x1024xf32>
      %slice3A_207 = vector.extract_strided_slice %get3A_62 {offsets = [1, 0, 0], sizes = [1, 512, 1024], strides = [1, 1, 1]} : vector<3x512x1024xbf16> to vector<1x512x1024xbf16>
      %squeeze3A_208 = vector.shape_cast %slice3A_207 : vector<1x512x1024xbf16> to vector<512x1024xbf16>
      %dot_general3A_209 = arith.constant dense<0.000000e+00> : vector<816x1024xf32>
      %dot_general3A_210 = tpu.matmul %convert_element_type3A_203, %squeeze3A_208, %dot_general3A_209 {dimension_numbers = #tpu.dot_dimension_numbers<[1], [0], [0], [1], [0, 0, 1, 1], [], []>, transpose_lhs_hint = false} : vector<816x512xbf16>, vector<512x1024xbf16>, vector<816x1024xf32> -> vector<816x1024xf32>
      %add3A_211 = arith.addf %dot_general3A_206, %dot_general3A_210 : vector<816x1024xf32>
      %slice3A_212 = vector.extract_strided_slice %get3A_62 {offsets = [2, 0, 0], sizes = [1, 512, 1024], strides = [1, 1, 1]} : vector<3x512x1024xbf16> to vector<1x512x1024xbf16>
      %squeeze3A_213 = vector.shape_cast %slice3A_212 : vector<1x512x1024xbf16> to vector<512x1024xbf16>
      %dot_general3A_214 = arith.constant dense<0.000000e+00> : vector<816x1024xf32>
      %dot_general3A_215 = tpu.matmul %convert_element_type3A_165, %squeeze3A_213, %dot_general3A_214 {dimension_numbers = #tpu.dot_dimension_numbers<[1], [0], [0], [1], [0, 0, 1, 1], [], []>, transpose_lhs_hint = false} : vector<816x512xbf16>, vector<512x1024xbf16>, vector<816x1024xf32> -> vector<816x1024xf32>
      %add3A_216 = arith.addf %add3A_211, %dot_general3A_215 : vector<816x1024xf32>
      %logistic3A = arith.negf %add3A_216 : vector<816x1024xf32>
      %logistic3A_217 = math.exp %logistic3A : vector<816x1024xf32>
      %logistic3A_218 = arith.constant 1.000000e+00 : f32
      %logistic3A_219 = vector.broadcast %logistic3A_218 : f32 to vector<816x1024xf32>
      %logistic3A_220 = arith.addf %logistic3A_219, %logistic3A_217 : vector<816x1024xf32>
      %logistic3A_221 = arith.divf %logistic3A_219, %logistic3A_220 : vector<816x1024xf32>
      %slice3A_222 = vector.extract_strided_slice %logistic3A_221 {offsets = [0, 0], sizes = [816, 512], strides = [1, 1]} : vector<816x1024xf32> to vector<816x512xf32>
      %slice3A_223 = vector.extract_strided_slice %logistic3A_221 {offsets = [0, 512], sizes = [816, 512], strides = [1, 1]} : vector<816x1024xf32> to vector<816x512xf32>
      %mul3A_224 = arith.mulf %slice3A_223, %get3A_164 : vector<816x512xf32>
      %convert_element_type3A_225 = arith.truncf %mul3A_224 : vector<816x512xf32> to vector<816x512xbf16>
      %slice3A_226 = vector.extract_strided_slice %get3A_66 {offsets = [0, 0, 0], sizes = [1, 512, 512], strides = [1, 1, 1]} : vector<3x512x512xbf16> to vector<1x512x512xbf16>
      %squeeze3A_227 = vector.shape_cast %slice3A_226 : vector<1x512x512xbf16> to vector<512x512xbf16>
      %dot_general3A_228 = arith.constant dense<0.000000e+00> : vector<816x512xf32>
      %dot_general3A_229 = tpu.matmul %convert_element_type3A_185, %squeeze3A_227, %dot_general3A_228 {dimension_numbers = #tpu.dot_dimension_numbers<[1], [0], [0], [1], [0, 0, 1, 1], [], []>, transpose_lhs_hint = false} : vector<816x512xbf16>, vector<512x512xbf16>, vector<816x512xf32> -> vector<816x512xf32>
      %slice3A_230 = vector.extract_strided_slice %get3A_66 {offsets = [1, 0, 0], sizes = [1, 512, 512], strides = [1, 1, 1]} : vector<3x512x512xbf16> to vector<1x512x512xbf16>
      %squeeze3A_231 = vector.shape_cast %slice3A_230 : vector<1x512x512xbf16> to vector<512x512xbf16>
      %dot_general3A_232 = arith.constant dense<0.000000e+00> : vector<816x512xf32>
      %dot_general3A_233 = tpu.matmul %convert_element_type3A_203, %squeeze3A_231, %dot_general3A_232 {dimension_numbers = #tpu.dot_dimension_numbers<[1], [0], [0], [1], [0, 0, 1, 1], [], []>, transpose_lhs_hint = false} : vector<816x512xbf16>, vector<512x512xbf16>, vector<816x512xf32> -> vector<816x512xf32>
      %add3A_234 = arith.addf %dot_general3A_229, %dot_general3A_233 : vector<816x512xf32>
      %slice3A_235 = vector.extract_strided_slice %get3A_66 {offsets = [2, 0, 0], sizes = [1, 512, 512], strides = [1, 1, 1]} : vector<3x512x512xbf16> to vector<1x512x512xbf16>
      %squeeze3A_236 = vector.shape_cast %slice3A_235 : vector<1x512x512xbf16> to vector<512x512xbf16>
      %dot_general3A_237 = arith.constant dense<0.000000e+00> : vector<816x512xf32>
      %dot_general3A_238 = tpu.matmul %convert_element_type3A_225, %squeeze3A_236, %dot_general3A_237 {dimension_numbers = #tpu.dot_dimension_numbers<[1], [0], [0], [1], [0, 0, 1, 1], [], []>, transpose_lhs_hint = false} : vector<816x512xbf16>, vector<512x512xbf16>, vector<816x512xf32> -> vector<816x512xf32>
      %add3A_239 = arith.addf %add3A_234, %dot_general3A_238 : vector<816x512xf32>
      %tanh3A_240 = math.tanh %add3A_239 : vector<816x512xf32>
      %sub3A = arith.constant 1.000000e+00 : f32
      %sub3A_241 = vector.broadcast %sub3A : f32 to vector<816x512xf32>
      %sub3A_242 = arith.subf %sub3A_241, %slice3A_222 : vector<816x512xf32>
      %mul3A_243 = arith.mulf %sub3A_242, %get3A_164 : vector<816x512xf32>
      %mul3A_244 = arith.mulf %slice3A_222, %tanh3A_240 : vector<816x512xf32>
      %add3A_245 = arith.addf %mul3A_243, %mul3A_244 : vector<816x512xf32>
      %swap3A_246 = arith.constant 0 : index
      %swap3A_247 = arith.constant 0 : index
      %swap3A_248 = vector.load %arg13[%swap3A_246, %swap3A_247] : memref<816x512xf32, #tpu.memory_space<vmem>>, vector<816x512xf32>
      tpu.vector_store %arg13[%swap3A_246, %swap3A_247], %add3A_245 {strides = array<i32>} : memref<816x512xf32, #tpu.memory_space<vmem>>, vector<816x512xf32>,
    }
    %get3A_70 = arith.constant 0 : index
    %get3A_71 = arith.constant 0 : index
    %get3A_72 = vector.load %arg8[%get3A_70, %get3A_71] : memref<512x512xbf16, #tpu.memory_space<vmem>>, vector<512x512xbf16>
    %get3A_73 = arith.constant 0 : index
    %get3A_74 = arith.constant 0 : index
    %get3A_75 = vector.load %arg9[%get3A_73, %get3A_74] : memref<512x512xbf16, #tpu.memory_space<vmem>>, vector<512x512xbf16>
    %get3A_76 = arith.constant 0 : index
    %get3A_77 = arith.constant 0 : index
    %get3A_78 = vector.load %arg10[%get3A_76, %get3A_77] : memref<512x1024xbf16, #tpu.memory_space<vmem>>, vector<512x1024xbf16>
    %iota3A = tpu.iota {dimensions = array<i32: 0>} : vector<408x1024xi32>
    %get3A_79 = arith.constant 0 : index
    %get3A_80 = arith.constant 0 : index
    %get3A_81 = vector.load %arg13[%get3A_79, %get3A_80] : memref<816x512xf32, #tpu.memory_space<vmem>>, vector<816x512xf32>
    %get3A_82 = arith.constant 0 : index
    %get3A_83 = arith.constant 0 : index
    %get3A_84 = vector.load %arg12[%get3A_82, %get3A_83] : memref<816x512xf32, #tpu.memory_space<vmem>>, vector<816x512xf32>
    %convert_element_type3A = arith.truncf %get3A_81 : vector<816x512xf32> to vector<816x512xbf16>
    %dot_general3A = arith.constant dense<0.000000e+00> : vector<816x512xf32>
    %dot_general3A_85 = tpu.matmul %convert_element_type3A, %get3A_72, %dot_general3A {dimension_numbers = #tpu.dot_dimension_numbers<[1], [0], [0], [1], [0, 0, 1, 1], [], []>, transpose_lhs_hint = false} : vector<816x512xbf16>, vector<512x512xbf16>, vector<816x512xf32> -> vector<816x512xf32>
    %convert_element_type3A_86 = arith.truncf %get3A_84 : vector<816x512xf32> to vector<816x512xbf16>
    %dot_general3A_87 = arith.constant dense<0.000000e+00> : vector<816x512xf32>
    %dot_general3A_88 = tpu.matmul %convert_element_type3A_86, %get3A_75, %dot_general3A_87 {dimension_numbers = #tpu.dot_dimension_numbers<[1], [0], [0], [1], [0, 0, 1, 1], [], []>, transpose_lhs_hint = false} : vector<816x512xbf16>, vector<512x512xbf16>, vector<816x512xf32> -> vector<816x512xf32>
    %add3A_89 = arith.addf %dot_general3A_85, %dot_general3A_88 : vector<816x512xf32>
    %tanh3A = math.tanh %add3A_89 : vector<816x512xf32>
    %convert_element_type3A_90 = arith.truncf %tanh3A : vector<816x512xf32> to vector<816x512xbf16>
    %dot_general3A_91 = arith.constant dense<0.000000e+00> : vector<816x1024xf32>
    %dot_general3A_92 = tpu.matmul %convert_element_type3A_90, %get3A_78, %dot_general3A_91 {dimension_numbers = #tpu.dot_dimension_numbers<[1], [0], [0], [1], [0, 0, 1, 1], [], []>, transpose_lhs_hint = false} : vector<816x512xbf16>, vector<512x1024xbf16>, vector<816x1024xf32> -> vector<816x1024xf32>
    %slice3A = vector.extract_strided_slice %dot_general3A_92 {offsets = [0, 0], sizes = [408, 1024], strides = [1, 1]} : vector<816x1024xf32> to vector<408x1024xf32>
    %lt3A = arith.constant 407 : i32
    %lt3A_93 = vector.broadcast %lt3A : i32 to vector<408x1024xi32>
    %lt3A_94 = arith.cmpi slt, %iota3A, %lt3A_93 : vector<408x1024xi32>
    %jit3A_95 = arith.constant -3.000000e+38 : f32
    %broadcast_in_dim3A_96 = vector.broadcast %jit3A_95 : f32 to vector<408x1024xf32>
    %select_n3A_97 = arith.select %lt3A_94, %slice3A, %broadcast_in_dim3A_96 : vector<408x1024xi1>, vector<408x1024xf32>
    %reduce_max3A = arith.constant dense<0xFF800000> : vector<1024xf32>
    %reduce_max3A_98 = vector.multi_reduction <maximumf>, %select_n3A_97, %reduce_max3A [0] : vector<408x1024xf32> to vector<1024xf32>
    %broadcast_in_dim3A_99 = vector.shape_cast %reduce_max3A_98 : vector<1024xf32> to vector<1024x1xf32>
    %broadcast_in_dim3A_100 = vector.shape_cast %broadcast_in_dim3A_99 : vector<1024x1xf32> to vector<1024x1xf32>
    %broadcast_in_dim3A_101 = vector.broadcast %broadcast_in_dim3A_100 : vector<1024x1xf32> to vector<1024x407xf32>
    %swap3A_102 = arith.constant 0 : index
    %swap3A_103 = arith.constant 0 : index
    %swap3A_104 = arith.constant 0 : index
    %swap3A_105 = vector.load %arg11[%swap3A_102, %swap3A_103, %swap3A_104] : memref<2x1792x407xf32, #tpu.memory_space<vmem>>, vector<1x1024x407xf32>
    %swap3A_106 = vector.shape_cast %swap3A_105 : vector<1x1024x407xf32> to vector<1024x407xf32>
    %swap3A_107 = vector.shape_cast %broadcast_in_dim3A_101 : vector<1024x407xf32> to vector<1x1024x407xf32>
    tpu.vector_store %arg11[%swap3A_102, %swap3A_103, %swap3A_104], %swap3A_107 {strides = array<i32>} : memref<2x1792x407xf32, #tpu.memory_space<vmem>>, vector<1x1024x407xf32>,
    %slice3A_108 = vector.extract_strided_slice %tanh3A {offsets = [0, 0], sizes = [408, 512], strides = [1, 1]} : vector<816x512xf32> to vector<408x512xf32>
    %transpose3A = tpu.transpose %slice3A_108, [1, 0] : vector<408x512xf32> -> vector<512x408xf32>
    %slice3A_109 = vector.extract_strided_slice %transpose3A {offsets = [0, 0], sizes = [512, 407], strides = [1, 1]} : vector<512x408xf32> to vector<512x407xf32>
    %swap3A_110 = arith.constant 0 : index
    %swap3A_111 = arith.constant 1024 : index
    %swap3A_112 = arith.constant 0 : index
    %swap3A_113 = vector.load %arg11[%swap3A_110, %swap3A_111, %swap3A_112] : memref<2x1792x407xf32, #tpu.memory_space<vmem>>, vector<1x512x407xf32>
    %swap3A_114 = vector.shape_cast %swap3A_113 : vector<1x512x407xf32> to vector<512x407xf32>
    %swap3A_115 = vector.shape_cast %slice3A_109 : vector<512x407xf32> to vector<1x512x407xf32>
    tpu.vector_store %arg11[%swap3A_110, %swap3A_111, %swap3A_112], %swap3A_115 {strides = array<i32>} : memref<2x1792x407xf32, #tpu.memory_space<vmem>>, vector<1x512x407xf32>,
    %slice3A_116 = vector.extract_strided_slice %get3A_84 {offsets = [0, 0], sizes = [408, 256], strides = [1, 1]} : vector<816x512xf32> to vector<408x256xf32>
    %transpose3A_117 = tpu.transpose %slice3A_116, [1, 0] : vector<408x256xf32> -> vector<256x408xf32>
    %slice3A_118 = vector.extract_strided_slice %transpose3A_117 {offsets = [0, 0], sizes = [256, 407], strides = [1, 1]} : vector<256x408xf32> to vector<256x407xf32>
    %swap3A_119 = arith.constant 0 : index
    %swap3A_120 = arith.constant 1536 : index
    %swap3A_121 = arith.constant 0 : index
    %swap3A_122 = vector.load %arg11[%swap3A_119, %swap3A_120, %swap3A_121] : memref<2x1792x407xf32, #tpu.memory_space<vmem>>, vector<1x256x407xf32>
    %swap3A_123 = vector.shape_cast %swap3A_122 : vector<1x256x407xf32> to vector<256x407xf32>
    %swap3A_124 = vector.shape_cast %slice3A_118 : vector<256x407xf32> to vector<1x256x407xf32>
    tpu.vector_store %arg11[%swap3A_119, %swap3A_120, %swap3A_121], %swap3A_124 {strides = array<i32>} : memref<2x1792x407xf32, #tpu.memory_space<vmem>>, vector<1x256x407xf32>,
    %slice3A_125 = vector.extract_strided_slice %dot_general3A_92 {offsets = [408, 0], sizes = [408, 1024], strides = [1, 1]} : vector<816x1024xf32> to vector<408x1024xf32>
    %lt3A_126 = arith.constant 407 : i32
    %lt3A_127 = vector.broadcast %lt3A_126 : i32 to vector<408x1024xi32>
    %lt3A_128 = arith.cmpi slt, %iota3A, %lt3A_127 : vector<408x1024xi32>
    %jit3A_129 = arith.constant -3.000000e+38 : f32
    %broadcast_in_dim3A_130 = vector.broadcast %jit3A_129 : f32 to vector<408x1024xf32>
    %select_n3A_131 = arith.select %lt3A_128, %slice3A_125, %broadcast_in_dim3A_130 : vector<408x1024xi1>, vector<408x1024xf32>
    %reduce_max3A_132 = arith.constant dense<0xFF800000> : vector<1024xf32>
    %reduce_max3A_133 = vector.multi_reduction <maximumf>, %select_n3A_131, %reduce_max3A_132 [0] : vector<408x1024xf32> to vector<1024xf32>
    %broadcast_in_dim3A_134 = vector.shape_cast %reduce_max3A_133 : vector<1024xf32> to vector<1024x1xf32>
    %broadcast_in_dim3A_135 = vector.shape_cast %broadcast_in_dim3A_134 : vector<1024x1xf32> to vector<1024x1xf32>
    %broadcast_in_dim3A_136 = vector.broadcast %broadcast_in_dim3A_135 : vector<1024x1xf32> to vector<1024x407xf32>
    %swap3A_137 = arith.constant 1 : index
    %swap3A_138 = arith.constant 0 : index
    %swap3A_139 = arith.constant 0 : index
    %swap3A_140 = vector.load %arg11[%swap3A_137, %swap3A_138, %swap3A_139] : memref<2x1792x407xf32, #tpu.memory_space<vmem>>, vector<1x1024x407xf32>
    %swap3A_141 = vector.shape_cast %swap3A_140 : vector<1x1024x407xf32> to vector<1024x407xf32>
    %swap3A_142 = vector.shape_cast %broadcast_in_dim3A_136 : vector<1024x407xf32> to vector<1x1024x407xf32>
    tpu.vector_store %arg11[%swap3A_137, %swap3A_138, %swap3A_139], %swap3A_142 {strides = array<i32>} : memref<2x1792x407xf32, #tpu.memory_space<vmem>>, vector<1x1024x407xf32>,
    %slice3A_143 = vector.extract_strided_slice %tanh3A {offsets = [408, 0], sizes = [408, 512], strides = [1, 1]} : vector<816x512xf32> to vector<408x512xf32>
    %transpose3A_144 = tpu.transpose %slice3A_143, [1, 0] : vector<408x512xf32> -> vector<512x408xf32>
    %slice3A_145 = vector.extract_strided_slice %transpose3A_144 {offsets = [0, 0], sizes = [512, 407], strides = [1, 1]} : vector<512x408xf32> to vector<512x407xf32>
    %swap3A_146 = arith.constant 1 : index
    %swap3A_147 = arith.constant 1024 : index
    %swap3A_148 = arith.constant 0 : index
    %swap3A_149 = vector.load %arg11[%swap3A_146, %swap3A_147, %swap3A_148] : memref<2x1792x407xf32, #tpu.memory_space<vmem>>, vector<1x512x407xf32>
    %swap3A_150 = vector.shape_cast %swap3A_149 : vector<1x512x407xf32> to vector<512x407xf32>
    %swap3A_151 = vector.shape_cast %slice3A_145 : vector<512x407xf32> to vector<1x512x407xf32>
    tpu.vector_store %arg11[%swap3A_146, %swap3A_147, %swap3A_148], %swap3A_151 {strides = array<i32>} : memref<2x1792x407xf32, #tpu.memory_space<vmem>>, vector<1x512x407xf32>,
    %slice3A_152 = vector.extract_strided_slice %get3A_84 {offsets = [408, 0], sizes = [408, 256], strides = [1, 1]} : vector<816x512xf32> to vector<408x256xf32>
    %transpose3A_153 = tpu.transpose %slice3A_152, [1, 0] : vector<408x256xf32> -> vector<256x408xf32>
    %slice3A_154 = vector.extract_strided_slice %transpose3A_153 {offsets = [0, 0], sizes = [256, 407], strides = [1, 1]} : vector<256x408xf32> to vector<256x407xf32>
    %swap3A_155 = arith.constant 1 : index
    %swap3A_156 = arith.constant 1536 : index
    %swap3A_157 = arith.constant 0 : index
    %swap3A_158 = vector.load %arg11[%swap3A_155, %swap3A_156, %swap3A_157] : memref<2x1792x407xf32, #tpu.memory_space<vmem>>, vector<1x256x407xf32>
    %swap3A_159 = vector.shape_cast %swap3A_158 : vector<1x256x407xf32> to vector<256x407xf32>
    %swap3A_160 = vector.shape_cast %slice3A_154 : vector<256x407xf32> to vector<1x256x407xf32>
    tpu.vector_store %arg11[%swap3A_155, %swap3A_156, %swap3A_157], %swap3A_160 {strides = array<i32>} : memref<2x1792x407xf32, #tpu.memory_space<vmem>>, vector<1x256x407xf32>,
    return
  }
  func.func @transform_0(%arg0: i32) -> (i32, i32) {
    %c0_i32 = arith.constant 0 : i32
    %c0_i32_0 = arith.constant 0 : i32
    %c0_i32_1 = arith.constant 0 : i32
    return %c0_i32, %c0_i32_0 : i32, i32
  }
  func.func @transform_1(%arg0: i32) -> (i32, i32, i32) {
    %c0_i32 = arith.constant 0 : i32
    %c0_i32_0 = arith.constant 0 : i32
    %c0_i32_1 = arith.constant 0 : i32
    return %arg0, %c0_i32, %c0_i32_0 : i32, i32, i32
  }
  func.func @transform_2(%arg0: i32) -> (i32, i32, i32) {
    %c0_i32 = arith.constant 0 : i32
    %c0_i32_0 = arith.constant 0 : i32
    %c0_i32_1 = arith.constant 0 : i32
    return %arg0, %c0_i32, %c0_i32_0 : i32, i32, i32
  }
  func.func @transform_3(%arg0: i32) -> (i32, i32, i32) {
    %c0_i32 = arith.constant 0 : i32
    %c0_i32_0 = arith.constant 0 : i32
    %c0_i32_1 = arith.constant 0 : i32
    return %arg0, %c0_i32, %c0_i32_0 : i32, i32, i32
  }
  func.func @transform_4(%arg0: i32) -> (i32, i32) {
    %c0_i32 = arith.constant 0 : i32
    %c0_i32_0 = arith.constant 0 : i32
    %c0_i32_1 = arith.constant 0 : i32
    return %c0_i32, %c0_i32_0 : i32, i32
  }
  func.func @transform_5(%arg0: i32) -> (i32, i32, i32) {
    %c0_i32 = arith.constant 0 : i32
    %c0_i32_0 = arith.constant 0 : i32
    %c0_i32_1 = arith.constant 0 : i32
    %c0_i32_2 = arith.constant 0 : i32
    return %c0_i32, %c0_i32_0, %c0_i32_1 : i32, i32, i32
  }
  func.func @transform_6(%arg0: i32) -> (i32, i32, i32) {
    %c0_i32 = arith.constant 0 : i32
    %c0_i32_0 = arith.constant 0 : i32
    %c0_i32_1 = arith.constant 0 : i32
    %c0_i32_2 = arith.constant 0 : i32
    return %c0_i32, %c0_i32_0, %c0_i32_1 : i32, i32, i32
  }
  func.func @transform_7(%arg0: i32) -> (i32, i32) {
    %c0_i32 = arith.constant 0 : i32
    %c0_i32_0 = arith.constant 0 : i32
    %c0_i32_1 = arith.constant 0 : i32
    return %c0_i32, %c0_i32_0 : i32, i32
  }
  func.func @transform_8(%arg0: i32) -> (i32, i32) {
    %c0_i32 = arith.constant 0 : i32
    %c0_i32_0 = arith.constant 0 : i32
    %c0_i32_1 = arith.constant 0 : i32
    return %c0_i32, %c0_i32_0 : i32, i32
  }
  func.func @transform_9(%arg0: i32) -> (i32, i32) {
    %c0_i32 = arith.constant 0 : i32
    %c0_i32_0 = arith.constant 0 : i32
    %c0_i32_1 = arith.constant 0 : i32
    return %c0_i32, %c0_i32_0 : i32, i32
  }
  func.func @transform_10(%arg0: i32) -> (i32, i32, i32) {
    %c0_i32 = arith.constant 0 : i32
    %c0_i32_0 = arith.constant 0 : i32
    %c0_i32_1 = arith.constant 0 : i32
    return %arg0, %c0_i32, %c0_i32_0 : i32, i32, i32
  }
}

</mosaic_0001>

<sc_bundles>
// kernel: kernel.5.cloned.1.call-start
scs
__scs_entry_jumppad:
0x0: {  	(pc) =	sbr.rel $0x88, $3  }
0x1: {  	(tag) =	ssettag $0x0;
	lr =	simm.s32 $0x1  }
0x2: {  	[smem:$0x3F93] =	sst lr;
	_ =	strace $0xD0000000  }
0x3: {  	_ = 	snop  }
0x4: {  	_ = 	snop  }
0x5: {  	_ = 	snop  }
0x6: {  	_ = 	snop  }
0x7: {  	_ = 	snop  }
__scs_overlays_trampoline_lowered:
0x8: {  	[smem:$0x3FA2] =	sst s0  }
0x9: {  	[smem:$0x3FA3] =	sst s1  }
0xa: {  	[smem:$0x3FA4] =	sst s2  }
0xb: {  	[smem:$0x3FA5] =	sst s3  }
0xc: {  	[smem:$0x3FA6] =	sst s4  }
0xd: {  	[smem:$0x3FA7] =	sst s5  }
0xe: {  	[smem:$0x3FA8] =	sst s6  }
0xf: {  	[smem:$0x3FA9] =	sst s7  }
0x10: {  	[smem:$0x3FAA] =	sst s8  }
0x11: {  	[smem:$0x3FAB] =	sst s9;
	s0 =	simm.s32 @!p0 $0x0  }
0x12: {  	s1 =	sld [smem:$0x3F91];
	s0 =	simm.s32 @p0 $0x1  }
0x13: {  	[smem:$0x3FAC] =	sst s0;
	s0 =	simm.s32 @!p1 $0x0  }
0x14: {  	s2 =	sld [smem:$0x3F90];
	s0 =	simm.s32 @p1 $0x1  }
0x15: {  	[smem:$0x3FAD] =	sst s0;
	s0 =	simm.s32 @!p2 $0x0  }
0x16: {  	s3 =	sld [smem:$0x3FDB];
	s0 =	simm.s32 @p2 $0x1  }
0x17: {  	s4 =	simm.s32 $0x1BF5;
	[smem:$0x3FAF] =	sst s0  }
0x18: {  	s0 =	sld [smem:$0x3F92];
	_ =	swait.ge [sflag:s4], $0x0  }
0x19: {  	s7 =	sld [smem:$0x3F93]  }
0x1a: {  	s8 =	sadd.s32 $0xFFFFE003, lr  }
0x1b: {  	s9 =	sadd.s32 $0xFFFFFEF7, lr;
	s5 =	simm.s32 $0xFFFFFFFF;
	p2 =	slt.u32 s8, $0xFFFFF086  }
0x1c: {  	p1 =	slt.u32 s9, $0xF7A;
	s5 =	simm.s32 @!p2 $0x0  }
0x1d: {  	s5 =	simm.s32 @p1 $0x1;
	p0 =	seq.s32 s7, s2  }
0x1e: {  	s7 =	smul.u32 @!p0 $0xF7A, s2;
	p2 =	seq.s32 @!p0 s5, $0x0  }
0x1f: {  	s9 =	smul.u32 $0xF7A, s1;
	s8 =	simm.s32 @!p0 $0x1BF5;
	p2 =	por !p2, p0  }
0x20: {  	[sflag:s8] =	ssyncset.s32 @!p0 $0xFFFFF086;
	s6 =	sadd.s32 @!p0 s3, s7;
	s7 =	simm.s32 @!p0 $0x108  }
0x21: {  	s3 =	sadd.s32 s3, s9;
	s6 =	sadd.s32 @!p0 $0x88, s6;
	s7 =	simm.s32 @p2 $0x1082  }
0x22: {  	[simem:s7], [sflag:s8] =	dma.local @!p0 [hbm:s6], $0xF7A  }
0x23: {  	s9 =	sor.u32 $0xD0000000, s2;
	s6 =	simm.s32 $0x108;
	_ =	swait.ge @!p0 [sflag:s8], $0x0  }
0x24: {  	s3 =	sadd.s32 $0x88, s3;
	s6 =	simm.s32 @!p1 $0x1082;
	[sflag:s4] =	ssyncset.s32 $0xFFFFF086  }
0x25: {  	[simem:s6], [sflag:s4] =	dma.local [hbm:s3], $0xF7A  }
0x26: {  	[smem:$0x3F93] =	sst s1;
	(tag) =	ssettag s2;
	_ =	strace s9  }
0x27: {  	s1 =	sld [smem:$0x3FA3]  }
0x28: {  	s2 =	sld [smem:$0x3FA4]  }
0x29: {  	s4 =	sld [smem:$0x3FA6]  }
0x2a: {  	p0 =	seq.s32 s5, $0x0;
	s5 =	sld [smem:$0x3FA7]  }
0x2b: {  	s6 =	sld [smem:$0x3FA8]  }
0x2c: {  	s7 =	sld [smem:$0x3FA9]  }
0x2d: {  	s3 =	simm.s32 $0x108;
	s8 =	sld [smem:$0x3FAA]  }
0x2e: {  	s3 =	simm.s32 @!p0 $0x1082;
	s9 =	sld [smem:$0x3FAB]  }
0x2f: {  	lr =	sadd.s32 s0, s3;
	s0 =	sld [smem:$0x3FA2]  }
0x30: {  	s3 =	sld [smem:$0x3FA5]  }
0x31: {  	[smem:$0x3FAE] =	sst s10  }
0x32: {  	s10 =	sld [smem:$0x3FAC];
	_ =	sdelay $0x3  }
0x33: {  	p0 =	seq.s32 s10, $0x1;
	s10 =	sld [smem:$0x3FAE];
	_ =	sdelay $0x3  }
0x34: {  	[smem:$0x3FAE] =	sst s10  }
0x35: {  	s10 =	sld [smem:$0x3FAD];
	_ =	sdelay $0x3  }
0x36: {  	p1 =	seq.s32 s10, $0x1;
	s10 =	sld [smem:$0x3FAE];
	_ =	sdelay $0x3  }
0x37: {  	[smem:$0x3FAE] =	sst s10  }
0x38: {  	s10 =	sld [smem:$0x3FAF]  }
0x39: {  	_ = 	snop;
	(pc) =	sbr.ind lr, $3  }
0x3a: {  	_ = 	snop  }
0x3b: {  	_ = 	snop  }
0x3c: {  	p2 =	seq.s32 s10, $0x1;
	s10 =	sld [smem:$0x3FAE]  }
0x3d: {  	_ =	shalt  }
0x3e: {  	_ =	shalt  }
0x3f: {  	_ =	shalt  }
0x40: {  	_ =	shalt  }
0x41: {  	_ =	shalt  }
0x42: {  	_ =	shalt  }
0x43: {  	_ =	shalt  }
0x44: {  	_ =	shalt  }
0x45: {  	_ =	shalt  }
0x46: {  	_ =	shalt  }
0x47: {  	_ =	shalt  }
0x48: {  	_ =	shalt  }
0x49: {  	_ =	shalt  }
0x4a: {  	_ =	shalt  }
0x4b: {  	_ =	shalt  }
0x4c: {  	_ =	shalt  }
0x4d: {  	_ =	shalt  }
0x4e: {  	_ =	shalt  }
0x4f: {  	_ =	shalt  }
0x50: {  	_ =	shalt  }
0x51: {  	_ =	shalt  }
0x52: {  	_ =	shalt  }
0x53: {  	_ =	shalt  }
0x54: {  	_ =	shalt  }
0x55: {  	_ =	shalt  }
0x56: {  	_ =	shalt  }
0x57: {  	_ =	shalt  }
0x58: {  	_ =	shalt  }
0x59: {  	_ =	shalt  }
0x5a: {  	_ =	shalt  }
0x5b: {  	_ =	shalt  }
0x5c: {  	_ =	shalt  }
0x5d: {  	_ =	shalt  }
0x5e: {  	_ =	shalt  }
0x5f: {  	_ =	shalt  }
0x60: {  	_ =	shalt  }
0x61: {  	_ =	shalt  }
0x62: {  	_ =	shalt  }
0x63: {  	_ =	shalt  }
0x64: {  	_ =	shalt  }
0x65: {  	_ =	shalt  }
0x66: {  	_ =	shalt  }
0x67: {  	_ =	shalt  }
0x68: {  	_ =	shalt  }
0x69: {  	_ =	shalt  }
0x6a: {  	_ =	shalt  }
0x6b: {  	_ =	shalt  }
0x6c: {  	_ =	shalt  }
0x6d: {  	_ =	shalt  }
0x6e: {  	_ =	shalt  }
0x6f: {  	_ =	shalt  }
0x70: {  	_ =	shalt  }
0x71: {  	_ =	shalt  }
0x72: {  	_ =	shalt  }
0x73: {  	_ =	shalt  }
0x74: {  	_ =	shalt  }
0x75: {  	_ =	shalt  }
0x76: {  	_ =	shalt  }
0x77: {  	_ =	shalt  }
0x78: {  	_ =	shalt  }
0x79: {  	_ =	shalt  }
0x7a: {  	_ =	shalt  }
0x7b: {  	_ =	shalt  }
0x7c: {  	_ =	shalt  }
0x7d: {  	_ =	shalt  }
0x7e: {  	_ =	shalt  }
0x7f: {  	_ =	shalt  }
0x80: {  	_ =	shalt  }
0x81: {  	_ =	shalt  }
0x82: {  	_ =	shalt  }
0x83: {  	_ =	shalt  }
0x84: {  	_ =	shalt  }
0x85: {  	_ =	shalt  }
0x86: {  	_ =	shalt  }
0x87: {  	_ =	shalt  }
.Lfunc_end0:
.L_simem_size_0:
called_computation_lowered:
.L_overlay_start_0:
0x88: {  	s2 =	sld [smem:$0x3FD9]  }
0x89: {  	s3 =	sld [smem:$0x3FFE];
	_ =	sdelay $0x1  }
0x8a: {  	s1 =	srdreg.scid  }
0x8b: {  	s0 =	sand.u32 $0x1, s1  }
0x8c: {  	s17 =	sshll.u32 s0, $0xA;
	s2 =	sadd.s32 s3, s2  }
0x8d: {  	s2 =	sadd.s32 s2, s17  }
0x8e: {  	[smem:$0x3FBA] =	sst s2  }
0x8f: {  	_ = 	snop  }
0x90: {  	s2 =	sld [smem:$0x3FD0];
	(tm) =	ssettm $0x1  }
0x91: {  	s18 =	sld [smem:$0x3FFB];
	_ =	sdelay $0x3  }
0x92: {  	_ =	strace s18  }
0x93: {  	s3 =	sld [smem:$0x3FFC];
	_ =	sdelay $0x3  }
0x94: {  	_ =	strace s3  }
0x95: {  	s3 =	sld [smem:$0x3FFD];
	_ =	sdelay $0x3  }
0x96: {  	_ =	strace s3  }
0x97: {  	_ =	strace $0x8FFFFFFF  }
0x98: {  	s19 =	sld [smem:$0x3FDB];
	_ =	sdelay $0x1  }
0x99: {  	s4 =	simm.s32 $_scs_section_size  }
0x9a: {  	s5 =	simm.s32 $_size__tile_overlayer_lowered;
	s6 =	simm.s32 $_tile_overlayer_lowered  }
0x9b: {  	s22 =	simm.s32 $0x1BFF;
	s21 =	sshll.u32 s6, $0x1;
	s3 =	sadd.s32 s4, s19  }
0x9c: {  	s7 =	simm.s32 $0x0;
	s20 =	sshll.u32 s5, $0x1;
	s5 =	sadd.s32 s21, s3  }
0x9d: {  	[timem:s7], [sflag:s22] =	dma.local [hbm:s5], s20  }
0x9e: {  	_ =	swait.ge [sflag:s22], s20  }
0x9f: {  	s4 =	ssub.s32 $0x0, s20;
	[sflag:s22] =	ssyncset.done $0x0  }
0xa0: {  	[sflag:s22] =	ssyncadd.s32 s4;
	_ =	sdelay $0x1  }
0xa1: {  	s23 =	simm.s32 $0x1B8B  }
0xa2: {  	_ =	swait.ge [sflag:s23], $0x1  }
0xa3: {  	[sflag:s23] =	ssyncset.done $0x0  }
0xa4: {  	s25 =	simm.s32 $0x1B8E;
	s24 =	sld [smem:$0x3FFE];
	[sflag:s23] =	ssyncadd.s32 $0xFFFFFFFF  }
0xa5: {  	s26 =	simm.s32 $execute0_lowered;
	[smem:$0x3FD2] =	sst s25  }
0xa6: {  	s5 =	sshll.u32 s26, $0x1;
	_ =	strace $0x80000046;
	[dreg:$0x1] =	wrdreg $0xFFFFFFFF  }
0xa7: {  	s28 =	simm.s32 $_size_execute0_lowered;
	s3 =	sadd.s32 s3, s5;
	[dreg:$0x0] =	wrdreg $0x0  }
0xa8: {  	s5 =	sshll.u32 s28, $0x1;
	[dreg:$0x2] =	wrdreg s3  }
0xa9: {  	[dreg:$0x3] =	wrdreg s5  }
0xaa: {  	[dreg:$0x4] =	wrdreg $0xC0  }
0xab: {  	_ =	task [dreg:s7], $0x5FFFF  }
0xac: {  	[dreg:$0x1] =	wrdreg $0xFFFFFFFF  }
0xad: {  	[dreg:$0x0] =	wrdreg $0x60  }
0xae: {  	[dreg:$0x2] =	wrdreg s2  }
0xaf: {  	[dreg:$0x3] =	wrdreg s24  }
0xb0: {  	[dreg:$0x4] =	wrdreg $0x9  }
0xb1: {  	_ =	task.clear_ibuf [dreg:s7], $0x5FFFF;
	_ =	strace $0x90000046  }
0xb2: {  	s29 =	simm.s32 $0x9;
	_ =	strace $0x80000048  }
0xb3: {  	_ =	swait.ge [sflag:s29], $0x1  }
0xb4: {  	[sflag:s29] =	ssyncadd.s32 $0xFFFFFFFF  }
0xb5: {  	_ =	strace $0x90000048  }
0xb6: {  	_ =	sfence  }
0xb7: {  	s30 =	sld [smem:$0x0];
	_ =	sdelay $0x2  }
0xb8: {  	s31 =	sshll.u32 s1, $0xD;
	s1 =	sshrl.u32 s1, $0x2  }
0xb9: {  	s3 =	sand.u32 $0x4000, s31;
	s1 =	sadd.s32 s1, s30  }
0xba: {  	s0 =	sor.u32 s3, s0;
	s1 =	sshll.u32 s1, $0x11  }
0xbb: {  	s0 =	sor.u32 s1, s0  }
0xbc: {  	s0 =	sadd.s32 $0x8F2B, s0  }
0xbd: {  	[sflag:s0] =	ssyncadd.remote.s32 $0x1  }
0xbe: {  	_ =	sfence.sel $0xFFFF  }
0xbf: {  	[dreg:$0x0] =	wrdreg $0xFFFFFFFF;
	(pc) =	sbr.abs _section_cstart, $3  }
0xc0: {  	[dreg:$0x1] =	wrdreg $0xFFFFFFFF  }
0xc1: {  	_ =	task.clear_ibuf [dreg:s7], $0x2FFFF;
	_ =	strace $0x9FFFFFFF  }
0xc2: {  	(tm) =	ssettm $0x7FFFFFFF  }
0xc3: {  	_ =	shalt  }
tec
execute0_lowered:
.L_overlay_start_1:
0x0: {  	(tag) =	ssettag $0x1  }
0x1: {  	s4 =	rddreg [dreg:$0x0]  }
0x2: {  	s3 =	rddreg [dreg:$0x1]  }
0x3: {  	s0 =	rddreg [dreg:$0x2];
	s2 =	simm.s32 $0x0  }
0x4: {  	s1 =	stileid.u32;
	s5 =	srdreg.scid;
	s10 =	simm.s32 $0x1  }
0x5: {  	s11 =	simm.s32 $0x800;
	s12 =	simm.s32 $0x14800;
	s13 =	simm.s32 $0x0  }
0x6: {  	[smem:$0x7FF] =	sst s2;
	s6 =	sshll.u32 s1, $0x6;
	s5 =	sand.u32 $0x1, s5  }
0x7: {  	s7 =	sshll.u32 s1, $0x1;
	_ =	strace $0x80000047;
	s6 =	sand.u32 $0x300, s6  }
0x8: {  	s7 =	sor.u32 s5, s7;
	s5 =	ssub.s32 $0x2, s5;
	s6 =	sadd.s32 s6, s3  }
0x9: {  	s8 =	sshll.u32 s7, $0xB;
	s31 =	sshrl.u32 s5, $0x1;
	s7 =	sshll.u32 s7, $0xD  }
0xa: {  	s8 =	sadd.s32 s8, s3;
	s9 =	ssub.s32 s5, s31;
	s4 =	sadd.s32 s4, s7  }
0xb: {  	s3 =	sadd.s32 $0x3400, s6;
	s5 =	sadd.s32 $0x800, s4;
	s6 =	sadd.s32 $0x1000, s4  }
0xc: {  	v0 =	vimm.f32 $-3.000000010e+38;
	s7 =	sadd.s32 $0x1800, s4;
	s8 =	sadd.s32 $0x3800, s8;
	s9 =	smax.u32 s9, $0x1  }
.LBB2_1:
0xd: {  	s14 =	simm.s32 $0x200;
	s15 =	simm.s32 $0x0  }
.LBB2_2:
0xe: {  	p0 =	sne.s32 s14, $0x3FE00;
	[tilespmem:s15+$0x4800] =	vst v0;
	s16 =	smov.u32 s14;
	s14 =	sadd.s32 $0x200, s14  }
.Ltmp0:
0xf: {  	[tilespmem:s15+$0x4810] =	vst v0;
	(pc) =	sbr.rel @p0 .LBB2_2-.Ltmp0, $2  }
0x10: {  	_ =	sdelay $0x2  }
0x11: {  	s15 =	sshra.s32 s16, $0x2  }
0x12: {  	[tilespmem:s15+$0x4800] =	vst v0  }
0x13: {  	[tilespmem:s15+$0x4810] =	vst v0;
	s14 =	simm.s32 $0x0  }
0x14: {  	[tilespmem:s14], [sflag:$0x1] =	stream.linear.gather [hbm4b:s3+s14], $0x800, $0x38;
	[tilespmem:$0x18800] =	vst v63  }
0x15: {  	_ =	swait.ge [sflag:s10], $0x800  }
0x16: {  	[sflag:s10] =	ssyncset.done $0x0  }
0x17: {  	[sflag:s10] =	ssyncadd.s32 $0xFFFFF800  }
0x18: {  	[tilespmem:s11], [sflag:$0x1] =	stream.linear.gather [hbm4b:s4+s14], $0x4000, $0x38;
	[tilespmem:$0x18800] =	vst v63  }
0x19: {  	_ =	swait.ge [sflag:s10], $0x4000  }
0x1a: {  	[sflag:s10] =	ssyncset.done $0x0  }
0x1b: {  	s19 =	simm.s32 $0x0;
	[sflag:s10] =	ssyncadd.s32 $0xFFFFC000  }
0x1c: {  	v1 =	vld [tilespmem:s19+$0x0];
	_ =	sdelay $0x4  }
0x1d: {  	v1 =	vshll.u32 v1, $0x9  }
0x1e: {  	v1 =	vshra.s32 v1, $0x2  }
0x1f: {  	(v2sf) =	vpush v1, $0x0;
	_ =	sdelay $0x7  }
0x20: {  	(v2sf) =	vpush v1, $0x1;
	_ =	sdelay $0x4  }
0x21: {  	s14 =	simm.s32 $0x900  }
0x22: {  	v2 =	vld [tilespmem:s14+$0xFFFFFF10]  }
0x23: {  	v3 =	vld [tilespmem:s14+$0xFFFFFF00];
	s20 =	spop (v2sf)  }
0x24: {  	v4 =	vld [tilespmem:s20+$0x4800]  }
0x25: {  	v5 =	vld [tilespmem:s20+$0x4810];
	_ =	sdelay $0x2  }
0x26: {  	(v2sf) =	vpush v1, $0x2  }
0x27: {  	v3 =	vmax.f32 v4, v3  }
0x28: {  	v2 =	vmax.f32 v5, v2;
	[tilespmem:s20+$0x4800] =	vst v3  }
0x29: {  	s21 =	spop (v2sf);
	[tilespmem:s20+$0x4810] =	vst v2  }
0x2a: {  	v2 =	vld [tilespmem:s21+$0x4810]  }
0x2b: {  	v3 =	vld [tilespmem:s21+$0x4800]  }
0x2c: {  	v4 =	vld [tilespmem:s14+$0xFFFFFF20]  }
0x2d: {  	v5 =	vld [tilespmem:s14+$0xFFFFFF30]  }
0x2e: {  	(v2sf) =	vpush v1, $0x3;
	_ =	sdelay $0x2  }
0x2f: {  	v3 =	vmax.f32 v3, v4  }
0x30: {  	v2 =	vmax.f32 v2, v5;
	[tilespmem:s21+$0x4800] =	vst v3  }
0x31: {  	[tilespmem:s21+$0x4810] =	vst v2  }
0x32: {  	v2 =	vld [tilespmem:s14+$0xFFFFFF40]  }
0x33: {  	s22 =	spop (v2sf);
	v5 =	vld [tilespmem:s14+$0xFFFFFF50]  }
0x34: {  	v4 =	vld [tilespmem:s22+$0x4800]  }
0x35: {  	v3 =	vld [tilespmem:s22+$0x4810]  }
0x36: {  	(v2sf) =	vpush v1, $0x4;
	_ =	sdelay $0x2  }
0x37: {  	v2 =	vmax.f32 v4, v2  }
0x38: {  	[tilespmem:s22+$0x4800] =	vst v2;
	v2 =	vmax.f32 v3, v5  }
0x39: {  	s23 =	spop (v2sf);
	[tilespmem:s22+$0x4810] =	vst v2  }
0x3a: {  	v2 =	vld [tilespmem:s23+$0x4800]  }
0x3b: {  	v3 =	vld [tilespmem:s14+$0xFFFFFF60]  }
0x3c: {  	v4 =	vld [tilespmem:s23+$0x4810]  }
0x3d: {  	v5 =	vld [tilespmem:s14+$0xFFFFFF70]  }
0x3e: {  	(v2sf) =	vpush v1, $0x5;
	_ =	sdelay $0x2  }
0x3f: {  	v2 =	vmax.f32 v2, v3  }
0x40: {  	[tilespmem:s23+$0x4800] =	vst v2;
	v2 =	vmax.f32 v4, v5  }
0x41: {  	s24 =	spop (v2sf);
	[tilespmem:s23+$0x4810] =	vst v2  }
0x42: {  	v2 =	vld [tilespmem:s24+$0x4800]  }
0x43: {  	v3 =	vld [tilespmem:s14+$0xFFFFFF80]  }
0x44: {  	v4 =	vld [tilespmem:s24+$0x4810]  }
0x45: {  	v5 =	vld [tilespmem:s14+$0xFFFFFF90]  }
0x46: {  	(v2sf) =	vpush v1, $0x6;
	_ =	sdelay $0x2  }
0x47: {  	v2 =	vmax.f32 v2, v3  }
0x48: {  	[tilespmem:s24+$0x4800] =	vst v2;
	v2 =	vmax.f32 v4, v5  }
0x49: {  	s25 =	spop (v2sf);
	[tilespmem:s24+$0x4810] =	vst v2  }
0x4a: {  	v2 =	vld [tilespmem:s25+$0x4810]  }
0x4b: {  	v3 =	vld [tilespmem:s14+$0xFFFFFFB0]  }
0x4c: {  	v4 =	vld [tilespmem:s25+$0x4800]  }
0x4d: {  	v5 =	vld [tilespmem:s14+$0xFFFFFFA0]  }
0x4e: {  	(v2sf) =	vpush v1, $0x7;
	_ =	sdelay $0x2  }
0x4f: {  	v2 =	vmax.f32 v2, v3  }
0x50: {  	[tilespmem:s25+$0x4810] =	vst v2;
	v2 =	vmax.f32 v4, v5  }
0x51: {  	s26 =	spop (v2sf);
	[tilespmem:s25+$0x4800] =	vst v2  }
0x52: {  	v2 =	vld [tilespmem:s26+$0x4810]  }
0x53: {  	v3 =	vld [tilespmem:s14+$0xFFFFFFD0]  }
0x54: {  	v4 =	vld [tilespmem:s26+$0x4800]  }
0x55: {  	v5 =	vld [tilespmem:s14+$0xFFFFFFC0]  }
0x56: {  	(v2sf) =	vpush v1, $0x8;
	_ =	sdelay $0x2  }
0x57: {  	v2 =	vmax.f32 v2, v3  }
0x58: {  	[tilespmem:s26+$0x4810] =	vst v2;
	v2 =	vmax.f32 v4, v5  }
0x59: {  	s28 =	spop (v2sf);
	[tilespmem:s26+$0x4800] =	vst v2  }
0x5a: {  	v2 =	vld [tilespmem:s28+$0x4810]  }
0x5b: {  	v3 =	vld [tilespmem:s14+$0xFFFFFFF0]  }
0x5c: {  	v4 =	vld [tilespmem:s28+$0x4800]  }
0x5d: {  	v5 =	vld [tilespmem:s14+$0xFFFFFFE0];
	_ =	sdelay $0x2  }
0x5e: {  	(v2sf) =	vpush v1, $0x9  }
0x5f: {  	v2 =	vmax.f32 v2, v3  }
0x60: {  	[tilespmem:s28+$0x4810] =	vst v2;
	v2 =	vmax.f32 v4, v5  }
0x61: {  	s29 =	spop (v2sf);
	[tilespmem:s28+$0x4800] =	vst v2  }
0x62: {  	v2 =	vld [tilespmem:s29+$0x4800]  }
0x63: {  	v3 =	vld [tilespmem:s14+$0x10]  }
0x64: {  	v4 =	vld [tilespmem:s14+$0x0]  }
0x65: {  	v5 =	vld [tilespmem:s29+$0x4810];
	_ =	sdelay $0x1  }
0x66: {  	(v2sf) =	vpush v1, $0xA;
	_ =	sdelay $0x1  }
0x67: {  	v2 =	vmax.f32 v2, v4  }
0x68: {  	[tilespmem:s29+$0x4800] =	vst v2;
	v2 =	vmax.f32 v5, v3  }
0x69: {  	[tilespmem:s29+$0x4810] =	vst v2  }
0x6a: {  	v2 =	vld [tilespmem:s14+$0x20]  }
0x6b: {  	s30 =	spop (v2sf);
	v3 =	vld [tilespmem:s14+$0x30]  }
0x6c: {  	v4 =	vld [tilespmem:s30+$0x4800]  }
0x6d: {  	v5 =	vld [tilespmem:s30+$0x4810]  }
0x6e: {  	(v2sf) =	vpush v1, $0xB;
	_ =	sdelay $0x2  }
0x6f: {  	v2 =	vmax.f32 v4, v2  }
0x70: {  	[tilespmem:s30+$0x4800] =	vst v2;
	v2 =	vmax.f32 v5, v3  }
0x71: {  	[tilespmem:s30+$0x4810] =	vst v2  }
0x72: {  	s31 =	spop (v2sf);
	v2 =	vld [tilespmem:s14+$0x40]  }
0x73: {  	v3 =	vld [tilespmem:s31+$0x4810]  }
0x74: {  	v4 =	vld [tilespmem:s14+$0x50]  }
0x75: {  	v5 =	vld [tilespmem:s31+$0x4800];
	_ =	sdelay $0x1  }
0x76: {  	(v2sf) =	vpush v1, $0xC;
	_ =	sdelay $0x1  }
0x77: {  	v3 =	vmax.f32 v3, v4  }
0x78: {  	v2 =	vmax.f32 v5, v2;
	[tilespmem:s31+$0x4810] =	vst v3  }
0x79: {  	s18 =	spop (v2sf);
	[tilespmem:s31+$0x4800] =	vst v2  }
0x7a: {  	v2 =	vld [tilespmem:s18+$0x4810]  }
0x7b: {  	v3 =	vld [tilespmem:s18+$0x4800]  }
0x7c: {  	s15 =	simm.s32 $0x40;
	s16 =	simm.s32 $0x900;
	v4 =	vld [tilespmem:s14+$0x70]  }
.LBB2_4:
0x7d: {  	p0 =	sne.s32 s15, $0x7C0  }
0x7e: {  	v5 =	vld [tilespmem:s14+$0x60];
	s16 =	sadd.s32 $0x200, s16;
	s17 =	smov.u32 s15;
	s15 =	sadd.s32 $0x40, s15  }
0x7f: {  	(v2sf) =	vpush v1, $0xD;
	_ =	sdelay $0x2  }
0x80: {  	v2 =	vmax.f32 v2, v4  }
0x81: {  	v3 =	vmax.f32 v3, v5;
	[tilespmem:s18+$0x4810] =	vst v2  }
0x82: {  	[tilespmem:s18+$0x4800] =	vst v3;
	s18 =	spop (v2sf)  }
0x83: {  	v2 =	vld [tilespmem:s18+$0x4810]  }
0x84: {  	v3 =	vld [tilespmem:s14+$0x90]  }
0x85: {  	v4 =	vld [tilespmem:s18+$0x4800]  }
0x86: {  	v5 =	vld [tilespmem:s14+$0x80]  }
0x87: {  	(v2sf) =	vpush v1, $0xE;
	_ =	sdelay $0x1  }
0x88: {  	v2 =	vmax.f32 v2, v3  }
0x89: {  	[tilespmem:s18+$0x4810] =	vst v2  }
0x8a: {  	v2 =	vmax.f32 v4, v5  }
0x8b: {  	[tilespmem:s18+$0x4800] =	vst v2;
	s18 =	spop (v2sf)  }
0x8c: {  	v2 =	vld [tilespmem:s18+$0x4810]  }
0x8d: {  	v3 =	vld [tilespmem:s14+$0xB0]  }
0x8e: {  	v4 =	vld [tilespmem:s14+$0xA0]  }
0x8f: {  	v5 =	vld [tilespmem:s18+$0x4800];
	_ =	sdelay $0x2  }
0x90: {  	v2 =	vmax.f32 v2, v3;
	(v2sf) =	vpush v1, $0xF  }
0x91: {  	[tilespmem:s18+$0x4810] =	vst v2  }
0x92: {  	v1 =	vmax.f32 v5, v4  }
0x93: {  	[tilespmem:s18+$0x4800] =	vst v1;
	s18 =	spop (v2sf)  }
0x94: {  	v1 =	vld [tilespmem:s18+$0x4810]  }
0x95: {  	v2 =	vld [tilespmem:s14+$0xD0]  }
0x96: {  	v3 =	vld [tilespmem:s14+$0xC0]  }
0x97: {  	v4 =	vld [tilespmem:s18+$0x4800];
	_ =	sdelay $0x2  }
0x98: {  	v1 =	vmax.f32 v1, v2  }
0x99: {  	[tilespmem:s18+$0x4810] =	vst v1  }
0x9a: {  	v1 =	vmax.f32 v4, v3  }
0x9b: {  	[tilespmem:s18+$0x4800] =	vst v1  }
0x9c: {  	v1 =	vld [tilespmem:s14+$0xF0]  }
0x9d: {  	v2 =	vld [tilespmem:s14+$0xE0];
	s18 =	spop (v2sf);
	s14 =	smov.u32 s16  }
0x9e: {  	v3 =	vld [tilespmem:s18+$0x4810]  }
0x9f: {  	v4 =	vld [tilespmem:s18+$0x4800];
	_ =	sdelay $0x3  }
0xa0: {  	v1 =	vmax.f32 v3, v1  }
0xa1: {  	v2 =	vmax.f32 v4, v2;
	[tilespmem:s18+$0x4810] =	vst v1  }
0xa2: {  	s17 =	sshra.s32 s17, $0x2;
	[tilespmem:s18+$0x4800] =	vst v2  }
0xa3: {  	v1 =	vld [tilespmem:s17+$0x0];
	_ =	sdelay $0x4  }
0xa4: {  	v1 =	vshll.u32 v1, $0x9  }
0xa5: {  	v1 =	vshra.s32 v1, $0x2  }
0xa6: {  	(v2sf) =	vpush v1, $0x0;
	_ =	sdelay $0x7  }
0xa7: {  	(v2sf) =	vpush v1, $0x1;
	_ =	sdelay $0x5  }
0xa8: {  	v2 =	vld [tilespmem:s16+$0xFFFFFF10]  }
0xa9: {  	v3 =	vld [tilespmem:s16+$0xFFFFFF00];
	s17 =	spop (v2sf)  }
0xaa: {  	v4 =	vld [tilespmem:s17+$0x4800]  }
0xab: {  	v5 =	vld [tilespmem:s17+$0x4810];
	_ =	sdelay $0x1  }
0xac: {  	(v2sf) =	vpush v1, $0x2;
	_ =	sdelay $0x1  }
0xad: {  	v3 =	vmax.f32 v4, v3  }
0xae: {  	[tilespmem:s17+$0x4800] =	vst v3;
	v2 =	vmax.f32 v5, v2  }
0xaf: {  	[tilespmem:s17+$0x4810] =	vst v2;
	s17 =	spop (v2sf)  }
0xb0: {  	v2 =	vld [tilespmem:s17+$0x4810]  }
0xb1: {  	v3 =	vld [tilespmem:s17+$0x4800]  }
0xb2: {  	v4 =	vld [tilespmem:s16+$0xFFFFFF20]  }
0xb3: {  	v5 =	vld [tilespmem:s16+$0xFFFFFF30]  }
0xb4: {  	(v2sf) =	vpush v1, $0x3;
	_ =	sdelay $0x2  }
0xb5: {  	v3 =	vmax.f32 v3, v4  }
0xb6: {  	[tilespmem:s17+$0x4800] =	vst v3;
	v2 =	vmax.f32 v2, v5  }
0xb7: {  	[tilespmem:s17+$0x4810] =	vst v2  }
0xb8: {  	v2 =	vld [tilespmem:s16+$0xFFFFFF40];
	s17 =	spop (v2sf)  }
0xb9: {  	v3 =	vld [tilespmem:s17+$0x4810]  }
0xba: {  	v4 =	vld [tilespmem:s17+$0x4800]  }
0xbb: {  	v5 =	vld [tilespmem:s16+$0xFFFFFF50]  }
0xbc: {  	(v2sf) =	vpush v1, $0x4;
	_ =	sdelay $0x2  }
0xbd: {  	v2 =	vmax.f32 v4, v2  }
0xbe: {  	[tilespmem:s17+$0x4800] =	vst v2;
	v2 =	vmax.f32 v3, v5  }
0xbf: {  	[tilespmem:s17+$0x4810] =	vst v2;
	s17 =	spop (v2sf)  }
0xc0: {  	v2 =	vld [tilespmem:s17+$0x4800]  }
0xc1: {  	v3 =	vld [tilespmem:s16+$0xFFFFFF60]  }
0xc2: {  	v4 =	vld [tilespmem:s17+$0x4810]  }
0xc3: {  	v5 =	vld [tilespmem:s16+$0xFFFFFF70]  }
0xc4: {  	(v2sf) =	vpush v1, $0x5;
	_ =	sdelay $0x2  }
0xc5: {  	v2 =	vmax.f32 v2, v3  }
0xc6: {  	[tilespmem:s17+$0x4800] =	vst v2;
	v2 =	vmax.f32 v4, v5  }
0xc7: {  	[tilespmem:s17+$0x4810] =	vst v2;
	s17 =	spop (v2sf)  }
0xc8: {  	v2 =	vld [tilespmem:s17+$0x4800]  }
0xc9: {  	v3 =	vld [tilespmem:s16+$0xFFFFFF80]  }
0xca: {  	v4 =	vld [tilespmem:s17+$0x4810]  }
0xcb: {  	v5 =	vld [tilespmem:s16+$0xFFFFFF90]  }
0xcc: {  	(v2sf) =	vpush v1, $0x6;
	_ =	sdelay $0x2  }
0xcd: {  	v2 =	vmax.f32 v2, v3  }
0xce: {  	[tilespmem:s17+$0x4800] =	vst v2;
	v2 =	vmax.f32 v4, v5  }
0xcf: {  	[tilespmem:s17+$0x4810] =	vst v2;
	s17 =	spop (v2sf)  }
0xd0: {  	v2 =	vld [tilespmem:s17+$0x4810]  }
0xd1: {  	v3 =	vld [tilespmem:s16+$0xFFFFFFB0]  }
0xd2: {  	v4 =	vld [tilespmem:s17+$0x4800]  }
0xd3: {  	v5 =	vld [tilespmem:s16+$0xFFFFFFA0]  }
0xd4: {  	(v2sf) =	vpush v1, $0x7;
	_ =	sdelay $0x1  }
0xd5: {  	v2 =	vmax.f32 v2, v3  }
0xd6: {  	[tilespmem:s17+$0x4810] =	vst v2  }
0xd7: {  	v2 =	vmax.f32 v4, v5  }
0xd8: {  	[tilespmem:s17+$0x4800] =	vst v2;
	s17 =	spop (v2sf)  }
0xd9: {  	v2 =	vld [tilespmem:s17+$0x4810]  }
0xda: {  	v3 =	vld [tilespmem:s16+$0xFFFFFFD0]  }
0xdb: {  	v4 =	vld [tilespmem:s17+$0x4800]  }
0xdc: {  	v5 =	vld [tilespmem:s16+$0xFFFFFFC0]  }
0xdd: {  	(v2sf) =	vpush v1, $0x8;
	_ =	sdelay $0x1  }
0xde: {  	v2 =	vmax.f32 v2, v3  }
0xdf: {  	[tilespmem:s17+$0x4810] =	vst v2  }
0xe0: {  	v2 =	vmax.f32 v4, v5  }
0xe1: {  	[tilespmem:s17+$0x4800] =	vst v2;
	s17 =	spop (v2sf)  }
0xe2: {  	v2 =	vld [tilespmem:s17+$0x4810]  }
0xe3: {  	v3 =	vld [tilespmem:s16+$0xFFFFFFF0]  }
0xe4: {  	v4 =	vld [tilespmem:s17+$0x4800]  }
0xe5: {  	v5 =	vld [tilespmem:s16+$0xFFFFFFE0];
	_ =	sdelay $0x2  }
0xe6: {  	v2 =	vmax.f32 v2, v3;
	(v2sf) =	vpush v1, $0x9  }
0xe7: {  	[tilespmem:s17+$0x4810] =	vst v2  }
0xe8: {  	v2 =	vmax.f32 v4, v5  }
0xe9: {  	[tilespmem:s17+$0x4800] =	vst v2;
	s17 =	spop (v2sf)  }
0xea: {  	v2 =	vld [tilespmem:s17+$0x4800]  }
0xeb: {  	v3 =	vld [tilespmem:s16+$0x10]  }
0xec: {  	v4 =	vld [tilespmem:s16+$0x0]  }
0xed: {  	v5 =	vld [tilespmem:s17+$0x4810];
	_ =	sdelay $0x1  }
0xee: {  	(v2sf) =	vpush v1, $0xA;
	_ =	sdelay $0x1  }
0xef: {  	v2 =	vmax.f32 v2, v4  }
0xf0: {  	[tilespmem:s17+$0x4800] =	vst v2;
	v2 =	vmax.f32 v5, v3  }
0xf1: {  	[tilespmem:s17+$0x4810] =	vst v2  }
0xf2: {  	v2 =	vld [tilespmem:s16+$0x20]  }
0xf3: {  	v3 =	vld [tilespmem:s16+$0x30];
	s17 =	spop (v2sf)  }
0xf4: {  	v4 =	vld [tilespmem:s17+$0x4800]  }
0xf5: {  	v5 =	vld [tilespmem:s17+$0x4810]  }
0xf6: {  	(v2sf) =	vpush v1, $0xB;
	_ =	sdelay $0x2  }
0xf7: {  	v2 =	vmax.f32 v4, v2  }
0xf8: {  	[tilespmem:s17+$0x4800] =	vst v2;
	v2 =	vmax.f32 v5, v3  }
0xf9: {  	[tilespmem:s17+$0x4810] =	vst v2  }
0xfa: {  	v2 =	vld [tilespmem:s16+$0x40];
	s17 =	spop (v2sf)  }
0xfb: {  	v3 =	vld [tilespmem:s17+$0x4810]  }
0xfc: {  	v4 =	vld [tilespmem:s16+$0x50]  }
0xfd: {  	v5 =	vld [tilespmem:s17+$0x4800]  }
0xfe: {  	(v2sf) =	vpush v1, $0xC;
	_ =	sdelay $0x2  }
0xff: {  	v3 =	vmax.f32 v3, v4  }
.Ltmp1:
0x100: {  	v2 =	vmax.f32 v5, v2;
	[tilespmem:s17+$0x4810] =	vst v3;
	(pc) =	sbr.rel @p0 .LBB2_4-.Ltmp1, $4  }
0x101: {  	[tilespmem:s17+$0x4800] =	vst v2;
	s18 =	spop (v2sf)  }
0x102: {  	v2 =	vld [tilespmem:s18+$0x4810]  }
0x103: {  	v3 =	vld [tilespmem:s18+$0x4800]  }
0x104: {  	v4 =	vld [tilespmem:s16+$0x70]  }
0x105: {  	v5 =	vld [tilespmem:s14+$0x60];
	_ =	sdelay $0x2  }
0x106: {  	(v2sf) =	vpush v1, $0xD  }
0x107: {  	v2 =	vmax.f32 v2, v4  }
0x108: {  	v3 =	vmax.f32 v3, v5;
	[tilespmem:s18+$0x4810] =	vst v2  }
0x109: {  	[tilespmem:s18+$0x4800] =	vst v3;
	s15 =	spop (v2sf)  }
0x10a: {  	v2 =	vld [tilespmem:s15+$0x4810]  }
0x10b: {  	v3 =	vld [tilespmem:s14+$0x90]  }
0x10c: {  	v4 =	vld [tilespmem:s15+$0x4800]  }
0x10d: {  	v5 =	vld [tilespmem:s14+$0x80]  }
0x10e: {  	(v2sf) =	vpush v1, $0xE;
	_ =	sdelay $0x2  }
0x10f: {  	v2 =	vmax.f32 v2, v3  }
0x110: {  	[tilespmem:s15+$0x4810] =	vst v2;
	v2 =	vmax.f32 v4, v5  }
0x111: {  	[tilespmem:s15+$0x4800] =	vst v2  }
0x112: {  	v3 =	vld [tilespmem:s14+$0xB0]  }
0x113: {  	s16 =	spop (v2sf);
	v4 =	vld [tilespmem:s14+$0xA0]  }
0x114: {  	v2 =	vld [tilespmem:s16+$0x4810]  }
0x115: {  	v5 =	vld [tilespmem:s16+$0x4800];
	_ =	sdelay $0x2  }
0x116: {  	(v2sf) =	vpush v1, $0xF  }
0x117: {  	v1 =	vmax.f32 v2, v3  }
0x118: {  	[tilespmem:s16+$0x4810] =	vst v1;
	v1 =	vmax.f32 v5, v4  }
0x119: {  	s17 =	spop (v2sf);
	[tilespmem:s16+$0x4800] =	vst v1  }
0x11a: {  	v1 =	vld [tilespmem:s17+$0x4810]  }
0x11b: {  	v2 =	vld [tilespmem:s14+$0xD0]  }
0x11c: {  	v3 =	vld [tilespmem:s14+$0xC0]  }
0x11d: {  	v4 =	vld [tilespmem:s17+$0x4800];
	_ =	sdelay $0x3  }
0x11e: {  	v1 =	vmax.f32 v1, v2  }
0x11f: {  	[tilespmem:s17+$0x4810] =	vst v1;
	v1 =	vmax.f32 v4, v3  }
0x120: {  	[tilespmem:s17+$0x4800] =	vst v1  }
0x121: {  	v1 =	vld [tilespmem:s14+$0xF0]  }
0x122: {  	s18 =	spop (v2sf);
	v2 =	vld [tilespmem:s14+$0xE0]  }
0x123: {  	v3 =	vld [tilespmem:s18+$0x4810]  }
0x124: {  	v4 =	vld [tilespmem:s18+$0x4800];
	_ =	sdelay $0x3  }
0x125: {  	v1 =	vmax.f32 v3, v1  }
0x126: {  	v2 =	vmax.f32 v4, v2;
	[tilespmem:s18+$0x4810] =	vst v1  }
0x127: {  	s19 =	simm.s32 $0x0;
	[tilespmem:s18+$0x4800] =	vst v2  }
0x128: {  	[tilespmem:s11], [sflag:$0x1] =	stream.linear.gather [hbm4b:s5+s19], $0x4000, $0x38;
	[tilespmem:$0x18800] =	vst v63  }
0x129: {  	_ =	swait.ge [sflag:s10], $0x4000  }
0x12a: {  	[sflag:s10] =	ssyncset.done $0x0  }
0x12b: {  	s14 =	sand.u32 $0x1F0, s19;
	[sflag:s10] =	ssyncadd.s32 $0xFFFFC000  }
0x12c: {  	v1 =	vld [tilespmem:s14+$0x200];
	_ =	sdelay $0x4  }
0x12d: {  	v1 =	vshll.u32 v1, $0x9  }
0x12e: {  	v1 =	vshra.s32 v1, $0x2  }
0x12f: {  	(v2sf) =	vpush v1, $0x0;
	_ =	sdelay $0x7  }
0x130: {  	(v2sf) =	vpush v1, $0x1;
	_ =	sdelay $0x4  }
0x131: {  	s14 =	simm.s32 $0x900  }
0x132: {  	v2 =	vld [tilespmem:s14+$0xFFFFFF10]  }
0x133: {  	v3 =	vld [tilespmem:s14+$0xFFFFFF00];
	s20 =	spop (v2sf)  }
0x134: {  	v4 =	vld [tilespmem:s20+$0x4800]  }
0x135: {  	v5 =	vld [tilespmem:s20+$0x4810];
	_ =	sdelay $0x2  }
0x136: {  	(v2sf) =	vpush v1, $0x2  }
0x137: {  	v3 =	vmax.f32 v4, v3  }
0x138: {  	v2 =	vmax.f32 v5, v2;
	[tilespmem:s20+$0x4800] =	vst v3  }
0x139: {  	s21 =	spop (v2sf);
	[tilespmem:s20+$0x4810] =	vst v2  }
0x13a: {  	v2 =	vld [tilespmem:s21+$0x4810]  }
0x13b: {  	v3 =	vld [tilespmem:s21+$0x4800]  }
0x13c: {  	v4 =	vld [tilespmem:s14+$0xFFFFFF20]  }
0x13d: {  	v5 =	vld [tilespmem:s14+$0xFFFFFF30]  }
0x13e: {  	(v2sf) =	vpush v1, $0x3;
	_ =	sdelay $0x2  }
0x13f: {  	v3 =	vmax.f32 v3, v4  }
0x140: {  	v2 =	vmax.f32 v2, v5;
	[tilespmem:s21+$0x4800] =	vst v3  }
0x141: {  	[tilespmem:s21+$0x4810] =	vst v2  }
0x142: {  	v2 =	vld [tilespmem:s14+$0xFFFFFF40]  }
0x143: {  	s22 =	spop (v2sf);
	v5 =	vld [tilespmem:s14+$0xFFFFFF50]  }
0x144: {  	v4 =	vld [tilespmem:s22+$0x4800]  }
0x145: {  	v3 =	vld [tilespmem:s22+$0x4810]  }
0x146: {  	(v2sf) =	vpush v1, $0x4;
	_ =	sdelay $0x2  }
0x147: {  	v2 =	vmax.f32 v4, v2  }
0x148: {  	[tilespmem:s22+$0x4800] =	vst v2;
	v2 =	vmax.f32 v3, v5  }
0x149: {  	s23 =	spop (v2sf);
	[tilespmem:s22+$0x4810] =	vst v2  }
0x14a: {  	v2 =	vld [tilespmem:s23+$0x4800]  }
0x14b: {  	v3 =	vld [tilespmem:s14+$0xFFFFFF60]  }
0x14c: {  	v4 =	vld [tilespmem:s23+$0x4810]  }
0x14d: {  	v5 =	vld [tilespmem:s14+$0xFFFFFF70]  }
0x14e: {  	(v2sf) =	vpush v1, $0x5;
	_ =	sdelay $0x2  }
0x14f: {  	v2 =	vmax.f32 v2, v3  }
0x150: {  	[tilespmem:s23+$0x4800] =	vst v2;
	v2 =	vmax.f32 v4, v5  }
0x151: {  	s24 =	spop (v2sf);
	[tilespmem:s23+$0x4810] =	vst v2  }
0x152: {  	v2 =	vld [tilespmem:s24+$0x4800]  }
0x153: {  	v3 =	vld [tilespmem:s14+$0xFFFFFF80]  }
0x154: {  	v4 =	vld [tilespmem:s24+$0x4810]  }
0x155: {  	v5 =	vld [tilespmem:s14+$0xFFFFFF90]  }
0x156: {  	(v2sf) =	vpush v1, $0x6;
	_ =	sdelay $0x2  }
0x157: {  	v2 =	vmax.f32 v2, v3  }
0x158: {  	[tilespmem:s24+$0x4800] =	vst v2;
	v2 =	vmax.f32 v4, v5  }
0x159: {  	s25 =	spop (v2sf);
	[tilespmem:s24+$0x4810] =	vst v2  }
0x15a: {  	v2 =	vld [tilespmem:s25+$0x4810]  }
0x15b: {  	v3 =	vld [tilespmem:s14+$0xFFFFFFB0]  }
0x15c: {  	v4 =	vld [tilespmem:s25+$0x4800]  }
0x15d: {  	v5 =	vld [tilespmem:s14+$0xFFFFFFA0]  }
0x15e: {  	(v2sf) =	vpush v1, $0x7;
	_ =	sdelay $0x2  }
0x15f: {  	v2 =	vmax.f32 v2, v3  }
0x160: {  	[tilespmem:s25+$0x4810] =	vst v2;
	v2 =	vmax.f32 v4, v5  }
0x161: {  	s26 =	spop (v2sf);
	[tilespmem:s25+$0x4800] =	vst v2  }
0x162: {  	v2 =	vld [tilespmem:s26+$0x4810]  }
0x163: {  	v3 =	vld [tilespmem:s14+$0xFFFFFFD0]  }
0x164: {  	v4 =	vld [tilespmem:s26+$0x4800]  }
0x165: {  	v5 =	vld [tilespmem:s14+$0xFFFFFFC0]  }
0x166: {  	(v2sf) =	vpush v1, $0x8;
	_ =	sdelay $0x2  }
0x167: {  	v2 =	vmax.f32 v2, v3  }
0x168: {  	[tilespmem:s26+$0x4810] =	vst v2;
	v2 =	vmax.f32 v4, v5  }
0x169: {  	s28 =	spop (v2sf);
	[tilespmem:s26+$0x4800] =	vst v2  }
0x16a: {  	v2 =	vld [tilespmem:s28+$0x4810]  }
0x16b: {  	v3 =	vld [tilespmem:s14+$0xFFFFFFF0]  }
0x16c: {  	v4 =	vld [tilespmem:s28+$0x4800]  }
0x16d: {  	v5 =	vld [tilespmem:s14+$0xFFFFFFE0];
	_ =	sdelay $0x2  }
0x16e: {  	(v2sf) =	vpush v1, $0x9  }
0x16f: {  	v2 =	vmax.f32 v2, v3  }
0x170: {  	[tilespmem:s28+$0x4810] =	vst v2;
	v2 =	vmax.f32 v4, v5  }
0x171: {  	s29 =	spop (v2sf);
	[tilespmem:s28+$0x4800] =	vst v2  }
0x172: {  	v2 =	vld [tilespmem:s29+$0x4800]  }
0x173: {  	v3 =	vld [tilespmem:s14+$0x10]  }
0x174: {  	v4 =	vld [tilespmem:s14+$0x0]  }
0x175: {  	v5 =	vld [tilespmem:s29+$0x4810];
	_ =	sdelay $0x1  }
0x176: {  	(v2sf) =	vpush v1, $0xA;
	_ =	sdelay $0x1  }
0x177: {  	v2 =	vmax.f32 v2, v4  }
0x178: {  	[tilespmem:s29+$0x4800] =	vst v2;
	v2 =	vmax.f32 v5, v3  }
0x179: {  	[tilespmem:s29+$0x4810] =	vst v2  }
0x17a: {  	v2 =	vld [tilespmem:s14+$0x20]  }
0x17b: {  	s30 =	spop (v2sf);
	v3 =	vld [tilespmem:s14+$0x30]  }
0x17c: {  	v4 =	vld [tilespmem:s30+$0x4800]  }
0x17d: {  	v5 =	vld [tilespmem:s30+$0x4810]  }
0x17e: {  	(v2sf) =	vpush v1, $0xB;
	_ =	sdelay $0x2  }
0x17f: {  	v2 =	vmax.f32 v4, v2  }
0x180: {  	[tilespmem:s30+$0x4800] =	vst v2;
	v2 =	vmax.f32 v5, v3  }
0x181: {  	[tilespmem:s30+$0x4810] =	vst v2  }
0x182: {  	s31 =	spop (v2sf);
	v2 =	vld [tilespmem:s14+$0x40]  }
0x183: {  	v3 =	vld [tilespmem:s31+$0x4810]  }
0x184: {  	v4 =	vld [tilespmem:s14+$0x50]  }
0x185: {  	v5 =	vld [tilespmem:s31+$0x4800];
	_ =	sdelay $0x1  }
0x186: {  	(v2sf) =	vpush v1, $0xC;
	_ =	sdelay $0x1  }
0x187: {  	v3 =	vmax.f32 v3, v4  }
0x188: {  	v2 =	vmax.f32 v5, v2;
	[tilespmem:s31+$0x4810] =	vst v3  }
0x189: {  	s18 =	spop (v2sf);
	[tilespmem:s31+$0x4800] =	vst v2  }
0x18a: {  	v2 =	vld [tilespmem:s18+$0x4810]  }
0x18b: {  	v3 =	vld [tilespmem:s18+$0x4800]  }
0x18c: {  	s15 =	simm.s32 $0x10;
	s16 =	simm.s32 $0x900;
	v4 =	vld [tilespmem:s14+$0x70]  }
.LBB2_6:
0x18d: {  	p0 =	sne.s32 s15, $0x1F0  }
0x18e: {  	v5 =	vld [tilespmem:s14+$0x60];
	s16 =	sadd.s32 $0x200, s16;
	s17 =	smov.u32 s15;
	s15 =	sadd.s32 $0x10, s15  }
0x18f: {  	(v2sf) =	vpush v1, $0xD;
	_ =	sdelay $0x2  }
0x190: {  	v2 =	vmax.f32 v2, v4  }
0x191: {  	v3 =	vmax.f32 v3, v5;
	[tilespmem:s18+$0x4810] =	vst v2  }
0x192: {  	[tilespmem:s18+$0x4800] =	vst v3;
	s18 =	spop (v2sf)  }
0x193: {  	v2 =	vld [tilespmem:s18+$0x4810]  }
0x194: {  	v3 =	vld [tilespmem:s14+$0x90]  }
0x195: {  	v4 =	vld [tilespmem:s18+$0x4800]  }
0x196: {  	v5 =	vld [tilespmem:s14+$0x80]  }
0x197: {  	(v2sf) =	vpush v1, $0xE;
	_ =	sdelay $0x1  }
0x198: {  	v2 =	vmax.f32 v2, v3  }
0x199: {  	[tilespmem:s18+$0x4810] =	vst v2  }
0x19a: {  	v2 =	vmax.f32 v4, v5  }
0x19b: {  	[tilespmem:s18+$0x4800] =	vst v2;
	s18 =	spop (v2sf)  }
0x19c: {  	v2 =	vld [tilespmem:s18+$0x4810]  }
0x19d: {  	v3 =	vld [tilespmem:s14+$0xB0]  }
0x19e: {  	v4 =	vld [tilespmem:s14+$0xA0]  }
0x19f: {  	v5 =	vld [tilespmem:s18+$0x4800];
	_ =	sdelay $0x2  }
0x1a0: {  	v2 =	vmax.f32 v2, v3;
	(v2sf) =	vpush v1, $0xF  }
0x1a1: {  	[tilespmem:s18+$0x4810] =	vst v2  }
0x1a2: {  	v1 =	vmax.f32 v5, v4  }
0x1a3: {  	[tilespmem:s18+$0x4800] =	vst v1;
	s18 =	spop (v2sf)  }
0x1a4: {  	v1 =	vld [tilespmem:s18+$0x4810]  }
0x1a5: {  	v2 =	vld [tilespmem:s14+$0xD0]  }
0x1a6: {  	v3 =	vld [tilespmem:s14+$0xC0]  }
0x1a7: {  	v4 =	vld [tilespmem:s18+$0x4800];
	_ =	sdelay $0x2  }
0x1a8: {  	v1 =	vmax.f32 v1, v2  }
0x1a9: {  	[tilespmem:s18+$0x4810] =	vst v1  }
0x1aa: {  	v1 =	vmax.f32 v4, v3  }
0x1ab: {  	[tilespmem:s18+$0x4800] =	vst v1  }
0x1ac: {  	v1 =	vld [tilespmem:s14+$0xF0]  }
0x1ad: {  	v2 =	vld [tilespmem:s14+$0xE0];
	s18 =	spop (v2sf);
	s14 =	smov.u32 s16  }
0x1ae: {  	v3 =	vld [tilespmem:s18+$0x4810]  }
0x1af: {  	v4 =	vld [tilespmem:s18+$0x4800];
	_ =	sdelay $0x3  }
0x1b0: {  	v1 =	vmax.f32 v3, v1  }
0x1b1: {  	v2 =	vmax.f32 v4, v2;
	[tilespmem:s18+$0x4810] =	vst v1  }
0x1b2: {  	s17 =	sand.u32 $0x1F0, s17;
	[tilespmem:s18+$0x4800] =	vst v2  }
0x1b3: {  	v1 =	vld [tilespmem:s17+$0x200];
	_ =	sdelay $0x4  }
0x1b4: {  	v1 =	vshll.u32 v1, $0x9  }
0x1b5: {  	v1 =	vshra.s32 v1, $0x2  }
0x1b6: {  	(v2sf) =	vpush v1, $0x0;
	_ =	sdelay $0x7  }
0x1b7: {  	(v2sf) =	vpush v1, $0x1;
	_ =	sdelay $0x5  }
0x1b8: {  	v2 =	vld [tilespmem:s16+$0xFFFFFF10]  }
0x1b9: {  	v3 =	vld [tilespmem:s16+$0xFFFFFF00];
	s17 =	spop (v2sf)  }
0x1ba: {  	v4 =	vld [tilespmem:s17+$0x4800]  }
0x1bb: {  	v5 =	vld [tilespmem:s17+$0x4810];
	_ =	sdelay $0x1  }
0x1bc: {  	(v2sf) =	vpush v1, $0x2;
	_ =	sdelay $0x1  }
0x1bd: {  	v3 =	vmax.f32 v4, v3  }
0x1be: {  	[tilespmem:s17+$0x4800] =	vst v3;
	v2 =	vmax.f32 v5, v2  }
0x1bf: {  	[tilespmem:s17+$0x4810] =	vst v2;
	s17 =	spop (v2sf)  }
0x1c0: {  	v2 =	vld [tilespmem:s17+$0x4810]  }
0x1c1: {  	v3 =	vld [tilespmem:s17+$0x4800]  }
0x1c2: {  	v4 =	vld [tilespmem:s16+$0xFFFFFF20]  }
0x1c3: {  	v5 =	vld [tilespmem:s16+$0xFFFFFF30]  }
0x1c4: {  	(v2sf) =	vpush v1, $0x3;
	_ =	sdelay $0x2  }
0x1c5: {  	v3 =	vmax.f32 v3, v4  }
0x1c6: {  	[tilespmem:s17+$0x4800] =	vst v3;
	v2 =	vmax.f32 v2, v5  }
0x1c7: {  	[tilespmem:s17+$0x4810] =	vst v2  }
0x1c8: {  	v2 =	vld [tilespmem:s16+$0xFFFFFF40];
	s17 =	spop (v2sf)  }
0x1c9: {  	v3 =	vld [tilespmem:s17+$0x4810]  }
0x1ca: {  	v4 =	vld [tilespmem:s17+$0x4800]  }
0x1cb: {  	v5 =	vld [tilespmem:s16+$0xFFFFFF50]  }
0x1cc: {  	(v2sf) =	vpush v1, $0x4;
	_ =	sdelay $0x2  }
0x1cd: {  	v2 =	vmax.f32 v4, v2  }
0x1ce: {  	[tilespmem:s17+$0x4800] =	vst v2;
	v2 =	vmax.f32 v3, v5  }
0x1cf: {  	[tilespmem:s17+$0x4810] =	vst v2;
	s17 =	spop (v2sf)  }
0x1d0: {  	v2 =	vld [tilespmem:s17+$0x4800]  }
0x1d1: {  	v3 =	vld [tilespmem:s16+$0xFFFFFF60]  }
0x1d2: {  	v4 =	vld [tilespmem:s17+$0x4810]  }
0x1d3: {  	v5 =	vld [tilespmem:s16+$0xFFFFFF70]  }
0x1d4: {  	(v2sf) =	vpush v1, $0x5;
	_ =	sdelay $0x2  }
0x1d5: {  	v2 =	vmax.f32 v2, v3  }
0x1d6: {  	[tilespmem:s17+$0x4800] =	vst v2;
	v2 =	vmax.f32 v4, v5  }
0x1d7: {  	[tilespmem:s17+$0x4810] =	vst v2;
	s17 =	spop (v2sf)  }
0x1d8: {  	v2 =	vld [tilespmem:s17+$0x4800]  }
0x1d9: {  	v3 =	vld [tilespmem:s16+$0xFFFFFF80]  }
0x1da: {  	v4 =	vld [tilespmem:s17+$0x4810]  }
0x1db: {  	v5 =	vld [tilespmem:s16+$0xFFFFFF90]  }
0x1dc: {  	(v2sf) =	vpush v1, $0x6;
	_ =	sdelay $0x2  }
0x1dd: {  	v2 =	vmax.f32 v2, v3  }
0x1de: {  	[tilespmem:s17+$0x4800] =	vst v2;
	v2 =	vmax.f32 v4, v5  }
0x1df: {  	[tilespmem:s17+$0x4810] =	vst v2;
	s17 =	spop (v2sf)  }
0x1e0: {  	v2 =	vld [tilespmem:s17+$0x4810]  }
0x1e1: {  	v3 =	vld [tilespmem:s16+$0xFFFFFFB0]  }
0x1e2: {  	v4 =	vld [tilespmem:s17+$0x4800]  }
0x1e3: {  	v5 =	vld [tilespmem:s16+$0xFFFFFFA0]  }
0x1e4: {  	(v2sf) =	vpush v1, $0x7;
	_ =	sdelay $0x1  }
0x1e5: {  	v2 =	vmax.f32 v2, v3  }
0x1e6: {  	[tilespmem:s17+$0x4810] =	vst v2  }
0x1e7: {  	v2 =	vmax.f32 v4, v5  }
0x1e8: {  	[tilespmem:s17+$0x4800] =	vst v2;
	s17 =	spop (v2sf)  }
0x1e9: {  	v2 =	vld [tilespmem:s17+$0x4810]  }
0x1ea: {  	v3 =	vld [tilespmem:s16+$0xFFFFFFD0]  }
0x1eb: {  	v4 =	vld [tilespmem:s17+$0x4800]  }
0x1ec: {  	v5 =	vld [tilespmem:s16+$0xFFFFFFC0]  }
0x1ed: {  	(v2sf) =	vpush v1, $0x8;
	_ =	sdelay $0x1  }
0x1ee: {  	v2 =	vmax.f32 v2, v3  }
0x1ef: {  	[tilespmem:s17+$0x4810] =	vst v2  }
0x1f0: {  	v2 =	vmax.f32 v4, v5  }
0x1f1: {  	[tilespmem:s17+$0x4800] =	vst v2;
	s17 =	spop (v2sf)  }
0x1f2: {  	v2 =	vld [tilespmem:s17+$0x4810]  }
0x1f3: {  	v3 =	vld [tilespmem:s16+$0xFFFFFFF0]  }
0x1f4: {  	v4 =	vld [tilespmem:s17+$0x4800]  }
0x1f5: {  	v5 =	vld [tilespmem:s16+$0xFFFFFFE0];
	_ =	sdelay $0x2  }
0x1f6: {  	v2 =	vmax.f32 v2, v3;
	(v2sf) =	vpush v1, $0x9  }
0x1f7: {  	[tilespmem:s17+$0x4810] =	vst v2  }
0x1f8: {  	v2 =	vmax.f32 v4, v5  }
0x1f9: {  	[tilespmem:s17+$0x4800] =	vst v2;
	s17 =	spop (v2sf)  }
0x1fa: {  	v2 =	vld [tilespmem:s17+$0x4800]  }
0x1fb: {  	v3 =	vld [tilespmem:s16+$0x10]  }
0x1fc: {  	v4 =	vld [tilespmem:s16+$0x0]  }
0x1fd: {  	v5 =	vld [tilespmem:s17+$0x4810];
	_ =	sdelay $0x1  }
0x1fe: {  	(v2sf) =	vpush v1, $0xA;
	_ =	sdelay $0x1  }
0x1ff: {  	v2 =	vmax.f32 v2, v4  }
0x200: {  	[tilespmem:s17+$0x4800] =	vst v2;
	v2 =	vmax.f32 v5, v3  }
0x201: {  	[tilespmem:s17+$0x4810] =	vst v2  }
0x202: {  	v2 =	vld [tilespmem:s16+$0x20]  }
0x203: {  	v3 =	vld [tilespmem:s16+$0x30];
	s17 =	spop (v2sf)  }
0x204: {  	v4 =	vld [tilespmem:s17+$0x4800]  }
0x205: {  	v5 =	vld [tilespmem:s17+$0x4810]  }
0x206: {  	(v2sf) =	vpush v1, $0xB;
	_ =	sdelay $0x2  }
0x207: {  	v2 =	vmax.f32 v4, v2  }
0x208: {  	[tilespmem:s17+$0x4800] =	vst v2;
	v2 =	vmax.f32 v5, v3  }
0x209: {  	[tilespmem:s17+$0x4810] =	vst v2  }
0x20a: {  	v2 =	vld [tilespmem:s16+$0x40];
	s17 =	spop (v2sf)  }
0x20b: {  	v3 =	vld [tilespmem:s17+$0x4810]  }
0x20c: {  	v4 =	vld [tilespmem:s16+$0x50]  }
0x20d: {  	v5 =	vld [tilespmem:s17+$0x4800]  }
0x20e: {  	(v2sf) =	vpush v1, $0xC;
	_ =	sdelay $0x2  }
0x20f: {  	v3 =	vmax.f32 v3, v4  }
.Ltmp2:
0x210: {  	v2 =	vmax.f32 v5, v2;
	[tilespmem:s17+$0x4810] =	vst v3;
	(pc) =	sbr.rel @p0 .LBB2_6-.Ltmp2, $4  }
0x211: {  	[tilespmem:s17+$0x4800] =	vst v2;
	s18 =	spop (v2sf)  }
0x212: {  	v2 =	vld [tilespmem:s18+$0x4810]  }
0x213: {  	v3 =	vld [tilespmem:s18+$0x4800]  }
0x214: {  	v4 =	vld [tilespmem:s16+$0x70]  }
0x215: {  	v5 =	vld [tilespmem:s14+$0x60];
	_ =	sdelay $0x2  }
0x216: {  	(v2sf) =	vpush v1, $0xD  }
0x217: {  	v2 =	vmax.f32 v2, v4  }
0x218: {  	v3 =	vmax.f32 v3, v5;
	[tilespmem:s18+$0x4810] =	vst v2  }
0x219: {  	[tilespmem:s18+$0x4800] =	vst v3;
	s15 =	spop (v2sf)  }
0x21a: {  	v2 =	vld [tilespmem:s15+$0x4810]  }
0x21b: {  	v3 =	vld [tilespmem:s14+$0x90]  }
0x21c: {  	v4 =	vld [tilespmem:s15+$0x4800]  }
0x21d: {  	v5 =	vld [tilespmem:s14+$0x80]  }
0x21e: {  	(v2sf) =	vpush v1, $0xE;
	_ =	sdelay $0x2  }
0x21f: {  	v2 =	vmax.f32 v2, v3  }
0x220: {  	[tilespmem:s15+$0x4810] =	vst v2;
	v2 =	vmax.f32 v4, v5  }
0x221: {  	[tilespmem:s15+$0x4800] =	vst v2  }
0x222: {  	v3 =	vld [tilespmem:s14+$0xB0]  }
0x223: {  	s16 =	spop (v2sf);
	v4 =	vld [tilespmem:s14+$0xA0]  }
0x224: {  	v2 =	vld [tilespmem:s16+$0x4810]  }
0x225: {  	v5 =	vld [tilespmem:s16+$0x4800];
	_ =	sdelay $0x2  }
0x226: {  	(v2sf) =	vpush v1, $0xF  }
0x227: {  	v1 =	vmax.f32 v2, v3  }
0x228: {  	[tilespmem:s16+$0x4810] =	vst v1;
	v1 =	vmax.f32 v5, v4  }
0x229: {  	s17 =	spop (v2sf);
	[tilespmem:s16+$0x4800] =	vst v1  }
0x22a: {  	v1 =	vld [tilespmem:s17+$0x4810]  }
0x22b: {  	v2 =	vld [tilespmem:s14+$0xD0]  }
0x22c: {  	v3 =	vld [tilespmem:s14+$0xC0]  }
0x22d: {  	v4 =	vld [tilespmem:s17+$0x4800];
	_ =	sdelay $0x3  }
0x22e: {  	v1 =	vmax.f32 v1, v2  }
0x22f: {  	[tilespmem:s17+$0x4810] =	vst v1;
	v1 =	vmax.f32 v4, v3  }
0x230: {  	[tilespmem:s17+$0x4800] =	vst v1  }
0x231: {  	v1 =	vld [tilespmem:s14+$0xF0]  }
0x232: {  	s18 =	spop (v2sf);
	v2 =	vld [tilespmem:s14+$0xE0]  }
0x233: {  	v3 =	vld [tilespmem:s18+$0x4810]  }
0x234: {  	v4 =	vld [tilespmem:s18+$0x4800];
	_ =	sdelay $0x3  }
0x235: {  	v1 =	vmax.f32 v3, v1  }
0x236: {  	v2 =	vmax.f32 v4, v2;
	[tilespmem:s18+$0x4810] =	vst v1  }
0x237: {  	s19 =	simm.s32 $0x0;
	[tilespmem:s18+$0x4800] =	vst v2  }
0x238: {  	[tilespmem:s11], [sflag:$0x1] =	stream.linear.gather [hbm4b:s6+s19], $0x4000, $0x38;
	[tilespmem:$0x18800] =	vst v63  }
0x239: {  	_ =	swait.ge [sflag:s10], $0x4000  }
0x23a: {  	[sflag:s10] =	ssyncset.done $0x0  }
0x23b: {  	s14 =	sand.u32 $0x1F0, s19;
	[sflag:s10] =	ssyncadd.s32 $0xFFFFC000  }
0x23c: {  	v1 =	vld [tilespmem:s14+$0x400];
	_ =	sdelay $0x4  }
0x23d: {  	v1 =	vshll.u32 v1, $0x9  }
0x23e: {  	v1 =	vshra.s32 v1, $0x2  }
0x23f: {  	(v2sf) =	vpush v1, $0x0;
	_ =	sdelay $0x7  }
0x240: {  	(v2sf) =	vpush v1, $0x1;
	_ =	sdelay $0x4  }
0x241: {  	s14 =	simm.s32 $0x900  }
0x242: {  	v2 =	vld [tilespmem:s14+$0xFFFFFF10]  }
0x243: {  	v3 =	vld [tilespmem:s14+$0xFFFFFF00];
	s20 =	spop (v2sf)  }
0x244: {  	v4 =	vld [tilespmem:s20+$0x4800]  }
0x245: {  	v5 =	vld [tilespmem:s20+$0x4810];
	_ =	sdelay $0x2  }
0x246: {  	(v2sf) =	vpush v1, $0x2  }
0x247: {  	v3 =	vmax.f32 v4, v3  }
0x248: {  	v2 =	vmax.f32 v5, v2;
	[tilespmem:s20+$0x4800] =	vst v3  }
0x249: {  	s21 =	spop (v2sf);
	[tilespmem:s20+$0x4810] =	vst v2  }
0x24a: {  	v2 =	vld [tilespmem:s21+$0x4810]  }
0x24b: {  	v3 =	vld [tilespmem:s21+$0x4800]  }
0x24c: {  	v4 =	vld [tilespmem:s14+$0xFFFFFF20]  }
0x24d: {  	v5 =	vld [tilespmem:s14+$0xFFFFFF30]  }
0x24e: {  	(v2sf) =	vpush v1, $0x3;
	_ =	sdelay $0x2  }
0x24f: {  	v3 =	vmax.f32 v3, v4  }
0x250: {  	v2 =	vmax.f32 v2, v5;
	[tilespmem:s21+$0x4800] =	vst v3  }
0x251: {  	[tilespmem:s21+$0x4810] =	vst v2  }
0x252: {  	v2 =	vld [tilespmem:s14+$0xFFFFFF40]  }
0x253: {  	s22 =	spop (v2sf);
	v5 =	vld [tilespmem:s14+$0xFFFFFF50]  }
0x254: {  	v4 =	vld [tilespmem:s22+$0x4800]  }
0x255: {  	v3 =	vld [tilespmem:s22+$0x4810]  }
0x256: {  	(v2sf) =	vpush v1, $0x4;
	_ =	sdelay $0x2  }
0x257: {  	v2 =	vmax.f32 v4, v2  }
0x258: {  	[tilespmem:s22+$0x4800] =	vst v2;
	v2 =	vmax.f32 v3, v5  }
0x259: {  	s23 =	spop (v2sf);
	[tilespmem:s22+$0x4810] =	vst v2  }
0x25a: {  	v2 =	vld [tilespmem:s23+$0x4800]  }
0x25b: {  	v3 =	vld [tilespmem:s14+$0xFFFFFF60]  }
0x25c: {  	v4 =	vld [tilespmem:s23+$0x4810]  }
0x25d: {  	v5 =	vld [tilespmem:s14+$0xFFFFFF70]  }
0x25e: {  	(v2sf) =	vpush v1, $0x5;
	_ =	sdelay $0x2  }
0x25f: {  	v2 =	vmax.f32 v2, v3  }
0x260: {  	[tilespmem:s23+$0x4800] =	vst v2;
	v2 =	vmax.f32 v4, v5  }
0x261: {  	s24 =	spop (v2sf);
	[tilespmem:s23+$0x4810] =	vst v2  }
0x262: {  	v2 =	vld [tilespmem:s24+$0x4800]  }
0x263: {  	v3 =	vld [tilespmem:s14+$0xFFFFFF80]  }
0x264: {  	v4 =	vld [tilespmem:s24+$0x4810]  }
0x265: {  	v5 =	vld [tilespmem:s14+$0xFFFFFF90]  }
0x266: {  	(v2sf) =	vpush v1, $0x6;
	_ =	sdelay $0x2  }
0x267: {  	v2 =	vmax.f32 v2, v3  }
0x268: {  	[tilespmem:s24+$0x4800] =	vst v2;
	v2 =	vmax.f32 v4, v5  }
0x269: {  	s25 =	spop (v2sf);
	[tilespmem:s24+$0x4810] =	vst v2  }
0x26a: {  	v2 =	vld [tilespmem:s25+$0x4810]  }
0x26b: {  	v3 =	vld [tilespmem:s14+$0xFFFFFFB0]  }
0x26c: {  	v4 =	vld [tilespmem:s25+$0x4800]  }
0x26d: {  	v5 =	vld [tilespmem:s14+$0xFFFFFFA0]  }
0x26e: {  	(v2sf) =	vpush v1, $0x7;
	_ =	sdelay $0x2  }
0x26f: {  	v2 =	vmax.f32 v2, v3  }
0x270: {  	[tilespmem:s25+$0x4810] =	vst v2;
	v2 =	vmax.f32 v4, v5  }
0x271: {  	s26 =	spop (v2sf);
	[tilespmem:s25+$0x4800] =	vst v2  }
0x272: {  	v2 =	vld [tilespmem:s26+$0x4810]  }
0x273: {  	v3 =	vld [tilespmem:s14+$0xFFFFFFD0]  }
0x274: {  	v4 =	vld [tilespmem:s26+$0x4800]  }
0x275: {  	v5 =	vld [tilespmem:s14+$0xFFFFFFC0]  }
0x276: {  	(v2sf) =	vpush v1, $0x8;
	_ =	sdelay $0x2  }
0x277: {  	v2 =	vmax.f32 v2, v3  }
0x278: {  	[tilespmem:s26+$0x4810] =	vst v2;
	v2 =	vmax.f32 v4, v5  }
0x279: {  	s28 =	spop (v2sf);
	[tilespmem:s26+$0x4800] =	vst v2  }
0x27a: {  	v2 =	vld [tilespmem:s28+$0x4810]  }
0x27b: {  	v3 =	vld [tilespmem:s14+$0xFFFFFFF0]  }
0x27c: {  	v4 =	vld [tilespmem:s28+$0x4800]  }
0x27d: {  	v5 =	vld [tilespmem:s14+$0xFFFFFFE0];
	_ =	sdelay $0x2  }
0x27e: {  	(v2sf) =	vpush v1, $0x9  }
0x27f: {  	v2 =	vmax.f32 v2, v3  }
0x280: {  	[tilespmem:s28+$0x4810] =	vst v2;
	v2 =	vmax.f32 v4, v5  }
0x281: {  	s29 =	spop (v2sf);
	[tilespmem:s28+$0x4800] =	vst v2  }
0x282: {  	v2 =	vld [tilespmem:s29+$0x4800]  }
0x283: {  	v3 =	vld [tilespmem:s14+$0x10]  }
0x284: {  	v4 =	vld [tilespmem:s14+$0x0]  }
0x285: {  	v5 =	vld [tilespmem:s29+$0x4810];
	_ =	sdelay $0x1  }
0x286: {  	(v2sf) =	vpush v1, $0xA;
	_ =	sdelay $0x1  }
0x287: {  	v2 =	vmax.f32 v2, v4  }
0x288: {  	[tilespmem:s29+$0x4800] =	vst v2;
	v2 =	vmax.f32 v5, v3  }
0x289: {  	[tilespmem:s29+$0x4810] =	vst v2  }
0x28a: {  	v2 =	vld [tilespmem:s14+$0x20]  }
0x28b: {  	s30 =	spop (v2sf);
	v3 =	vld [tilespmem:s14+$0x30]  }
0x28c: {  	v4 =	vld [tilespmem:s30+$0x4800]  }
0x28d: {  	v5 =	vld [tilespmem:s30+$0x4810]  }
0x28e: {  	(v2sf) =	vpush v1, $0xB;
	_ =	sdelay $0x2  }
0x28f: {  	v2 =	vmax.f32 v4, v2  }
0x290: {  	[tilespmem:s30+$0x4800] =	vst v2;
	v2 =	vmax.f32 v5, v3  }
0x291: {  	[tilespmem:s30+$0x4810] =	vst v2  }
0x292: {  	s31 =	spop (v2sf);
	v2 =	vld [tilespmem:s14+$0x40]  }
0x293: {  	v3 =	vld [tilespmem:s31+$0x4810]  }
0x294: {  	v4 =	vld [tilespmem:s14+$0x50]  }
0x295: {  	v5 =	vld [tilespmem:s31+$0x4800];
	_ =	sdelay $0x1  }
0x296: {  	(v2sf) =	vpush v1, $0xC;
	_ =	sdelay $0x1  }
0x297: {  	v3 =	vmax.f32 v3, v4  }
0x298: {  	v2 =	vmax.f32 v5, v2;
	[tilespmem:s31+$0x4810] =	vst v3  }
0x299: {  	s18 =	spop (v2sf);
	[tilespmem:s31+$0x4800] =	vst v2  }
0x29a: {  	v2 =	vld [tilespmem:s18+$0x4810]  }
0x29b: {  	v3 =	vld [tilespmem:s18+$0x4800]  }
0x29c: {  	s15 =	simm.s32 $0x10;
	s16 =	simm.s32 $0x900;
	v4 =	vld [tilespmem:s14+$0x70]  }
.LBB2_8:
0x29d: {  	p0 =	sne.s32 s15, $0x1F0  }
0x29e: {  	v5 =	vld [tilespmem:s14+$0x60];
	s16 =	sadd.s32 $0x200, s16;
	s17 =	smov.u32 s15;
	s15 =	sadd.s32 $0x10, s15  }
0x29f: {  	(v2sf) =	vpush v1, $0xD;
	_ =	sdelay $0x2  }
0x2a0: {  	v2 =	vmax.f32 v2, v4  }
0x2a1: {  	v3 =	vmax.f32 v3, v5;
	[tilespmem:s18+$0x4810] =	vst v2  }
0x2a2: {  	[tilespmem:s18+$0x4800] =	vst v3;
	s18 =	spop (v2sf)  }
0x2a3: {  	v2 =	vld [tilespmem:s18+$0x4810]  }
0x2a4: {  	v3 =	vld [tilespmem:s14+$0x90]  }
0x2a5: {  	v4 =	vld [tilespmem:s18+$0x4800]  }
0x2a6: {  	v5 =	vld [tilespmem:s14+$0x80]  }
0x2a7: {  	(v2sf) =	vpush v1, $0xE;
	_ =	sdelay $0x1  }
0x2a8: {  	v2 =	vmax.f32 v2, v3  }
0x2a9: {  	[tilespmem:s18+$0x4810] =	vst v2  }
0x2aa: {  	v2 =	vmax.f32 v4, v5  }
0x2ab: {  	[tilespmem:s18+$0x4800] =	vst v2;
	s18 =	spop (v2sf)  }
0x2ac: {  	v2 =	vld [tilespmem:s18+$0x4810]  }
0x2ad: {  	v3 =	vld [tilespmem:s14+$0xB0]  }
0x2ae: {  	v4 =	vld [tilespmem:s14+$0xA0]  }
0x2af: {  	v5 =	vld [tilespmem:s18+$0x4800];
	_ =	sdelay $0x2  }
0x2b0: {  	v2 =	vmax.f32 v2, v3;
	(v2sf) =	vpush v1, $0xF  }
0x2b1: {  	[tilespmem:s18+$0x4810] =	vst v2  }
0x2b2: {  	v1 =	vmax.f32 v5, v4  }
0x2b3: {  	[tilespmem:s18+$0x4800] =	vst v1;
	s18 =	spop (v2sf)  }
0x2b4: {  	v1 =	vld [tilespmem:s18+$0x4810]  }
0x2b5: {  	v2 =	vld [tilespmem:s14+$0xD0]  }
0x2b6: {  	v3 =	vld [tilespmem:s14+$0xC0]  }
0x2b7: {  	v4 =	vld [tilespmem:s18+$0x4800];
	_ =	sdelay $0x2  }
0x2b8: {  	v1 =	vmax.f32 v1, v2  }
0x2b9: {  	[tilespmem:s18+$0x4810] =	vst v1  }
0x2ba: {  	v1 =	vmax.f32 v4, v3  }
0x2bb: {  	[tilespmem:s18+$0x4800] =	vst v1  }
0x2bc: {  	v1 =	vld [tilespmem:s14+$0xF0]  }
0x2bd: {  	v2 =	vld [tilespmem:s14+$0xE0];
	s18 =	spop (v2sf);
	s14 =	smov.u32 s16  }
0x2be: {  	v3 =	vld [tilespmem:s18+$0x4810]  }
0x2bf: {  	v4 =	vld [tilespmem:s18+$0x4800];
	_ =	sdelay $0x3  }
0x2c0: {  	v1 =	vmax.f32 v3, v1  }
0x2c1: {  	v2 =	vmax.f32 v4, v2;
	[tilespmem:s18+$0x4810] =	vst v1  }
0x2c2: {  	s17 =	sand.u32 $0x1F0, s17;
	[tilespmem:s18+$0x4800] =	vst v2  }
0x2c3: {  	v1 =	vld [tilespmem:s17+$0x400];
	_ =	sdelay $0x4  }
0x2c4: {  	v1 =	vshll.u32 v1, $0x9  }
0x2c5: {  	v1 =	vshra.s32 v1, $0x2  }
0x2c6: {  	(v2sf) =	vpush v1, $0x0;
	_ =	sdelay $0x7  }
0x2c7: {  	(v2sf) =	vpush v1, $0x1;
	_ =	sdelay $0x5  }
0x2c8: {  	v2 =	vld [tilespmem:s16+$0xFFFFFF10]  }
0x2c9: {  	v3 =	vld [tilespmem:s16+$0xFFFFFF00];
	s17 =	spop (v2sf)  }
0x2ca: {  	v4 =	vld [tilespmem:s17+$0x4800]  }
0x2cb: {  	v5 =	vld [tilespmem:s17+$0x4810];
	_ =	sdelay $0x1  }
0x2cc: {  	(v2sf) =	vpush v1, $0x2;
	_ =	sdelay $0x1  }
0x2cd: {  	v3 =	vmax.f32 v4, v3  }
0x2ce: {  	[tilespmem:s17+$0x4800] =	vst v3;
	v2 =	vmax.f32 v5, v2  }
0x2cf: {  	[tilespmem:s17+$0x4810] =	vst v2;
	s17 =	spop (v2sf)  }
0x2d0: {  	v2 =	vld [tilespmem:s17+$0x4810]  }
0x2d1: {  	v3 =	vld [tilespmem:s17+$0x4800]  }
0x2d2: {  	v4 =	vld [tilespmem:s16+$0xFFFFFF20]  }
0x2d3: {  	v5 =	vld [tilespmem:s16+$0xFFFFFF30]  }
0x2d4: {  	(v2sf) =	vpush v1, $0x3;
	_ =	sdelay $0x2  }
0x2d5: {  	v3 =	vmax.f32 v3, v4  }
0x2d6: {  	[tilespmem:s17+$0x4800] =	vst v3;
	v2 =	vmax.f32 v2, v5  }
0x2d7: {  	[tilespmem:s17+$0x4810] =	vst v2  }
0x2d8: {  	v2 =	vld [tilespmem:s16+$0xFFFFFF40];
	s17 =	spop (v2sf)  }
0x2d9: {  	v3 =	vld [tilespmem:s17+$0x4810]  }
0x2da: {  	v4 =	vld [tilespmem:s17+$0x4800]  }
0x2db: {  	v5 =	vld [tilespmem:s16+$0xFFFFFF50]  }
0x2dc: {  	(v2sf) =	vpush v1, $0x4;
	_ =	sdelay $0x2  }
0x2dd: {  	v2 =	vmax.f32 v4, v2  }
0x2de: {  	[tilespmem:s17+$0x4800] =	vst v2;
	v2 =	vmax.f32 v3, v5  }
0x2df: {  	[tilespmem:s17+$0x4810] =	vst v2;
	s17 =	spop (v2sf)  }
0x2e0: {  	v2 =	vld [tilespmem:s17+$0x4800]  }
0x2e1: {  	v3 =	vld [tilespmem:s16+$0xFFFFFF60]  }
0x2e2: {  	v4 =	vld [tilespmem:s17+$0x4810]  }
0x2e3: {  	v5 =	vld [tilespmem:s16+$0xFFFFFF70]  }
0x2e4: {  	(v2sf) =	vpush v1, $0x5;
	_ =	sdelay $0x2  }
0x2e5: {  	v2 =	vmax.f32 v2, v3  }
0x2e6: {  	[tilespmem:s17+$0x4800] =	vst v2;
	v2 =	vmax.f32 v4, v5  }
0x2e7: {  	[tilespmem:s17+$0x4810] =	vst v2;
	s17 =	spop (v2sf)  }
0x2e8: {  	v2 =	vld [tilespmem:s17+$0x4800]  }
0x2e9: {  	v3 =	vld [tilespmem:s16+$0xFFFFFF80]  }
0x2ea: {  	v4 =	vld [tilespmem:s17+$0x4810]  }
0x2eb: {  	v5 =	vld [tilespmem:s16+$0xFFFFFF90]  }
0x2ec: {  	(v2sf) =	vpush v1, $0x6;
	_ =	sdelay $0x2  }
0x2ed: {  	v2 =	vmax.f32 v2, v3  }
0x2ee: {  	[tilespmem:s17+$0x4800] =	vst v2;
	v2 =	vmax.f32 v4, v5  }
0x2ef: {  	[tilespmem:s17+$0x4810] =	vst v2;
	s17 =	spop (v2sf)  }
0x2f0: {  	v2 =	vld [tilespmem:s17+$0x4810]  }
0x2f1: {  	v3 =	vld [tilespmem:s16+$0xFFFFFFB0]  }
0x2f2: {  	v4 =	vld [tilespmem:s17+$0x4800]  }
0x2f3: {  	v5 =	vld [tilespmem:s16+$0xFFFFFFA0]  }
0x2f4: {  	(v2sf) =	vpush v1, $0x7;
	_ =	sdelay $0x1  }
0x2f5: {  	v2 =	vmax.f32 v2, v3  }
0x2f6: {  	[tilespmem:s17+$0x4810] =	vst v2  }
0x2f7: {  	v2 =	vmax.f32 v4, v5  }
0x2f8: {  	[tilespmem:s17+$0x4800] =	vst v2;
	s17 =	spop (v2sf)  }
0x2f9: {  	v2 =	vld [tilespmem:s17+$0x4810]  }
0x2fa: {  	v3 =	vld [tilespmem:s16+$0xFFFFFFD0]  }
0x2fb: {  	v4 =	vld [tilespmem:s17+$0x4800]  }
0x2fc: {  	v5 =	vld [tilespmem:s16+$0xFFFFFFC0]  }
0x2fd: {  	(v2sf) =	vpush v1, $0x8;
	_ =	sdelay $0x1  }
0x2fe: {  	v2 =	vmax.f32 v2, v3  }
0x2ff: {  	[tilespmem:s17+$0x4810] =	vst v2  }
0x300: {  	v2 =	vmax.f32 v4, v5  }
0x301: {  	[tilespmem:s17+$0x4800] =	vst v2;
	s17 =	spop (v2sf)  }
0x302: {  	v2 =	vld [tilespmem:s17+$0x4810]  }
0x303: {  	v3 =	vld [tilespmem:s16+$0xFFFFFFF0]  }
0x304: {  	v4 =	vld [tilespmem:s17+$0x4800]  }
0x305: {  	v5 =	vld [tilespmem:s16+$0xFFFFFFE0];
	_ =	sdelay $0x2  }
0x306: {  	v2 =	vmax.f32 v2, v3;
	(v2sf) =	vpush v1, $0x9  }
0x307: {  	[tilespmem:s17+$0x4810] =	vst v2  }
0x308: {  	v2 =	vmax.f32 v4, v5  }
0x309: {  	[tilespmem:s17+$0x4800] =	vst v2;
	s17 =	spop (v2sf)  }
0x30a: {  	v2 =	vld [tilespmem:s17+$0x4800]  }
0x30b: {  	v3 =	vld [tilespmem:s16+$0x10]  }
0x30c: {  	v4 =	vld [tilespmem:s16+$0x0]  }
0x30d: {  	v5 =	vld [tilespmem:s17+$0x4810];
	_ =	sdelay $0x1  }
0x30e: {  	(v2sf) =	vpush v1, $0xA;
	_ =	sdelay $0x1  }
0x30f: {  	v2 =	vmax.f32 v2, v4  }
0x310: {  	[tilespmem:s17+$0x4800] =	vst v2;
	v2 =	vmax.f32 v5, v3  }
0x311: {  	[tilespmem:s17+$0x4810] =	vst v2  }
0x312: {  	v2 =	vld [tilespmem:s16+$0x20]  }
0x313: {  	v3 =	vld [tilespmem:s16+$0x30];
	s17 =	spop (v2sf)  }
0x314: {  	v4 =	vld [tilespmem:s17+$0x4800]  }
0x315: {  	v5 =	vld [tilespmem:s17+$0x4810]  }
0x316: {  	(v2sf) =	vpush v1, $0xB;
	_ =	sdelay $0x2  }
0x317: {  	v2 =	vmax.f32 v4, v2  }
0x318: {  	[tilespmem:s17+$0x4800] =	vst v2;
	v2 =	vmax.f32 v5, v3  }
0x319: {  	[tilespmem:s17+$0x4810] =	vst v2  }
0x31a: {  	v2 =	vld [tilespmem:s16+$0x40];
	s17 =	spop (v2sf)  }
0x31b: {  	v3 =	vld [tilespmem:s17+$0x4810]  }
0x31c: {  	v4 =	vld [tilespmem:s16+$0x50]  }
0x31d: {  	v5 =	vld [tilespmem:s17+$0x4800]  }
0x31e: {  	(v2sf) =	vpush v1, $0xC;
	_ =	sdelay $0x2  }
0x31f: {  	v3 =	vmax.f32 v3, v4  }
.Ltmp3:
0x320: {  	v2 =	vmax.f32 v5, v2;
	[tilespmem:s17+$0x4810] =	vst v3;
	(pc) =	sbr.rel @p0 .LBB2_8-.Ltmp3, $4  }
0x321: {  	[tilespmem:s17+$0x4800] =	vst v2;
	s18 =	spop (v2sf)  }
0x322: {  	v2 =	vld [tilespmem:s18+$0x4810]  }
0x323: {  	v3 =	vld [tilespmem:s18+$0x4800]  }
0x324: {  	v4 =	vld [tilespmem:s16+$0x70]  }
0x325: {  	v5 =	vld [tilespmem:s14+$0x60];
	_ =	sdelay $0x2  }
0x326: {  	(v2sf) =	vpush v1, $0xD  }
0x327: {  	v2 =	vmax.f32 v2, v4  }
0x328: {  	v3 =	vmax.f32 v3, v5;
	[tilespmem:s18+$0x4810] =	vst v2  }
0x329: {  	[tilespmem:s18+$0x4800] =	vst v3;
	s15 =	spop (v2sf)  }
0x32a: {  	v2 =	vld [tilespmem:s15+$0x4810]  }
0x32b: {  	v3 =	vld [tilespmem:s14+$0x90]  }
0x32c: {  	v4 =	vld [tilespmem:s15+$0x4800]  }
0x32d: {  	v5 =	vld [tilespmem:s14+$0x80]  }
0x32e: {  	(v2sf) =	vpush v1, $0xE;
	_ =	sdelay $0x2  }
0x32f: {  	v2 =	vmax.f32 v2, v3  }
0x330: {  	[tilespmem:s15+$0x4810] =	vst v2;
	v2 =	vmax.f32 v4, v5  }
0x331: {  	[tilespmem:s15+$0x4800] =	vst v2  }
0x332: {  	v3 =	vld [tilespmem:s14+$0xB0]  }
0x333: {  	s16 =	spop (v2sf);
	v4 =	vld [tilespmem:s14+$0xA0]  }
0x334: {  	v2 =	vld [tilespmem:s16+$0x4810]  }
0x335: {  	v5 =	vld [tilespmem:s16+$0x4800];
	_ =	sdelay $0x2  }
0x336: {  	(v2sf) =	vpush v1, $0xF  }
0x337: {  	v1 =	vmax.f32 v2, v3  }
0x338: {  	[tilespmem:s16+$0x4810] =	vst v1;
	v1 =	vmax.f32 v5, v4  }
0x339: {  	s17 =	spop (v2sf);
	[tilespmem:s16+$0x4800] =	vst v1  }
0x33a: {  	v1 =	vld [tilespmem:s17+$0x4810]  }
0x33b: {  	v2 =	vld [tilespmem:s14+$0xD0]  }
0x33c: {  	v3 =	vld [tilespmem:s14+$0xC0]  }
0x33d: {  	v4 =	vld [tilespmem:s17+$0x4800];
	_ =	sdelay $0x3  }
0x33e: {  	v1 =	vmax.f32 v1, v2  }
0x33f: {  	[tilespmem:s17+$0x4810] =	vst v1;
	v1 =	vmax.f32 v4, v3  }
0x340: {  	[tilespmem:s17+$0x4800] =	vst v1  }
0x341: {  	v1 =	vld [tilespmem:s14+$0xF0]  }
0x342: {  	s18 =	spop (v2sf);
	v2 =	vld [tilespmem:s14+$0xE0]  }
0x343: {  	v3 =	vld [tilespmem:s18+$0x4810]  }
0x344: {  	v4 =	vld [tilespmem:s18+$0x4800];
	_ =	sdelay $0x3  }
0x345: {  	v1 =	vmax.f32 v3, v1  }
0x346: {  	v2 =	vmax.f32 v4, v2;
	[tilespmem:s18+$0x4810] =	vst v1  }
0x347: {  	s19 =	simm.s32 $0x0;
	[tilespmem:s18+$0x4800] =	vst v2  }
0x348: {  	[tilespmem:s11], [sflag:$0x1] =	stream.linear.gather [hbm4b:s7+s19], $0x4000, $0x38;
	[tilespmem:$0x18800] =	vst v63  }
0x349: {  	_ =	swait.ge [sflag:s10], $0x4000  }
0x34a: {  	[sflag:s10] =	ssyncset.done $0x0  }
0x34b: {  	s14 =	sand.u32 $0x1F0, s19;
	[sflag:s10] =	ssyncadd.s32 $0xFFFFC000  }
0x34c: {  	v1 =	vld [tilespmem:s14+$0x600];
	_ =	sdelay $0x4  }
0x34d: {  	v1 =	vshll.u32 v1, $0x9  }
0x34e: {  	v1 =	vshra.s32 v1, $0x2  }
0x34f: {  	(v2sf) =	vpush v1, $0x0;
	_ =	sdelay $0x7  }
0x350: {  	(v2sf) =	vpush v1, $0x1;
	_ =	sdelay $0x4  }
0x351: {  	s14 =	simm.s32 $0x900  }
0x352: {  	v2 =	vld [tilespmem:s14+$0xFFFFFF10]  }
0x353: {  	v3 =	vld [tilespmem:s14+$0xFFFFFF00];
	s20 =	spop (v2sf)  }
0x354: {  	v4 =	vld [tilespmem:s20+$0x4800]  }
0x355: {  	v5 =	vld [tilespmem:s20+$0x4810];
	_ =	sdelay $0x2  }
0x356: {  	(v2sf) =	vpush v1, $0x2  }
0x357: {  	v3 =	vmax.f32 v4, v3  }
0x358: {  	v2 =	vmax.f32 v5, v2;
	[tilespmem:s20+$0x4800] =	vst v3  }
0x359: {  	s21 =	spop (v2sf);
	[tilespmem:s20+$0x4810] =	vst v2  }
0x35a: {  	v2 =	vld [tilespmem:s21+$0x4810]  }
0x35b: {  	v3 =	vld [tilespmem:s21+$0x4800]  }
0x35c: {  	v4 =	vld [tilespmem:s14+$0xFFFFFF20]  }
0x35d: {  	v5 =	vld [tilespmem:s14+$0xFFFFFF30]  }
0x35e: {  	(v2sf) =	vpush v1, $0x3;
	_ =	sdelay $0x2  }
0x35f: {  	v3 =	vmax.f32 v3, v4  }
0x360: {  	v2 =	vmax.f32 v2, v5;
	[tilespmem:s21+$0x4800] =	vst v3  }
0x361: {  	[tilespmem:s21+$0x4810] =	vst v2  }
0x362: {  	v2 =	vld [tilespmem:s14+$0xFFFFFF40]  }
0x363: {  	s22 =	spop (v2sf);
	v5 =	vld [tilespmem:s14+$0xFFFFFF50]  }
0x364: {  	v4 =	vld [tilespmem:s22+$0x4800]  }
0x365: {  	v3 =	vld [tilespmem:s22+$0x4810]  }
0x366: {  	(v2sf) =	vpush v1, $0x4;
	_ =	sdelay $0x2  }
0x367: {  	v2 =	vmax.f32 v4, v2  }
0x368: {  	[tilespmem:s22+$0x4800] =	vst v2;
	v2 =	vmax.f32 v3, v5  }
0x369: {  	s23 =	spop (v2sf);
	[tilespmem:s22+$0x4810] =	vst v2  }
0x36a: {  	v2 =	vld [tilespmem:s23+$0x4800]  }
0x36b: {  	v3 =	vld [tilespmem:s14+$0xFFFFFF60]  }
0x36c: {  	v4 =	vld [tilespmem:s23+$0x4810]  }
0x36d: {  	v5 =	vld [tilespmem:s14+$0xFFFFFF70]  }
0x36e: {  	(v2sf) =	vpush v1, $0x5;
	_ =	sdelay $0x2  }
0x36f: {  	v2 =	vmax.f32 v2, v3  }
0x370: {  	[tilespmem:s23+$0x4800] =	vst v2;
	v2 =	vmax.f32 v4, v5  }
0x371: {  	s24 =	spop (v2sf);
	[tilespmem:s23+$0x4810] =	vst v2  }
0x372: {  	v2 =	vld [tilespmem:s24+$0x4800]  }
0x373: {  	v3 =	vld [tilespmem:s14+$0xFFFFFF80]  }
0x374: {  	v4 =	vld [tilespmem:s24+$0x4810]  }
0x375: {  	v5 =	vld [tilespmem:s14+$0xFFFFFF90]  }
0x376: {  	(v2sf) =	vpush v1, $0x6;
	_ =	sdelay $0x2  }
0x377: {  	v2 =	vmax.f32 v2, v3  }
0x378: {  	[tilespmem:s24+$0x4800] =	vst v2;
	v2 =	vmax.f32 v4, v5  }
0x379: {  	s25 =	spop (v2sf);
	[tilespmem:s24+$0x4810] =	vst v2  }
0x37a: {  	v2 =	vld [tilespmem:s25+$0x4810]  }
0x37b: {  	v3 =	vld [tilespmem:s14+$0xFFFFFFB0]  }
0x37c: {  	v4 =	vld [tilespmem:s25+$0x4800]  }
0x37d: {  	v5 =	vld [tilespmem:s14+$0xFFFFFFA0]  }
0x37e: {  	(v2sf) =	vpush v1, $0x7;
	_ =	sdelay $0x2  }
0x37f: {  	v2 =	vmax.f32 v2, v3  }
0x380: {  	[tilespmem:s25+$0x4810] =	vst v2;
	v2 =	vmax.f32 v4, v5  }
0x381: {  	s26 =	spop (v2sf);
	[tilespmem:s25+$0x4800] =	vst v2  }
0x382: {  	v2 =	vld [tilespmem:s26+$0x4810]  }
0x383: {  	v3 =	vld [tilespmem:s14+$0xFFFFFFD0]  }
0x384: {  	v4 =	vld [tilespmem:s26+$0x4800]  }
0x385: {  	v5 =	vld [tilespmem:s14+$0xFFFFFFC0]  }
0x386: {  	(v2sf) =	vpush v1, $0x8;
	_ =	sdelay $0x2  }
0x387: {  	v2 =	vmax.f32 v2, v3  }
0x388: {  	[tilespmem:s26+$0x4810] =	vst v2;
	v2 =	vmax.f32 v4, v5  }
0x389: {  	s28 =	spop (v2sf);
	[tilespmem:s26+$0x4800] =	vst v2  }
0x38a: {  	v2 =	vld [tilespmem:s28+$0x4810]  }
0x38b: {  	v3 =	vld [tilespmem:s14+$0xFFFFFFF0]  }
0x38c: {  	v4 =	vld [tilespmem:s28+$0x4800]  }
0x38d: {  	v5 =	vld [tilespmem:s14+$0xFFFFFFE0];
	_ =	sdelay $0x2  }
0x38e: {  	(v2sf) =	vpush v1, $0x9  }
0x38f: {  	v2 =	vmax.f32 v2, v3  }
0x390: {  	[tilespmem:s28+$0x4810] =	vst v2;
	v2 =	vmax.f32 v4, v5  }
0x391: {  	s29 =	spop (v2sf);
	[tilespmem:s28+$0x4800] =	vst v2  }
0x392: {  	v2 =	vld [tilespmem:s29+$0x4800]  }
0x393: {  	v3 =	vld [tilespmem:s14+$0x10]  }
0x394: {  	v4 =	vld [tilespmem:s14+$0x0]  }
0x395: {  	v5 =	vld [tilespmem:s29+$0x4810];
	_ =	sdelay $0x1  }
0x396: {  	(v2sf) =	vpush v1, $0xA;
	_ =	sdelay $0x1  }
0x397: {  	v2 =	vmax.f32 v2, v4  }
0x398: {  	[tilespmem:s29+$0x4800] =	vst v2;
	v2 =	vmax.f32 v5, v3  }
0x399: {  	[tilespmem:s29+$0x4810] =	vst v2  }
0x39a: {  	v2 =	vld [tilespmem:s14+$0x20]  }
0x39b: {  	s30 =	spop (v2sf);
	v3 =	vld [tilespmem:s14+$0x30]  }
0x39c: {  	v4 =	vld [tilespmem:s30+$0x4800]  }
0x39d: {  	v5 =	vld [tilespmem:s30+$0x4810]  }
0x39e: {  	(v2sf) =	vpush v1, $0xB;
	_ =	sdelay $0x2  }
0x39f: {  	v2 =	vmax.f32 v4, v2  }
0x3a0: {  	[tilespmem:s30+$0x4800] =	vst v2;
	v2 =	vmax.f32 v5, v3  }
0x3a1: {  	[tilespmem:s30+$0x4810] =	vst v2  }
0x3a2: {  	s31 =	spop (v2sf);
	v2 =	vld [tilespmem:s14+$0x40]  }
0x3a3: {  	v3 =	vld [tilespmem:s31+$0x4810]  }
0x3a4: {  	v4 =	vld [tilespmem:s14+$0x50]  }
0x3a5: {  	v5 =	vld [tilespmem:s31+$0x4800];
	_ =	sdelay $0x1  }
0x3a6: {  	(v2sf) =	vpush v1, $0xC;
	_ =	sdelay $0x1  }
0x3a7: {  	v3 =	vmax.f32 v3, v4  }
0x3a8: {  	v2 =	vmax.f32 v5, v2;
	[tilespmem:s31+$0x4810] =	vst v3  }
0x3a9: {  	s18 =	spop (v2sf);
	[tilespmem:s31+$0x4800] =	vst v2  }
0x3aa: {  	v2 =	vld [tilespmem:s18+$0x4810]  }
0x3ab: {  	v3 =	vld [tilespmem:s18+$0x4800]  }
0x3ac: {  	s15 =	simm.s32 $0x10;
	s16 =	simm.s32 $0x900;
	v4 =	vld [tilespmem:s14+$0x70]  }
.LBB2_10:
0x3ad: {  	p0 =	sne.s32 s15, $0x1F0  }
0x3ae: {  	v5 =	vld [tilespmem:s14+$0x60];
	s16 =	sadd.s32 $0x200, s16;
	s17 =	smov.u32 s15;
	s15 =	sadd.s32 $0x10, s15  }
0x3af: {  	(v2sf) =	vpush v1, $0xD;
	_ =	sdelay $0x2  }
0x3b0: {  	v2 =	vmax.f32 v2, v4  }
0x3b1: {  	v3 =	vmax.f32 v3, v5;
	[tilespmem:s18+$0x4810] =	vst v2  }
0x3b2: {  	[tilespmem:s18+$0x4800] =	vst v3;
	s18 =	spop (v2sf)  }
0x3b3: {  	v2 =	vld [tilespmem:s18+$0x4810]  }
0x3b4: {  	v3 =	vld [tilespmem:s14+$0x90]  }
0x3b5: {  	v4 =	vld [tilespmem:s18+$0x4800]  }
0x3b6: {  	v5 =	vld [tilespmem:s14+$0x80]  }
0x3b7: {  	(v2sf) =	vpush v1, $0xE;
	_ =	sdelay $0x1  }
0x3b8: {  	v2 =	vmax.f32 v2, v3  }
0x3b9: {  	[tilespmem:s18+$0x4810] =	vst v2  }
0x3ba: {  	v2 =	vmax.f32 v4, v5  }
0x3bb: {  	[tilespmem:s18+$0x4800] =	vst v2;
	s18 =	spop (v2sf)  }
0x3bc: {  	v2 =	vld [tilespmem:s18+$0x4810]  }
0x3bd: {  	v3 =	vld [tilespmem:s14+$0xB0]  }
0x3be: {  	v4 =	vld [tilespmem:s14+$0xA0]  }
0x3bf: {  	v5 =	vld [tilespmem:s18+$0x4800];
	_ =	sdelay $0x2  }
0x3c0: {  	v2 =	vmax.f32 v2, v3;
	(v2sf) =	vpush v1, $0xF  }
0x3c1: {  	[tilespmem:s18+$0x4810] =	vst v2  }
0x3c2: {  	v1 =	vmax.f32 v5, v4  }
0x3c3: {  	[tilespmem:s18+$0x4800] =	vst v1;
	s18 =	spop (v2sf)  }
0x3c4: {  	v1 =	vld [tilespmem:s18+$0x4810]  }
0x3c5: {  	v2 =	vld [tilespmem:s14+$0xD0]  }
0x3c6: {  	v3 =	vld [tilespmem:s14+$0xC0]  }
0x3c7: {  	v4 =	vld [tilespmem:s18+$0x4800];
	_ =	sdelay $0x2  }
0x3c8: {  	v1 =	vmax.f32 v1, v2  }
0x3c9: {  	[tilespmem:s18+$0x4810] =	vst v1  }
0x3ca: {  	v1 =	vmax.f32 v4, v3  }
0x3cb: {  	[tilespmem:s18+$0x4800] =	vst v1  }
0x3cc: {  	v1 =	vld [tilespmem:s14+$0xF0]  }
0x3cd: {  	v2 =	vld [tilespmem:s14+$0xE0];
	s18 =	spop (v2sf);
	s14 =	smov.u32 s16  }
0x3ce: {  	v3 =	vld [tilespmem:s18+$0x4810]  }
0x3cf: {  	v4 =	vld [tilespmem:s18+$0x4800];
	_ =	sdelay $0x3  }
0x3d0: {  	v1 =	vmax.f32 v3, v1  }
0x3d1: {  	v2 =	vmax.f32 v4, v2;
	[tilespmem:s18+$0x4810] =	vst v1  }
0x3d2: {  	s17 =	sand.u32 $0x1F0, s17;
	[tilespmem:s18+$0x4800] =	vst v2  }
0x3d3: {  	v1 =	vld [tilespmem:s17+$0x600];
	_ =	sdelay $0x4  }
0x3d4: {  	v1 =	vshll.u32 v1, $0x9  }
0x3d5: {  	v1 =	vshra.s32 v1, $0x2  }
0x3d6: {  	(v2sf) =	vpush v1, $0x0;
	_ =	sdelay $0x7  }
0x3d7: {  	(v2sf) =	vpush v1, $0x1;
	_ =	sdelay $0x5  }
0x3d8: {  	v2 =	vld [tilespmem:s16+$0xFFFFFF10]  }
0x3d9: {  	v3 =	vld [tilespmem:s16+$0xFFFFFF00];
	s17 =	spop (v2sf)  }
0x3da: {  	v4 =	vld [tilespmem:s17+$0x4800]  }
0x3db: {  	v5 =	vld [tilespmem:s17+$0x4810];
	_ =	sdelay $0x1  }
0x3dc: {  	(v2sf) =	vpush v1, $0x2;
	_ =	sdelay $0x1  }
0x3dd: {  	v3 =	vmax.f32 v4, v3  }
0x3de: {  	[tilespmem:s17+$0x4800] =	vst v3;
	v2 =	vmax.f32 v5, v2  }
0x3df: {  	[tilespmem:s17+$0x4810] =	vst v2;
	s17 =	spop (v2sf)  }
0x3e0: {  	v2 =	vld [tilespmem:s17+$0x4810]  }
0x3e1: {  	v3 =	vld [tilespmem:s17+$0x4800]  }
0x3e2: {  	v4 =	vld [tilespmem:s16+$0xFFFFFF20]  }
0x3e3: {  	v5 =	vld [tilespmem:s16+$0xFFFFFF30]  }
0x3e4: {  	(v2sf) =	vpush v1, $0x3;
	_ =	sdelay $0x2  }
0x3e5: {  	v3 =	vmax.f32 v3, v4  }
0x3e6: {  	[tilespmem:s17+$0x4800] =	vst v3;
	v2 =	vmax.f32 v2, v5  }
0x3e7: {  	[tilespmem:s17+$0x4810] =	vst v2  }
0x3e8: {  	v2 =	vld [tilespmem:s16+$0xFFFFFF40];
	s17 =	spop (v2sf)  }
0x3e9: {  	v3 =	vld [tilespmem:s17+$0x4810]  }
0x3ea: {  	v4 =	vld [tilespmem:s17+$0x4800]  }
0x3eb: {  	v5 =	vld [tilespmem:s16+$0xFFFFFF50]  }
0x3ec: {  	(v2sf) =	vpush v1, $0x4;
	_ =	sdelay $0x2  }
0x3ed: {  	v2 =	vmax.f32 v4, v2  }
0x3ee: {  	[tilespmem:s17+$0x4800] =	vst v2;
	v2 =	vmax.f32 v3, v5  }
0x3ef: {  	[tilespmem:s17+$0x4810] =	vst v2;
	s17 =	spop (v2sf)  }
0x3f0: {  	v2 =	vld [tilespmem:s17+$0x4800]  }
0x3f1: {  	v3 =	vld [tilespmem:s16+$0xFFFFFF60]  }
0x3f2: {  	v4 =	vld [tilespmem:s17+$0x4810]  }
0x3f3: {  	v5 =	vld [tilespmem:s16+$0xFFFFFF70]  }
0x3f4: {  	(v2sf) =	vpush v1, $0x5;
	_ =	sdelay $0x2  }
0x3f5: {  	v2 =	vmax.f32 v2, v3  }
0x3f6: {  	[tilespmem:s17+$0x4800] =	vst v2;
	v2 =	vmax.f32 v4, v5  }
0x3f7: {  	[tilespmem:s17+$0x4810] =	vst v2;
	s17 =	spop (v2sf)  }
0x3f8: {  	v2 =	vld [tilespmem:s17+$0x4800]  }
0x3f9: {  	v3 =	vld [tilespmem:s16+$0xFFFFFF80]  }
0x3fa: {  	v4 =	vld [tilespmem:s17+$0x4810]  }
0x3fb: {  	v5 =	vld [tilespmem:s16+$0xFFFFFF90]  }
0x3fc: {  	(v2sf) =	vpush v1, $0x6;
	_ =	sdelay $0x2  }
0x3fd: {  	v2 =	vmax.f32 v2, v3  }
0x3fe: {  	[tilespmem:s17+$0x4800] =	vst v2;
	v2 =	vmax.f32 v4, v5  }
0x3ff: {  	[tilespmem:s17+$0x4810] =	vst v2;
	s17 =	spop (v2sf)  }
0x400: {  	v2 =	vld [tilespmem:s17+$0x4810]  }
0x401: {  	v3 =	vld [tilespmem:s16+$0xFFFFFFB0]  }
0x402: {  	v4 =	vld [tilespmem:s17+$0x4800]  }
0x403: {  	v5 =	vld [tilespmem:s16+$0xFFFFFFA0]  }
0x404: {  	(v2sf) =	vpush v1, $0x7;
	_ =	sdelay $0x1  }
0x405: {  	v2 =	vmax.f32 v2, v3  }
0x406: {  	[tilespmem:s17+$0x4810] =	vst v2  }
0x407: {  	v2 =	vmax.f32 v4, v5  }
0x408: {  	[tilespmem:s17+$0x4800] =	vst v2;
	s17 =	spop (v2sf)  }
0x409: {  	v2 =	vld [tilespmem:s17+$0x4810]  }
0x40a: {  	v3 =	vld [tilespmem:s16+$0xFFFFFFD0]  }
0x40b: {  	v4 =	vld [tilespmem:s17+$0x4800]  }
0x40c: {  	v5 =	vld [tilespmem:s16+$0xFFFFFFC0]  }
0x40d: {  	(v2sf) =	vpush v1, $0x8;
	_ =	sdelay $0x1  }
0x40e: {  	v2 =	vmax.f32 v2, v3  }
0x40f: {  	[tilespmem:s17+$0x4810] =	vst v2  }
0x410: {  	v2 =	vmax.f32 v4, v5  }
0x411: {  	[tilespmem:s17+$0x4800] =	vst v2;
	s17 =	spop (v2sf)  }
0x412: {  	v2 =	vld [tilespmem:s17+$0x4810]  }
0x413: {  	v3 =	vld [tilespmem:s16+$0xFFFFFFF0]  }
0x414: {  	v4 =	vld [tilespmem:s17+$0x4800]  }
0x415: {  	v5 =	vld [tilespmem:s16+$0xFFFFFFE0];
	_ =	sdelay $0x2  }
0x416: {  	v2 =	vmax.f32 v2, v3;
	(v2sf) =	vpush v1, $0x9  }
0x417: {  	[tilespmem:s17+$0x4810] =	vst v2  }
0x418: {  	v2 =	vmax.f32 v4, v5  }
0x419: {  	[tilespmem:s17+$0x4800] =	vst v2;
	s17 =	spop (v2sf)  }
0x41a: {  	v2 =	vld [tilespmem:s17+$0x4800]  }
0x41b: {  	v3 =	vld [tilespmem:s16+$0x10]  }
0x41c: {  	v4 =	vld [tilespmem:s16+$0x0]  }
0x41d: {  	v5 =	vld [tilespmem:s17+$0x4810];
	_ =	sdelay $0x1  }
0x41e: {  	(v2sf) =	vpush v1, $0xA;
	_ =	sdelay $0x1  }
0x41f: {  	v2 =	vmax.f32 v2, v4  }
0x420: {  	[tilespmem:s17+$0x4800] =	vst v2;
	v2 =	vmax.f32 v5, v3  }
0x421: {  	[tilespmem:s17+$0x4810] =	vst v2  }
0x422: {  	v2 =	vld [tilespmem:s16+$0x20]  }
0x423: {  	v3 =	vld [tilespmem:s16+$0x30];
	s17 =	spop (v2sf)  }
0x424: {  	v4 =	vld [tilespmem:s17+$0x4800]  }
0x425: {  	v5 =	vld [tilespmem:s17+$0x4810]  }
0x426: {  	(v2sf) =	vpush v1, $0xB;
	_ =	sdelay $0x2  }
0x427: {  	v2 =	vmax.f32 v4, v2  }
0x428: {  	[tilespmem:s17+$0x4800] =	vst v2;
	v2 =	vmax.f32 v5, v3  }
0x429: {  	[tilespmem:s17+$0x4810] =	vst v2  }
0x42a: {  	v2 =	vld [tilespmem:s16+$0x40];
	s17 =	spop (v2sf)  }
0x42b: {  	v3 =	vld [tilespmem:s17+$0x4810]  }
0x42c: {  	v4 =	vld [tilespmem:s16+$0x50]  }
0x42d: {  	v5 =	vld [tilespmem:s17+$0x4800]  }
0x42e: {  	(v2sf) =	vpush v1, $0xC;
	_ =	sdelay $0x2  }
0x42f: {  	v3 =	vmax.f32 v3, v4  }
.Ltmp4:
0x430: {  	v2 =	vmax.f32 v5, v2;
	[tilespmem:s17+$0x4810] =	vst v3;
	(pc) =	sbr.rel @p0 .LBB2_10-.Ltmp4, $4  }
0x431: {  	[tilespmem:s17+$0x4800] =	vst v2;
	s18 =	spop (v2sf)  }
0x432: {  	v2 =	vld [tilespmem:s18+$0x4810]  }
0x433: {  	v3 =	vld [tilespmem:s18+$0x4800]  }
0x434: {  	v4 =	vld [tilespmem:s16+$0x70]  }
0x435: {  	v5 =	vld [tilespmem:s14+$0x60];
	_ =	sdelay $0x2  }
0x436: {  	(v2sf) =	vpush v1, $0xD  }
0x437: {  	v2 =	vmax.f32 v2, v4  }
0x438: {  	v3 =	vmax.f32 v3, v5;
	[tilespmem:s18+$0x4810] =	vst v2  }
0x439: {  	[tilespmem:s18+$0x4800] =	vst v3;
	s15 =	spop (v2sf)  }
0x43a: {  	v2 =	vld [tilespmem:s15+$0x4810]  }
0x43b: {  	v3 =	vld [tilespmem:s14+$0x90]  }
0x43c: {  	v58 =	vld [tilespmem:s15+$0x4800]  }
0x43d: {  	v59 =	vld [tilespmem:s14+$0x80]  }
0x43e: {  	(v2sf) =	vpush v1, $0xE;
	_ =	sdelay $0x2  }
0x43f: {  	v2 =	vmax.f32 v2, v3  }
0x440: {  	[tilespmem:s15+$0x4810] =	vst v2;
	v2 =	vmax.f32 v58, v59  }
0x441: {  	[tilespmem:s15+$0x4800] =	vst v2  }
0x442: {  	v3 =	vld [tilespmem:s14+$0xB0]  }
0x443: {  	s28 =	spop (v2sf);
	v60 =	vld [tilespmem:s14+$0xA0]  }
0x444: {  	v2 =	vld [tilespmem:s28+$0x4810]  }
0x445: {  	v61 =	vld [tilespmem:s28+$0x4800];
	_ =	sdelay $0x2  }
0x446: {  	(v2sf) =	vpush v1, $0xF  }
0x447: {  	v1 =	vmax.f32 v2, v3  }
0x448: {  	[tilespmem:s28+$0x4810] =	vst v1;
	v1 =	vmax.f32 v61, v60  }
0x449: {  	s29 =	spop (v2sf);
	[tilespmem:s28+$0x4800] =	vst v1  }
0x44a: {  	v1 =	vld [tilespmem:s29+$0x4810]  }
0x44b: {  	v2 =	vld [tilespmem:s14+$0xD0]  }
0x44c: {  	v3 =	vld [tilespmem:s14+$0xC0]  }
0x44d: {  	v62 =	vld [tilespmem:s29+$0x4800];
	_ =	sdelay $0x3  }
0x44e: {  	v1 =	vmax.f32 v1, v2  }
0x44f: {  	[tilespmem:s29+$0x4810] =	vst v1;
	v1 =	vmax.f32 v62, v3  }
0x450: {  	[tilespmem:s29+$0x4800] =	vst v1  }
0x451: {  	v1 =	vld [tilespmem:s14+$0xF0]  }
0x452: {  	s30 =	spop (v2sf);
	v2 =	vld [tilespmem:s14+$0xE0]  }
0x453: {  	v3 =	vld [tilespmem:s30+$0x4810]  }
0x454: {  	v63 =	vld [tilespmem:s30+$0x4800];
	_ =	sdelay $0x3  }
0x455: {  	v1 =	vmax.f32 v3, v1  }
0x456: {  	v2 =	vmax.f32 v63, v2;
	[tilespmem:s30+$0x4810] =	vst v1  }
0x457: {  	s31 =	simm.s32 $0x0;
	[tilespmem:s30+$0x4800] =	vst v2  }
0x458: {  	v1 =	vld [tilespmem:s31+$0x4800];
	_ =	sdelay $0x3  }
0x459: {  	s14 =	simm.s32 $0x14840  }
0x45a: {  	[tilespmem:s14+$0xFFFFFFC0] =	vst v1  }
0x45b: {  	v1 =	vld [tilespmem:s31+$0x4810];
	_ =	sdelay $0x4  }
0x45c: {  	[tilespmem:s14+$0xFFFFFFD0] =	vst v1  }
0x45d: {  	v1 =	vld [tilespmem:s31+$0x4880];
	_ =	sdelay $0x4  }
0x45e: {  	[tilespmem:s14+$0xFFFFFFE0] =	vst v1  }
0x45f: {  	v1 =	vld [tilespmem:s31+$0x4890];
	_ =	sdelay $0x4  }
0x460: {  	[tilespmem:s14+$0xFFFFFFF0] =	vst v1  }
0x461: {  	v1 =	vld [tilespmem:s31+$0x4900];
	_ =	sdelay $0x4  }
0x462: {  	[tilespmem:s14+$0x0] =	vst v1  }
0x463: {  	v1 =	vld [tilespmem:s31+$0x4910];
	_ =	sdelay $0x4  }
0x464: {  	[tilespmem:s14+$0x10] =	vst v1  }
0x465: {  	v1 =	vld [tilespmem:s31+$0x4980];
	_ =	sdelay $0x4  }
0x466: {  	[tilespmem:s14+$0x20] =	vst v1  }
0x467: {  	v1 =	vld [tilespmem:s31+$0x4990];
	_ =	sdelay $0x4  }
0x468: {  	s16 =	simm.s32 $0x1000;
	s15 =	simm.s32 $0x200;
	[tilespmem:s14+$0x30] =	vst v1  }
.LBB2_12:
0x469: {  	p0 =	sne.s32 s16, $0x3F800;
	v1 =	vld [tilespmem:s15+$0x4800];
	_ =	sdelay $0x3  }
0x46a: {  	s14 =	sadd.s32 $0x80, s14  }
0x46b: {  	[tilespmem:s14+$0xFFFFFFC0] =	vst v1  }
0x46c: {  	v1 =	vld [tilespmem:s15+$0x4810];
	_ =	sdelay $0x4  }
0x46d: {  	[tilespmem:s14+$0xFFFFFFD0] =	vst v1  }
0x46e: {  	v1 =	vld [tilespmem:s15+$0x4880];
	_ =	sdelay $0x4  }
0x46f: {  	[tilespmem:s14+$0xFFFFFFE0] =	vst v1  }
0x470: {  	v1 =	vld [tilespmem:s15+$0x4890];
	_ =	sdelay $0x4  }
0x471: {  	[tilespmem:s14+$0xFFFFFFF0] =	vst v1  }
0x472: {  	v1 =	vld [tilespmem:s15+$0x4900];
	_ =	sdelay $0x4  }
0x473: {  	[tilespmem:s14+$0x0] =	vst v1  }
0x474: {  	v1 =	vld [tilespmem:s15+$0x4910];
	_ =	sdelay $0x4  }
0x475: {  	[tilespmem:s14+$0x10] =	vst v1  }
0x476: {  	v1 =	vld [tilespmem:s15+$0x4980];
	_ =	sdelay $0x4  }
0x477: {  	[tilespmem:s14+$0x20] =	vst v1  }
0x478: {  	v1 =	vld [tilespmem:s15+$0x4990]  }
.Ltmp5:
0x479: {  	(pc) =	sbr.rel @p0 .LBB2_12-.Ltmp5, $2  }
0x47a: {  	_ =	sdelay $0x2  }
0x47b: {  	s15 =	sshra.s32 s16, $0x2;
	s16 =	sadd.s32 $0x800, s16;
	[tilespmem:s14+$0x30] =	vst v1  }
0x47c: {  	v1 =	vld [tilespmem:s15+$0x4800];
	_ =	sdelay $0x3  }
0x47d: {  	s14 =	sadd.s32 $0x80, s14  }
0x47e: {  	[tilespmem:s14+$0xFFFFFFC0] =	vst v1  }
0x47f: {  	v1 =	vld [tilespmem:s15+$0x4810];
	_ =	sdelay $0x4  }
0x480: {  	[tilespmem:s14+$0xFFFFFFD0] =	vst v1  }
0x481: {  	v1 =	vld [tilespmem:s15+$0x4880];
	_ =	sdelay $0x4  }
0x482: {  	[tilespmem:s14+$0xFFFFFFE0] =	vst v1  }
0x483: {  	v1 =	vld [tilespmem:s15+$0x4890];
	_ =	sdelay $0x4  }
0x484: {  	[tilespmem:s14+$0xFFFFFFF0] =	vst v1  }
0x485: {  	v1 =	vld [tilespmem:s15+$0x4900];
	_ =	sdelay $0x4  }
0x486: {  	[tilespmem:s14+$0x0] =	vst v1  }
0x487: {  	v1 =	vld [tilespmem:s15+$0x4910];
	_ =	sdelay $0x4  }
0x488: {  	[tilespmem:s14+$0x10] =	vst v1  }
0x489: {  	v1 =	vld [tilespmem:s15+$0x4980];
	_ =	sdelay $0x4  }
0x48a: {  	[tilespmem:s14+$0x20] =	vst v1  }
0x48b: {  	v1 =	vld [tilespmem:s15+$0x4990];
	_ =	sdelay $0x2  }
0x48c: {  	s13 =	sadd.s32 $0x1, s13  }
0x48d: {  	p0 =	sne.s32 s13, s9  }
.Ltmp6:
0x48e: {  	[tilespmem:s14+$0x30] =	vst v1;
	(pc) =	sbr.rel @p0 .LBB2_1-.Ltmp6, $4  }
0x48f: {  	[hbm4b:s8+s2] =	stream.linear.scatter [tilespmem:s12], [sflag:$0x1], $0x4000, $0x38;
	[tilespmem:$0x18800] =	vst v63  }
0x490: {  	_ =	swait.ge [sflag:s10], $0x4000  }
0x491: {  	[sflag:s10] =	ssyncset.done $0x0  }
0x492: {  	[sflag:s10] =	ssyncadd.s32 $0xFFFFC000  }
0x493: {  	_ =	sfence.sel $0x180000  }
0x494: {  	[bflag:$0x0] =	sbarrier.arrive $0xFFFF  }
0x495: {  	p0 =	sne.s32 s1, $0x0;
	_ =	strace $0x90000047  }
0x496: {  	s0 =	sadd.s32 @!p0 $0x100000, s0;
	[bflag:$0x2] =	sbarrier.arrive $0xFFFF  }
0x497: {  	[sflag:s0] =	ssyncadd.tile.s32 @!p0 $0x1;
	_ =	shalt  }
.Lfunc_end2:
_tile_overlayer_lowered:
.L_overlay_start_2:
0x498: {  	(tag) =	ssettag $0x2  }
0x499: {  	s0 =	rddreg [dreg:$0x0];
	s2 =	stileid.u32  }
0x49a: {  	s1 =	rddreg [dreg:$0x1];
	p0 =	sne.s32 s2, $0x0  }
0x49b: {  	s3 =	rddreg [dreg:$0x2];
	[bflag:$0x3] =	sbarrier.arrive $0xFFFF;
	s2 =	simm.s32 @!p0 $0x1C01  }
0x49c: {  	[timem:s3], [sflag:s2] =	dma.local @!p0 [hbm:s0], s1  }
0x49d: {  	s0 =	simm.s32 @!p0 $0x1  }
0x49e: {  	_ =	swait.ge @!p0 [sflag:s0], s1  }
0x49f: {  	s1 =	ssub.s32 @!p0 $0x0, s1;
	[sflag:s0] =	ssyncset.done @!p0 $0x0  }
0x4a0: {  	[sflag:s0] =	ssyncadd.s32 @!p0 s1  }
0x4a1: {  	[bflag:$0x3] =	sbarrier.arrive $0xFFFF  }
0x4a2: {  	_ =	shalt  }

</sc_bundles>
